<compile_context>
chip_gen: v7x
topology: tpu7x:2x2x1
jax: 0.10.2.dev20260603
libtpu: 0.0.44.dev20260713+nightly
codegen_flags: <defaults>
</compile_context>

<pallas_src>
import jax
import jax.numpy as jnp
from jax.experimental import pallas as pl
from jax.experimental.pallas import tpu as pltpu

_K = 32
_ONE_BITS_PLUS = 0x3F800001
_CW = 1024


def _nodevec_body(alpha_ref, e1_ref, w1_ref, b1_ref, e2_ref, w2_ref, b2_ref,
                  nv1_ref, nv2_ref):
    alpha = alpha_ref[0, 0]
    x1 = jnp.dot(e1_ref[...], w1_ref[...], preferred_element_type=jnp.float32)
    nv1_ref[...] = jnp.tanh(alpha * (x1 + b1_ref[...]))
    x2 = jnp.dot(e2_ref[...], w2_ref[...], preferred_element_type=jnp.float32)
    nv2_ref[...] = jnp.tanh(alpha * (x2 + b2_ref[...]))


def _cumsum_excl_lanes(x, width):
    orig = x
    shift = 1
    while shift < width:
        shifted = jnp.concatenate(
            [jnp.zeros((x.shape[0], shift), x.dtype), x[:, :width - shift]],
            axis=1)
        x = x + shifted
        shift *= 2
    return x - orig


def _col_chunks(n):
    return [(c, min(_CW, n - c)) for c in range(0, n, _CW)]


def _adj_body(alpha_ref, n1b_ref, n2b_ref, nv1_ref, nv2_ref, out_ref,
              adj_ref, t_ref, g_ref, c_ref, c1_ref, s0_ref, xs_ref):
    alpha = alpha_ref[0, 0]
    R = n1b_ref.shape[0]
    N = nv1_ref.shape[0]
    chunks = _col_chunks(N)
    dn = (((1,), (1,)), ((), ()))

    @pl.when(pl.program_id(0) == 0)
    def _find_xsat():
        def bis(_, carry):
            lo, hi = carry
            mid = jax.lax.shift_right_logical(lo + hi, 1)
            xv = jax.lax.bitcast_convert_type(mid, jnp.float32)
            sat = jnp.max(jnp.tanh(jnp.full((8, 128), xv))) == 1.0
            return (jnp.where(sat, lo, mid), jnp.where(sat, mid, hi))

        lo0 = jnp.int32(0x3F800000)
        hi0 = jnp.int32(0x43800000)
        _, hi = jax.lax.fori_loop(0, 27, bis, (lo0, hi0))
        xs_ref[0, 0] = jax.lax.bitcast_convert_type(hi, jnp.float32)

    xsat = xs_ref[0, 0]

    def arg_chunk(c0, cw):
        d1 = jax.lax.dot_general(n1b_ref[...], nv2_ref[c0:c0 + cw, :], dn,
                                 preferred_element_type=jnp.float32)
        d2 = jax.lax.dot_general(n2b_ref[...], nv1_ref[c0:c0 + cw, :], dn,
                                 preferred_element_type=jnp.float32)
        return alpha * (d1 - d2)

    for ci, (c0, cw) in enumerate(chunks):
        if ci == 0:
            satf = (arg_chunk(c0, cw) >= xsat).astype(jnp.float32)
            s0_ref[:, 0:cw] = satf
            c1_ref[...] = jnp.sum(satf, axis=1, keepdims=True)
        else:
            @pl.when(jnp.logical_not(jnp.all(c1_ref[...] >= float(_K))))
            def _count_more():
                satf = (arg_chunk(c0, cw) >= xsat).astype(jnp.float32)
                c1_ref[...] = c1_ref[...] + jnp.sum(satf, axis=1,
                                                    keepdims=True)
    all_sat = jnp.all(c1_ref[...] >= float(_K))

    @pl.when(all_sat)
    def _fast():
        c_ref[...] = jnp.zeros((R, 1), jnp.float32)
        for ci, (c0, cw) in enumerate(chunks):
            done = jnp.all(c_ref[...] >= float(_K))

            @pl.when(done)
            def _zeros():
                out_ref[:, c0:c0 + cw] = jnp.zeros((R, cw), jnp.float32)

            @pl.when(jnp.logical_not(done))
            def _select(ci=ci):
                satf = (s0_ref[:, 0:cw] if ci == 0 else
                        (arg_chunk(c0, cw) >= xsat).astype(jnp.float32))
                prefix = _cumsum_excl_lanes(satf, cw)
                carry = c_ref[...]
                keep = (satf > 0.0) & (carry + prefix < float(_K))
                out_ref[:, c0:c0 + cw] = jnp.where(keep, 1.0, 0.0)
                c_ref[...] = carry + jnp.sum(satf, axis=1, keepdims=True)

    @pl.when(jnp.logical_not(all_sat))
    def _general():
        for c0, cw in chunks:
            adj_ref[:, c0:c0 + cw] = jnp.maximum(
                jnp.tanh(arg_chunk(c0, cw)), 0.0)

        def count_ge(tv):
            cnt = jnp.zeros((R, 1), jnp.float32)
            for c0, cw in chunks:
                cnt = cnt + jnp.sum(
                    (adj_ref[:, c0:c0 + cw] >= tv).astype(jnp.float32),
                    axis=1, keepdims=True)
            return cnt

        def bis(_, carry):
            lo, hi = carry
            mid = jax.lax.shift_right_logical(lo + hi, 1)
            tv = jax.lax.bitcast_convert_type(mid, jnp.float32)
            ge = count_ge(tv) >= float(_K)
            return (jnp.where(ge, mid, lo), jnp.where(ge, hi, mid))

        lo0 = jnp.zeros((R, 1), jnp.int32)
        hi0 = jnp.full((R, 1), _ONE_BITS_PLUS, jnp.int32)
        lo, _ = jax.lax.fori_loop(0, 31, bis, (lo0, hi0))
        tv = jax.lax.bitcast_convert_type(lo, jnp.float32)
        t_ref[...] = tv
        gcnt = jnp.zeros((R, 1), jnp.float32)
        for c0, cw in chunks:
            gcnt = gcnt + jnp.sum(
                (adj_ref[:, c0:c0 + cw] > tv).astype(jnp.float32),
                axis=1, keepdims=True)
        g_ref[...] = gcnt

        carry = g_ref[...]
        for c0, cw in chunks:
            blk = adj_ref[:, c0:c0 + cw]
            eqb = blk == tv
            eqf = eqb.astype(jnp.float32)
            prefix = _cumsum_excl_lanes(eqf, cw)
            keep = (blk > tv) | (eqb & (carry + prefix < float(_K)))
            out_ref[:, c0:c0 + cw] = jnp.where(keep, blk, 0.0)
            carry = carry + jnp.sum(eqf, axis=1, keepdims=True)


def kernel(idx, emb1, emb2, W1, b1, W2, b2, alpha):
    e1 = jnp.take(emb1, idx, axis=0)
    e2 = jnp.take(emb2, idx, axis=0)
    N, dim = e1.shape
    alpha2d = jnp.reshape(alpha.astype(jnp.float32), (1, 1))

    full = lambda s: pl.BlockSpec(s, lambda *_: tuple(0 for _ in s))
    smem_spec = pl.BlockSpec(memory_space=pltpu.SMEM)

    nv1, nv2 = pl.pallas_call(
        _nodevec_body,
        out_shape=[jax.ShapeDtypeStruct((N, dim), jnp.float32)] * 2,
        in_specs=[smem_spec, full((N, dim)), full((dim, dim)),
                  full((1, dim)), full((N, dim)), full((dim, dim)),
                  full((1, dim))],
        out_specs=[full((N, dim))] * 2,
    )(alpha2d, e1, W1.T, b1.reshape(1, dim), e2, W2.T, b2.reshape(1, dim))

    R = 80 if N % 80 == 0 else (8 if N % 8 == 0 else N)
    nb = N // R

    out = pl.pallas_call(
        _adj_body,
        grid=(nb,),
        out_shape=jax.ShapeDtypeStruct((N, N), jnp.float32),
        in_specs=[smem_spec,
                  pl.BlockSpec((R, dim), lambda i: (i, 0)),
                  pl.BlockSpec((R, dim), lambda i: (i, 0)),
                  full((N, dim)), full((N, dim))],
        out_specs=pl.BlockSpec((R, N), lambda i: (i, 0)),
        scratch_shapes=[pltpu.VMEM((R, N), jnp.float32),
                        pltpu.VMEM((R, 1), jnp.float32),
                        pltpu.VMEM((R, 1), jnp.float32),
                        pltpu.VMEM((R, 1), jnp.float32),
                        pltpu.VMEM((R, 1), jnp.float32),
                        pltpu.VMEM((R, _CW), jnp.float32),
                        pltpu.SMEM((1, 1), jnp.float32)],
    )(alpha2d, nv1, nv2, nv1, nv2)
    return out

# --- scband reference (transcript-rebuilt; emitter-appended) ---
"""Pipeline reference for scband-graph-learning-17205638987887 (READ-ONLY COPY).

The authoritative reference and input builder live on the scoring server;
editing this copy changes nothing except your own understanding.
"""

import jax, jax.numpy as jnp
import numpy as np

N = 10000
DIM = 128
K = 32


def setup_inputs(seed: int = 0) -> dict:
    key = jax.random.key(seed)
    k0, k1, k2, k3, k4, k5 = jax.random.split(key, 6)
    idx = jnp.arange(N, dtype=jnp.int32)
    # nn.Embedding default init: N(0, 1)
    emb1 = jax.random.normal(k0, (N, DIM), dtype=jnp.float32)
    emb2 = jax.random.normal(k1, (N, DIM), dtype=jnp.float32)
    # nn.Linear default init: U(-1/sqrt(dim), 1/sqrt(dim))
    bound = 1.0 / np.sqrt(DIM)
    W1 = jax.random.uniform(k2, (DIM, DIM), minval=-bound, maxval=bound, dtype=jnp.float32)
    b1 = jax.random.uniform(k3, (DIM,), minval=-bound, maxval=bound, dtype=jnp.float32)
    W2 = jax.random.uniform(k4, (DIM, DIM), minval=-bound, maxval=bound, dtype=jnp.float32)
    b2 = jax.random.uniform(k5, (DIM,), minval=-bound, maxval=bound, dtype=jnp.float32)
    alpha = jnp.asarray(3.0, dtype=jnp.float32)
    return {"idx": idx, "emb1": emb1, "emb2": emb2, "W1": W1, "b1": b1, "W2": W2, "b2": b2, "alpha": alpha}


def reference(idx, emb1, emb2, W1, b1, W2, b2, alpha):
    # embedding lookups
    nodevec1 = jnp.take(emb1, idx, axis=0)
    nodevec2 = jnp.take(emb2, idx, axis=0)
    # linear + tanh
    nodevec1 = jnp.tanh(alpha * (nodevec1 @ W1.T + b1))
    nodevec2 = jnp.tanh(alpha * (nodevec2 @ W2.T + b2))
    # asymmetric similarity
    a = nodevec1 @ nodevec2.T - nodevec2 @ nodevec1.T
    adj = jax.nn.relu(jnp.tanh(alpha * a))
    # top-k masking per row; scattered values are 1.0 (torch code does s2.fill_(1))
    s2, t2 = jax.lax.top_k(adj, K)
    rows = jnp.arange(adj.shape[0])[:, None]
    mask = jnp.zeros_like(adj).at[rows, t2].set(1.0)
    adj = adj * mask
    return adj

if __name__ == "__main__":
    import jax
    _d = setup_inputs()
    print(jax.jit(kernel)(*tuple(_d.values())))

</pallas_src>

<mosaic_0001>
module attributes {stable_mosaic.version = 14 : i64} {
  func.func @_nodevec_body(%arg0: memref<1x1xf32, #tpu.memory_space<smem>>, %arg1: memref<10000x128xf32, #tpu.memory_space<vmem>>, %arg2: memref<128x128xf32, #tpu.memory_space<vmem>>, %arg3: memref<1x128xf32, #tpu.memory_space<vmem>>, %arg4: memref<10000x128xf32, #tpu.memory_space<vmem>>, %arg5: memref<128x128xf32, #tpu.memory_space<vmem>>, %arg6: memref<1x128xf32, #tpu.memory_space<vmem>>, %arg7: memref<10000x128xf32, #tpu.memory_space<vmem>>, %arg8: memref<10000x128xf32, #tpu.memory_space<vmem>>) attributes {dimension_semantics = [], scalar_prefetch = 0 : i64, scratch_operands = 0 : i64, tpu.core_type = #tpu.core_type<tc>} {
    %get3A = arith.constant 0 : index
    %get3A_0 = arith.constant 0 : index
    %get3A_1 = memref.load %arg0[%get3A, %get3A_0] : memref<1x1xf32, #tpu.memory_space<smem>>
    %get3A_2 = arith.constant 0 : index
    %get3A_3 = arith.constant 0 : index
    %get3A_4 = vector.load %arg1[%get3A_2, %get3A_3] : memref<10000x128xf32, #tpu.memory_space<vmem>>, vector<10000x128xf32>
    %get3A_5 = arith.constant 0 : index
    %get3A_6 = arith.constant 0 : index
    %get3A_7 = vector.load %arg2[%get3A_5, %get3A_6] : memref<128x128xf32, #tpu.memory_space<vmem>>, vector<128x128xf32>
    %dot_general3A = arith.constant dense<0.000000e+00> : vector<10000x128xf32>
    %dot_general3A_8 = tpu.matmul %get3A_4, %get3A_7, %dot_general3A {dimension_numbers = #tpu.dot_dimension_numbers<[1], [0], [0], [1], [0, 0, 1, 1], [], []>, transpose_lhs_hint = false} : vector<10000x128xf32>, vector<128x128xf32>, vector<10000x128xf32> -> vector<10000x128xf32>
    %get3A_9 = arith.constant 0 : index
    %get3A_10 = arith.constant 0 : index
    %get3A_11 = vector.load %arg3[%get3A_9, %get3A_10] : memref<1x128xf32, #tpu.memory_space<vmem>>, vector<1x128xf32>
    %add3A = vector.broadcast %get3A_11 : vector<1x128xf32> to vector<10000x128xf32>
    %add3A_12 = arith.addf %dot_general3A_8, %add3A : vector<10000x128xf32>
    %mul3A = vector.broadcast %get3A_1 : f32 to vector<10000x128xf32>
    %mul3A_13 = arith.mulf %mul3A, %add3A_12 : vector<10000x128xf32>
    %tanh3A = math.tanh %mul3A_13 : vector<10000x128xf32>
    %swap3A = arith.constant 0 : index
    %swap3A_14 = arith.constant 0 : index
    %swap3A_15 = vector.load %arg7[%swap3A, %swap3A_14] : memref<10000x128xf32, #tpu.memory_space<vmem>>, vector<10000x128xf32>
    tpu.vector_store %arg7[%swap3A, %swap3A_14], %tanh3A {strides = array<i32>} : memref<10000x128xf32, #tpu.memory_space<vmem>>, vector<10000x128xf32>,
    %get3A_16 = arith.constant 0 : index
    %get3A_17 = arith.constant 0 : index
    %get3A_18 = vector.load %arg4[%get3A_16, %get3A_17] : memref<10000x128xf32, #tpu.memory_space<vmem>>, vector<10000x128xf32>
    %get3A_19 = arith.constant 0 : index
    %get3A_20 = arith.constant 0 : index
    %get3A_21 = vector.load %arg5[%get3A_19, %get3A_20] : memref<128x128xf32, #tpu.memory_space<vmem>>, vector<128x128xf32>
    %dot_general3A_22 = arith.constant dense<0.000000e+00> : vector<10000x128xf32>
    %dot_general3A_23 = tpu.matmul %get3A_18, %get3A_21, %dot_general3A_22 {dimension_numbers = #tpu.dot_dimension_numbers<[1], [0], [0], [1], [0, 0, 1, 1], [], []>, transpose_lhs_hint = false} : vector<10000x128xf32>, vector<128x128xf32>, vector<10000x128xf32> -> vector<10000x128xf32>
    %get3A_24 = arith.constant 0 : index
    %get3A_25 = arith.constant 0 : index
    %get3A_26 = vector.load %arg6[%get3A_24, %get3A_25] : memref<1x128xf32, #tpu.memory_space<vmem>>, vector<1x128xf32>
    %add3A_27 = vector.broadcast %get3A_26 : vector<1x128xf32> to vector<10000x128xf32>
    %add3A_28 = arith.addf %dot_general3A_23, %add3A_27 : vector<10000x128xf32>
    %mul3A_29 = vector.broadcast %get3A_1 : f32 to vector<10000x128xf32>
    %mul3A_30 = arith.mulf %mul3A_29, %add3A_28 : vector<10000x128xf32>
    %tanh3A_31 = math.tanh %mul3A_30 : vector<10000x128xf32>
    %swap3A_32 = arith.constant 0 : index
    %swap3A_33 = arith.constant 0 : index
    %swap3A_34 = vector.load %arg8[%swap3A_32, %swap3A_33] : memref<10000x128xf32, #tpu.memory_space<vmem>>, vector<10000x128xf32>
    tpu.vector_store %arg8[%swap3A_32, %swap3A_33], %tanh3A_31 {strides = array<i32>} : memref<10000x128xf32, #tpu.memory_space<vmem>>, vector<10000x128xf32>,
    return
  }
}

module attributes {stable_mosaic.version = 14 : i64} {
  func.func @_adj_body(%arg0: i32, %arg1: memref<1x1xf32, #tpu.memory_space<smem>>, %arg2: memref<80x128xf32, #tpu.memory_space<vmem>>, %arg3: memref<80x128xf32, #tpu.memory_space<vmem>>, %arg4: memref<10000x128xf32, #tpu.memory_space<vmem>>, %arg5: memref<10000x128xf32, #tpu.memory_space<vmem>>, %arg6: memref<80x10000xf32, #tpu.memory_space<vmem>>, %arg7: memref<80x10000xf32, #tpu.memory_space<vmem>>, %arg8: memref<80x1xf32, #tpu.memory_space<vmem>>, %arg9: memref<80x1xf32, #tpu.memory_space<vmem>>, %arg10: memref<80x1xf32, #tpu.memory_space<vmem>>, %arg11: memref<80x1xf32, #tpu.memory_space<vmem>>, %arg12: memref<80x1024xf32, #tpu.memory_space<vmem>>, %arg13: memref<1x1xf32, #tpu.memory_space<smem>>) attributes {dimension_semantics = [#tpu.dimension_semantics<arbitrary>], iteration_bounds = array<i64: 125>, scalar_prefetch = 0 : i64, scratch_operands = 7 : i64, tpu.core_type = #tpu.core_type<tc>, window_params = [{transform_indices = @transform_0, window_bounds = array<i64: 1, 1>}, {transform_indices = @transform_1, window_bounds = array<i64: 80, 128>}, {transform_indices = @transform_2, window_bounds = array<i64: 80, 128>}, {pipeline_mode = #tpu.pipeline_mode<synchronous>, transform_indices = @transform_3, window_bounds = array<i64: 10000, 128>}, {pipeline_mode = #tpu.pipeline_mode<synchronous>, transform_indices = @transform_4, window_bounds = array<i64: 10000, 128>}, {transform_indices = @transform_5, window_bounds = array<i64: 80, 10000>}]} {
    %get3A = arith.constant 0 : index
    %get3A_0 = arith.constant 0 : index
    %get3A_1 = memref.load %arg1[%get3A, %get3A_0] : memref<1x1xf32, #tpu.memory_space<smem>>
    %eq3A = arith.constant 0 : i32
    %eq3A_2 = arith.cmpi eq, %arg0, %eq3A : i32
    %convert_element_type3A = arith.extui %eq3A_2 : i1 to i32
    %cond3A = arith.constant 0 : i32
    %cond3A_3 = arith.cmpi ne, %convert_element_type3A, %cond3A : i32
    scf.if %cond3A_3 {
      %scan3A = arith.constant 1065353216 : i32
      %scan3A_263 = arith.constant 1132462080 : i32
      %scan3A_264 = arith.constant 0 : i32
      %scan3A_265 = arith.constant 27 : i32
      %scan3A_266 = arith.addi %scan3A_264, %scan3A_265 : i32
      %scan3A_267 = arith.constant 1 : i32
      %scan3A_268:2 = scf.for %scan3A_272 = %scan3A_264 to %scan3A_266 step %scan3A_267 iter_args(%scan3A_273 = %scan3A, %scan3A_274 = %scan3A_263) -> (i32, i32)  : i32 {
        %add3A = arith.addi %scan3A_273, %scan3A_274 : i32
        %shift_right_logical3A = arith.constant 1 : i32
        %shift_right_logical3A_275 = arith.shrui %add3A, %shift_right_logical3A : i32
        %bitcast_convert_type3A_276 = arith.bitcast %shift_right_logical3A_275 : i32 to f32
        %broadcast_in_dim3A_277 = vector.broadcast %bitcast_convert_type3A_276 : f32 to vector<8x128xf32>
        %tanh3A = math.tanh %broadcast_in_dim3A_277 : vector<8x128xf32>
        %reduce_max3A = vector.shape_cast %tanh3A : vector<8x128xf32> to vector<1x8x128xf32>
        %reduce_max3A_278 = arith.constant dense<0xFF800000> : vector<1xf32>
        %reduce_max3A_279 = vector.multi_reduction <maximumf>, %reduce_max3A, %reduce_max3A_278 [1, 2] : vector<1x8x128xf32> to vector<1xf32>
        %reduce_max3A_280 = vector.shape_cast %reduce_max3A_279 : vector<1xf32> to vector<1x1x1xf32>
        %reduce_max3A_281 = vector.extract %reduce_max3A_280[0, 0, 0] : f32 from vector<1x1x1xf32>
        %eq3A_282 = arith.constant 1.000000e+00 : f32
        %eq3A_283 = arith.cmpf oeq, %reduce_max3A_281, %eq3A_282 : f32
        %select_n3A = arith.select %eq3A_283, %scan3A_273, %shift_right_logical3A_275 : i32
        %select_n3A_284 = arith.select %eq3A_283, %shift_right_logical3A_275, %scan3A_274 : i32
        scf.yield %select_n3A, %select_n3A_284 : i32, i32
      }
      %bitcast_convert_type3A = arith.bitcast %scan3A_268#1 : i32 to f32
      %swap3A_269 = arith.constant 0 : index
      %swap3A_270 = arith.constant 0 : index
      %swap3A_271 = memref.load %arg13[%swap3A_269, %swap3A_270] : memref<1x1xf32, #tpu.memory_space<smem>>
      memref.store %bitcast_convert_type3A, %arg13[%swap3A_269, %swap3A_270] : memref<1x1xf32, #tpu.memory_space<smem>>
    } else {
    }
    %get3A_4 = arith.constant 0 : index
    %get3A_5 = arith.constant 0 : index
    %get3A_6 = memref.load %arg13[%get3A_4, %get3A_5] : memref<1x1xf32, #tpu.memory_space<smem>>
    %get3A_7 = arith.constant 0 : index
    %get3A_8 = arith.constant 0 : index
    %get3A_9 = vector.load %arg2[%get3A_7, %get3A_8] : memref<80x128xf32, #tpu.memory_space<vmem>>, vector<80x128xf32>
    %get3A_10 = arith.constant 0 : index
    %get3A_11 = arith.constant 0 : index
    %get3A_12 = vector.load %arg5[%get3A_10, %get3A_11] : memref<10000x128xf32, #tpu.memory_space<vmem>>, vector<1024x128xf32>
    %dot_general3A = arith.constant dense<0.000000e+00> : vector<80x1024xf32>
    %dot_general3A_13 = tpu.matmul %get3A_9, %get3A_12, %dot_general3A {dimension_numbers = #tpu.dot_dimension_numbers<[1], [1], [0], [0], [0, 0, 1, 0], [], []>, transpose_lhs_hint = false} : vector<80x128xf32>, vector<1024x128xf32>, vector<80x1024xf32> -> vector<80x1024xf32>
    %get3A_14 = arith.constant 0 : index
    %get3A_15 = arith.constant 0 : index
    %get3A_16 = vector.load %arg3[%get3A_14, %get3A_15] : memref<80x128xf32, #tpu.memory_space<vmem>>, vector<80x128xf32>
    %get3A_17 = arith.constant 0 : index
    %get3A_18 = arith.constant 0 : index
    %get3A_19 = vector.load %arg4[%get3A_17, %get3A_18] : memref<10000x128xf32, #tpu.memory_space<vmem>>, vector<1024x128xf32>
    %dot_general3A_20 = arith.constant dense<0.000000e+00> : vector<80x1024xf32>
    %dot_general3A_21 = tpu.matmul %get3A_16, %get3A_19, %dot_general3A_20 {dimension_numbers = #tpu.dot_dimension_numbers<[1], [1], [0], [0], [0, 0, 1, 0], [], []>, transpose_lhs_hint = false} : vector<80x128xf32>, vector<1024x128xf32>, vector<80x1024xf32> -> vector<80x1024xf32>
    %sub3A = arith.subf %dot_general3A_13, %dot_general3A_21 : vector<80x1024xf32>
    %mul3A = vector.broadcast %get3A_1 : f32 to vector<80x1024xf32>
    %mul3A_22 = arith.mulf %mul3A, %sub3A : vector<80x1024xf32>
    %ge3A = vector.broadcast %get3A_6 : f32 to vector<80x1024xf32>
    %ge3A_23 = arith.cmpf oge, %mul3A_22, %ge3A : vector<80x1024xf32>
    %convert_element_type3A_24 = arith.extui %ge3A_23 : vector<80x1024xi1> to vector<80x1024xi32>
    %convert_element_type3A_25 = arith.sitofp %convert_element_type3A_24 : vector<80x1024xi32> to vector<80x1024xf32>
    %swap3A = arith.constant 0 : index
    %swap3A_26 = arith.constant 0 : index
    %swap3A_27 = vector.load %arg12[%swap3A, %swap3A_26] : memref<80x1024xf32, #tpu.memory_space<vmem>>, vector<80x1024xf32>
    tpu.vector_store %arg12[%swap3A, %swap3A_26], %convert_element_type3A_25 {strides = array<i32>} : memref<80x1024xf32, #tpu.memory_space<vmem>>, vector<80x1024xf32>,
    %reduce_sum3A = arith.constant dense<0.000000e+00> : vector<80xf32>
    %reduce_sum3A_28 = vector.multi_reduction <add>, %convert_element_type3A_25, %reduce_sum3A [1] : vector<80x1024xf32> to vector<80xf32>
    %broadcast_in_dim3A = vector.shape_cast %reduce_sum3A_28 : vector<80xf32> to vector<80x1xf32>
    %swap3A_29 = arith.constant 0 : index
    %swap3A_30 = arith.constant 0 : index
    %swap3A_31 = vector.load %arg11[%swap3A_29, %swap3A_30] : memref<80x1xf32, #tpu.memory_space<vmem>>, vector<80x1xf32>
    tpu.vector_store %arg11[%swap3A_29, %swap3A_30], %broadcast_in_dim3A {strides = array<i32>} : memref<80x1xf32, #tpu.memory_space<vmem>>, vector<80x1xf32>,
    %get3A_32 = arith.constant 0 : index
    %get3A_33 = arith.constant 0 : index
    %get3A_34 = vector.load %arg11[%get3A_32, %get3A_33] : memref<80x1xf32, #tpu.memory_space<vmem>>, vector<80x1xf32>
    %ge3A_35 = arith.constant 3.200000e+01 : f32
    %ge3A_36 = vector.broadcast %ge3A_35 : f32 to vector<80x1xf32>
    %ge3A_37 = arith.cmpf oge, %get3A_34, %ge3A_36 : vector<80x1xf32>
    %reduce_and3A = arith.constant 1.000000e+00 : f32
    %reduce_and3A_38 = arith.constant 0.000000e+00 : f32
    %reduce_and3A_39 = vector.broadcast %reduce_and3A : f32 to vector<80x1xf32>
    %reduce_and3A_40 = vector.broadcast %reduce_and3A_38 : f32 to vector<80x1xf32>
    %reduce_and3A_41 = arith.select %ge3A_37, %reduce_and3A_39, %reduce_and3A_40 : vector<80x1xi1>, vector<80x1xf32>
    %reduce_and3A_42 = vector.shape_cast %reduce_and3A_41 : vector<80x1xf32> to vector<1x80x1xf32>
    %reduce_and3A_43 = arith.constant dense<0x7F800000> : vector<1xf32>
    %reduce_and3A_44 = vector.multi_reduction <minimumf>, %reduce_and3A_42, %reduce_and3A_43 [1, 2] : vector<1x80x1xf32> to vector<1xf32>
    %reduce_and3A_45 = vector.shape_cast %reduce_and3A_44 : vector<1xf32> to vector<1x1x1xf32>
    %reduce_and3A_46 = vector.extract %reduce_and3A_45[0, 0, 0] : f32 from vector<1x1x1xf32>
    %reduce_and3A_47 = arith.constant 0.000000e+00 : f32
    %reduce_and3A_48 = arith.cmpf ogt, %reduce_and3A_46, %reduce_and3A_47 : f32
    %not3A = arith.constant true
    %not3A_49 = arith.xori %reduce_and3A_48, %not3A : i1
    %convert_element_type3A_50 = arith.extui %not3A_49 : i1 to i32
    %cond3A_51 = arith.constant 0 : i32
    %cond3A_52 = arith.cmpi ne, %convert_element_type3A_50, %cond3A_51 : i32
    scf.if %cond3A_52 {
      %get3A_263 = arith.constant 0 : index
      %get3A_264 = arith.constant 0 : index
      %get3A_265 = vector.load %arg2[%get3A_263, %get3A_264] : memref<80x128xf32, #tpu.memory_space<vmem>>, vector<80x128xf32>
      %get3A_266 = arith.constant 1024 : index
      %get3A_267 = arith.constant 0 : index
      %get3A_268 = vector.load %arg5[%get3A_266, %get3A_267] : memref<10000x128xf32, #tpu.memory_space<vmem>>, vector<1024x128xf32>
      %dot_general3A_269 = arith.constant dense<0.000000e+00> : vector<80x1024xf32>
      %dot_general3A_270 = tpu.matmul %get3A_265, %get3A_268, %dot_general3A_269 {dimension_numbers = #tpu.dot_dimension_numbers<[1], [1], [0], [0], [0, 0, 1, 0], [], []>, transpose_lhs_hint = false} : vector<80x128xf32>, vector<1024x128xf32>, vector<80x1024xf32> -> vector<80x1024xf32>
      %get3A_271 = arith.constant 0 : index
      %get3A_272 = arith.constant 0 : index
      %get3A_273 = vector.load %arg3[%get3A_271, %get3A_272] : memref<80x128xf32, #tpu.memory_space<vmem>>, vector<80x128xf32>
      %get3A_274 = arith.constant 1024 : index
      %get3A_275 = arith.constant 0 : index
      %get3A_276 = vector.load %arg4[%get3A_274, %get3A_275] : memref<10000x128xf32, #tpu.memory_space<vmem>>, vector<1024x128xf32>
      %dot_general3A_277 = arith.constant dense<0.000000e+00> : vector<80x1024xf32>
      %dot_general3A_278 = tpu.matmul %get3A_273, %get3A_276, %dot_general3A_277 {dimension_numbers = #tpu.dot_dimension_numbers<[1], [1], [0], [0], [0, 0, 1, 0], [], []>, transpose_lhs_hint = false} : vector<80x128xf32>, vector<1024x128xf32>, vector<80x1024xf32> -> vector<80x1024xf32>
      %sub3A_279 = arith.subf %dot_general3A_270, %dot_general3A_278 : vector<80x1024xf32>
      %mul3A_280 = vector.broadcast %get3A_1 : f32 to vector<80x1024xf32>
      %mul3A_281 = arith.mulf %mul3A_280, %sub3A_279 : vector<80x1024xf32>
      %ge3A_282 = vector.broadcast %get3A_6 : f32 to vector<80x1024xf32>
      %ge3A_283 = arith.cmpf oge, %mul3A_281, %ge3A_282 : vector<80x1024xf32>
      %convert_element_type3A_284 = arith.extui %ge3A_283 : vector<80x1024xi1> to vector<80x1024xi32>
      %convert_element_type3A_285 = arith.sitofp %convert_element_type3A_284 : vector<80x1024xi32> to vector<80x1024xf32>
      %get3A_286 = arith.constant 0 : index
      %get3A_287 = arith.constant 0 : index
      %get3A_288 = vector.load %arg11[%get3A_286, %get3A_287] : memref<80x1xf32, #tpu.memory_space<vmem>>, vector<80x1xf32>
      %reduce_sum3A_289 = arith.constant dense<0.000000e+00> : vector<80xf32>
      %reduce_sum3A_290 = vector.multi_reduction <add>, %convert_element_type3A_285, %reduce_sum3A_289 [1] : vector<80x1024xf32> to vector<80xf32>
      %broadcast_in_dim3A_291 = vector.shape_cast %reduce_sum3A_290 : vector<80xf32> to vector<80x1xf32>
      %add3A = arith.addf %get3A_288, %broadcast_in_dim3A_291 : vector<80x1xf32>
      %swap3A_292 = arith.constant 0 : index
      %swap3A_293 = arith.constant 0 : index
      %swap3A_294 = vector.load %arg11[%swap3A_292, %swap3A_293] : memref<80x1xf32, #tpu.memory_space<vmem>>, vector<80x1xf32>
      tpu.vector_store %arg11[%swap3A_292, %swap3A_293], %add3A {strides = array<i32>} : memref<80x1xf32, #tpu.memory_space<vmem>>, vector<80x1xf32>,
    } else {
    }
    %get3A_53 = arith.constant 0 : index
    %get3A_54 = arith.constant 0 : index
    %get3A_55 = vector.load %arg11[%get3A_53, %get3A_54] : memref<80x1xf32, #tpu.memory_space<vmem>>, vector<80x1xf32>
    %ge3A_56 = arith.constant 3.200000e+01 : f32
    %ge3A_57 = vector.broadcast %ge3A_56 : f32 to vector<80x1xf32>
    %ge3A_58 = arith.cmpf oge, %get3A_55, %ge3A_57 : vector<80x1xf32>
    %reduce_and3A_59 = arith.constant 1.000000e+00 : f32
    %reduce_and3A_60 = arith.constant 0.000000e+00 : f32
    %reduce_and3A_61 = vector.broadcast %reduce_and3A_59 : f32 to vector<80x1xf32>
    %reduce_and3A_62 = vector.broadcast %reduce_and3A_60 : f32 to vector<80x1xf32>
    %reduce_and3A_63 = arith.select %ge3A_58, %reduce_and3A_61, %reduce_and3A_62 : vector<80x1xi1>, vector<80x1xf32>
    %reduce_and3A_64 = vector.shape_cast %reduce_and3A_63 : vector<80x1xf32> to vector<1x80x1xf32>
    %reduce_and3A_65 = arith.constant dense<0x7F800000> : vector<1xf32>
    %reduce_and3A_66 = vector.multi_reduction <minimumf>, %reduce_and3A_64, %reduce_and3A_65 [1, 2] : vector<1x80x1xf32> to vector<1xf32>
    %reduce_and3A_67 = vector.shape_cast %reduce_and3A_66 : vector<1xf32> to vector<1x1x1xf32>
    %reduce_and3A_68 = vector.extract %reduce_and3A_67[0, 0, 0] : f32 from vector<1x1x1xf32>
    %reduce_and3A_69 = arith.constant 0.000000e+00 : f32
    %reduce_and3A_70 = arith.cmpf ogt, %reduce_and3A_68, %reduce_and3A_69 : f32
    %not3A_71 = arith.constant true
    %not3A_72 = arith.xori %reduce_and3A_70, %not3A_71 : i1
    %convert_element_type3A_73 = arith.extui %not3A_72 : i1 to i32
    %cond3A_74 = arith.constant 0 : i32
    %cond3A_75 = arith.cmpi ne, %convert_element_type3A_73, %cond3A_74 : i32
    scf.if %cond3A_75 {
      %get3A_263 = arith.constant 0 : index
      %get3A_264 = arith.constant 0 : index
      %get3A_265 = vector.load %arg2[%get3A_263, %get3A_264] : memref<80x128xf32, #tpu.memory_space<vmem>>, vector<80x128xf32>
      %get3A_266 = arith.constant 2048 : index
      %get3A_267 = arith.constant 0 : index
      %get3A_268 = vector.load %arg5[%get3A_266, %get3A_267] : memref<10000x128xf32, #tpu.memory_space<vmem>>, vector<1024x128xf32>
      %dot_general3A_269 = arith.constant dense<0.000000e+00> : vector<80x1024xf32>
      %dot_general3A_270 = tpu.matmul %get3A_265, %get3A_268, %dot_general3A_269 {dimension_numbers = #tpu.dot_dimension_numbers<[1], [1], [0], [0], [0, 0, 1, 0], [], []>, transpose_lhs_hint = false} : vector<80x128xf32>, vector<1024x128xf32>, vector<80x1024xf32> -> vector<80x1024xf32>
      %get3A_271 = arith.constant 0 : index
      %get3A_272 = arith.constant 0 : index
      %get3A_273 = vector.load %arg3[%get3A_271, %get3A_272] : memref<80x128xf32, #tpu.memory_space<vmem>>, vector<80x128xf32>
      %get3A_274 = arith.constant 2048 : index
      %get3A_275 = arith.constant 0 : index
      %get3A_276 = vector.load %arg4[%get3A_274, %get3A_275] : memref<10000x128xf32, #tpu.memory_space<vmem>>, vector<1024x128xf32>
      %dot_general3A_277 = arith.constant dense<0.000000e+00> : vector<80x1024xf32>
      %dot_general3A_278 = tpu.matmul %get3A_273, %get3A_276, %dot_general3A_277 {dimension_numbers = #tpu.dot_dimension_numbers<[1], [1], [0], [0], [0, 0, 1, 0], [], []>, transpose_lhs_hint = false} : vector<80x128xf32>, vector<1024x128xf32>, vector<80x1024xf32> -> vector<80x1024xf32>
      %sub3A_279 = arith.subf %dot_general3A_270, %dot_general3A_278 : vector<80x1024xf32>
      %mul3A_280 = vector.broadcast %get3A_1 : f32 to vector<80x1024xf32>
      %mul3A_281 = arith.mulf %mul3A_280, %sub3A_279 : vector<80x1024xf32>
      %ge3A_282 = vector.broadcast %get3A_6 : f32 to vector<80x1024xf32>
      %ge3A_283 = arith.cmpf oge, %mul3A_281, %ge3A_282 : vector<80x1024xf32>
      %convert_element_type3A_284 = arith.extui %ge3A_283 : vector<80x1024xi1> to vector<80x1024xi32>
      %convert_element_type3A_285 = arith.sitofp %convert_element_type3A_284 : vector<80x1024xi32> to vector<80x1024xf32>
      %get3A_286 = arith.constant 0 : index
      %get3A_287 = arith.constant 0 : index
      %get3A_288 = vector.load %arg11[%get3A_286, %get3A_287] : memref<80x1xf32, #tpu.memory_space<vmem>>, vector<80x1xf32>
      %reduce_sum3A_289 = arith.constant dense<0.000000e+00> : vector<80xf32>
      %reduce_sum3A_290 = vector.multi_reduction <add>, %convert_element_type3A_285, %reduce_sum3A_289 [1] : vector<80x1024xf32> to vector<80xf32>
      %broadcast_in_dim3A_291 = vector.shape_cast %reduce_sum3A_290 : vector<80xf32> to vector<80x1xf32>
      %add3A = arith.addf %get3A_288, %broadcast_in_dim3A_291 : vector<80x1xf32>
      %swap3A_292 = arith.constant 0 : index
      %swap3A_293 = arith.constant 0 : index
      %swap3A_294 = vector.load %arg11[%swap3A_292, %swap3A_293] : memref<80x1xf32, #tpu.memory_space<vmem>>, vector<80x1xf32>
      tpu.vector_store %arg11[%swap3A_292, %swap3A_293], %add3A {strides = array<i32>} : memref<80x1xf32, #tpu.memory_space<vmem>>, vector<80x1xf32>,
    } else {
    }
    %get3A_76 = arith.constant 0 : index
    %get3A_77 = arith.constant 0 : index
    %get3A_78 = vector.load %arg11[%get3A_76, %get3A_77] : memref<80x1xf32, #tpu.memory_space<vmem>>, vector<80x1xf32>
    %ge3A_79 = arith.constant 3.200000e+01 : f32
    %ge3A_80 = vector.broadcast %ge3A_79 : f32 to vector<80x1xf32>
    %ge3A_81 = arith.cmpf oge, %get3A_78, %ge3A_80 : vector<80x1xf32>
    %reduce_and3A_82 = arith.constant 1.000000e+00 : f32
    %reduce_and3A_83 = arith.constant 0.000000e+00 : f32
    %reduce_and3A_84 = vector.broadcast %reduce_and3A_82 : f32 to vector<80x1xf32>
    %reduce_and3A_85 = vector.broadcast %reduce_and3A_83 : f32 to vector<80x1xf32>
    %reduce_and3A_86 = arith.select %ge3A_81, %reduce_and3A_84, %reduce_and3A_85 : vector<80x1xi1>, vector<80x1xf32>
    %reduce_and3A_87 = vector.shape_cast %reduce_and3A_86 : vector<80x1xf32> to vector<1x80x1xf32>
    %reduce_and3A_88 = arith.constant dense<0x7F800000> : vector<1xf32>
    %reduce_and3A_89 = vector.multi_reduction <minimumf>, %reduce_and3A_87, %reduce_and3A_88 [1, 2] : vector<1x80x1xf32> to vector<1xf32>
    %reduce_and3A_90 = vector.shape_cast %reduce_and3A_89 : vector<1xf32> to vector<1x1x1xf32>
    %reduce_and3A_91 = vector.extract %reduce_and3A_90[0, 0, 0] : f32 from vector<1x1x1xf32>
    %reduce_and3A_92 = arith.constant 0.000000e+00 : f32
    %reduce_and3A_93 = arith.cmpf ogt, %reduce_and3A_91, %reduce_and3A_92 : f32
    %not3A_94 = arith.constant true
    %not3A_95 = arith.xori %reduce_and3A_93, %not3A_94 : i1
    %convert_element_type3A_96 = arith.extui %not3A_95 : i1 to i32
    %cond3A_97 = arith.constant 0 : i32
    %cond3A_98 = arith.cmpi ne, %convert_element_type3A_96, %cond3A_97 : i32
    scf.if %cond3A_98 {
      %get3A_263 = arith.constant 0 : index
      %get3A_264 = arith.constant 0 : index
      %get3A_265 = vector.load %arg2[%get3A_263, %get3A_264] : memref<80x128xf32, #tpu.memory_space<vmem>>, vector<80x128xf32>
      %get3A_266 = arith.constant 3072 : index
      %get3A_267 = arith.constant 0 : index
      %get3A_268 = vector.load %arg5[%get3A_266, %get3A_267] : memref<10000x128xf32, #tpu.memory_space<vmem>>, vector<1024x128xf32>
      %dot_general3A_269 = arith.constant dense<0.000000e+00> : vector<80x1024xf32>
      %dot_general3A_270 = tpu.matmul %get3A_265, %get3A_268, %dot_general3A_269 {dimension_numbers = #tpu.dot_dimension_numbers<[1], [1], [0], [0], [0, 0, 1, 0], [], []>, transpose_lhs_hint = false} : vector<80x128xf32>, vector<1024x128xf32>, vector<80x1024xf32> -> vector<80x1024xf32>
      %get3A_271 = arith.constant 0 : index
      %get3A_272 = arith.constant 0 : index
      %get3A_273 = vector.load %arg3[%get3A_271, %get3A_272] : memref<80x128xf32, #tpu.memory_space<vmem>>, vector<80x128xf32>
      %get3A_274 = arith.constant 3072 : index
      %get3A_275 = arith.constant 0 : index
      %get3A_276 = vector.load %arg4[%get3A_274, %get3A_275] : memref<10000x128xf32, #tpu.memory_space<vmem>>, vector<1024x128xf32>
      %dot_general3A_277 = arith.constant dense<0.000000e+00> : vector<80x1024xf32>
      %dot_general3A_278 = tpu.matmul %get3A_273, %get3A_276, %dot_general3A_277 {dimension_numbers = #tpu.dot_dimension_numbers<[1], [1], [0], [0], [0, 0, 1, 0], [], []>, transpose_lhs_hint = false} : vector<80x128xf32>, vector<1024x128xf32>, vector<80x1024xf32> -> vector<80x1024xf32>
      %sub3A_279 = arith.subf %dot_general3A_270, %dot_general3A_278 : vector<80x1024xf32>
      %mul3A_280 = vector.broadcast %get3A_1 : f32 to vector<80x1024xf32>
      %mul3A_281 = arith.mulf %mul3A_280, %sub3A_279 : vector<80x1024xf32>
      %ge3A_282 = vector.broadcast %get3A_6 : f32 to vector<80x1024xf32>
      %ge3A_283 = arith.cmpf oge, %mul3A_281, %ge3A_282 : vector<80x1024xf32>
      %convert_element_type3A_284 = arith.extui %ge3A_283 : vector<80x1024xi1> to vector<80x1024xi32>
      %convert_element_type3A_285 = arith.sitofp %convert_element_type3A_284 : vector<80x1024xi32> to vector<80x1024xf32>
      %get3A_286 = arith.constant 0 : index
      %get3A_287 = arith.constant 0 : index
      %get3A_288 = vector.load %arg11[%get3A_286, %get3A_287] : memref<80x1xf32, #tpu.memory_space<vmem>>, vector<80x1xf32>
      %reduce_sum3A_289 = arith.constant dense<0.000000e+00> : vector<80xf32>
      %reduce_sum3A_290 = vector.multi_reduction <add>, %convert_element_type3A_285, %reduce_sum3A_289 [1] : vector<80x1024xf32> to vector<80xf32>
      %broadcast_in_dim3A_291 = vector.shape_cast %reduce_sum3A_290 : vector<80xf32> to vector<80x1xf32>
      %add3A = arith.addf %get3A_288, %broadcast_in_dim3A_291 : vector<80x1xf32>
      %swap3A_292 = arith.constant 0 : index
      %swap3A_293 = arith.constant 0 : index
      %swap3A_294 = vector.load %arg11[%swap3A_292, %swap3A_293] : memref<80x1xf32, #tpu.memory_space<vmem>>, vector<80x1xf32>
      tpu.vector_store %arg11[%swap3A_292, %swap3A_293], %add3A {strides = array<i32>} : memref<80x1xf32, #tpu.memory_space<vmem>>, vector<80x1xf32>,
    } else {
    }
    %get3A_99 = arith.constant 0 : index
    %get3A_100 = arith.constant 0 : index
    %get3A_101 = vector.load %arg11[%get3A_99, %get3A_100] : memref<80x1xf32, #tpu.memory_space<vmem>>, vector<80x1xf32>
    %ge3A_102 = arith.constant 3.200000e+01 : f32
    %ge3A_103 = vector.broadcast %ge3A_102 : f32 to vector<80x1xf32>
    %ge3A_104 = arith.cmpf oge, %get3A_101, %ge3A_103 : vector<80x1xf32>
    %reduce_and3A_105 = arith.constant 1.000000e+00 : f32
    %reduce_and3A_106 = arith.constant 0.000000e+00 : f32
    %reduce_and3A_107 = vector.broadcast %reduce_and3A_105 : f32 to vector<80x1xf32>
    %reduce_and3A_108 = vector.broadcast %reduce_and3A_106 : f32 to vector<80x1xf32>
    %reduce_and3A_109 = arith.select %ge3A_104, %reduce_and3A_107, %reduce_and3A_108 : vector<80x1xi1>, vector<80x1xf32>
    %reduce_and3A_110 = vector.shape_cast %reduce_and3A_109 : vector<80x1xf32> to vector<1x80x1xf32>
    %reduce_and3A_111 = arith.constant dense<0x7F800000> : vector<1xf32>
    %reduce_and3A_112 = vector.multi_reduction <minimumf>, %reduce_and3A_110, %reduce_and3A_111 [1, 2] : vector<1x80x1xf32> to vector<1xf32>
    %reduce_and3A_113 = vector.shape_cast %reduce_and3A_112 : vector<1xf32> to vector<1x1x1xf32>
    %reduce_and3A_114 = vector.extract %reduce_and3A_113[0, 0, 0] : f32 from vector<1x1x1xf32>
    %reduce_and3A_115 = arith.constant 0.000000e+00 : f32
    %reduce_and3A_116 = arith.cmpf ogt, %reduce_and3A_114, %reduce_and3A_115 : f32
    %not3A_117 = arith.constant true
    %not3A_118 = arith.xori %reduce_and3A_116, %not3A_117 : i1
    %convert_element_type3A_119 = arith.extui %not3A_118 : i1 to i32
    %cond3A_120 = arith.constant 0 : i32
    %cond3A_121 = arith.cmpi ne, %convert_element_type3A_119, %cond3A_120 : i32
    scf.if %cond3A_121 {
      %get3A_263 = arith.constant 0 : index
      %get3A_264 = arith.constant 0 : index
      %get3A_265 = vector.load %arg2[%get3A_263, %get3A_264] : memref<80x128xf32, #tpu.memory_space<vmem>>, vector<80x128xf32>
      %get3A_266 = arith.constant 4096 : index
      %get3A_267 = arith.constant 0 : index
      %get3A_268 = vector.load %arg5[%get3A_266, %get3A_267] : memref<10000x128xf32, #tpu.memory_space<vmem>>, vector<1024x128xf32>
      %dot_general3A_269 = arith.constant dense<0.000000e+00> : vector<80x1024xf32>
      %dot_general3A_270 = tpu.matmul %get3A_265, %get3A_268, %dot_general3A_269 {dimension_numbers = #tpu.dot_dimension_numbers<[1], [1], [0], [0], [0, 0, 1, 0], [], []>, transpose_lhs_hint = false} : vector<80x128xf32>, vector<1024x128xf32>, vector<80x1024xf32> -> vector<80x1024xf32>
      %get3A_271 = arith.constant 0 : index
      %get3A_272 = arith.constant 0 : index
      %get3A_273 = vector.load %arg3[%get3A_271, %get3A_272] : memref<80x128xf32, #tpu.memory_space<vmem>>, vector<80x128xf32>
      %get3A_274 = arith.constant 4096 : index
      %get3A_275 = arith.constant 0 : index
      %get3A_276 = vector.load %arg4[%get3A_274, %get3A_275] : memref<10000x128xf32, #tpu.memory_space<vmem>>, vector<1024x128xf32>
      %dot_general3A_277 = arith.constant dense<0.000000e+00> : vector<80x1024xf32>
      %dot_general3A_278 = tpu.matmul %get3A_273, %get3A_276, %dot_general3A_277 {dimension_numbers = #tpu.dot_dimension_numbers<[1], [1], [0], [0], [0, 0, 1, 0], [], []>, transpose_lhs_hint = false} : vector<80x128xf32>, vector<1024x128xf32>, vector<80x1024xf32> -> vector<80x1024xf32>
      %sub3A_279 = arith.subf %dot_general3A_270, %dot_general3A_278 : vector<80x1024xf32>
      %mul3A_280 = vector.broadcast %get3A_1 : f32 to vector<80x1024xf32>
      %mul3A_281 = arith.mulf %mul3A_280, %sub3A_279 : vector<80x1024xf32>
      %ge3A_282 = vector.broadcast %get3A_6 : f32 to vector<80x1024xf32>
      %ge3A_283 = arith.cmpf oge, %mul3A_281, %ge3A_282 : vector<80x1024xf32>
      %convert_element_type3A_284 = arith.extui %ge3A_283 : vector<80x1024xi1> to vector<80x1024xi32>
      %convert_element_type3A_285 = arith.sitofp %convert_element_type3A_284 : vector<80x1024xi32> to vector<80x1024xf32>
      %get3A_286 = arith.constant 0 : index
      %get3A_287 = arith.constant 0 : index
      %get3A_288 = vector.load %arg11[%get3A_286, %get3A_287] : memref<80x1xf32, #tpu.memory_space<vmem>>, vector<80x1xf32>
      %reduce_sum3A_289 = arith.constant dense<0.000000e+00> : vector<80xf32>
      %reduce_sum3A_290 = vector.multi_reduction <add>, %convert_element_type3A_285, %reduce_sum3A_289 [1] : vector<80x1024xf32> to vector<80xf32>
      %broadcast_in_dim3A_291 = vector.shape_cast %reduce_sum3A_290 : vector<80xf32> to vector<80x1xf32>
      %add3A = arith.addf %get3A_288, %broadcast_in_dim3A_291 : vector<80x1xf32>
      %swap3A_292 = arith.constant 0 : index
      %swap3A_293 = arith.constant 0 : index
      %swap3A_294 = vector.load %arg11[%swap3A_292, %swap3A_293] : memref<80x1xf32, #tpu.memory_space<vmem>>, vector<80x1xf32>
      tpu.vector_store %arg11[%swap3A_292, %swap3A_293], %add3A {strides = array<i32>} : memref<80x1xf32, #tpu.memory_space<vmem>>, vector<80x1xf32>,
    } else {
    }
    %get3A_122 = arith.constant 0 : index
    %get3A_123 = arith.constant 0 : index
    %get3A_124 = vector.load %arg11[%get3A_122, %get3A_123] : memref<80x1xf32, #tpu.memory_space<vmem>>, vector<80x1xf32>
    %ge3A_125 = arith.constant 3.200000e+01 : f32
    %ge3A_126 = vector.broadcast %ge3A_125 : f32 to vector<80x1xf32>
    %ge3A_127 = arith.cmpf oge, %get3A_124, %ge3A_126 : vector<80x1xf32>
    %reduce_and3A_128 = arith.constant 1.000000e+00 : f32
    %reduce_and3A_129 = arith.constant 0.000000e+00 : f32
    %reduce_and3A_130 = vector.broadcast %reduce_and3A_128 : f32 to vector<80x1xf32>
    %reduce_and3A_131 = vector.broadcast %reduce_and3A_129 : f32 to vector<80x1xf32>
    %reduce_and3A_132 = arith.select %ge3A_127, %reduce_and3A_130, %reduce_and3A_131 : vector<80x1xi1>, vector<80x1xf32>
    %reduce_and3A_133 = vector.shape_cast %reduce_and3A_132 : vector<80x1xf32> to vector<1x80x1xf32>
    %reduce_and3A_134 = arith.constant dense<0x7F800000> : vector<1xf32>
    %reduce_and3A_135 = vector.multi_reduction <minimumf>, %reduce_and3A_133, %reduce_and3A_134 [1, 2] : vector<1x80x1xf32> to vector<1xf32>
    %reduce_and3A_136 = vector.shape_cast %reduce_and3A_135 : vector<1xf32> to vector<1x1x1xf32>
    %reduce_and3A_137 = vector.extract %reduce_and3A_136[0, 0, 0] : f32 from vector<1x1x1xf32>
    %reduce_and3A_138 = arith.constant 0.000000e+00 : f32
    %reduce_and3A_139 = arith.cmpf ogt, %reduce_and3A_137, %reduce_and3A_138 : f32
    %not3A_140 = arith.constant true
    %not3A_141 = arith.xori %reduce_and3A_139, %not3A_140 : i1
    %convert_element_type3A_142 = arith.extui %not3A_141 : i1 to i32
    %cond3A_143 = arith.constant 0 : i32
    %cond3A_144 = arith.cmpi ne, %convert_element_type3A_142, %cond3A_143 : i32
    scf.if %cond3A_144 {
      %get3A_263 = arith.constant 0 : index
      %get3A_264 = arith.constant 0 : index
      %get3A_265 = vector.load %arg2[%get3A_263, %get3A_264] : memref<80x128xf32, #tpu.memory_space<vmem>>, vector<80x128xf32>
      %get3A_266 = arith.constant 5120 : index
      %get3A_267 = arith.constant 0 : index
      %get3A_268 = vector.load %arg5[%get3A_266, %get3A_267] : memref<10000x128xf32, #tpu.memory_space<vmem>>, vector<1024x128xf32>
      %dot_general3A_269 = arith.constant dense<0.000000e+00> : vector<80x1024xf32>
      %dot_general3A_270 = tpu.matmul %get3A_265, %get3A_268, %dot_general3A_269 {dimension_numbers = #tpu.dot_dimension_numbers<[1], [1], [0], [0], [0, 0, 1, 0], [], []>, transpose_lhs_hint = false} : vector<80x128xf32>, vector<1024x128xf32>, vector<80x1024xf32> -> vector<80x1024xf32>
      %get3A_271 = arith.constant 0 : index
      %get3A_272 = arith.constant 0 : index
      %get3A_273 = vector.load %arg3[%get3A_271, %get3A_272] : memref<80x128xf32, #tpu.memory_space<vmem>>, vector<80x128xf32>
      %get3A_274 = arith.constant 5120 : index
      %get3A_275 = arith.constant 0 : index
      %get3A_276 = vector.load %arg4[%get3A_274, %get3A_275] : memref<10000x128xf32, #tpu.memory_space<vmem>>, vector<1024x128xf32>
      %dot_general3A_277 = arith.constant dense<0.000000e+00> : vector<80x1024xf32>
      %dot_general3A_278 = tpu.matmul %get3A_273, %get3A_276, %dot_general3A_277 {dimension_numbers = #tpu.dot_dimension_numbers<[1], [1], [0], [0], [0, 0, 1, 0], [], []>, transpose_lhs_hint = false} : vector<80x128xf32>, vector<1024x128xf32>, vector<80x1024xf32> -> vector<80x1024xf32>
      %sub3A_279 = arith.subf %dot_general3A_270, %dot_general3A_278 : vector<80x1024xf32>
      %mul3A_280 = vector.broadcast %get3A_1 : f32 to vector<80x1024xf32>
      %mul3A_281 = arith.mulf %mul3A_280, %sub3A_279 : vector<80x1024xf32>
      %ge3A_282 = vector.broadcast %get3A_6 : f32 to vector<80x1024xf32>
      %ge3A_283 = arith.cmpf oge, %mul3A_281, %ge3A_282 : vector<80x1024xf32>
      %convert_element_type3A_284 = arith.extui %ge3A_283 : vector<80x1024xi1> to vector<80x1024xi32>
      %convert_element_type3A_285 = arith.sitofp %convert_element_type3A_284 : vector<80x1024xi32> to vector<80x1024xf32>
      %get3A_286 = arith.constant 0 : index
      %get3A_287 = arith.constant 0 : index
      %get3A_288 = vector.load %arg11[%get3A_286, %get3A_287] : memref<80x1xf32, #tpu.memory_space<vmem>>, vector<80x1xf32>
      %reduce_sum3A_289 = arith.constant dense<0.000000e+00> : vector<80xf32>
      %reduce_sum3A_290 = vector.multi_reduction <add>, %convert_element_type3A_285, %reduce_sum3A_289 [1] : vector<80x1024xf32> to vector<80xf32>
      %broadcast_in_dim3A_291 = vector.shape_cast %reduce_sum3A_290 : vector<80xf32> to vector<80x1xf32>
      %add3A = arith.addf %get3A_288, %broadcast_in_dim3A_291 : vector<80x1xf32>
      %swap3A_292 = arith.constant 0 : index
      %swap3A_293 = arith.constant 0 : index
      %swap3A_294 = vector.load %arg11[%swap3A_292, %swap3A_293] : memref<80x1xf32, #tpu.memory_space<vmem>>, vector<80x1xf32>
      tpu.vector_store %arg11[%swap3A_292, %swap3A_293], %add3A {strides = array<i32>} : memref<80x1xf32, #tpu.memory_space<vmem>>, vector<80x1xf32>,
    } else {
    }
    %get3A_145 = arith.constant 0 : index
    %get3A_146 = arith.constant 0 : index
    %get3A_147 = vector.load %arg11[%get3A_145, %get3A_146] : memref<80x1xf32, #tpu.memory_space<vmem>>, vector<80x1xf32>
    %ge3A_148 = arith.constant 3.200000e+01 : f32
    %ge3A_149 = vector.broadcast %ge3A_148 : f32 to vector<80x1xf32>
    %ge3A_150 = arith.cmpf oge, %get3A_147, %ge3A_149 : vector<80x1xf32>
    %reduce_and3A_151 = arith.constant 1.000000e+00 : f32
    %reduce_and3A_152 = arith.constant 0.000000e+00 : f32
    %reduce_and3A_153 = vector.broadcast %reduce_and3A_151 : f32 to vector<80x1xf32>
    %reduce_and3A_154 = vector.broadcast %reduce_and3A_152 : f32 to vector<80x1xf32>
    %reduce_and3A_155 = arith.select %ge3A_150, %reduce_and3A_153, %reduce_and3A_154 : vector<80x1xi1>, vector<80x1xf32>
    %reduce_and3A_156 = vector.shape_cast %reduce_and3A_155 : vector<80x1xf32> to vector<1x80x1xf32>
    %reduce_and3A_157 = arith.constant dense<0x7F800000> : vector<1xf32>
    %reduce_and3A_158 = vector.multi_reduction <minimumf>, %reduce_and3A_156, %reduce_and3A_157 [1, 2] : vector<1x80x1xf32> to vector<1xf32>
    %reduce_and3A_159 = vector.shape_cast %reduce_and3A_158 : vector<1xf32> to vector<1x1x1xf32>
    %reduce_and3A_160 = vector.extract %reduce_and3A_159[0, 0, 0] : f32 from vector<1x1x1xf32>
    %reduce_and3A_161 = arith.constant 0.000000e+00 : f32
    %reduce_and3A_162 = arith.cmpf ogt, %reduce_and3A_160, %reduce_and3A_161 : f32
    %not3A_163 = arith.constant true
    %not3A_164 = arith.xori %reduce_and3A_162, %not3A_163 : i1
    %convert_element_type3A_165 = arith.extui %not3A_164 : i1 to i32
    %cond3A_166 = arith.constant 0 : i32
    %cond3A_167 = arith.cmpi ne, %convert_element_type3A_165, %cond3A_166 : i32
    scf.if %cond3A_167 {
      %get3A_263 = arith.constant 0 : index
      %get3A_264 = arith.constant 0 : index
      %get3A_265 = vector.load %arg2[%get3A_263, %get3A_264] : memref<80x128xf32, #tpu.memory_space<vmem>>, vector<80x128xf32>
      %get3A_266 = arith.constant 6144 : index
      %get3A_267 = arith.constant 0 : index
      %get3A_268 = vector.load %arg5[%get3A_266, %get3A_267] : memref<10000x128xf32, #tpu.memory_space<vmem>>, vector<1024x128xf32>
      %dot_general3A_269 = arith.constant dense<0.000000e+00> : vector<80x1024xf32>
      %dot_general3A_270 = tpu.matmul %get3A_265, %get3A_268, %dot_general3A_269 {dimension_numbers = #tpu.dot_dimension_numbers<[1], [1], [0], [0], [0, 0, 1, 0], [], []>, transpose_lhs_hint = false} : vector<80x128xf32>, vector<1024x128xf32>, vector<80x1024xf32> -> vector<80x1024xf32>
      %get3A_271 = arith.constant 0 : index
      %get3A_272 = arith.constant 0 : index
      %get3A_273 = vector.load %arg3[%get3A_271, %get3A_272] : memref<80x128xf32, #tpu.memory_space<vmem>>, vector<80x128xf32>
      %get3A_274 = arith.constant 6144 : index
      %get3A_275 = arith.constant 0 : index
      %get3A_276 = vector.load %arg4[%get3A_274, %get3A_275] : memref<10000x128xf32, #tpu.memory_space<vmem>>, vector<1024x128xf32>
      %dot_general3A_277 = arith.constant dense<0.000000e+00> : vector<80x1024xf32>
      %dot_general3A_278 = tpu.matmul %get3A_273, %get3A_276, %dot_general3A_277 {dimension_numbers = #tpu.dot_dimension_numbers<[1], [1], [0], [0], [0, 0, 1, 0], [], []>, transpose_lhs_hint = false} : vector<80x128xf32>, vector<1024x128xf32>, vector<80x1024xf32> -> vector<80x1024xf32>
      %sub3A_279 = arith.subf %dot_general3A_270, %dot_general3A_278 : vector<80x1024xf32>
      %mul3A_280 = vector.broadcast %get3A_1 : f32 to vector<80x1024xf32>
      %mul3A_281 = arith.mulf %mul3A_280, %sub3A_279 : vector<80x1024xf32>
      %ge3A_282 = vector.broadcast %get3A_6 : f32 to vector<80x1024xf32>
      %ge3A_283 = arith.cmpf oge, %mul3A_281, %ge3A_282 : vector<80x1024xf32>
      %convert_element_type3A_284 = arith.extui %ge3A_283 : vector<80x1024xi1> to vector<80x1024xi32>
      %convert_element_type3A_285 = arith.sitofp %convert_element_type3A_284 : vector<80x1024xi32> to vector<80x1024xf32>
      %get3A_286 = arith.constant 0 : index
      %get3A_287 = arith.constant 0 : index
      %get3A_288 = vector.load %arg11[%get3A_286, %get3A_287] : memref<80x1xf32, #tpu.memory_space<vmem>>, vector<80x1xf32>
      %reduce_sum3A_289 = arith.constant dense<0.000000e+00> : vector<80xf32>
      %reduce_sum3A_290 = vector.multi_reduction <add>, %convert_element_type3A_285, %reduce_sum3A_289 [1] : vector<80x1024xf32> to vector<80xf32>
      %broadcast_in_dim3A_291 = vector.shape_cast %reduce_sum3A_290 : vector<80xf32> to vector<80x1xf32>
      %add3A = arith.addf %get3A_288, %broadcast_in_dim3A_291 : vector<80x1xf32>
      %swap3A_292 = arith.constant 0 : index
      %swap3A_293 = arith.constant 0 : index
      %swap3A_294 = vector.load %arg11[%swap3A_292, %swap3A_293] : memref<80x1xf32, #tpu.memory_space<vmem>>, vector<80x1xf32>
      tpu.vector_store %arg11[%swap3A_292, %swap3A_293], %add3A {strides = array<i32>} : memref<80x1xf32, #tpu.memory_space<vmem>>, vector<80x1xf32>,
    } else {
    }
    %get3A_168 = arith.constant 0 : index
    %get3A_169 = arith.constant 0 : index
    %get3A_170 = vector.load %arg11[%get3A_168, %get3A_169] : memref<80x1xf32, #tpu.memory_space<vmem>>, vector<80x1xf32>
    %ge3A_171 = arith.constant 3.200000e+01 : f32
    %ge3A_172 = vector.broadcast %ge3A_171 : f32 to vector<80x1xf32>
    %ge3A_173 = arith.cmpf oge, %get3A_170, %ge3A_172 : vector<80x1xf32>
    %reduce_and3A_174 = arith.constant 1.000000e+00 : f32
    %reduce_and3A_175 = arith.constant 0.000000e+00 : f32
    %reduce_and3A_176 = vector.broadcast %reduce_and3A_174 : f32 to vector<80x1xf32>
    %reduce_and3A_177 = vector.broadcast %reduce_and3A_175 : f32 to vector<80x1xf32>
    %reduce_and3A_178 = arith.select %ge3A_173, %reduce_and3A_176, %reduce_and3A_177 : vector<80x1xi1>, vector<80x1xf32>
    %reduce_and3A_179 = vector.shape_cast %reduce_and3A_178 : vector<80x1xf32> to vector<1x80x1xf32>
    %reduce_and3A_180 = arith.constant dense<0x7F800000> : vector<1xf32>
    %reduce_and3A_181 = vector.multi_reduction <minimumf>, %reduce_and3A_179, %reduce_and3A_180 [1, 2] : vector<1x80x1xf32> to vector<1xf32>
    %reduce_and3A_182 = vector.shape_cast %reduce_and3A_181 : vector<1xf32> to vector<1x1x1xf32>
    %reduce_and3A_183 = vector.extract %reduce_and3A_182[0, 0, 0] : f32 from vector<1x1x1xf32>
    %reduce_and3A_184 = arith.constant 0.000000e+00 : f32
    %reduce_and3A_185 = arith.cmpf ogt, %reduce_and3A_183, %reduce_and3A_184 : f32
    %not3A_186 = arith.constant true
    %not3A_187 = arith.xori %reduce_and3A_185, %not3A_186 : i1
    %convert_element_type3A_188 = arith.extui %not3A_187 : i1 to i32
    %cond3A_189 = arith.constant 0 : i32
    %cond3A_190 = arith.cmpi ne, %convert_element_type3A_188, %cond3A_189 : i32
    scf.if %cond3A_190 {
      %get3A_263 = arith.constant 0 : index
      %get3A_264 = arith.constant 0 : index
      %get3A_265 = vector.load %arg2[%get3A_263, %get3A_264] : memref<80x128xf32, #tpu.memory_space<vmem>>, vector<80x128xf32>
      %get3A_266 = arith.constant 7168 : index
      %get3A_267 = arith.constant 0 : index
      %get3A_268 = vector.load %arg5[%get3A_266, %get3A_267] : memref<10000x128xf32, #tpu.memory_space<vmem>>, vector<1024x128xf32>
      %dot_general3A_269 = arith.constant dense<0.000000e+00> : vector<80x1024xf32>
      %dot_general3A_270 = tpu.matmul %get3A_265, %get3A_268, %dot_general3A_269 {dimension_numbers = #tpu.dot_dimension_numbers<[1], [1], [0], [0], [0, 0, 1, 0], [], []>, transpose_lhs_hint = false} : vector<80x128xf32>, vector<1024x128xf32>, vector<80x1024xf32> -> vector<80x1024xf32>
      %get3A_271 = arith.constant 0 : index
      %get3A_272 = arith.constant 0 : index
      %get3A_273 = vector.load %arg3[%get3A_271, %get3A_272] : memref<80x128xf32, #tpu.memory_space<vmem>>, vector<80x128xf32>
      %get3A_274 = arith.constant 7168 : index
      %get3A_275 = arith.constant 0 : index
      %get3A_276 = vector.load %arg4[%get3A_274, %get3A_275] : memref<10000x128xf32, #tpu.memory_space<vmem>>, vector<1024x128xf32>
      %dot_general3A_277 = arith.constant dense<0.000000e+00> : vector<80x1024xf32>
      %dot_general3A_278 = tpu.matmul %get3A_273, %get3A_276, %dot_general3A_277 {dimension_numbers = #tpu.dot_dimension_numbers<[1], [1], [0], [0], [0, 0, 1, 0], [], []>, transpose_lhs_hint = false} : vector<80x128xf32>, vector<1024x128xf32>, vector<80x1024xf32> -> vector<80x1024xf32>
      %sub3A_279 = arith.subf %dot_general3A_270, %dot_general3A_278 : vector<80x1024xf32>
      %mul3A_280 = vector.broadcast %get3A_1 : f32 to vector<80x1024xf32>
      %mul3A_281 = arith.mulf %mul3A_280, %sub3A_279 : vector<80x1024xf32>
      %ge3A_282 = vector.broadcast %get3A_6 : f32 to vector<80x1024xf32>
      %ge3A_283 = arith.cmpf oge, %mul3A_281, %ge3A_282 : vector<80x1024xf32>
      %convert_element_type3A_284 = arith.extui %ge3A_283 : vector<80x1024xi1> to vector<80x1024xi32>
      %convert_element_type3A_285 = arith.sitofp %convert_element_type3A_284 : vector<80x1024xi32> to vector<80x1024xf32>
      %get3A_286 = arith.constant 0 : index
      %get3A_287 = arith.constant 0 : index
      %get3A_288 = vector.load %arg11[%get3A_286, %get3A_287] : memref<80x1xf32, #tpu.memory_space<vmem>>, vector<80x1xf32>
      %reduce_sum3A_289 = arith.constant dense<0.000000e+00> : vector<80xf32>
      %reduce_sum3A_290 = vector.multi_reduction <add>, %convert_element_type3A_285, %reduce_sum3A_289 [1] : vector<80x1024xf32> to vector<80xf32>
      %broadcast_in_dim3A_291 = vector.shape_cast %reduce_sum3A_290 : vector<80xf32> to vector<80x1xf32>
      %add3A = arith.addf %get3A_288, %broadcast_in_dim3A_291 : vector<80x1xf32>
      %swap3A_292 = arith.constant 0 : index
      %swap3A_293 = arith.constant 0 : index
      %swap3A_294 = vector.load %arg11[%swap3A_292, %swap3A_293] : memref<80x1xf32, #tpu.memory_space<vmem>>, vector<80x1xf32>
      tpu.vector_store %arg11[%swap3A_292, %swap3A_293], %add3A {strides = array<i32>} : memref<80x1xf32, #tpu.memory_space<vmem>>, vector<80x1xf32>,
    } else {
    }
    %get3A_191 = arith.constant 0 : index
    %get3A_192 = arith.constant 0 : index
    %get3A_193 = vector.load %arg11[%get3A_191, %get3A_192] : memref<80x1xf32, #tpu.memory_space<vmem>>, vector<80x1xf32>
    %ge3A_194 = arith.constant 3.200000e+01 : f32
    %ge3A_195 = vector.broadcast %ge3A_194 : f32 to vector<80x1xf32>
    %ge3A_196 = arith.cmpf oge, %get3A_193, %ge3A_195 : vector<80x1xf32>
    %reduce_and3A_197 = arith.constant 1.000000e+00 : f32
    %reduce_and3A_198 = arith.constant 0.000000e+00 : f32
    %reduce_and3A_199 = vector.broadcast %reduce_and3A_197 : f32 to vector<80x1xf32>
    %reduce_and3A_200 = vector.broadcast %reduce_and3A_198 : f32 to vector<80x1xf32>
    %reduce_and3A_201 = arith.select %ge3A_196, %reduce_and3A_199, %reduce_and3A_200 : vector<80x1xi1>, vector<80x1xf32>
    %reduce_and3A_202 = vector.shape_cast %reduce_and3A_201 : vector<80x1xf32> to vector<1x80x1xf32>
    %reduce_and3A_203 = arith.constant dense<0x7F800000> : vector<1xf32>
    %reduce_and3A_204 = vector.multi_reduction <minimumf>, %reduce_and3A_202, %reduce_and3A_203 [1, 2] : vector<1x80x1xf32> to vector<1xf32>
    %reduce_and3A_205 = vector.shape_cast %reduce_and3A_204 : vector<1xf32> to vector<1x1x1xf32>
    %reduce_and3A_206 = vector.extract %reduce_and3A_205[0, 0, 0] : f32 from vector<1x1x1xf32>
    %reduce_and3A_207 = arith.constant 0.000000e+00 : f32
    %reduce_and3A_208 = arith.cmpf ogt, %reduce_and3A_206, %reduce_and3A_207 : f32
    %not3A_209 = arith.constant true
    %not3A_210 = arith.xori %reduce_and3A_208, %not3A_209 : i1
    %convert_element_type3A_211 = arith.extui %not3A_210 : i1 to i32
    %cond3A_212 = arith.constant 0 : i32
    %cond3A_213 = arith.cmpi ne, %convert_element_type3A_211, %cond3A_212 : i32
    scf.if %cond3A_213 {
      %get3A_263 = arith.constant 0 : index
      %get3A_264 = arith.constant 0 : index
      %get3A_265 = vector.load %arg2[%get3A_263, %get3A_264] : memref<80x128xf32, #tpu.memory_space<vmem>>, vector<80x128xf32>
      %get3A_266 = arith.constant 8192 : index
      %get3A_267 = arith.constant 0 : index
      %get3A_268 = vector.load %arg5[%get3A_266, %get3A_267] : memref<10000x128xf32, #tpu.memory_space<vmem>>, vector<1024x128xf32>
      %dot_general3A_269 = arith.constant dense<0.000000e+00> : vector<80x1024xf32>
      %dot_general3A_270 = tpu.matmul %get3A_265, %get3A_268, %dot_general3A_269 {dimension_numbers = #tpu.dot_dimension_numbers<[1], [1], [0], [0], [0, 0, 1, 0], [], []>, transpose_lhs_hint = false} : vector<80x128xf32>, vector<1024x128xf32>, vector<80x1024xf32> -> vector<80x1024xf32>
      %get3A_271 = arith.constant 0 : index
      %get3A_272 = arith.constant 0 : index
      %get3A_273 = vector.load %arg3[%get3A_271, %get3A_272] : memref<80x128xf32, #tpu.memory_space<vmem>>, vector<80x128xf32>
      %get3A_274 = arith.constant 8192 : index
      %get3A_275 = arith.constant 0 : index
      %get3A_276 = vector.load %arg4[%get3A_274, %get3A_275] : memref<10000x128xf32, #tpu.memory_space<vmem>>, vector<1024x128xf32>
      %dot_general3A_277 = arith.constant dense<0.000000e+00> : vector<80x1024xf32>
      %dot_general3A_278 = tpu.matmul %get3A_273, %get3A_276, %dot_general3A_277 {dimension_numbers = #tpu.dot_dimension_numbers<[1], [1], [0], [0], [0, 0, 1, 0], [], []>, transpose_lhs_hint = false} : vector<80x128xf32>, vector<1024x128xf32>, vector<80x1024xf32> -> vector<80x1024xf32>
      %sub3A_279 = arith.subf %dot_general3A_270, %dot_general3A_278 : vector<80x1024xf32>
      %mul3A_280 = vector.broadcast %get3A_1 : f32 to vector<80x1024xf32>
      %mul3A_281 = arith.mulf %mul3A_280, %sub3A_279 : vector<80x1024xf32>
      %ge3A_282 = vector.broadcast %get3A_6 : f32 to vector<80x1024xf32>
      %ge3A_283 = arith.cmpf oge, %mul3A_281, %ge3A_282 : vector<80x1024xf32>
      %convert_element_type3A_284 = arith.extui %ge3A_283 : vector<80x1024xi1> to vector<80x1024xi32>
      %convert_element_type3A_285 = arith.sitofp %convert_element_type3A_284 : vector<80x1024xi32> to vector<80x1024xf32>
      %get3A_286 = arith.constant 0 : index
      %get3A_287 = arith.constant 0 : index
      %get3A_288 = vector.load %arg11[%get3A_286, %get3A_287] : memref<80x1xf32, #tpu.memory_space<vmem>>, vector<80x1xf32>
      %reduce_sum3A_289 = arith.constant dense<0.000000e+00> : vector<80xf32>
      %reduce_sum3A_290 = vector.multi_reduction <add>, %convert_element_type3A_285, %reduce_sum3A_289 [1] : vector<80x1024xf32> to vector<80xf32>
      %broadcast_in_dim3A_291 = vector.shape_cast %reduce_sum3A_290 : vector<80xf32> to vector<80x1xf32>
      %add3A = arith.addf %get3A_288, %broadcast_in_dim3A_291 : vector<80x1xf32>
      %swap3A_292 = arith.constant 0 : index
      %swap3A_293 = arith.constant 0 : index
      %swap3A_294 = vector.load %arg11[%swap3A_292, %swap3A_293] : memref<80x1xf32, #tpu.memory_space<vmem>>, vector<80x1xf32>
      tpu.vector_store %arg11[%swap3A_292, %swap3A_293], %add3A {strides = array<i32>} : memref<80x1xf32, #tpu.memory_space<vmem>>, vector<80x1xf32>,
    } else {
    }
    %get3A_214 = arith.constant 0 : index
    %get3A_215 = arith.constant 0 : index
    %get3A_216 = vector.load %arg11[%get3A_214, %get3A_215] : memref<80x1xf32, #tpu.memory_space<vmem>>, vector<80x1xf32>
    %ge3A_217 = arith.constant 3.200000e+01 : f32
    %ge3A_218 = vector.broadcast %ge3A_217 : f32 to vector<80x1xf32>
    %ge3A_219 = arith.cmpf oge, %get3A_216, %ge3A_218 : vector<80x1xf32>
    %reduce_and3A_220 = arith.constant 1.000000e+00 : f32
    %reduce_and3A_221 = arith.constant 0.000000e+00 : f32
    %reduce_and3A_222 = vector.broadcast %reduce_and3A_220 : f32 to vector<80x1xf32>
    %reduce_and3A_223 = vector.broadcast %reduce_and3A_221 : f32 to vector<80x1xf32>
    %reduce_and3A_224 = arith.select %ge3A_219, %reduce_and3A_222, %reduce_and3A_223 : vector<80x1xi1>, vector<80x1xf32>
    %reduce_and3A_225 = vector.shape_cast %reduce_and3A_224 : vector<80x1xf32> to vector<1x80x1xf32>
    %reduce_and3A_226 = arith.constant dense<0x7F800000> : vector<1xf32>
    %reduce_and3A_227 = vector.multi_reduction <minimumf>, %reduce_and3A_225, %reduce_and3A_226 [1, 2] : vector<1x80x1xf32> to vector<1xf32>
    %reduce_and3A_228 = vector.shape_cast %reduce_and3A_227 : vector<1xf32> to vector<1x1x1xf32>
    %reduce_and3A_229 = vector.extract %reduce_and3A_228[0, 0, 0] : f32 from vector<1x1x1xf32>
    %reduce_and3A_230 = arith.constant 0.000000e+00 : f32
    %reduce_and3A_231 = arith.cmpf ogt, %reduce_and3A_229, %reduce_and3A_230 : f32
    %not3A_232 = arith.constant true
    %not3A_233 = arith.xori %reduce_and3A_231, %not3A_232 : i1
    %convert_element_type3A_234 = arith.extui %not3A_233 : i1 to i32
    %cond3A_235 = arith.constant 0 : i32
    %cond3A_236 = arith.cmpi ne, %convert_element_type3A_234, %cond3A_235 : i32
    scf.if %cond3A_236 {
      %get3A_263 = arith.constant 0 : index
      %get3A_264 = arith.constant 0 : index
      %get3A_265 = vector.load %arg2[%get3A_263, %get3A_264] : memref<80x128xf32, #tpu.memory_space<vmem>>, vector<80x128xf32>
      %get3A_266 = arith.constant 9216 : index
      %get3A_267 = arith.constant 0 : index
      %get3A_268 = vector.load %arg5[%get3A_266, %get3A_267] : memref<10000x128xf32, #tpu.memory_space<vmem>>, vector<784x128xf32>
      %dot_general3A_269 = arith.constant dense<0.000000e+00> : vector<80x784xf32>
      %dot_general3A_270 = tpu.matmul %get3A_265, %get3A_268, %dot_general3A_269 {dimension_numbers = #tpu.dot_dimension_numbers<[1], [1], [0], [0], [0, 0, 1, 0], [], []>, transpose_lhs_hint = false} : vector<80x128xf32>, vector<784x128xf32>, vector<80x784xf32> -> vector<80x784xf32>
      %get3A_271 = arith.constant 0 : index
      %get3A_272 = arith.constant 0 : index
      %get3A_273 = vector.load %arg3[%get3A_271, %get3A_272] : memref<80x128xf32, #tpu.memory_space<vmem>>, vector<80x128xf32>
      %get3A_274 = arith.constant 9216 : index
      %get3A_275 = arith.constant 0 : index
      %get3A_276 = vector.load %arg4[%get3A_274, %get3A_275] : memref<10000x128xf32, #tpu.memory_space<vmem>>, vector<784x128xf32>
      %dot_general3A_277 = arith.constant dense<0.000000e+00> : vector<80x784xf32>
      %dot_general3A_278 = tpu.matmul %get3A_273, %get3A_276, %dot_general3A_277 {dimension_numbers = #tpu.dot_dimension_numbers<[1], [1], [0], [0], [0, 0, 1, 0], [], []>, transpose_lhs_hint = false} : vector<80x128xf32>, vector<784x128xf32>, vector<80x784xf32> -> vector<80x784xf32>
      %sub3A_279 = arith.subf %dot_general3A_270, %dot_general3A_278 : vector<80x784xf32>
      %mul3A_280 = vector.broadcast %get3A_1 : f32 to vector<80x784xf32>
      %mul3A_281 = arith.mulf %mul3A_280, %sub3A_279 : vector<80x784xf32>
      %ge3A_282 = vector.broadcast %get3A_6 : f32 to vector<80x784xf32>
      %ge3A_283 = arith.cmpf oge, %mul3A_281, %ge3A_282 : vector<80x784xf32>
      %convert_element_type3A_284 = arith.extui %ge3A_283 : vector<80x784xi1> to vector<80x784xi32>
      %convert_element_type3A_285 = arith.sitofp %convert_element_type3A_284 : vector<80x784xi32> to vector<80x784xf32>
      %get3A_286 = arith.constant 0 : index
      %get3A_287 = arith.constant 0 : index
      %get3A_288 = vector.load %arg11[%get3A_286, %get3A_287] : memref<80x1xf32, #tpu.memory_space<vmem>>, vector<80x1xf32>
      %reduce_sum3A_289 = arith.constant dense<0.000000e+00> : vector<80xf32>
      %reduce_sum3A_290 = vector.multi_reduction <add>, %convert_element_type3A_285, %reduce_sum3A_289 [1] : vector<80x784xf32> to vector<80xf32>
      %broadcast_in_dim3A_291 = vector.shape_cast %reduce_sum3A_290 : vector<80xf32> to vector<80x1xf32>
      %add3A = arith.addf %get3A_288, %broadcast_in_dim3A_291 : vector<80x1xf32>
      %swap3A_292 = arith.constant 0 : index
      %swap3A_293 = arith.constant 0 : index
      %swap3A_294 = vector.load %arg11[%swap3A_292, %swap3A_293] : memref<80x1xf32, #tpu.memory_space<vmem>>, vector<80x1xf32>
      tpu.vector_store %arg11[%swap3A_292, %swap3A_293], %add3A {strides = array<i32>} : memref<80x1xf32, #tpu.memory_space<vmem>>, vector<80x1xf32>,
    } else {
    }
    %get3A_237 = arith.constant 0 : index
    %get3A_238 = arith.constant 0 : index
    %get3A_239 = vector.load %arg11[%get3A_237, %get3A_238] : memref<80x1xf32, #tpu.memory_space<vmem>>, vector<80x1xf32>
    %ge3A_240 = arith.constant 3.200000e+01 : f32
    %ge3A_241 = vector.broadcast %ge3A_240 : f32 to vector<80x1xf32>
    %ge3A_242 = arith.cmpf oge, %get3A_239, %ge3A_241 : vector<80x1xf32>
    %reduce_and3A_243 = arith.constant 1.000000e+00 : f32
    %reduce_and3A_244 = arith.constant 0.000000e+00 : f32
    %reduce_and3A_245 = vector.broadcast %reduce_and3A_243 : f32 to vector<80x1xf32>
    %reduce_and3A_246 = vector.broadcast %reduce_and3A_244 : f32 to vector<80x1xf32>
    %reduce_and3A_247 = arith.select %ge3A_242, %reduce_and3A_245, %reduce_and3A_246 : vector<80x1xi1>, vector<80x1xf32>
    %reduce_and3A_248 = vector.shape_cast %reduce_and3A_247 : vector<80x1xf32> to vector<1x80x1xf32>
    %reduce_and3A_249 = arith.constant dense<0x7F800000> : vector<1xf32>
    %reduce_and3A_250 = vector.multi_reduction <minimumf>, %reduce_and3A_248, %reduce_and3A_249 [1, 2] : vector<1x80x1xf32> to vector<1xf32>
    %reduce_and3A_251 = vector.shape_cast %reduce_and3A_250 : vector<1xf32> to vector<1x1x1xf32>
    %reduce_and3A_252 = vector.extract %reduce_and3A_251[0, 0, 0] : f32 from vector<1x1x1xf32>
    %reduce_and3A_253 = arith.constant 0.000000e+00 : f32
    %reduce_and3A_254 = arith.cmpf ogt, %reduce_and3A_252, %reduce_and3A_253 : f32
    %convert_element_type3A_255 = arith.extui %reduce_and3A_254 : i1 to i32
    %cond3A_256 = arith.constant 0 : i32
    %cond3A_257 = arith.cmpi ne, %convert_element_type3A_255, %cond3A_256 : i32
    scf.if %cond3A_257 {
      %broadcast_in_dim3A_263 = arith.constant 0.000000e+00 : f32
      %broadcast_in_dim3A_264 = vector.broadcast %broadcast_in_dim3A_263 : f32 to vector<80x1xf32>
      %swap3A_265 = arith.constant 0 : index
      %swap3A_266 = arith.constant 0 : index
      %swap3A_267 = vector.load %arg10[%swap3A_265, %swap3A_266] : memref<80x1xf32, #tpu.memory_space<vmem>>, vector<80x1xf32>
      tpu.vector_store %arg10[%swap3A_265, %swap3A_266], %broadcast_in_dim3A_264 {strides = array<i32>} : memref<80x1xf32, #tpu.memory_space<vmem>>, vector<80x1xf32>,
      %get3A_268 = arith.constant 0 : index
      %get3A_269 = arith.constant 0 : index
      %get3A_270 = vector.load %arg10[%get3A_268, %get3A_269] : memref<80x1xf32, #tpu.memory_space<vmem>>, vector<80x1xf32>
      %ge3A_271 = arith.constant 3.200000e+01 : f32
      %ge3A_272 = vector.broadcast %ge3A_271 : f32 to vector<80x1xf32>
      %ge3A_273 = arith.cmpf oge, %get3A_270, %ge3A_272 : vector<80x1xf32>
      %reduce_and3A_274 = arith.constant 1.000000e+00 : f32
      %reduce_and3A_275 = arith.constant 0.000000e+00 : f32
      %reduce_and3A_276 = vector.broadcast %reduce_and3A_274 : f32 to vector<80x1xf32>
      %reduce_and3A_277 = vector.broadcast %reduce_and3A_275 : f32 to vector<80x1xf32>
      %reduce_and3A_278 = arith.select %ge3A_273, %reduce_and3A_276, %reduce_and3A_277 : vector<80x1xi1>, vector<80x1xf32>
      %reduce_and3A_279 = vector.shape_cast %reduce_and3A_278 : vector<80x1xf32> to vector<1x80x1xf32>
      %reduce_and3A_280 = arith.constant dense<0x7F800000> : vector<1xf32>
      %reduce_and3A_281 = vector.multi_reduction <minimumf>, %reduce_and3A_279, %reduce_and3A_280 [1, 2] : vector<1x80x1xf32> to vector<1xf32>
      %reduce_and3A_282 = vector.shape_cast %reduce_and3A_281 : vector<1xf32> to vector<1x1x1xf32>
      %reduce_and3A_283 = vector.extract %reduce_and3A_282[0, 0, 0] : f32 from vector<1x1x1xf32>
      %reduce_and3A_284 = arith.constant 0.000000e+00 : f32
      %reduce_and3A_285 = arith.cmpf ogt, %reduce_and3A_283, %reduce_and3A_284 : f32
      %convert_element_type3A_286 = arith.extui %reduce_and3A_285 : i1 to i32
      %cond3A_287 = arith.constant 0 : i32
      %cond3A_288 = arith.cmpi ne, %convert_element_type3A_286, %cond3A_287 : i32
      scf.if %cond3A_288 {
        %broadcast_in_dim3A_528 = arith.constant 0.000000e+00 : f32
        %broadcast_in_dim3A_529 = vector.broadcast %broadcast_in_dim3A_528 : f32 to vector<80x1024xf32>
        %swap3A_530 = arith.constant 0 : index
        %swap3A_531 = arith.constant 0 : index
        %swap3A_532 = vector.load %arg6[%swap3A_530, %swap3A_531] : memref<80x10000xf32, #tpu.memory_space<vmem>>, vector<80x1024xf32>
        tpu.vector_store %arg6[%swap3A_530, %swap3A_531], %broadcast_in_dim3A_529 {strides = array<i32>} : memref<80x10000xf32, #tpu.memory_space<vmem>>, vector<80x1024xf32>,
      } else {
      }
      %not3A_289 = arith.constant true
      %not3A_290 = arith.xori %reduce_and3A_285, %not3A_289 : i1
      %convert_element_type3A_291 = arith.extui %not3A_290 : i1 to i32
      %cond3A_292 = arith.constant 0 : i32
      %cond3A_293 = arith.cmpi ne, %convert_element_type3A_291, %cond3A_292 : i32
      scf.if %cond3A_293 {
        %get3A_528 = arith.constant 0 : index
        %get3A_529 = arith.constant 0 : index
        %get3A_530 = vector.load %arg12[%get3A_528, %get3A_529] : memref<80x1024xf32, #tpu.memory_space<vmem>>, vector<80x1024xf32>
        %broadcast_in_dim3A_531 = arith.constant 0.000000e+00 : f32
        %broadcast_in_dim3A_532 = vector.broadcast %broadcast_in_dim3A_531 : f32 to vector<80x1xf32>
        %slice3A = vector.extract_strided_slice %get3A_530 {offsets = [0, 0], sizes = [80, 1023], strides = [1, 1]} : vector<80x1024xf32> to vector<80x1023xf32>
        %concatenate3A = tpu.concatenate %broadcast_in_dim3A_532, %slice3A in 1 : vector<80x1xf32>, vector<80x1023xf32> -> vector<80x1024xf32>
        %add3A = arith.addf %get3A_530, %concatenate3A : vector<80x1024xf32>
        %broadcast_in_dim3A_533 = arith.constant 0.000000e+00 : f32
        %broadcast_in_dim3A_534 = vector.broadcast %broadcast_in_dim3A_533 : f32 to vector<80x2xf32>
        %slice3A_535 = vector.extract_strided_slice %add3A {offsets = [0, 0], sizes = [80, 1022], strides = [1, 1]} : vector<80x1024xf32> to vector<80x1022xf32>
        %concatenate3A_536 = tpu.concatenate %broadcast_in_dim3A_534, %slice3A_535 in 1 : vector<80x2xf32>, vector<80x1022xf32> -> vector<80x1024xf32>
        %add3A_537 = arith.addf %add3A, %concatenate3A_536 : vector<80x1024xf32>
        %broadcast_in_dim3A_538 = arith.constant 0.000000e+00 : f32
        %broadcast_in_dim3A_539 = vector.broadcast %broadcast_in_dim3A_538 : f32 to vector<80x4xf32>
        %slice3A_540 = vector.extract_strided_slice %add3A_537 {offsets = [0, 0], sizes = [80, 1020], strides = [1, 1]} : vector<80x1024xf32> to vector<80x1020xf32>
        %concatenate3A_541 = tpu.concatenate %broadcast_in_dim3A_539, %slice3A_540 in 1 : vector<80x4xf32>, vector<80x1020xf32> -> vector<80x1024xf32>
        %add3A_542 = arith.addf %add3A_537, %concatenate3A_541 : vector<80x1024xf32>
        %broadcast_in_dim3A_543 = arith.constant 0.000000e+00 : f32
        %broadcast_in_dim3A_544 = vector.broadcast %broadcast_in_dim3A_543 : f32 to vector<80x8xf32>
        %slice3A_545 = vector.extract_strided_slice %add3A_542 {offsets = [0, 0], sizes = [80, 1016], strides = [1, 1]} : vector<80x1024xf32> to vector<80x1016xf32>
        %concatenate3A_546 = tpu.concatenate %broadcast_in_dim3A_544, %slice3A_545 in 1 : vector<80x8xf32>, vector<80x1016xf32> -> vector<80x1024xf32>
        %add3A_547 = arith.addf %add3A_542, %concatenate3A_546 : vector<80x1024xf32>
        %broadcast_in_dim3A_548 = arith.constant 0.000000e+00 : f32
        %broadcast_in_dim3A_549 = vector.broadcast %broadcast_in_dim3A_548 : f32 to vector<80x16xf32>
        %slice3A_550 = vector.extract_strided_slice %add3A_547 {offsets = [0, 0], sizes = [80, 1008], strides = [1, 1]} : vector<80x1024xf32> to vector<80x1008xf32>
        %concatenate3A_551 = tpu.concatenate %broadcast_in_dim3A_549, %slice3A_550 in 1 : vector<80x16xf32>, vector<80x1008xf32> -> vector<80x1024xf32>
        %add3A_552 = arith.addf %add3A_547, %concatenate3A_551 : vector<80x1024xf32>
        %broadcast_in_dim3A_553 = arith.constant 0.000000e+00 : f32
        %broadcast_in_dim3A_554 = vector.broadcast %broadcast_in_dim3A_553 : f32 to vector<80x32xf32>
        %slice3A_555 = vector.extract_strided_slice %add3A_552 {offsets = [0, 0], sizes = [80, 992], strides = [1, 1]} : vector<80x1024xf32> to vector<80x992xf32>
        %concatenate3A_556 = tpu.concatenate %broadcast_in_dim3A_554, %slice3A_555 in 1 : vector<80x32xf32>, vector<80x992xf32> -> vector<80x1024xf32>
        %add3A_557 = arith.addf %add3A_552, %concatenate3A_556 : vector<80x1024xf32>
        %broadcast_in_dim3A_558 = arith.constant 0.000000e+00 : f32
        %broadcast_in_dim3A_559 = vector.broadcast %broadcast_in_dim3A_558 : f32 to vector<80x64xf32>
        %slice3A_560 = vector.extract_strided_slice %add3A_557 {offsets = [0, 0], sizes = [80, 960], strides = [1, 1]} : vector<80x1024xf32> to vector<80x960xf32>
        %concatenate3A_561 = tpu.concatenate %broadcast_in_dim3A_559, %slice3A_560 in 1 : vector<80x64xf32>, vector<80x960xf32> -> vector<80x1024xf32>
        %add3A_562 = arith.addf %add3A_557, %concatenate3A_561 : vector<80x1024xf32>
        %broadcast_in_dim3A_563 = arith.constant 0.000000e+00 : f32
        %broadcast_in_dim3A_564 = vector.broadcast %broadcast_in_dim3A_563 : f32 to vector<80x128xf32>
        %slice3A_565 = vector.extract_strided_slice %add3A_562 {offsets = [0, 0], sizes = [80, 896], strides = [1, 1]} : vector<80x1024xf32> to vector<80x896xf32>
        %concatenate3A_566 = tpu.concatenate %broadcast_in_dim3A_564, %slice3A_565 in 1 : vector<80x128xf32>, vector<80x896xf32> -> vector<80x1024xf32>
        %add3A_567 = arith.addf %add3A_562, %concatenate3A_566 : vector<80x1024xf32>
        %broadcast_in_dim3A_568 = arith.constant 0.000000e+00 : f32
        %broadcast_in_dim3A_569 = vector.broadcast %broadcast_in_dim3A_568 : f32 to vector<80x256xf32>
        %slice3A_570 = vector.extract_strided_slice %add3A_567 {offsets = [0, 0], sizes = [80, 768], strides = [1, 1]} : vector<80x1024xf32> to vector<80x768xf32>
        %concatenate3A_571 = tpu.concatenate %broadcast_in_dim3A_569, %slice3A_570 in 1 : vector<80x256xf32>, vector<80x768xf32> -> vector<80x1024xf32>
        %add3A_572 = arith.addf %add3A_567, %concatenate3A_571 : vector<80x1024xf32>
        %broadcast_in_dim3A_573 = arith.constant 0.000000e+00 : f32
        %broadcast_in_dim3A_574 = vector.broadcast %broadcast_in_dim3A_573 : f32 to vector<80x512xf32>
        %slice3A_575 = vector.extract_strided_slice %add3A_572 {offsets = [0, 0], sizes = [80, 512], strides = [1, 1]} : vector<80x1024xf32> to vector<80x512xf32>
        %concatenate3A_576 = tpu.concatenate %broadcast_in_dim3A_574, %slice3A_575 in 1 : vector<80x512xf32>, vector<80x512xf32> -> vector<80x1024xf32>
        %add3A_577 = arith.addf %add3A_572, %concatenate3A_576 : vector<80x1024xf32>
        %sub3A_578 = arith.subf %add3A_577, %get3A_530 : vector<80x1024xf32>
        %get3A_579 = arith.constant 0 : index
        %get3A_580 = arith.constant 0 : index
        %get3A_581 = vector.load %arg10[%get3A_579, %get3A_580] : memref<80x1xf32, #tpu.memory_space<vmem>>, vector<80x1xf32>
        %gt3A = arith.constant 0.000000e+00 : f32
        %gt3A_582 = vector.broadcast %gt3A : f32 to vector<80x1024xf32>
        %gt3A_583 = arith.cmpf ogt, %get3A_530, %gt3A_582 : vector<80x1024xf32>
        %add3A_584 = vector.broadcast %get3A_581 : vector<80x1xf32> to vector<80x1024xf32>
        %add3A_585 = arith.addf %add3A_584, %sub3A_578 : vector<80x1024xf32>
        %lt3A = arith.constant 3.200000e+01 : f32
        %lt3A_586 = vector.broadcast %lt3A : f32 to vector<80x1024xf32>
        %lt3A_587 = arith.cmpf olt, %add3A_585, %lt3A_586 : vector<80x1024xf32>
        %and3A = arith.andi %gt3A_583, %lt3A_587 : vector<80x1024xi1>
        %jit3A = arith.constant 1.000000e+00 : f32
        %jit3A_588 = arith.constant 0.000000e+00 : f32
        %broadcast_in_dim3A_589 = vector.broadcast %jit3A : f32 to vector<80x1024xf32>
        %broadcast_in_dim3A_590 = vector.broadcast %jit3A_588 : f32 to vector<80x1024xf32>
        %select_n3A = arith.select %and3A, %broadcast_in_dim3A_589, %broadcast_in_dim3A_590 : vector<80x1024xi1>, vector<80x1024xf32>
        %swap3A_591 = arith.constant 0 : index
        %swap3A_592 = arith.constant 0 : index
        %swap3A_593 = vector.load %arg6[%swap3A_591, %swap3A_592] : memref<80x10000xf32, #tpu.memory_space<vmem>>, vector<80x1024xf32>
        tpu.vector_store %arg6[%swap3A_591, %swap3A_592], %select_n3A {strides = array<i32>} : memref<80x10000xf32, #tpu.memory_space<vmem>>, vector<80x1024xf32>,
        %reduce_sum3A_594 = arith.constant dense<0.000000e+00> : vector<80xf32>
        %reduce_sum3A_595 = vector.multi_reduction <add>, %get3A_530, %reduce_sum3A_594 [1] : vector<80x1024xf32> to vector<80xf32>
        %broadcast_in_dim3A_596 = vector.shape_cast %reduce_sum3A_595 : vector<80xf32> to vector<80x1xf32>
        %add3A_597 = arith.addf %get3A_581, %broadcast_in_dim3A_596 : vector<80x1xf32>
        %swap3A_598 = arith.constant 0 : index
        %swap3A_599 = arith.constant 0 : index
        %swap3A_600 = vector.load %arg10[%swap3A_598, %swap3A_599] : memref<80x1xf32, #tpu.memory_space<vmem>>, vector<80x1xf32>
        tpu.vector_store %arg10[%swap3A_598, %swap3A_599], %add3A_597 {strides = array<i32>} : memref<80x1xf32, #tpu.memory_space<vmem>>, vector<80x1xf32>,
      } else {
      }
      %get3A_294 = arith.constant 0 : index
      %get3A_295 = arith.constant 0 : index
      %get3A_296 = vector.load %arg10[%get3A_294, %get3A_295] : memref<80x1xf32, #tpu.memory_space<vmem>>, vector<80x1xf32>
      %ge3A_297 = arith.constant 3.200000e+01 : f32
      %ge3A_298 = vector.broadcast %ge3A_297 : f32 to vector<80x1xf32>
      %ge3A_299 = arith.cmpf oge, %get3A_296, %ge3A_298 : vector<80x1xf32>
      %reduce_and3A_300 = arith.constant 1.000000e+00 : f32
      %reduce_and3A_301 = arith.constant 0.000000e+00 : f32
      %reduce_and3A_302 = vector.broadcast %reduce_and3A_300 : f32 to vector<80x1xf32>
      %reduce_and3A_303 = vector.broadcast %reduce_and3A_301 : f32 to vector<80x1xf32>
      %reduce_and3A_304 = arith.select %ge3A_299, %reduce_and3A_302, %reduce_and3A_303 : vector<80x1xi1>, vector<80x1xf32>
      %reduce_and3A_305 = vector.shape_cast %reduce_and3A_304 : vector<80x1xf32> to vector<1x80x1xf32>
      %reduce_and3A_306 = arith.constant dense<0x7F800000> : vector<1xf32>
      %reduce_and3A_307 = vector.multi_reduction <minimumf>, %reduce_and3A_305, %reduce_and3A_306 [1, 2] : vector<1x80x1xf32> to vector<1xf32>
      %reduce_and3A_308 = vector.shape_cast %reduce_and3A_307 : vector<1xf32> to vector<1x1x1xf32>
      %reduce_and3A_309 = vector.extract %reduce_and3A_308[0, 0, 0] : f32 from vector<1x1x1xf32>
      %reduce_and3A_310 = arith.constant 0.000000e+00 : f32
      %reduce_and3A_311 = arith.cmpf ogt, %reduce_and3A_309, %reduce_and3A_310 : f32
      %convert_element_type3A_312 = arith.extui %reduce_and3A_311 : i1 to i32
      %cond3A_313 = arith.constant 0 : i32
      %cond3A_314 = arith.cmpi ne, %convert_element_type3A_312, %cond3A_313 : i32
      scf.if %cond3A_314 {
        %broadcast_in_dim3A_528 = arith.constant 0.000000e+00 : f32
        %broadcast_in_dim3A_529 = vector.broadcast %broadcast_in_dim3A_528 : f32 to vector<80x1024xf32>
        %swap3A_530 = arith.constant 0 : index
        %swap3A_531 = arith.constant 1024 : index
        %swap3A_532 = vector.load %arg6[%swap3A_530, %swap3A_531] : memref<80x10000xf32, #tpu.memory_space<vmem>>, vector<80x1024xf32>
        tpu.vector_store %arg6[%swap3A_530, %swap3A_531], %broadcast_in_dim3A_529 {strides = array<i32>} : memref<80x10000xf32, #tpu.memory_space<vmem>>, vector<80x1024xf32>,
      } else {
      }
      %not3A_315 = arith.constant true
      %not3A_316 = arith.xori %reduce_and3A_311, %not3A_315 : i1
      %convert_element_type3A_317 = arith.extui %not3A_316 : i1 to i32
      %cond3A_318 = arith.constant 0 : i32
      %cond3A_319 = arith.cmpi ne, %convert_element_type3A_317, %cond3A_318 : i32
      scf.if %cond3A_319 {
        %get3A_528 = arith.constant 0 : index
        %get3A_529 = arith.constant 0 : index
        %get3A_530 = vector.load %arg2[%get3A_528, %get3A_529] : memref<80x128xf32, #tpu.memory_space<vmem>>, vector<80x128xf32>
        %get3A_531 = arith.constant 1024 : index
        %get3A_532 = arith.constant 0 : index
        %get3A_533 = vector.load %arg5[%get3A_531, %get3A_532] : memref<10000x128xf32, #tpu.memory_space<vmem>>, vector<1024x128xf32>
        %dot_general3A_534 = arith.constant dense<0.000000e+00> : vector<80x1024xf32>
        %dot_general3A_535 = tpu.matmul %get3A_530, %get3A_533, %dot_general3A_534 {dimension_numbers = #tpu.dot_dimension_numbers<[1], [1], [0], [0], [0, 0, 1, 0], [], []>, transpose_lhs_hint = false} : vector<80x128xf32>, vector<1024x128xf32>, vector<80x1024xf32> -> vector<80x1024xf32>
        %get3A_536 = arith.constant 0 : index
        %get3A_537 = arith.constant 0 : index
        %get3A_538 = vector.load %arg3[%get3A_536, %get3A_537] : memref<80x128xf32, #tpu.memory_space<vmem>>, vector<80x128xf32>
        %get3A_539 = arith.constant 1024 : index
        %get3A_540 = arith.constant 0 : index
        %get3A_541 = vector.load %arg4[%get3A_539, %get3A_540] : memref<10000x128xf32, #tpu.memory_space<vmem>>, vector<1024x128xf32>
        %dot_general3A_542 = arith.constant dense<0.000000e+00> : vector<80x1024xf32>
        %dot_general3A_543 = tpu.matmul %get3A_538, %get3A_541, %dot_general3A_542 {dimension_numbers = #tpu.dot_dimension_numbers<[1], [1], [0], [0], [0, 0, 1, 0], [], []>, transpose_lhs_hint = false} : vector<80x128xf32>, vector<1024x128xf32>, vector<80x1024xf32> -> vector<80x1024xf32>
        %sub3A_544 = arith.subf %dot_general3A_535, %dot_general3A_543 : vector<80x1024xf32>
        %mul3A_545 = vector.broadcast %get3A_1 : f32 to vector<80x1024xf32>
        %mul3A_546 = arith.mulf %mul3A_545, %sub3A_544 : vector<80x1024xf32>
        %ge3A_547 = vector.broadcast %get3A_6 : f32 to vector<80x1024xf32>
        %ge3A_548 = arith.cmpf oge, %mul3A_546, %ge3A_547 : vector<80x1024xf32>
        %convert_element_type3A_549 = arith.extui %ge3A_548 : vector<80x1024xi1> to vector<80x1024xi32>
        %convert_element_type3A_550 = arith.sitofp %convert_element_type3A_549 : vector<80x1024xi32> to vector<80x1024xf32>
        %broadcast_in_dim3A_551 = arith.constant 0.000000e+00 : f32
        %broadcast_in_dim3A_552 = vector.broadcast %broadcast_in_dim3A_551 : f32 to vector<80x1xf32>
        %slice3A = vector.extract_strided_slice %convert_element_type3A_550 {offsets = [0, 0], sizes = [80, 1023], strides = [1, 1]} : vector<80x1024xf32> to vector<80x1023xf32>
        %concatenate3A = tpu.concatenate %broadcast_in_dim3A_552, %slice3A in 1 : vector<80x1xf32>, vector<80x1023xf32> -> vector<80x1024xf32>
        %add3A = arith.addf %convert_element_type3A_550, %concatenate3A : vector<80x1024xf32>
        %broadcast_in_dim3A_553 = arith.constant 0.000000e+00 : f32
        %broadcast_in_dim3A_554 = vector.broadcast %broadcast_in_dim3A_553 : f32 to vector<80x2xf32>
        %slice3A_555 = vector.extract_strided_slice %add3A {offsets = [0, 0], sizes = [80, 1022], strides = [1, 1]} : vector<80x1024xf32> to vector<80x1022xf32>
        %concatenate3A_556 = tpu.concatenate %broadcast_in_dim3A_554, %slice3A_555 in 1 : vector<80x2xf32>, vector<80x1022xf32> -> vector<80x1024xf32>
        %add3A_557 = arith.addf %add3A, %concatenate3A_556 : vector<80x1024xf32>
        %broadcast_in_dim3A_558 = arith.constant 0.000000e+00 : f32
        %broadcast_in_dim3A_559 = vector.broadcast %broadcast_in_dim3A_558 : f32 to vector<80x4xf32>
        %slice3A_560 = vector.extract_strided_slice %add3A_557 {offsets = [0, 0], sizes = [80, 1020], strides = [1, 1]} : vector<80x1024xf32> to vector<80x1020xf32>
        %concatenate3A_561 = tpu.concatenate %broadcast_in_dim3A_559, %slice3A_560 in 1 : vector<80x4xf32>, vector<80x1020xf32> -> vector<80x1024xf32>
        %add3A_562 = arith.addf %add3A_557, %concatenate3A_561 : vector<80x1024xf32>
        %broadcast_in_dim3A_563 = arith.constant 0.000000e+00 : f32
        %broadcast_in_dim3A_564 = vector.broadcast %broadcast_in_dim3A_563 : f32 to vector<80x8xf32>
        %slice3A_565 = vector.extract_strided_slice %add3A_562 {offsets = [0, 0], sizes = [80, 1016], strides = [1, 1]} : vector<80x1024xf32> to vector<80x1016xf32>
        %concatenate3A_566 = tpu.concatenate %broadcast_in_dim3A_564, %slice3A_565 in 1 : vector<80x8xf32>, vector<80x1016xf32> -> vector<80x1024xf32>
        %add3A_567 = arith.addf %add3A_562, %concatenate3A_566 : vector<80x1024xf32>
        %broadcast_in_dim3A_568 = arith.constant 0.000000e+00 : f32
        %broadcast_in_dim3A_569 = vector.broadcast %broadcast_in_dim3A_568 : f32 to vector<80x16xf32>
        %slice3A_570 = vector.extract_strided_slice %add3A_567 {offsets = [0, 0], sizes = [80, 1008], strides = [1, 1]} : vector<80x1024xf32> to vector<80x1008xf32>
        %concatenate3A_571 = tpu.concatenate %broadcast_in_dim3A_569, %slice3A_570 in 1 : vector<80x16xf32>, vector<80x1008xf32> -> vector<80x1024xf32>
        %add3A_572 = arith.addf %add3A_567, %concatenate3A_571 : vector<80x1024xf32>
        %broadcast_in_dim3A_573 = arith.constant 0.000000e+00 : f32
        %broadcast_in_dim3A_574 = vector.broadcast %broadcast_in_dim3A_573 : f32 to vector<80x32xf32>
        %slice3A_575 = vector.extract_strided_slice %add3A_572 {offsets = [0, 0], sizes = [80, 992], strides = [1, 1]} : vector<80x1024xf32> to vector<80x992xf32>
        %concatenate3A_576 = tpu.concatenate %broadcast_in_dim3A_574, %slice3A_575 in 1 : vector<80x32xf32>, vector<80x992xf32> -> vector<80x1024xf32>
        %add3A_577 = arith.addf %add3A_572, %concatenate3A_576 : vector<80x1024xf32>
        %broadcast_in_dim3A_578 = arith.constant 0.000000e+00 : f32
        %broadcast_in_dim3A_579 = vector.broadcast %broadcast_in_dim3A_578 : f32 to vector<80x64xf32>
        %slice3A_580 = vector.extract_strided_slice %add3A_577 {offsets = [0, 0], sizes = [80, 960], strides = [1, 1]} : vector<80x1024xf32> to vector<80x960xf32>
        %concatenate3A_581 = tpu.concatenate %broadcast_in_dim3A_579, %slice3A_580 in 1 : vector<80x64xf32>, vector<80x960xf32> -> vector<80x1024xf32>
        %add3A_582 = arith.addf %add3A_577, %concatenate3A_581 : vector<80x1024xf32>
        %broadcast_in_dim3A_583 = arith.constant 0.000000e+00 : f32
        %broadcast_in_dim3A_584 = vector.broadcast %broadcast_in_dim3A_583 : f32 to vector<80x128xf32>
        %slice3A_585 = vector.extract_strided_slice %add3A_582 {offsets = [0, 0], sizes = [80, 896], strides = [1, 1]} : vector<80x1024xf32> to vector<80x896xf32>
        %concatenate3A_586 = tpu.concatenate %broadcast_in_dim3A_584, %slice3A_585 in 1 : vector<80x128xf32>, vector<80x896xf32> -> vector<80x1024xf32>
        %add3A_587 = arith.addf %add3A_582, %concatenate3A_586 : vector<80x1024xf32>
        %broadcast_in_dim3A_588 = arith.constant 0.000000e+00 : f32
        %broadcast_in_dim3A_589 = vector.broadcast %broadcast_in_dim3A_588 : f32 to vector<80x256xf32>
        %slice3A_590 = vector.extract_strided_slice %add3A_587 {offsets = [0, 0], sizes = [80, 768], strides = [1, 1]} : vector<80x1024xf32> to vector<80x768xf32>
        %concatenate3A_591 = tpu.concatenate %broadcast_in_dim3A_589, %slice3A_590 in 1 : vector<80x256xf32>, vector<80x768xf32> -> vector<80x1024xf32>
        %add3A_592 = arith.addf %add3A_587, %concatenate3A_591 : vector<80x1024xf32>
        %broadcast_in_dim3A_593 = arith.constant 0.000000e+00 : f32
        %broadcast_in_dim3A_594 = vector.broadcast %broadcast_in_dim3A_593 : f32 to vector<80x512xf32>
        %slice3A_595 = vector.extract_strided_slice %add3A_592 {offsets = [0, 0], sizes = [80, 512], strides = [1, 1]} : vector<80x1024xf32> to vector<80x512xf32>
        %concatenate3A_596 = tpu.concatenate %broadcast_in_dim3A_594, %slice3A_595 in 1 : vector<80x512xf32>, vector<80x512xf32> -> vector<80x1024xf32>
        %add3A_597 = arith.addf %add3A_592, %concatenate3A_596 : vector<80x1024xf32>
        %sub3A_598 = arith.subf %add3A_597, %convert_element_type3A_550 : vector<80x1024xf32>
        %get3A_599 = arith.constant 0 : index
        %get3A_600 = arith.constant 0 : index
        %get3A_601 = vector.load %arg10[%get3A_599, %get3A_600] : memref<80x1xf32, #tpu.memory_space<vmem>>, vector<80x1xf32>
        %gt3A = arith.constant 0.000000e+00 : f32
        %gt3A_602 = vector.broadcast %gt3A : f32 to vector<80x1024xf32>
        %gt3A_603 = arith.cmpf ogt, %convert_element_type3A_550, %gt3A_602 : vector<80x1024xf32>
        %add3A_604 = vector.broadcast %get3A_601 : vector<80x1xf32> to vector<80x1024xf32>
        %add3A_605 = arith.addf %add3A_604, %sub3A_598 : vector<80x1024xf32>
        %lt3A = arith.constant 3.200000e+01 : f32
        %lt3A_606 = vector.broadcast %lt3A : f32 to vector<80x1024xf32>
        %lt3A_607 = arith.cmpf olt, %add3A_605, %lt3A_606 : vector<80x1024xf32>
        %and3A = arith.andi %gt3A_603, %lt3A_607 : vector<80x1024xi1>
        %jit3A = arith.constant 1.000000e+00 : f32
        %jit3A_608 = arith.constant 0.000000e+00 : f32
        %broadcast_in_dim3A_609 = vector.broadcast %jit3A : f32 to vector<80x1024xf32>
        %broadcast_in_dim3A_610 = vector.broadcast %jit3A_608 : f32 to vector<80x1024xf32>
        %select_n3A = arith.select %and3A, %broadcast_in_dim3A_609, %broadcast_in_dim3A_610 : vector<80x1024xi1>, vector<80x1024xf32>
        %swap3A_611 = arith.constant 0 : index
        %swap3A_612 = arith.constant 1024 : index
        %swap3A_613 = vector.load %arg6[%swap3A_611, %swap3A_612] : memref<80x10000xf32, #tpu.memory_space<vmem>>, vector<80x1024xf32>
        tpu.vector_store %arg6[%swap3A_611, %swap3A_612], %select_n3A {strides = array<i32>} : memref<80x10000xf32, #tpu.memory_space<vmem>>, vector<80x1024xf32>,
        %reduce_sum3A_614 = arith.constant dense<0.000000e+00> : vector<80xf32>
        %reduce_sum3A_615 = vector.multi_reduction <add>, %convert_element_type3A_550, %reduce_sum3A_614 [1] : vector<80x1024xf32> to vector<80xf32>
        %broadcast_in_dim3A_616 = vector.shape_cast %reduce_sum3A_615 : vector<80xf32> to vector<80x1xf32>
        %add3A_617 = arith.addf %get3A_601, %broadcast_in_dim3A_616 : vector<80x1xf32>
        %swap3A_618 = arith.constant 0 : index
        %swap3A_619 = arith.constant 0 : index
        %swap3A_620 = vector.load %arg10[%swap3A_618, %swap3A_619] : memref<80x1xf32, #tpu.memory_space<vmem>>, vector<80x1xf32>
        tpu.vector_store %arg10[%swap3A_618, %swap3A_619], %add3A_617 {strides = array<i32>} : memref<80x1xf32, #tpu.memory_space<vmem>>, vector<80x1xf32>,
      } else {
      }
      %get3A_320 = arith.constant 0 : index
      %get3A_321 = arith.constant 0 : index
      %get3A_322 = vector.load %arg10[%get3A_320, %get3A_321] : memref<80x1xf32, #tpu.memory_space<vmem>>, vector<80x1xf32>
      %ge3A_323 = arith.constant 3.200000e+01 : f32
      %ge3A_324 = vector.broadcast %ge3A_323 : f32 to vector<80x1xf32>
      %ge3A_325 = arith.cmpf oge, %get3A_322, %ge3A_324 : vector<80x1xf32>
      %reduce_and3A_326 = arith.constant 1.000000e+00 : f32
      %reduce_and3A_327 = arith.constant 0.000000e+00 : f32
      %reduce_and3A_328 = vector.broadcast %reduce_and3A_326 : f32 to vector<80x1xf32>
      %reduce_and3A_329 = vector.broadcast %reduce_and3A_327 : f32 to vector<80x1xf32>
      %reduce_and3A_330 = arith.select %ge3A_325, %reduce_and3A_328, %reduce_and3A_329 : vector<80x1xi1>, vector<80x1xf32>
      %reduce_and3A_331 = vector.shape_cast %reduce_and3A_330 : vector<80x1xf32> to vector<1x80x1xf32>
      %reduce_and3A_332 = arith.constant dense<0x7F800000> : vector<1xf32>
      %reduce_and3A_333 = vector.multi_reduction <minimumf>, %reduce_and3A_331, %reduce_and3A_332 [1, 2] : vector<1x80x1xf32> to vector<1xf32>
      %reduce_and3A_334 = vector.shape_cast %reduce_and3A_333 : vector<1xf32> to vector<1x1x1xf32>
      %reduce_and3A_335 = vector.extract %reduce_and3A_334[0, 0, 0] : f32 from vector<1x1x1xf32>
      %reduce_and3A_336 = arith.constant 0.000000e+00 : f32
      %reduce_and3A_337 = arith.cmpf ogt, %reduce_and3A_335, %reduce_and3A_336 : f32
      %convert_element_type3A_338 = arith.extui %reduce_and3A_337 : i1 to i32
      %cond3A_339 = arith.constant 0 : i32
      %cond3A_340 = arith.cmpi ne, %convert_element_type3A_338, %cond3A_339 : i32
      scf.if %cond3A_340 {
        %broadcast_in_dim3A_528 = arith.constant 0.000000e+00 : f32
        %broadcast_in_dim3A_529 = vector.broadcast %broadcast_in_dim3A_528 : f32 to vector<80x1024xf32>
        %swap3A_530 = arith.constant 0 : index
        %swap3A_531 = arith.constant 2048 : index
        %swap3A_532 = vector.load %arg6[%swap3A_530, %swap3A_531] : memref<80x10000xf32, #tpu.memory_space<vmem>>, vector<80x1024xf32>
        tpu.vector_store %arg6[%swap3A_530, %swap3A_531], %broadcast_in_dim3A_529 {strides = array<i32>} : memref<80x10000xf32, #tpu.memory_space<vmem>>, vector<80x1024xf32>,
      } else {
      }
      %not3A_341 = arith.constant true
      %not3A_342 = arith.xori %reduce_and3A_337, %not3A_341 : i1
      %convert_element_type3A_343 = arith.extui %not3A_342 : i1 to i32
      %cond3A_344 = arith.constant 0 : i32
      %cond3A_345 = arith.cmpi ne, %convert_element_type3A_343, %cond3A_344 : i32
      scf.if %cond3A_345 {
        %get3A_528 = arith.constant 0 : index
        %get3A_529 = arith.constant 0 : index
        %get3A_530 = vector.load %arg2[%get3A_528, %get3A_529] : memref<80x128xf32, #tpu.memory_space<vmem>>, vector<80x128xf32>
        %get3A_531 = arith.constant 2048 : index
        %get3A_532 = arith.constant 0 : index
        %get3A_533 = vector.load %arg5[%get3A_531, %get3A_532] : memref<10000x128xf32, #tpu.memory_space<vmem>>, vector<1024x128xf32>
        %dot_general3A_534 = arith.constant dense<0.000000e+00> : vector<80x1024xf32>
        %dot_general3A_535 = tpu.matmul %get3A_530, %get3A_533, %dot_general3A_534 {dimension_numbers = #tpu.dot_dimension_numbers<[1], [1], [0], [0], [0, 0, 1, 0], [], []>, transpose_lhs_hint = false} : vector<80x128xf32>, vector<1024x128xf32>, vector<80x1024xf32> -> vector<80x1024xf32>
        %get3A_536 = arith.constant 0 : index
        %get3A_537 = arith.constant 0 : index
        %get3A_538 = vector.load %arg3[%get3A_536, %get3A_537] : memref<80x128xf32, #tpu.memory_space<vmem>>, vector<80x128xf32>
        %get3A_539 = arith.constant 2048 : index
        %get3A_540 = arith.constant 0 : index
        %get3A_541 = vector.load %arg4[%get3A_539, %get3A_540] : memref<10000x128xf32, #tpu.memory_space<vmem>>, vector<1024x128xf32>
        %dot_general3A_542 = arith.constant dense<0.000000e+00> : vector<80x1024xf32>
        %dot_general3A_543 = tpu.matmul %get3A_538, %get3A_541, %dot_general3A_542 {dimension_numbers = #tpu.dot_dimension_numbers<[1], [1], [0], [0], [0, 0, 1, 0], [], []>, transpose_lhs_hint = false} : vector<80x128xf32>, vector<1024x128xf32>, vector<80x1024xf32> -> vector<80x1024xf32>
        %sub3A_544 = arith.subf %dot_general3A_535, %dot_general3A_543 : vector<80x1024xf32>
        %mul3A_545 = vector.broadcast %get3A_1 : f32 to vector<80x1024xf32>
        %mul3A_546 = arith.mulf %mul3A_545, %sub3A_544 : vector<80x1024xf32>
        %ge3A_547 = vector.broadcast %get3A_6 : f32 to vector<80x1024xf32>
        %ge3A_548 = arith.cmpf oge, %mul3A_546, %ge3A_547 : vector<80x1024xf32>
        %convert_element_type3A_549 = arith.extui %ge3A_548 : vector<80x1024xi1> to vector<80x1024xi32>
        %convert_element_type3A_550 = arith.sitofp %convert_element_type3A_549 : vector<80x1024xi32> to vector<80x1024xf32>
        %broadcast_in_dim3A_551 = arith.constant 0.000000e+00 : f32
        %broadcast_in_dim3A_552 = vector.broadcast %broadcast_in_dim3A_551 : f32 to vector<80x1xf32>
        %slice3A = vector.extract_strided_slice %convert_element_type3A_550 {offsets = [0, 0], sizes = [80, 1023], strides = [1, 1]} : vector<80x1024xf32> to vector<80x1023xf32>
        %concatenate3A = tpu.concatenate %broadcast_in_dim3A_552, %slice3A in 1 : vector<80x1xf32>, vector<80x1023xf32> -> vector<80x1024xf32>
        %add3A = arith.addf %convert_element_type3A_550, %concatenate3A : vector<80x1024xf32>
        %broadcast_in_dim3A_553 = arith.constant 0.000000e+00 : f32
        %broadcast_in_dim3A_554 = vector.broadcast %broadcast_in_dim3A_553 : f32 to vector<80x2xf32>
        %slice3A_555 = vector.extract_strided_slice %add3A {offsets = [0, 0], sizes = [80, 1022], strides = [1, 1]} : vector<80x1024xf32> to vector<80x1022xf32>
        %concatenate3A_556 = tpu.concatenate %broadcast_in_dim3A_554, %slice3A_555 in 1 : vector<80x2xf32>, vector<80x1022xf32> -> vector<80x1024xf32>
        %add3A_557 = arith.addf %add3A, %concatenate3A_556 : vector<80x1024xf32>
        %broadcast_in_dim3A_558 = arith.constant 0.000000e+00 : f32
        %broadcast_in_dim3A_559 = vector.broadcast %broadcast_in_dim3A_558 : f32 to vector<80x4xf32>
        %slice3A_560 = vector.extract_strided_slice %add3A_557 {offsets = [0, 0], sizes = [80, 1020], strides = [1, 1]} : vector<80x1024xf32> to vector<80x1020xf32>
        %concatenate3A_561 = tpu.concatenate %broadcast_in_dim3A_559, %slice3A_560 in 1 : vector<80x4xf32>, vector<80x1020xf32> -> vector<80x1024xf32>
        %add3A_562 = arith.addf %add3A_557, %concatenate3A_561 : vector<80x1024xf32>
        %broadcast_in_dim3A_563 = arith.constant 0.000000e+00 : f32
        %broadcast_in_dim3A_564 = vector.broadcast %broadcast_in_dim3A_563 : f32 to vector<80x8xf32>
        %slice3A_565 = vector.extract_strided_slice %add3A_562 {offsets = [0, 0], sizes = [80, 1016], strides = [1, 1]} : vector<80x1024xf32> to vector<80x1016xf32>
        %concatenate3A_566 = tpu.concatenate %broadcast_in_dim3A_564, %slice3A_565 in 1 : vector<80x8xf32>, vector<80x1016xf32> -> vector<80x1024xf32>
        %add3A_567 = arith.addf %add3A_562, %concatenate3A_566 : vector<80x1024xf32>
        %broadcast_in_dim3A_568 = arith.constant 0.000000e+00 : f32
        %broadcast_in_dim3A_569 = vector.broadcast %broadcast_in_dim3A_568 : f32 to vector<80x16xf32>
        %slice3A_570 = vector.extract_strided_slice %add3A_567 {offsets = [0, 0], sizes = [80, 1008], strides = [1, 1]} : vector<80x1024xf32> to vector<80x1008xf32>
        %concatenate3A_571 = tpu.concatenate %broadcast_in_dim3A_569, %slice3A_570 in 1 : vector<80x16xf32>, vector<80x1008xf32> -> vector<80x1024xf32>
        %add3A_572 = arith.addf %add3A_567, %concatenate3A_571 : vector<80x1024xf32>
        %broadcast_in_dim3A_573 = arith.constant 0.000000e+00 : f32
        %broadcast_in_dim3A_574 = vector.broadcast %broadcast_in_dim3A_573 : f32 to vector<80x32xf32>
        %slice3A_575 = vector.extract_strided_slice %add3A_572 {offsets = [0, 0], sizes = [80, 992], strides = [1, 1]} : vector<80x1024xf32> to vector<80x992xf32>
        %concatenate3A_576 = tpu.concatenate %broadcast_in_dim3A_574, %slice3A_575 in 1 : vector<80x32xf32>, vector<80x992xf32> -> vector<80x1024xf32>
        %add3A_577 = arith.addf %add3A_572, %concatenate3A_576 : vector<80x1024xf32>
        %broadcast_in_dim3A_578 = arith.constant 0.000000e+00 : f32
        %broadcast_in_dim3A_579 = vector.broadcast %broadcast_in_dim3A_578 : f32 to vector<80x64xf32>
        %slice3A_580 = vector.extract_strided_slice %add3A_577 {offsets = [0, 0], sizes = [80, 960], strides = [1, 1]} : vector<80x1024xf32> to vector<80x960xf32>
        %concatenate3A_581 = tpu.concatenate %broadcast_in_dim3A_579, %slice3A_580 in 1 : vector<80x64xf32>, vector<80x960xf32> -> vector<80x1024xf32>
        %add3A_582 = arith.addf %add3A_577, %concatenate3A_581 : vector<80x1024xf32>
        %broadcast_in_dim3A_583 = arith.constant 0.000000e+00 : f32
        %broadcast_in_dim3A_584 = vector.broadcast %broadcast_in_dim3A_583 : f32 to vector<80x128xf32>
        %slice3A_585 = vector.extract_strided_slice %add3A_582 {offsets = [0, 0], sizes = [80, 896], strides = [1, 1]} : vector<80x1024xf32> to vector<80x896xf32>
        %concatenate3A_586 = tpu.concatenate %broadcast_in_dim3A_584, %slice3A_585 in 1 : vector<80x128xf32>, vector<80x896xf32> -> vector<80x1024xf32>
        %add3A_587 = arith.addf %add3A_582, %concatenate3A_586 : vector<80x1024xf32>
        %broadcast_in_dim3A_588 = arith.constant 0.000000e+00 : f32
        %broadcast_in_dim3A_589 = vector.broadcast %broadcast_in_dim3A_588 : f32 to vector<80x256xf32>
        %slice3A_590 = vector.extract_strided_slice %add3A_587 {offsets = [0, 0], sizes = [80, 768], strides = [1, 1]} : vector<80x1024xf32> to vector<80x768xf32>
        %concatenate3A_591 = tpu.concatenate %broadcast_in_dim3A_589, %slice3A_590 in 1 : vector<80x256xf32>, vector<80x768xf32> -> vector<80x1024xf32>
        %add3A_592 = arith.addf %add3A_587, %concatenate3A_591 : vector<80x1024xf32>
        %broadcast_in_dim3A_593 = arith.constant 0.000000e+00 : f32
        %broadcast_in_dim3A_594 = vector.broadcast %broadcast_in_dim3A_593 : f32 to vector<80x512xf32>
        %slice3A_595 = vector.extract_strided_slice %add3A_592 {offsets = [0, 0], sizes = [80, 512], strides = [1, 1]} : vector<80x1024xf32> to vector<80x512xf32>
        %concatenate3A_596 = tpu.concatenate %broadcast_in_dim3A_594, %slice3A_595 in 1 : vector<80x512xf32>, vector<80x512xf32> -> vector<80x1024xf32>
        %add3A_597 = arith.addf %add3A_592, %concatenate3A_596 : vector<80x1024xf32>
        %sub3A_598 = arith.subf %add3A_597, %convert_element_type3A_550 : vector<80x1024xf32>
        %get3A_599 = arith.constant 0 : index
        %get3A_600 = arith.constant 0 : index
        %get3A_601 = vector.load %arg10[%get3A_599, %get3A_600] : memref<80x1xf32, #tpu.memory_space<vmem>>, vector<80x1xf32>
        %gt3A = arith.constant 0.000000e+00 : f32
        %gt3A_602 = vector.broadcast %gt3A : f32 to vector<80x1024xf32>
        %gt3A_603 = arith.cmpf ogt, %convert_element_type3A_550, %gt3A_602 : vector<80x1024xf32>
        %add3A_604 = vector.broadcast %get3A_601 : vector<80x1xf32> to vector<80x1024xf32>
        %add3A_605 = arith.addf %add3A_604, %sub3A_598 : vector<80x1024xf32>
        %lt3A = arith.constant 3.200000e+01 : f32
        %lt3A_606 = vector.broadcast %lt3A : f32 to vector<80x1024xf32>
        %lt3A_607 = arith.cmpf olt, %add3A_605, %lt3A_606 : vector<80x1024xf32>
        %and3A = arith.andi %gt3A_603, %lt3A_607 : vector<80x1024xi1>
        %jit3A = arith.constant 1.000000e+00 : f32
        %jit3A_608 = arith.constant 0.000000e+00 : f32
        %broadcast_in_dim3A_609 = vector.broadcast %jit3A : f32 to vector<80x1024xf32>
        %broadcast_in_dim3A_610 = vector.broadcast %jit3A_608 : f32 to vector<80x1024xf32>
        %select_n3A = arith.select %and3A, %broadcast_in_dim3A_609, %broadcast_in_dim3A_610 : vector<80x1024xi1>, vector<80x1024xf32>
        %swap3A_611 = arith.constant 0 : index
        %swap3A_612 = arith.constant 2048 : index
        %swap3A_613 = vector.load %arg6[%swap3A_611, %swap3A_612] : memref<80x10000xf32, #tpu.memory_space<vmem>>, vector<80x1024xf32>
        tpu.vector_store %arg6[%swap3A_611, %swap3A_612], %select_n3A {strides = array<i32>} : memref<80x10000xf32, #tpu.memory_space<vmem>>, vector<80x1024xf32>,
        %reduce_sum3A_614 = arith.constant dense<0.000000e+00> : vector<80xf32>
        %reduce_sum3A_615 = vector.multi_reduction <add>, %convert_element_type3A_550, %reduce_sum3A_614 [1] : vector<80x1024xf32> to vector<80xf32>
        %broadcast_in_dim3A_616 = vector.shape_cast %reduce_sum3A_615 : vector<80xf32> to vector<80x1xf32>
        %add3A_617 = arith.addf %get3A_601, %broadcast_in_dim3A_616 : vector<80x1xf32>
        %swap3A_618 = arith.constant 0 : index
        %swap3A_619 = arith.constant 0 : index
        %swap3A_620 = vector.load %arg10[%swap3A_618, %swap3A_619] : memref<80x1xf32, #tpu.memory_space<vmem>>, vector<80x1xf32>
        tpu.vector_store %arg10[%swap3A_618, %swap3A_619], %add3A_617 {strides = array<i32>} : memref<80x1xf32, #tpu.memory_space<vmem>>, vector<80x1xf32>,
      } else {
      }
      %get3A_346 = arith.constant 0 : index
      %get3A_347 = arith.constant 0 : index
      %get3A_348 = vector.load %arg10[%get3A_346, %get3A_347] : memref<80x1xf32, #tpu.memory_space<vmem>>, vector<80x1xf32>
      %ge3A_349 = arith.constant 3.200000e+01 : f32
      %ge3A_350 = vector.broadcast %ge3A_349 : f32 to vector<80x1xf32>
      %ge3A_351 = arith.cmpf oge, %get3A_348, %ge3A_350 : vector<80x1xf32>
      %reduce_and3A_352 = arith.constant 1.000000e+00 : f32
      %reduce_and3A_353 = arith.constant 0.000000e+00 : f32
      %reduce_and3A_354 = vector.broadcast %reduce_and3A_352 : f32 to vector<80x1xf32>
      %reduce_and3A_355 = vector.broadcast %reduce_and3A_353 : f32 to vector<80x1xf32>
      %reduce_and3A_356 = arith.select %ge3A_351, %reduce_and3A_354, %reduce_and3A_355 : vector<80x1xi1>, vector<80x1xf32>
      %reduce_and3A_357 = vector.shape_cast %reduce_and3A_356 : vector<80x1xf32> to vector<1x80x1xf32>
      %reduce_and3A_358 = arith.constant dense<0x7F800000> : vector<1xf32>
      %reduce_and3A_359 = vector.multi_reduction <minimumf>, %reduce_and3A_357, %reduce_and3A_358 [1, 2] : vector<1x80x1xf32> to vector<1xf32>
      %reduce_and3A_360 = vector.shape_cast %reduce_and3A_359 : vector<1xf32> to vector<1x1x1xf32>
      %reduce_and3A_361 = vector.extract %reduce_and3A_360[0, 0, 0] : f32 from vector<1x1x1xf32>
      %reduce_and3A_362 = arith.constant 0.000000e+00 : f32
      %reduce_and3A_363 = arith.cmpf ogt, %reduce_and3A_361, %reduce_and3A_362 : f32
      %convert_element_type3A_364 = arith.extui %reduce_and3A_363 : i1 to i32
      %cond3A_365 = arith.constant 0 : i32
      %cond3A_366 = arith.cmpi ne, %convert_element_type3A_364, %cond3A_365 : i32
      scf.if %cond3A_366 {
        %broadcast_in_dim3A_528 = arith.constant 0.000000e+00 : f32
        %broadcast_in_dim3A_529 = vector.broadcast %broadcast_in_dim3A_528 : f32 to vector<80x1024xf32>
        %swap3A_530 = arith.constant 0 : index
        %swap3A_531 = arith.constant 3072 : index
        %swap3A_532 = vector.load %arg6[%swap3A_530, %swap3A_531] : memref<80x10000xf32, #tpu.memory_space<vmem>>, vector<80x1024xf32>
        tpu.vector_store %arg6[%swap3A_530, %swap3A_531], %broadcast_in_dim3A_529 {strides = array<i32>} : memref<80x10000xf32, #tpu.memory_space<vmem>>, vector<80x1024xf32>,
      } else {
      }
      %not3A_367 = arith.constant true
      %not3A_368 = arith.xori %reduce_and3A_363, %not3A_367 : i1
      %convert_element_type3A_369 = arith.extui %not3A_368 : i1 to i32
      %cond3A_370 = arith.constant 0 : i32
      %cond3A_371 = arith.cmpi ne, %convert_element_type3A_369, %cond3A_370 : i32
      scf.if %cond3A_371 {
        %get3A_528 = arith.constant 0 : index
        %get3A_529 = arith.constant 0 : index
        %get3A_530 = vector.load %arg2[%get3A_528, %get3A_529] : memref<80x128xf32, #tpu.memory_space<vmem>>, vector<80x128xf32>
        %get3A_531 = arith.constant 3072 : index
        %get3A_532 = arith.constant 0 : index
        %get3A_533 = vector.load %arg5[%get3A_531, %get3A_532] : memref<10000x128xf32, #tpu.memory_space<vmem>>, vector<1024x128xf32>
        %dot_general3A_534 = arith.constant dense<0.000000e+00> : vector<80x1024xf32>
        %dot_general3A_535 = tpu.matmul %get3A_530, %get3A_533, %dot_general3A_534 {dimension_numbers = #tpu.dot_dimension_numbers<[1], [1], [0], [0], [0, 0, 1, 0], [], []>, transpose_lhs_hint = false} : vector<80x128xf32>, vector<1024x128xf32>, vector<80x1024xf32> -> vector<80x1024xf32>
        %get3A_536 = arith.constant 0 : index
        %get3A_537 = arith.constant 0 : index
        %get3A_538 = vector.load %arg3[%get3A_536, %get3A_537] : memref<80x128xf32, #tpu.memory_space<vmem>>, vector<80x128xf32>
        %get3A_539 = arith.constant 3072 : index
        %get3A_540 = arith.constant 0 : index
        %get3A_541 = vector.load %arg4[%get3A_539, %get3A_540] : memref<10000x128xf32, #tpu.memory_space<vmem>>, vector<1024x128xf32>
        %dot_general3A_542 = arith.constant dense<0.000000e+00> : vector<80x1024xf32>
        %dot_general3A_543 = tpu.matmul %get3A_538, %get3A_541, %dot_general3A_542 {dimension_numbers = #tpu.dot_dimension_numbers<[1], [1], [0], [0], [0, 0, 1, 0], [], []>, transpose_lhs_hint = false} : vector<80x128xf32>, vector<1024x128xf32>, vector<80x1024xf32> -> vector<80x1024xf32>
        %sub3A_544 = arith.subf %dot_general3A_535, %dot_general3A_543 : vector<80x1024xf32>
        %mul3A_545 = vector.broadcast %get3A_1 : f32 to vector<80x1024xf32>
        %mul3A_546 = arith.mulf %mul3A_545, %sub3A_544 : vector<80x1024xf32>
        %ge3A_547 = vector.broadcast %get3A_6 : f32 to vector<80x1024xf32>
        %ge3A_548 = arith.cmpf oge, %mul3A_546, %ge3A_547 : vector<80x1024xf32>
        %convert_element_type3A_549 = arith.extui %ge3A_548 : vector<80x1024xi1> to vector<80x1024xi32>
        %convert_element_type3A_550 = arith.sitofp %convert_element_type3A_549 : vector<80x1024xi32> to vector<80x1024xf32>
        %broadcast_in_dim3A_551 = arith.constant 0.000000e+00 : f32
        %broadcast_in_dim3A_552 = vector.broadcast %broadcast_in_dim3A_551 : f32 to vector<80x1xf32>
        %slice3A = vector.extract_strided_slice %convert_element_type3A_550 {offsets = [0, 0], sizes = [80, 1023], strides = [1, 1]} : vector<80x1024xf32> to vector<80x1023xf32>
        %concatenate3A = tpu.concatenate %broadcast_in_dim3A_552, %slice3A in 1 : vector<80x1xf32>, vector<80x1023xf32> -> vector<80x1024xf32>
        %add3A = arith.addf %convert_element_type3A_550, %concatenate3A : vector<80x1024xf32>
        %broadcast_in_dim3A_553 = arith.constant 0.000000e+00 : f32
        %broadcast_in_dim3A_554 = vector.broadcast %broadcast_in_dim3A_553 : f32 to vector<80x2xf32>
        %slice3A_555 = vector.extract_strided_slice %add3A {offsets = [0, 0], sizes = [80, 1022], strides = [1, 1]} : vector<80x1024xf32> to vector<80x1022xf32>
        %concatenate3A_556 = tpu.concatenate %broadcast_in_dim3A_554, %slice3A_555 in 1 : vector<80x2xf32>, vector<80x1022xf32> -> vector<80x1024xf32>
        %add3A_557 = arith.addf %add3A, %concatenate3A_556 : vector<80x1024xf32>
        %broadcast_in_dim3A_558 = arith.constant 0.000000e+00 : f32
        %broadcast_in_dim3A_559 = vector.broadcast %broadcast_in_dim3A_558 : f32 to vector<80x4xf32>
        %slice3A_560 = vector.extract_strided_slice %add3A_557 {offsets = [0, 0], sizes = [80, 1020], strides = [1, 1]} : vector<80x1024xf32> to vector<80x1020xf32>
        %concatenate3A_561 = tpu.concatenate %broadcast_in_dim3A_559, %slice3A_560 in 1 : vector<80x4xf32>, vector<80x1020xf32> -> vector<80x1024xf32>
        %add3A_562 = arith.addf %add3A_557, %concatenate3A_561 : vector<80x1024xf32>
        %broadcast_in_dim3A_563 = arith.constant 0.000000e+00 : f32
        %broadcast_in_dim3A_564 = vector.broadcast %broadcast_in_dim3A_563 : f32 to vector<80x8xf32>
        %slice3A_565 = vector.extract_strided_slice %add3A_562 {offsets = [0, 0], sizes = [80, 1016], strides = [1, 1]} : vector<80x1024xf32> to vector<80x1016xf32>
        %concatenate3A_566 = tpu.concatenate %broadcast_in_dim3A_564, %slice3A_565 in 1 : vector<80x8xf32>, vector<80x1016xf32> -> vector<80x1024xf32>
        %add3A_567 = arith.addf %add3A_562, %concatenate3A_566 : vector<80x1024xf32>
        %broadcast_in_dim3A_568 = arith.constant 0.000000e+00 : f32
        %broadcast_in_dim3A_569 = vector.broadcast %broadcast_in_dim3A_568 : f32 to vector<80x16xf32>
        %slice3A_570 = vector.extract_strided_slice %add3A_567 {offsets = [0, 0], sizes = [80, 1008], strides = [1, 1]} : vector<80x1024xf32> to vector<80x1008xf32>
        %concatenate3A_571 = tpu.concatenate %broadcast_in_dim3A_569, %slice3A_570 in 1 : vector<80x16xf32>, vector<80x1008xf32> -> vector<80x1024xf32>
        %add3A_572 = arith.addf %add3A_567, %concatenate3A_571 : vector<80x1024xf32>
        %broadcast_in_dim3A_573 = arith.constant 0.000000e+00 : f32
        %broadcast_in_dim3A_574 = vector.broadcast %broadcast_in_dim3A_573 : f32 to vector<80x32xf32>
        %slice3A_575 = vector.extract_strided_slice %add3A_572 {offsets = [0, 0], sizes = [80, 992], strides = [1, 1]} : vector<80x1024xf32> to vector<80x992xf32>
        %concatenate3A_576 = tpu.concatenate %broadcast_in_dim3A_574, %slice3A_575 in 1 : vector<80x32xf32>, vector<80x992xf32> -> vector<80x1024xf32>
        %add3A_577 = arith.addf %add3A_572, %concatenate3A_576 : vector<80x1024xf32>
        %broadcast_in_dim3A_578 = arith.constant 0.000000e+00 : f32
        %broadcast_in_dim3A_579 = vector.broadcast %broadcast_in_dim3A_578 : f32 to vector<80x64xf32>
        %slice3A_580 = vector.extract_strided_slice %add3A_577 {offsets = [0, 0], sizes = [80, 960], strides = [1, 1]} : vector<80x1024xf32> to vector<80x960xf32>
        %concatenate3A_581 = tpu.concatenate %broadcast_in_dim3A_579, %slice3A_580 in 1 : vector<80x64xf32>, vector<80x960xf32> -> vector<80x1024xf32>
        %add3A_582 = arith.addf %add3A_577, %concatenate3A_581 : vector<80x1024xf32>
        %broadcast_in_dim3A_583 = arith.constant 0.000000e+00 : f32
        %broadcast_in_dim3A_584 = vector.broadcast %broadcast_in_dim3A_583 : f32 to vector<80x128xf32>
        %slice3A_585 = vector.extract_strided_slice %add3A_582 {offsets = [0, 0], sizes = [80, 896], strides = [1, 1]} : vector<80x1024xf32> to vector<80x896xf32>
        %concatenate3A_586 = tpu.concatenate %broadcast_in_dim3A_584, %slice3A_585 in 1 : vector<80x128xf32>, vector<80x896xf32> -> vector<80x1024xf32>
        %add3A_587 = arith.addf %add3A_582, %concatenate3A_586 : vector<80x1024xf32>
        %broadcast_in_dim3A_588 = arith.constant 0.000000e+00 : f32
        %broadcast_in_dim3A_589 = vector.broadcast %broadcast_in_dim3A_588 : f32 to vector<80x256xf32>
        %slice3A_590 = vector.extract_strided_slice %add3A_587 {offsets = [0, 0], sizes = [80, 768], strides = [1, 1]} : vector<80x1024xf32> to vector<80x768xf32>
        %concatenate3A_591 = tpu.concatenate %broadcast_in_dim3A_589, %slice3A_590 in 1 : vector<80x256xf32>, vector<80x768xf32> -> vector<80x1024xf32>
        %add3A_592 = arith.addf %add3A_587, %concatenate3A_591 : vector<80x1024xf32>
        %broadcast_in_dim3A_593 = arith.constant 0.000000e+00 : f32
        %broadcast_in_dim3A_594 = vector.broadcast %broadcast_in_dim3A_593 : f32 to vector<80x512xf32>
        %slice3A_595 = vector.extract_strided_slice %add3A_592 {offsets = [0, 0], sizes = [80, 512], strides = [1, 1]} : vector<80x1024xf32> to vector<80x512xf32>
        %concatenate3A_596 = tpu.concatenate %broadcast_in_dim3A_594, %slice3A_595 in 1 : vector<80x512xf32>, vector<80x512xf32> -> vector<80x1024xf32>
        %add3A_597 = arith.addf %add3A_592, %concatenate3A_596 : vector<80x1024xf32>
        %sub3A_598 = arith.subf %add3A_597, %convert_element_type3A_550 : vector<80x1024xf32>
        %get3A_599 = arith.constant 0 : index
        %get3A_600 = arith.constant 0 : index
        %get3A_601 = vector.load %arg10[%get3A_599, %get3A_600] : memref<80x1xf32, #tpu.memory_space<vmem>>, vector<80x1xf32>
        %gt3A = arith.constant 0.000000e+00 : f32
        %gt3A_602 = vector.broadcast %gt3A : f32 to vector<80x1024xf32>
        %gt3A_603 = arith.cmpf ogt, %convert_element_type3A_550, %gt3A_602 : vector<80x1024xf32>
        %add3A_604 = vector.broadcast %get3A_601 : vector<80x1xf32> to vector<80x1024xf32>
        %add3A_605 = arith.addf %add3A_604, %sub3A_598 : vector<80x1024xf32>
        %lt3A = arith.constant 3.200000e+01 : f32
        %lt3A_606 = vector.broadcast %lt3A : f32 to vector<80x1024xf32>
        %lt3A_607 = arith.cmpf olt, %add3A_605, %lt3A_606 : vector<80x1024xf32>
        %and3A = arith.andi %gt3A_603, %lt3A_607 : vector<80x1024xi1>
        %jit3A = arith.constant 1.000000e+00 : f32
        %jit3A_608 = arith.constant 0.000000e+00 : f32
        %broadcast_in_dim3A_609 = vector.broadcast %jit3A : f32 to vector<80x1024xf32>
        %broadcast_in_dim3A_610 = vector.broadcast %jit3A_608 : f32 to vector<80x1024xf32>
        %select_n3A = arith.select %and3A, %broadcast_in_dim3A_609, %broadcast_in_dim3A_610 : vector<80x1024xi1>, vector<80x1024xf32>
        %swap3A_611 = arith.constant 0 : index
        %swap3A_612 = arith.constant 3072 : index
        %swap3A_613 = vector.load %arg6[%swap3A_611, %swap3A_612] : memref<80x10000xf32, #tpu.memory_space<vmem>>, vector<80x1024xf32>
        tpu.vector_store %arg6[%swap3A_611, %swap3A_612], %select_n3A {strides = array<i32>} : memref<80x10000xf32, #tpu.memory_space<vmem>>, vector<80x1024xf32>,
        %reduce_sum3A_614 = arith.constant dense<0.000000e+00> : vector<80xf32>
        %reduce_sum3A_615 = vector.multi_reduction <add>, %convert_element_type3A_550, %reduce_sum3A_614 [1] : vector<80x1024xf32> to vector<80xf32>
        %broadcast_in_dim3A_616 = vector.shape_cast %reduce_sum3A_615 : vector<80xf32> to vector<80x1xf32>
        %add3A_617 = arith.addf %get3A_601, %broadcast_in_dim3A_616 : vector<80x1xf32>
        %swap3A_618 = arith.constant 0 : index
        %swap3A_619 = arith.constant 0 : index
        %swap3A_620 = vector.load %arg10[%swap3A_618, %swap3A_619] : memref<80x1xf32, #tpu.memory_space<vmem>>, vector<80x1xf32>
        tpu.vector_store %arg10[%swap3A_618, %swap3A_619], %add3A_617 {strides = array<i32>} : memref<80x1xf32, #tpu.memory_space<vmem>>, vector<80x1xf32>,
      } else {
      }
      %get3A_372 = arith.constant 0 : index
      %get3A_373 = arith.constant 0 : index
      %get3A_374 = vector.load %arg10[%get3A_372, %get3A_373] : memref<80x1xf32, #tpu.memory_space<vmem>>, vector<80x1xf32>
      %ge3A_375 = arith.constant 3.200000e+01 : f32
      %ge3A_376 = vector.broadcast %ge3A_375 : f32 to vector<80x1xf32>
      %ge3A_377 = arith.cmpf oge, %get3A_374, %ge3A_376 : vector<80x1xf32>
      %reduce_and3A_378 = arith.constant 1.000000e+00 : f32
      %reduce_and3A_379 = arith.constant 0.000000e+00 : f32
      %reduce_and3A_380 = vector.broadcast %reduce_and3A_378 : f32 to vector<80x1xf32>
      %reduce_and3A_381 = vector.broadcast %reduce_and3A_379 : f32 to vector<80x1xf32>
      %reduce_and3A_382 = arith.select %ge3A_377, %reduce_and3A_380, %reduce_and3A_381 : vector<80x1xi1>, vector<80x1xf32>
      %reduce_and3A_383 = vector.shape_cast %reduce_and3A_382 : vector<80x1xf32> to vector<1x80x1xf32>
      %reduce_and3A_384 = arith.constant dense<0x7F800000> : vector<1xf32>
      %reduce_and3A_385 = vector.multi_reduction <minimumf>, %reduce_and3A_383, %reduce_and3A_384 [1, 2] : vector<1x80x1xf32> to vector<1xf32>
      %reduce_and3A_386 = vector.shape_cast %reduce_and3A_385 : vector<1xf32> to vector<1x1x1xf32>
      %reduce_and3A_387 = vector.extract %reduce_and3A_386[0, 0, 0] : f32 from vector<1x1x1xf32>
      %reduce_and3A_388 = arith.constant 0.000000e+00 : f32
      %reduce_and3A_389 = arith.cmpf ogt, %reduce_and3A_387, %reduce_and3A_388 : f32
      %convert_element_type3A_390 = arith.extui %reduce_and3A_389 : i1 to i32
      %cond3A_391 = arith.constant 0 : i32
      %cond3A_392 = arith.cmpi ne, %convert_element_type3A_390, %cond3A_391 : i32
      scf.if %cond3A_392 {
        %broadcast_in_dim3A_528 = arith.constant 0.000000e+00 : f32
        %broadcast_in_dim3A_529 = vector.broadcast %broadcast_in_dim3A_528 : f32 to vector<80x1024xf32>
        %swap3A_530 = arith.constant 0 : index
        %swap3A_531 = arith.constant 4096 : index
        %swap3A_532 = vector.load %arg6[%swap3A_530, %swap3A_531] : memref<80x10000xf32, #tpu.memory_space<vmem>>, vector<80x1024xf32>
        tpu.vector_store %arg6[%swap3A_530, %swap3A_531], %broadcast_in_dim3A_529 {strides = array<i32>} : memref<80x10000xf32, #tpu.memory_space<vmem>>, vector<80x1024xf32>,
      } else {
      }
      %not3A_393 = arith.constant true
      %not3A_394 = arith.xori %reduce_and3A_389, %not3A_393 : i1
      %convert_element_type3A_395 = arith.extui %not3A_394 : i1 to i32
      %cond3A_396 = arith.constant 0 : i32
      %cond3A_397 = arith.cmpi ne, %convert_element_type3A_395, %cond3A_396 : i32
      scf.if %cond3A_397 {
        %get3A_528 = arith.constant 0 : index
        %get3A_529 = arith.constant 0 : index
        %get3A_530 = vector.load %arg2[%get3A_528, %get3A_529] : memref<80x128xf32, #tpu.memory_space<vmem>>, vector<80x128xf32>
        %get3A_531 = arith.constant 4096 : index
        %get3A_532 = arith.constant 0 : index
        %get3A_533 = vector.load %arg5[%get3A_531, %get3A_532] : memref<10000x128xf32, #tpu.memory_space<vmem>>, vector<1024x128xf32>
        %dot_general3A_534 = arith.constant dense<0.000000e+00> : vector<80x1024xf32>
        %dot_general3A_535 = tpu.matmul %get3A_530, %get3A_533, %dot_general3A_534 {dimension_numbers = #tpu.dot_dimension_numbers<[1], [1], [0], [0], [0, 0, 1, 0], [], []>, transpose_lhs_hint = false} : vector<80x128xf32>, vector<1024x128xf32>, vector<80x1024xf32> -> vector<80x1024xf32>
        %get3A_536 = arith.constant 0 : index
        %get3A_537 = arith.constant 0 : index
        %get3A_538 = vector.load %arg3[%get3A_536, %get3A_537] : memref<80x128xf32, #tpu.memory_space<vmem>>, vector<80x128xf32>
        %get3A_539 = arith.constant 4096 : index
        %get3A_540 = arith.constant 0 : index
        %get3A_541 = vector.load %arg4[%get3A_539, %get3A_540] : memref<10000x128xf32, #tpu.memory_space<vmem>>, vector<1024x128xf32>
        %dot_general3A_542 = arith.constant dense<0.000000e+00> : vector<80x1024xf32>
        %dot_general3A_543 = tpu.matmul %get3A_538, %get3A_541, %dot_general3A_542 {dimension_numbers = #tpu.dot_dimension_numbers<[1], [1], [0], [0], [0, 0, 1, 0], [], []>, transpose_lhs_hint = false} : vector<80x128xf32>, vector<1024x128xf32>, vector<80x1024xf32> -> vector<80x1024xf32>
        %sub3A_544 = arith.subf %dot_general3A_535, %dot_general3A_543 : vector<80x1024xf32>
        %mul3A_545 = vector.broadcast %get3A_1 : f32 to vector<80x1024xf32>
        %mul3A_546 = arith.mulf %mul3A_545, %sub3A_544 : vector<80x1024xf32>
        %ge3A_547 = vector.broadcast %get3A_6 : f32 to vector<80x1024xf32>
        %ge3A_548 = arith.cmpf oge, %mul3A_546, %ge3A_547 : vector<80x1024xf32>
        %convert_element_type3A_549 = arith.extui %ge3A_548 : vector<80x1024xi1> to vector<80x1024xi32>
        %convert_element_type3A_550 = arith.sitofp %convert_element_type3A_549 : vector<80x1024xi32> to vector<80x1024xf32>
        %broadcast_in_dim3A_551 = arith.constant 0.000000e+00 : f32
        %broadcast_in_dim3A_552 = vector.broadcast %broadcast_in_dim3A_551 : f32 to vector<80x1xf32>
        %slice3A = vector.extract_strided_slice %convert_element_type3A_550 {offsets = [0, 0], sizes = [80, 1023], strides = [1, 1]} : vector<80x1024xf32> to vector<80x1023xf32>
        %concatenate3A = tpu.concatenate %broadcast_in_dim3A_552, %slice3A in 1 : vector<80x1xf32>, vector<80x1023xf32> -> vector<80x1024xf32>
        %add3A = arith.addf %convert_element_type3A_550, %concatenate3A : vector<80x1024xf32>
        %broadcast_in_dim3A_553 = arith.constant 0.000000e+00 : f32
        %broadcast_in_dim3A_554 = vector.broadcast %broadcast_in_dim3A_553 : f32 to vector<80x2xf32>
        %slice3A_555 = vector.extract_strided_slice %add3A {offsets = [0, 0], sizes = [80, 1022], strides = [1, 1]} : vector<80x1024xf32> to vector<80x1022xf32>
        %concatenate3A_556 = tpu.concatenate %broadcast_in_dim3A_554, %slice3A_555 in 1 : vector<80x2xf32>, vector<80x1022xf32> -> vector<80x1024xf32>
        %add3A_557 = arith.addf %add3A, %concatenate3A_556 : vector<80x1024xf32>
        %broadcast_in_dim3A_558 = arith.constant 0.000000e+00 : f32
        %broadcast_in_dim3A_559 = vector.broadcast %broadcast_in_dim3A_558 : f32 to vector<80x4xf32>
        %slice3A_560 = vector.extract_strided_slice %add3A_557 {offsets = [0, 0], sizes = [80, 1020], strides = [1, 1]} : vector<80x1024xf32> to vector<80x1020xf32>
        %concatenate3A_561 = tpu.concatenate %broadcast_in_dim3A_559, %slice3A_560 in 1 : vector<80x4xf32>, vector<80x1020xf32> -> vector<80x1024xf32>
        %add3A_562 = arith.addf %add3A_557, %concatenate3A_561 : vector<80x1024xf32>
        %broadcast_in_dim3A_563 = arith.constant 0.000000e+00 : f32
        %broadcast_in_dim3A_564 = vector.broadcast %broadcast_in_dim3A_563 : f32 to vector<80x8xf32>
        %slice3A_565 = vector.extract_strided_slice %add3A_562 {offsets = [0, 0], sizes = [80, 1016], strides = [1, 1]} : vector<80x1024xf32> to vector<80x1016xf32>
        %concatenate3A_566 = tpu.concatenate %broadcast_in_dim3A_564, %slice3A_565 in 1 : vector<80x8xf32>, vector<80x1016xf32> -> vector<80x1024xf32>
        %add3A_567 = arith.addf %add3A_562, %concatenate3A_566 : vector<80x1024xf32>
        %broadcast_in_dim3A_568 = arith.constant 0.000000e+00 : f32
        %broadcast_in_dim3A_569 = vector.broadcast %broadcast_in_dim3A_568 : f32 to vector<80x16xf32>
        %slice3A_570 = vector.extract_strided_slice %add3A_567 {offsets = [0, 0], sizes = [80, 1008], strides = [1, 1]} : vector<80x1024xf32> to vector<80x1008xf32>
        %concatenate3A_571 = tpu.concatenate %broadcast_in_dim3A_569, %slice3A_570 in 1 : vector<80x16xf32>, vector<80x1008xf32> -> vector<80x1024xf32>
        %add3A_572 = arith.addf %add3A_567, %concatenate3A_571 : vector<80x1024xf32>
        %broadcast_in_dim3A_573 = arith.constant 0.000000e+00 : f32
        %broadcast_in_dim3A_574 = vector.broadcast %broadcast_in_dim3A_573 : f32 to vector<80x32xf32>
        %slice3A_575 = vector.extract_strided_slice %add3A_572 {offsets = [0, 0], sizes = [80, 992], strides = [1, 1]} : vector<80x1024xf32> to vector<80x992xf32>
        %concatenate3A_576 = tpu.concatenate %broadcast_in_dim3A_574, %slice3A_575 in 1 : vector<80x32xf32>, vector<80x992xf32> -> vector<80x1024xf32>
        %add3A_577 = arith.addf %add3A_572, %concatenate3A_576 : vector<80x1024xf32>
        %broadcast_in_dim3A_578 = arith.constant 0.000000e+00 : f32
        %broadcast_in_dim3A_579 = vector.broadcast %broadcast_in_dim3A_578 : f32 to vector<80x64xf32>
        %slice3A_580 = vector.extract_strided_slice %add3A_577 {offsets = [0, 0], sizes = [80, 960], strides = [1, 1]} : vector<80x1024xf32> to vector<80x960xf32>
        %concatenate3A_581 = tpu.concatenate %broadcast_in_dim3A_579, %slice3A_580 in 1 : vector<80x64xf32>, vector<80x960xf32> -> vector<80x1024xf32>
        %add3A_582 = arith.addf %add3A_577, %concatenate3A_581 : vector<80x1024xf32>
        %broadcast_in_dim3A_583 = arith.constant 0.000000e+00 : f32
        %broadcast_in_dim3A_584 = vector.broadcast %broadcast_in_dim3A_583 : f32 to vector<80x128xf32>
        %slice3A_585 = vector.extract_strided_slice %add3A_582 {offsets = [0, 0], sizes = [80, 896], strides = [1, 1]} : vector<80x1024xf32> to vector<80x896xf32>
        %concatenate3A_586 = tpu.concatenate %broadcast_in_dim3A_584, %slice3A_585 in 1 : vector<80x128xf32>, vector<80x896xf32> -> vector<80x1024xf32>
        %add3A_587 = arith.addf %add3A_582, %concatenate3A_586 : vector<80x1024xf32>
        %broadcast_in_dim3A_588 = arith.constant 0.000000e+00 : f32
        %broadcast_in_dim3A_589 = vector.broadcast %broadcast_in_dim3A_588 : f32 to vector<80x256xf32>
        %slice3A_590 = vector.extract_strided_slice %add3A_587 {offsets = [0, 0], sizes = [80, 768], strides = [1, 1]} : vector<80x1024xf32> to vector<80x768xf32>
        %concatenate3A_591 = tpu.concatenate %broadcast_in_dim3A_589, %slice3A_590 in 1 : vector<80x256xf32>, vector<80x768xf32> -> vector<80x1024xf32>
        %add3A_592 = arith.addf %add3A_587, %concatenate3A_591 : vector<80x1024xf32>
        %broadcast_in_dim3A_593 = arith.constant 0.000000e+00 : f32
        %broadcast_in_dim3A_594 = vector.broadcast %broadcast_in_dim3A_593 : f32 to vector<80x512xf32>
        %slice3A_595 = vector.extract_strided_slice %add3A_592 {offsets = [0, 0], sizes = [80, 512], strides = [1, 1]} : vector<80x1024xf32> to vector<80x512xf32>
        %concatenate3A_596 = tpu.concatenate %broadcast_in_dim3A_594, %slice3A_595 in 1 : vector<80x512xf32>, vector<80x512xf32> -> vector<80x1024xf32>
        %add3A_597 = arith.addf %add3A_592, %concatenate3A_596 : vector<80x1024xf32>
        %sub3A_598 = arith.subf %add3A_597, %convert_element_type3A_550 : vector<80x1024xf32>
        %get3A_599 = arith.constant 0 : index
        %get3A_600 = arith.constant 0 : index
        %get3A_601 = vector.load %arg10[%get3A_599, %get3A_600] : memref<80x1xf32, #tpu.memory_space<vmem>>, vector<80x1xf32>
        %gt3A = arith.constant 0.000000e+00 : f32
        %gt3A_602 = vector.broadcast %gt3A : f32 to vector<80x1024xf32>
        %gt3A_603 = arith.cmpf ogt, %convert_element_type3A_550, %gt3A_602 : vector<80x1024xf32>
        %add3A_604 = vector.broadcast %get3A_601 : vector<80x1xf32> to vector<80x1024xf32>
        %add3A_605 = arith.addf %add3A_604, %sub3A_598 : vector<80x1024xf32>
        %lt3A = arith.constant 3.200000e+01 : f32
        %lt3A_606 = vector.broadcast %lt3A : f32 to vector<80x1024xf32>
        %lt3A_607 = arith.cmpf olt, %add3A_605, %lt3A_606 : vector<80x1024xf32>
        %and3A = arith.andi %gt3A_603, %lt3A_607 : vector<80x1024xi1>
        %jit3A = arith.constant 1.000000e+00 : f32
        %jit3A_608 = arith.constant 0.000000e+00 : f32
        %broadcast_in_dim3A_609 = vector.broadcast %jit3A : f32 to vector<80x1024xf32>
        %broadcast_in_dim3A_610 = vector.broadcast %jit3A_608 : f32 to vector<80x1024xf32>
        %select_n3A = arith.select %and3A, %broadcast_in_dim3A_609, %broadcast_in_dim3A_610 : vector<80x1024xi1>, vector<80x1024xf32>
        %swap3A_611 = arith.constant 0 : index
        %swap3A_612 = arith.constant 4096 : index
        %swap3A_613 = vector.load %arg6[%swap3A_611, %swap3A_612] : memref<80x10000xf32, #tpu.memory_space<vmem>>, vector<80x1024xf32>
        tpu.vector_store %arg6[%swap3A_611, %swap3A_612], %select_n3A {strides = array<i32>} : memref<80x10000xf32, #tpu.memory_space<vmem>>, vector<80x1024xf32>,
        %reduce_sum3A_614 = arith.constant dense<0.000000e+00> : vector<80xf32>
        %reduce_sum3A_615 = vector.multi_reduction <add>, %convert_element_type3A_550, %reduce_sum3A_614 [1] : vector<80x1024xf32> to vector<80xf32>
        %broadcast_in_dim3A_616 = vector.shape_cast %reduce_sum3A_615 : vector<80xf32> to vector<80x1xf32>
        %add3A_617 = arith.addf %get3A_601, %broadcast_in_dim3A_616 : vector<80x1xf32>
        %swap3A_618 = arith.constant 0 : index
        %swap3A_619 = arith.constant 0 : index
        %swap3A_620 = vector.load %arg10[%swap3A_618, %swap3A_619] : memref<80x1xf32, #tpu.memory_space<vmem>>, vector<80x1xf32>
        tpu.vector_store %arg10[%swap3A_618, %swap3A_619], %add3A_617 {strides = array<i32>} : memref<80x1xf32, #tpu.memory_space<vmem>>, vector<80x1xf32>,
      } else {
      }
      %get3A_398 = arith.constant 0 : index
      %get3A_399 = arith.constant 0 : index
      %get3A_400 = vector.load %arg10[%get3A_398, %get3A_399] : memref<80x1xf32, #tpu.memory_space<vmem>>, vector<80x1xf32>
      %ge3A_401 = arith.constant 3.200000e+01 : f32
      %ge3A_402 = vector.broadcast %ge3A_401 : f32 to vector<80x1xf32>
      %ge3A_403 = arith.cmpf oge, %get3A_400, %ge3A_402 : vector<80x1xf32>
      %reduce_and3A_404 = arith.constant 1.000000e+00 : f32
      %reduce_and3A_405 = arith.constant 0.000000e+00 : f32
      %reduce_and3A_406 = vector.broadcast %reduce_and3A_404 : f32 to vector<80x1xf32>
      %reduce_and3A_407 = vector.broadcast %reduce_and3A_405 : f32 to vector<80x1xf32>
      %reduce_and3A_408 = arith.select %ge3A_403, %reduce_and3A_406, %reduce_and3A_407 : vector<80x1xi1>, vector<80x1xf32>
      %reduce_and3A_409 = vector.shape_cast %reduce_and3A_408 : vector<80x1xf32> to vector<1x80x1xf32>
      %reduce_and3A_410 = arith.constant dense<0x7F800000> : vector<1xf32>
      %reduce_and3A_411 = vector.multi_reduction <minimumf>, %reduce_and3A_409, %reduce_and3A_410 [1, 2] : vector<1x80x1xf32> to vector<1xf32>
      %reduce_and3A_412 = vector.shape_cast %reduce_and3A_411 : vector<1xf32> to vector<1x1x1xf32>
      %reduce_and3A_413 = vector.extract %reduce_and3A_412[0, 0, 0] : f32 from vector<1x1x1xf32>
      %reduce_and3A_414 = arith.constant 0.000000e+00 : f32
      %reduce_and3A_415 = arith.cmpf ogt, %reduce_and3A_413, %reduce_and3A_414 : f32
      %convert_element_type3A_416 = arith.extui %reduce_and3A_415 : i1 to i32
      %cond3A_417 = arith.constant 0 : i32
      %cond3A_418 = arith.cmpi ne, %convert_element_type3A_416, %cond3A_417 : i32
      scf.if %cond3A_418 {
        %broadcast_in_dim3A_528 = arith.constant 0.000000e+00 : f32
        %broadcast_in_dim3A_529 = vector.broadcast %broadcast_in_dim3A_528 : f32 to vector<80x1024xf32>
        %swap3A_530 = arith.constant 0 : index
        %swap3A_531 = arith.constant 5120 : index
        %swap3A_532 = vector.load %arg6[%swap3A_530, %swap3A_531] : memref<80x10000xf32, #tpu.memory_space<vmem>>, vector<80x1024xf32>
        tpu.vector_store %arg6[%swap3A_530, %swap3A_531], %broadcast_in_dim3A_529 {strides = array<i32>} : memref<80x10000xf32, #tpu.memory_space<vmem>>, vector<80x1024xf32>,
      } else {
      }
      %not3A_419 = arith.constant true
      %not3A_420 = arith.xori %reduce_and3A_415, %not3A_419 : i1
      %convert_element_type3A_421 = arith.extui %not3A_420 : i1 to i32
      %cond3A_422 = arith.constant 0 : i32
      %cond3A_423 = arith.cmpi ne, %convert_element_type3A_421, %cond3A_422 : i32
      scf.if %cond3A_423 {
        %get3A_528 = arith.constant 0 : index
        %get3A_529 = arith.constant 0 : index
        %get3A_530 = vector.load %arg2[%get3A_528, %get3A_529] : memref<80x128xf32, #tpu.memory_space<vmem>>, vector<80x128xf32>
        %get3A_531 = arith.constant 5120 : index
        %get3A_532 = arith.constant 0 : index
        %get3A_533 = vector.load %arg5[%get3A_531, %get3A_532] : memref<10000x128xf32, #tpu.memory_space<vmem>>, vector<1024x128xf32>
        %dot_general3A_534 = arith.constant dense<0.000000e+00> : vector<80x1024xf32>
        %dot_general3A_535 = tpu.matmul %get3A_530, %get3A_533, %dot_general3A_534 {dimension_numbers = #tpu.dot_dimension_numbers<[1], [1], [0], [0], [0, 0, 1, 0], [], []>, transpose_lhs_hint = false} : vector<80x128xf32>, vector<1024x128xf32>, vector<80x1024xf32> -> vector<80x1024xf32>
        %get3A_536 = arith.constant 0 : index
        %get3A_537 = arith.constant 0 : index
        %get3A_538 = vector.load %arg3[%get3A_536, %get3A_537] : memref<80x128xf32, #tpu.memory_space<vmem>>, vector<80x128xf32>
        %get3A_539 = arith.constant 5120 : index
        %get3A_540 = arith.constant 0 : index
        %get3A_541 = vector.load %arg4[%get3A_539, %get3A_540] : memref<10000x128xf32, #tpu.memory_space<vmem>>, vector<1024x128xf32>
        %dot_general3A_542 = arith.constant dense<0.000000e+00> : vector<80x1024xf32>
        %dot_general3A_543 = tpu.matmul %get3A_538, %get3A_541, %dot_general3A_542 {dimension_numbers = #tpu.dot_dimension_numbers<[1], [1], [0], [0], [0, 0, 1, 0], [], []>, transpose_lhs_hint = false} : vector<80x128xf32>, vector<1024x128xf32>, vector<80x1024xf32> -> vector<80x1024xf32>
        %sub3A_544 = arith.subf %dot_general3A_535, %dot_general3A_543 : vector<80x1024xf32>
        %mul3A_545 = vector.broadcast %get3A_1 : f32 to vector<80x1024xf32>
        %mul3A_546 = arith.mulf %mul3A_545, %sub3A_544 : vector<80x1024xf32>
        %ge3A_547 = vector.broadcast %get3A_6 : f32 to vector<80x1024xf32>
        %ge3A_548 = arith.cmpf oge, %mul3A_546, %ge3A_547 : vector<80x1024xf32>
        %convert_element_type3A_549 = arith.extui %ge3A_548 : vector<80x1024xi1> to vector<80x1024xi32>
        %convert_element_type3A_550 = arith.sitofp %convert_element_type3A_549 : vector<80x1024xi32> to vector<80x1024xf32>
        %broadcast_in_dim3A_551 = arith.constant 0.000000e+00 : f32
        %broadcast_in_dim3A_552 = vector.broadcast %broadcast_in_dim3A_551 : f32 to vector<80x1xf32>
        %slice3A = vector.extract_strided_slice %convert_element_type3A_550 {offsets = [0, 0], sizes = [80, 1023], strides = [1, 1]} : vector<80x1024xf32> to vector<80x1023xf32>
        %concatenate3A = tpu.concatenate %broadcast_in_dim3A_552, %slice3A in 1 : vector<80x1xf32>, vector<80x1023xf32> -> vector<80x1024xf32>
        %add3A = arith.addf %convert_element_type3A_550, %concatenate3A : vector<80x1024xf32>
        %broadcast_in_dim3A_553 = arith.constant 0.000000e+00 : f32
        %broadcast_in_dim3A_554 = vector.broadcast %broadcast_in_dim3A_553 : f32 to vector<80x2xf32>
        %slice3A_555 = vector.extract_strided_slice %add3A {offsets = [0, 0], sizes = [80, 1022], strides = [1, 1]} : vector<80x1024xf32> to vector<80x1022xf32>
        %concatenate3A_556 = tpu.concatenate %broadcast_in_dim3A_554, %slice3A_555 in 1 : vector<80x2xf32>, vector<80x1022xf32> -> vector<80x1024xf32>
        %add3A_557 = arith.addf %add3A, %concatenate3A_556 : vector<80x1024xf32>
        %broadcast_in_dim3A_558 = arith.constant 0.000000e+00 : f32
        %broadcast_in_dim3A_559 = vector.broadcast %broadcast_in_dim3A_558 : f32 to vector<80x4xf32>
        %slice3A_560 = vector.extract_strided_slice %add3A_557 {offsets = [0, 0], sizes = [80, 1020], strides = [1, 1]} : vector<80x1024xf32> to vector<80x1020xf32>
        %concatenate3A_561 = tpu.concatenate %broadcast_in_dim3A_559, %slice3A_560 in 1 : vector<80x4xf32>, vector<80x1020xf32> -> vector<80x1024xf32>
        %add3A_562 = arith.addf %add3A_557, %concatenate3A_561 : vector<80x1024xf32>
        %broadcast_in_dim3A_563 = arith.constant 0.000000e+00 : f32
        %broadcast_in_dim3A_564 = vector.broadcast %broadcast_in_dim3A_563 : f32 to vector<80x8xf32>
        %slice3A_565 = vector.extract_strided_slice %add3A_562 {offsets = [0, 0], sizes = [80, 1016], strides = [1, 1]} : vector<80x1024xf32> to vector<80x1016xf32>
        %concatenate3A_566 = tpu.concatenate %broadcast_in_dim3A_564, %slice3A_565 in 1 : vector<80x8xf32>, vector<80x1016xf32> -> vector<80x1024xf32>
        %add3A_567 = arith.addf %add3A_562, %concatenate3A_566 : vector<80x1024xf32>
        %broadcast_in_dim3A_568 = arith.constant 0.000000e+00 : f32
        %broadcast_in_dim3A_569 = vector.broadcast %broadcast_in_dim3A_568 : f32 to vector<80x16xf32>
        %slice3A_570 = vector.extract_strided_slice %add3A_567 {offsets = [0, 0], sizes = [80, 1008], strides = [1, 1]} : vector<80x1024xf32> to vector<80x1008xf32>
        %concatenate3A_571 = tpu.concatenate %broadcast_in_dim3A_569, %slice3A_570 in 1 : vector<80x16xf32>, vector<80x1008xf32> -> vector<80x1024xf32>
        %add3A_572 = arith.addf %add3A_567, %concatenate3A_571 : vector<80x1024xf32>
        %broadcast_in_dim3A_573 = arith.constant 0.000000e+00 : f32
        %broadcast_in_dim3A_574 = vector.broadcast %broadcast_in_dim3A_573 : f32 to vector<80x32xf32>
        %slice3A_575 = vector.extract_strided_slice %add3A_572 {offsets = [0, 0], sizes = [80, 992], strides = [1, 1]} : vector<80x1024xf32> to vector<80x992xf32>
        %concatenate3A_576 = tpu.concatenate %broadcast_in_dim3A_574, %slice3A_575 in 1 : vector<80x32xf32>, vector<80x992xf32> -> vector<80x1024xf32>
        %add3A_577 = arith.addf %add3A_572, %concatenate3A_576 : vector<80x1024xf32>
        %broadcast_in_dim3A_578 = arith.constant 0.000000e+00 : f32
        %broadcast_in_dim3A_579 = vector.broadcast %broadcast_in_dim3A_578 : f32 to vector<80x64xf32>
        %slice3A_580 = vector.extract_strided_slice %add3A_577 {offsets = [0, 0], sizes = [80, 960], strides = [1, 1]} : vector<80x1024xf32> to vector<80x960xf32>
        %concatenate3A_581 = tpu.concatenate %broadcast_in_dim3A_579, %slice3A_580 in 1 : vector<80x64xf32>, vector<80x960xf32> -> vector<80x1024xf32>
        %add3A_582 = arith.addf %add3A_577, %concatenate3A_581 : vector<80x1024xf32>
        %broadcast_in_dim3A_583 = arith.constant 0.000000e+00 : f32
        %broadcast_in_dim3A_584 = vector.broadcast %broadcast_in_dim3A_583 : f32 to vector<80x128xf32>
        %slice3A_585 = vector.extract_strided_slice %add3A_582 {offsets = [0, 0], sizes = [80, 896], strides = [1, 1]} : vector<80x1024xf32> to vector<80x896xf32>
        %concatenate3A_586 = tpu.concatenate %broadcast_in_dim3A_584, %slice3A_585 in 1 : vector<80x128xf32>, vector<80x896xf32> -> vector<80x1024xf32>
        %add3A_587 = arith.addf %add3A_582, %concatenate3A_586 : vector<80x1024xf32>
        %broadcast_in_dim3A_588 = arith.constant 0.000000e+00 : f32
        %broadcast_in_dim3A_589 = vector.broadcast %broadcast_in_dim3A_588 : f32 to vector<80x256xf32>
        %slice3A_590 = vector.extract_strided_slice %add3A_587 {offsets = [0, 0], sizes = [80, 768], strides = [1, 1]} : vector<80x1024xf32> to vector<80x768xf32>
        %concatenate3A_591 = tpu.concatenate %broadcast_in_dim3A_589, %slice3A_590 in 1 : vector<80x256xf32>, vector<80x768xf32> -> vector<80x1024xf32>
        %add3A_592 = arith.addf %add3A_587, %concatenate3A_591 : vector<80x1024xf32>
        %broadcast_in_dim3A_593 = arith.constant 0.000000e+00 : f32
        %broadcast_in_dim3A_594 = vector.broadcast %broadcast_in_dim3A_593 : f32 to vector<80x512xf32>
        %slice3A_595 = vector.extract_strided_slice %add3A_592 {offsets = [0, 0], sizes = [80, 512], strides = [1, 1]} : vector<80x1024xf32> to vector<80x512xf32>
        %concatenate3A_596 = tpu.concatenate %broadcast_in_dim3A_594, %slice3A_595 in 1 : vector<80x512xf32>, vector<80x512xf32> -> vector<80x1024xf32>
        %add3A_597 = arith.addf %add3A_592, %concatenate3A_596 : vector<80x1024xf32>
        %sub3A_598 = arith.subf %add3A_597, %convert_element_type3A_550 : vector<80x1024xf32>
        %get3A_599 = arith.constant 0 : index
        %get3A_600 = arith.constant 0 : index
        %get3A_601 = vector.load %arg10[%get3A_599, %get3A_600] : memref<80x1xf32, #tpu.memory_space<vmem>>, vector<80x1xf32>
        %gt3A = arith.constant 0.000000e+00 : f32
        %gt3A_602 = vector.broadcast %gt3A : f32 to vector<80x1024xf32>
        %gt3A_603 = arith.cmpf ogt, %convert_element_type3A_550, %gt3A_602 : vector<80x1024xf32>
        %add3A_604 = vector.broadcast %get3A_601 : vector<80x1xf32> to vector<80x1024xf32>
        %add3A_605 = arith.addf %add3A_604, %sub3A_598 : vector<80x1024xf32>
        %lt3A = arith.constant 3.200000e+01 : f32
        %lt3A_606 = vector.broadcast %lt3A : f32 to vector<80x1024xf32>
        %lt3A_607 = arith.cmpf olt, %add3A_605, %lt3A_606 : vector<80x1024xf32>
        %and3A = arith.andi %gt3A_603, %lt3A_607 : vector<80x1024xi1>
        %jit3A = arith.constant 1.000000e+00 : f32
        %jit3A_608 = arith.constant 0.000000e+00 : f32
        %broadcast_in_dim3A_609 = vector.broadcast %jit3A : f32 to vector<80x1024xf32>
        %broadcast_in_dim3A_610 = vector.broadcast %jit3A_608 : f32 to vector<80x1024xf32>
        %select_n3A = arith.select %and3A, %broadcast_in_dim3A_609, %broadcast_in_dim3A_610 : vector<80x1024xi1>, vector<80x1024xf32>
        %swap3A_611 = arith.constant 0 : index
        %swap3A_612 = arith.constant 5120 : index
        %swap3A_613 = vector.load %arg6[%swap3A_611, %swap3A_612] : memref<80x10000xf32, #tpu.memory_space<vmem>>, vector<80x1024xf32>
        tpu.vector_store %arg6[%swap3A_611, %swap3A_612], %select_n3A {strides = array<i32>} : memref<80x10000xf32, #tpu.memory_space<vmem>>, vector<80x1024xf32>,
        %reduce_sum3A_614 = arith.constant dense<0.000000e+00> : vector<80xf32>
        %reduce_sum3A_615 = vector.multi_reduction <add>, %convert_element_type3A_550, %reduce_sum3A_614 [1] : vector<80x1024xf32> to vector<80xf32>
        %broadcast_in_dim3A_616 = vector.shape_cast %reduce_sum3A_615 : vector<80xf32> to vector<80x1xf32>
        %add3A_617 = arith.addf %get3A_601, %broadcast_in_dim3A_616 : vector<80x1xf32>
        %swap3A_618 = arith.constant 0 : index
        %swap3A_619 = arith.constant 0 : index
        %swap3A_620 = vector.load %arg10[%swap3A_618, %swap3A_619] : memref<80x1xf32, #tpu.memory_space<vmem>>, vector<80x1xf32>
        tpu.vector_store %arg10[%swap3A_618, %swap3A_619], %add3A_617 {strides = array<i32>} : memref<80x1xf32, #tpu.memory_space<vmem>>, vector<80x1xf32>,
      } else {
      }
      %get3A_424 = arith.constant 0 : index
      %get3A_425 = arith.constant 0 : index
      %get3A_426 = vector.load %arg10[%get3A_424, %get3A_425] : memref<80x1xf32, #tpu.memory_space<vmem>>, vector<80x1xf32>
      %ge3A_427 = arith.constant 3.200000e+01 : f32
      %ge3A_428 = vector.broadcast %ge3A_427 : f32 to vector<80x1xf32>
      %ge3A_429 = arith.cmpf oge, %get3A_426, %ge3A_428 : vector<80x1xf32>
      %reduce_and3A_430 = arith.constant 1.000000e+00 : f32
      %reduce_and3A_431 = arith.constant 0.000000e+00 : f32
      %reduce_and3A_432 = vector.broadcast %reduce_and3A_430 : f32 to vector<80x1xf32>
      %reduce_and3A_433 = vector.broadcast %reduce_and3A_431 : f32 to vector<80x1xf32>
      %reduce_and3A_434 = arith.select %ge3A_429, %reduce_and3A_432, %reduce_and3A_433 : vector<80x1xi1>, vector<80x1xf32>
      %reduce_and3A_435 = vector.shape_cast %reduce_and3A_434 : vector<80x1xf32> to vector<1x80x1xf32>
      %reduce_and3A_436 = arith.constant dense<0x7F800000> : vector<1xf32>
      %reduce_and3A_437 = vector.multi_reduction <minimumf>, %reduce_and3A_435, %reduce_and3A_436 [1, 2] : vector<1x80x1xf32> to vector<1xf32>
      %reduce_and3A_438 = vector.shape_cast %reduce_and3A_437 : vector<1xf32> to vector<1x1x1xf32>
      %reduce_and3A_439 = vector.extract %reduce_and3A_438[0, 0, 0] : f32 from vector<1x1x1xf32>
      %reduce_and3A_440 = arith.constant 0.000000e+00 : f32
      %reduce_and3A_441 = arith.cmpf ogt, %reduce_and3A_439, %reduce_and3A_440 : f32
      %convert_element_type3A_442 = arith.extui %reduce_and3A_441 : i1 to i32
      %cond3A_443 = arith.constant 0 : i32
      %cond3A_444 = arith.cmpi ne, %convert_element_type3A_442, %cond3A_443 : i32
      scf.if %cond3A_444 {
        %broadcast_in_dim3A_528 = arith.constant 0.000000e+00 : f32
        %broadcast_in_dim3A_529 = vector.broadcast %broadcast_in_dim3A_528 : f32 to vector<80x1024xf32>
        %swap3A_530 = arith.constant 0 : index
        %swap3A_531 = arith.constant 6144 : index
        %swap3A_532 = vector.load %arg6[%swap3A_530, %swap3A_531] : memref<80x10000xf32, #tpu.memory_space<vmem>>, vector<80x1024xf32>
        tpu.vector_store %arg6[%swap3A_530, %swap3A_531], %broadcast_in_dim3A_529 {strides = array<i32>} : memref<80x10000xf32, #tpu.memory_space<vmem>>, vector<80x1024xf32>,
      } else {
      }
      %not3A_445 = arith.constant true
      %not3A_446 = arith.xori %reduce_and3A_441, %not3A_445 : i1
      %convert_element_type3A_447 = arith.extui %not3A_446 : i1 to i32
      %cond3A_448 = arith.constant 0 : i32
      %cond3A_449 = arith.cmpi ne, %convert_element_type3A_447, %cond3A_448 : i32
      scf.if %cond3A_449 {
        %get3A_528 = arith.constant 0 : index
        %get3A_529 = arith.constant 0 : index
        %get3A_530 = vector.load %arg2[%get3A_528, %get3A_529] : memref<80x128xf32, #tpu.memory_space<vmem>>, vector<80x128xf32>
        %get3A_531 = arith.constant 6144 : index
        %get3A_532 = arith.constant 0 : index
        %get3A_533 = vector.load %arg5[%get3A_531, %get3A_532] : memref<10000x128xf32, #tpu.memory_space<vmem>>, vector<1024x128xf32>
        %dot_general3A_534 = arith.constant dense<0.000000e+00> : vector<80x1024xf32>
        %dot_general3A_535 = tpu.matmul %get3A_530, %get3A_533, %dot_general3A_534 {dimension_numbers = #tpu.dot_dimension_numbers<[1], [1], [0], [0], [0, 0, 1, 0], [], []>, transpose_lhs_hint = false} : vector<80x128xf32>, vector<1024x128xf32>, vector<80x1024xf32> -> vector<80x1024xf32>
        %get3A_536 = arith.constant 0 : index
        %get3A_537 = arith.constant 0 : index
        %get3A_538 = vector.load %arg3[%get3A_536, %get3A_537] : memref<80x128xf32, #tpu.memory_space<vmem>>, vector<80x128xf32>
        %get3A_539 = arith.constant 6144 : index
        %get3A_540 = arith.constant 0 : index
        %get3A_541 = vector.load %arg4[%get3A_539, %get3A_540] : memref<10000x128xf32, #tpu.memory_space<vmem>>, vector<1024x128xf32>
        %dot_general3A_542 = arith.constant dense<0.000000e+00> : vector<80x1024xf32>
        %dot_general3A_543 = tpu.matmul %get3A_538, %get3A_541, %dot_general3A_542 {dimension_numbers = #tpu.dot_dimension_numbers<[1], [1], [0], [0], [0, 0, 1, 0], [], []>, transpose_lhs_hint = false} : vector<80x128xf32>, vector<1024x128xf32>, vector<80x1024xf32> -> vector<80x1024xf32>
        %sub3A_544 = arith.subf %dot_general3A_535, %dot_general3A_543 : vector<80x1024xf32>
        %mul3A_545 = vector.broadcast %get3A_1 : f32 to vector<80x1024xf32>
        %mul3A_546 = arith.mulf %mul3A_545, %sub3A_544 : vector<80x1024xf32>
        %ge3A_547 = vector.broadcast %get3A_6 : f32 to vector<80x1024xf32>
        %ge3A_548 = arith.cmpf oge, %mul3A_546, %ge3A_547 : vector<80x1024xf32>
        %convert_element_type3A_549 = arith.extui %ge3A_548 : vector<80x1024xi1> to vector<80x1024xi32>
        %convert_element_type3A_550 = arith.sitofp %convert_element_type3A_549 : vector<80x1024xi32> to vector<80x1024xf32>
        %broadcast_in_dim3A_551 = arith.constant 0.000000e+00 : f32
        %broadcast_in_dim3A_552 = vector.broadcast %broadcast_in_dim3A_551 : f32 to vector<80x1xf32>
        %slice3A = vector.extract_strided_slice %convert_element_type3A_550 {offsets = [0, 0], sizes = [80, 1023], strides = [1, 1]} : vector<80x1024xf32> to vector<80x1023xf32>
        %concatenate3A = tpu.concatenate %broadcast_in_dim3A_552, %slice3A in 1 : vector<80x1xf32>, vector<80x1023xf32> -> vector<80x1024xf32>
        %add3A = arith.addf %convert_element_type3A_550, %concatenate3A : vector<80x1024xf32>
        %broadcast_in_dim3A_553 = arith.constant 0.000000e+00 : f32
        %broadcast_in_dim3A_554 = vector.broadcast %broadcast_in_dim3A_553 : f32 to vector<80x2xf32>
        %slice3A_555 = vector.extract_strided_slice %add3A {offsets = [0, 0], sizes = [80, 1022], strides = [1, 1]} : vector<80x1024xf32> to vector<80x1022xf32>
        %concatenate3A_556 = tpu.concatenate %broadcast_in_dim3A_554, %slice3A_555 in 1 : vector<80x2xf32>, vector<80x1022xf32> -> vector<80x1024xf32>
        %add3A_557 = arith.addf %add3A, %concatenate3A_556 : vector<80x1024xf32>
        %broadcast_in_dim3A_558 = arith.constant 0.000000e+00 : f32
        %broadcast_in_dim3A_559 = vector.broadcast %broadcast_in_dim3A_558 : f32 to vector<80x4xf32>
        %slice3A_560 = vector.extract_strided_slice %add3A_557 {offsets = [0, 0], sizes = [80, 1020], strides = [1, 1]} : vector<80x1024xf32> to vector<80x1020xf32>
        %concatenate3A_561 = tpu.concatenate %broadcast_in_dim3A_559, %slice3A_560 in 1 : vector<80x4xf32>, vector<80x1020xf32> -> vector<80x1024xf32>
        %add3A_562 = arith.addf %add3A_557, %concatenate3A_561 : vector<80x1024xf32>
        %broadcast_in_dim3A_563 = arith.constant 0.000000e+00 : f32
        %broadcast_in_dim3A_564 = vector.broadcast %broadcast_in_dim3A_563 : f32 to vector<80x8xf32>
        %slice3A_565 = vector.extract_strided_slice %add3A_562 {offsets = [0, 0], sizes = [80, 1016], strides = [1, 1]} : vector<80x1024xf32> to vector<80x1016xf32>
        %concatenate3A_566 = tpu.concatenate %broadcast_in_dim3A_564, %slice3A_565 in 1 : vector<80x8xf32>, vector<80x1016xf32> -> vector<80x1024xf32>
        %add3A_567 = arith.addf %add3A_562, %concatenate3A_566 : vector<80x1024xf32>
        %broadcast_in_dim3A_568 = arith.constant 0.000000e+00 : f32
        %broadcast_in_dim3A_569 = vector.broadcast %broadcast_in_dim3A_568 : f32 to vector<80x16xf32>
        %slice3A_570 = vector.extract_strided_slice %add3A_567 {offsets = [0, 0], sizes = [80, 1008], strides = [1, 1]} : vector<80x1024xf32> to vector<80x1008xf32>
        %concatenate3A_571 = tpu.concatenate %broadcast_in_dim3A_569, %slice3A_570 in 1 : vector<80x16xf32>, vector<80x1008xf32> -> vector<80x1024xf32>
        %add3A_572 = arith.addf %add3A_567, %concatenate3A_571 : vector<80x1024xf32>
        %broadcast_in_dim3A_573 = arith.constant 0.000000e+00 : f32
        %broadcast_in_dim3A_574 = vector.broadcast %broadcast_in_dim3A_573 : f32 to vector<80x32xf32>
        %slice3A_575 = vector.extract_strided_slice %add3A_572 {offsets = [0, 0], sizes = [80, 992], strides = [1, 1]} : vector<80x1024xf32> to vector<80x992xf32>
        %concatenate3A_576 = tpu.concatenate %broadcast_in_dim3A_574, %slice3A_575 in 1 : vector<80x32xf32>, vector<80x992xf32> -> vector<80x1024xf32>
        %add3A_577 = arith.addf %add3A_572, %concatenate3A_576 : vector<80x1024xf32>
        %broadcast_in_dim3A_578 = arith.constant 0.000000e+00 : f32
        %broadcast_in_dim3A_579 = vector.broadcast %broadcast_in_dim3A_578 : f32 to vector<80x64xf32>
        %slice3A_580 = vector.extract_strided_slice %add3A_577 {offsets = [0, 0], sizes = [80, 960], strides = [1, 1]} : vector<80x1024xf32> to vector<80x960xf32>
        %concatenate3A_581 = tpu.concatenate %broadcast_in_dim3A_579, %slice3A_580 in 1 : vector<80x64xf32>, vector<80x960xf32> -> vector<80x1024xf32>
        %add3A_582 = arith.addf %add3A_577, %concatenate3A_581 : vector<80x1024xf32>
        %broadcast_in_dim3A_583 = arith.constant 0.000000e+00 : f32
        %broadcast_in_dim3A_584 = vector.broadcast %broadcast_in_dim3A_583 : f32 to vector<80x128xf32>
        %slice3A_585 = vector.extract_strided_slice %add3A_582 {offsets = [0, 0], sizes = [80, 896], strides = [1, 1]} : vector<80x1024xf32> to vector<80x896xf32>
        %concatenate3A_586 = tpu.concatenate %broadcast_in_dim3A_584, %slice3A_585 in 1 : vector<80x128xf32>, vector<80x896xf32> -> vector<80x1024xf32>
        %add3A_587 = arith.addf %add3A_582, %concatenate3A_586 : vector<80x1024xf32>
        %broadcast_in_dim3A_588 = arith.constant 0.000000e+00 : f32
        %broadcast_in_dim3A_589 = vector.broadcast %broadcast_in_dim3A_588 : f32 to vector<80x256xf32>
        %slice3A_590 = vector.extract_strided_slice %add3A_587 {offsets = [0, 0], sizes = [80, 768], strides = [1, 1]} : vector<80x1024xf32> to vector<80x768xf32>
        %concatenate3A_591 = tpu.concatenate %broadcast_in_dim3A_589, %slice3A_590 in 1 : vector<80x256xf32>, vector<80x768xf32> -> vector<80x1024xf32>
        %add3A_592 = arith.addf %add3A_587, %concatenate3A_591 : vector<80x1024xf32>
        %broadcast_in_dim3A_593 = arith.constant 0.000000e+00 : f32
        %broadcast_in_dim3A_594 = vector.broadcast %broadcast_in_dim3A_593 : f32 to vector<80x512xf32>
        %slice3A_595 = vector.extract_strided_slice %add3A_592 {offsets = [0, 0], sizes = [80, 512], strides = [1, 1]} : vector<80x1024xf32> to vector<80x512xf32>
        %concatenate3A_596 = tpu.concatenate %broadcast_in_dim3A_594, %slice3A_595 in 1 : vector<80x512xf32>, vector<80x512xf32> -> vector<80x1024xf32>
        %add3A_597 = arith.addf %add3A_592, %concatenate3A_596 : vector<80x1024xf32>
        %sub3A_598 = arith.subf %add3A_597, %convert_element_type3A_550 : vector<80x1024xf32>
        %get3A_599 = arith.constant 0 : index
        %get3A_600 = arith.constant 0 : index
        %get3A_601 = vector.load %arg10[%get3A_599, %get3A_600] : memref<80x1xf32, #tpu.memory_space<vmem>>, vector<80x1xf32>
        %gt3A = arith.constant 0.000000e+00 : f32
        %gt3A_602 = vector.broadcast %gt3A : f32 to vector<80x1024xf32>
        %gt3A_603 = arith.cmpf ogt, %convert_element_type3A_550, %gt3A_602 : vector<80x1024xf32>
        %add3A_604 = vector.broadcast %get3A_601 : vector<80x1xf32> to vector<80x1024xf32>
        %add3A_605 = arith.addf %add3A_604, %sub3A_598 : vector<80x1024xf32>
        %lt3A = arith.constant 3.200000e+01 : f32
        %lt3A_606 = vector.broadcast %lt3A : f32 to vector<80x1024xf32>
        %lt3A_607 = arith.cmpf olt, %add3A_605, %lt3A_606 : vector<80x1024xf32>
        %and3A = arith.andi %gt3A_603, %lt3A_607 : vector<80x1024xi1>
        %jit3A = arith.constant 1.000000e+00 : f32
        %jit3A_608 = arith.constant 0.000000e+00 : f32
        %broadcast_in_dim3A_609 = vector.broadcast %jit3A : f32 to vector<80x1024xf32>
        %broadcast_in_dim3A_610 = vector.broadcast %jit3A_608 : f32 to vector<80x1024xf32>
        %select_n3A = arith.select %and3A, %broadcast_in_dim3A_609, %broadcast_in_dim3A_610 : vector<80x1024xi1>, vector<80x1024xf32>
        %swap3A_611 = arith.constant 0 : index
        %swap3A_612 = arith.constant 6144 : index
        %swap3A_613 = vector.load %arg6[%swap3A_611, %swap3A_612] : memref<80x10000xf32, #tpu.memory_space<vmem>>, vector<80x1024xf32>
        tpu.vector_store %arg6[%swap3A_611, %swap3A_612], %select_n3A {strides = array<i32>} : memref<80x10000xf32, #tpu.memory_space<vmem>>, vector<80x1024xf32>,
        %reduce_sum3A_614 = arith.constant dense<0.000000e+00> : vector<80xf32>
        %reduce_sum3A_615 = vector.multi_reduction <add>, %convert_element_type3A_550, %reduce_sum3A_614 [1] : vector<80x1024xf32> to vector<80xf32>
        %broadcast_in_dim3A_616 = vector.shape_cast %reduce_sum3A_615 : vector<80xf32> to vector<80x1xf32>
        %add3A_617 = arith.addf %get3A_601, %broadcast_in_dim3A_616 : vector<80x1xf32>
        %swap3A_618 = arith.constant 0 : index
        %swap3A_619 = arith.constant 0 : index
        %swap3A_620 = vector.load %arg10[%swap3A_618, %swap3A_619] : memref<80x1xf32, #tpu.memory_space<vmem>>, vector<80x1xf32>
        tpu.vector_store %arg10[%swap3A_618, %swap3A_619], %add3A_617 {strides = array<i32>} : memref<80x1xf32, #tpu.memory_space<vmem>>, vector<80x1xf32>,
      } else {
      }
      %get3A_450 = arith.constant 0 : index
      %get3A_451 = arith.constant 0 : index
      %get3A_452 = vector.load %arg10[%get3A_450, %get3A_451] : memref<80x1xf32, #tpu.memory_space<vmem>>, vector<80x1xf32>
      %ge3A_453 = arith.constant 3.200000e+01 : f32
      %ge3A_454 = vector.broadcast %ge3A_453 : f32 to vector<80x1xf32>
      %ge3A_455 = arith.cmpf oge, %get3A_452, %ge3A_454 : vector<80x1xf32>
      %reduce_and3A_456 = arith.constant 1.000000e+00 : f32
      %reduce_and3A_457 = arith.constant 0.000000e+00 : f32
      %reduce_and3A_458 = vector.broadcast %reduce_and3A_456 : f32 to vector<80x1xf32>
      %reduce_and3A_459 = vector.broadcast %reduce_and3A_457 : f32 to vector<80x1xf32>
      %reduce_and3A_460 = arith.select %ge3A_455, %reduce_and3A_458, %reduce_and3A_459 : vector<80x1xi1>, vector<80x1xf32>
      %reduce_and3A_461 = vector.shape_cast %reduce_and3A_460 : vector<80x1xf32> to vector<1x80x1xf32>
      %reduce_and3A_462 = arith.constant dense<0x7F800000> : vector<1xf32>
      %reduce_and3A_463 = vector.multi_reduction <minimumf>, %reduce_and3A_461, %reduce_and3A_462 [1, 2] : vector<1x80x1xf32> to vector<1xf32>
      %reduce_and3A_464 = vector.shape_cast %reduce_and3A_463 : vector<1xf32> to vector<1x1x1xf32>
      %reduce_and3A_465 = vector.extract %reduce_and3A_464[0, 0, 0] : f32 from vector<1x1x1xf32>
      %reduce_and3A_466 = arith.constant 0.000000e+00 : f32
      %reduce_and3A_467 = arith.cmpf ogt, %reduce_and3A_465, %reduce_and3A_466 : f32
      %convert_element_type3A_468 = arith.extui %reduce_and3A_467 : i1 to i32
      %cond3A_469 = arith.constant 0 : i32
      %cond3A_470 = arith.cmpi ne, %convert_element_type3A_468, %cond3A_469 : i32
      scf.if %cond3A_470 {
        %broadcast_in_dim3A_528 = arith.constant 0.000000e+00 : f32
        %broadcast_in_dim3A_529 = vector.broadcast %broadcast_in_dim3A_528 : f32 to vector<80x1024xf32>
        %swap3A_530 = arith.constant 0 : index
        %swap3A_531 = arith.constant 7168 : index
        %swap3A_532 = vector.load %arg6[%swap3A_530, %swap3A_531] : memref<80x10000xf32, #tpu.memory_space<vmem>>, vector<80x1024xf32>
        tpu.vector_store %arg6[%swap3A_530, %swap3A_531], %broadcast_in_dim3A_529 {strides = array<i32>} : memref<80x10000xf32, #tpu.memory_space<vmem>>, vector<80x1024xf32>,
      } else {
      }
      %not3A_471 = arith.constant true
      %not3A_472 = arith.xori %reduce_and3A_467, %not3A_471 : i1
      %convert_element_type3A_473 = arith.extui %not3A_472 : i1 to i32
      %cond3A_474 = arith.constant 0 : i32
      %cond3A_475 = arith.cmpi ne, %convert_element_type3A_473, %cond3A_474 : i32
      scf.if %cond3A_475 {
        %get3A_528 = arith.constant 0 : index
        %get3A_529 = arith.constant 0 : index
        %get3A_530 = vector.load %arg2[%get3A_528, %get3A_529] : memref<80x128xf32, #tpu.memory_space<vmem>>, vector<80x128xf32>
        %get3A_531 = arith.constant 7168 : index
        %get3A_532 = arith.constant 0 : index
        %get3A_533 = vector.load %arg5[%get3A_531, %get3A_532] : memref<10000x128xf32, #tpu.memory_space<vmem>>, vector<1024x128xf32>
        %dot_general3A_534 = arith.constant dense<0.000000e+00> : vector<80x1024xf32>
        %dot_general3A_535 = tpu.matmul %get3A_530, %get3A_533, %dot_general3A_534 {dimension_numbers = #tpu.dot_dimension_numbers<[1], [1], [0], [0], [0, 0, 1, 0], [], []>, transpose_lhs_hint = false} : vector<80x128xf32>, vector<1024x128xf32>, vector<80x1024xf32> -> vector<80x1024xf32>
        %get3A_536 = arith.constant 0 : index
        %get3A_537 = arith.constant 0 : index
        %get3A_538 = vector.load %arg3[%get3A_536, %get3A_537] : memref<80x128xf32, #tpu.memory_space<vmem>>, vector<80x128xf32>
        %get3A_539 = arith.constant 7168 : index
        %get3A_540 = arith.constant 0 : index
        %get3A_541 = vector.load %arg4[%get3A_539, %get3A_540] : memref<10000x128xf32, #tpu.memory_space<vmem>>, vector<1024x128xf32>
        %dot_general3A_542 = arith.constant dense<0.000000e+00> : vector<80x1024xf32>
        %dot_general3A_543 = tpu.matmul %get3A_538, %get3A_541, %dot_general3A_542 {dimension_numbers = #tpu.dot_dimension_numbers<[1], [1], [0], [0], [0, 0, 1, 0], [], []>, transpose_lhs_hint = false} : vector<80x128xf32>, vector<1024x128xf32>, vector<80x1024xf32> -> vector<80x1024xf32>
        %sub3A_544 = arith.subf %dot_general3A_535, %dot_general3A_543 : vector<80x1024xf32>
        %mul3A_545 = vector.broadcast %get3A_1 : f32 to vector<80x1024xf32>
        %mul3A_546 = arith.mulf %mul3A_545, %sub3A_544 : vector<80x1024xf32>
        %ge3A_547 = vector.broadcast %get3A_6 : f32 to vector<80x1024xf32>
        %ge3A_548 = arith.cmpf oge, %mul3A_546, %ge3A_547 : vector<80x1024xf32>
        %convert_element_type3A_549 = arith.extui %ge3A_548 : vector<80x1024xi1> to vector<80x1024xi32>
        %convert_element_type3A_550 = arith.sitofp %convert_element_type3A_549 : vector<80x1024xi32> to vector<80x1024xf32>
        %broadcast_in_dim3A_551 = arith.constant 0.000000e+00 : f32
        %broadcast_in_dim3A_552 = vector.broadcast %broadcast_in_dim3A_551 : f32 to vector<80x1xf32>
        %slice3A = vector.extract_strided_slice %convert_element_type3A_550 {offsets = [0, 0], sizes = [80, 1023], strides = [1, 1]} : vector<80x1024xf32> to vector<80x1023xf32>
        %concatenate3A = tpu.concatenate %broadcast_in_dim3A_552, %slice3A in 1 : vector<80x1xf32>, vector<80x1023xf32> -> vector<80x1024xf32>
        %add3A = arith.addf %convert_element_type3A_550, %concatenate3A : vector<80x1024xf32>
        %broadcast_in_dim3A_553 = arith.constant 0.000000e+00 : f32
        %broadcast_in_dim3A_554 = vector.broadcast %broadcast_in_dim3A_553 : f32 to vector<80x2xf32>
        %slice3A_555 = vector.extract_strided_slice %add3A {offsets = [0, 0], sizes = [80, 1022], strides = [1, 1]} : vector<80x1024xf32> to vector<80x1022xf32>
        %concatenate3A_556 = tpu.concatenate %broadcast_in_dim3A_554, %slice3A_555 in 1 : vector<80x2xf32>, vector<80x1022xf32> -> vector<80x1024xf32>
        %add3A_557 = arith.addf %add3A, %concatenate3A_556 : vector<80x1024xf32>
        %broadcast_in_dim3A_558 = arith.constant 0.000000e+00 : f32
        %broadcast_in_dim3A_559 = vector.broadcast %broadcast_in_dim3A_558 : f32 to vector<80x4xf32>
        %slice3A_560 = vector.extract_strided_slice %add3A_557 {offsets = [0, 0], sizes = [80, 1020], strides = [1, 1]} : vector<80x1024xf32> to vector<80x1020xf32>
        %concatenate3A_561 = tpu.concatenate %broadcast_in_dim3A_559, %slice3A_560 in 1 : vector<80x4xf32>, vector<80x1020xf32> -> vector<80x1024xf32>
        %add3A_562 = arith.addf %add3A_557, %concatenate3A_561 : vector<80x1024xf32>
        %broadcast_in_dim3A_563 = arith.constant 0.000000e+00 : f32
        %broadcast_in_dim3A_564 = vector.broadcast %broadcast_in_dim3A_563 : f32 to vector<80x8xf32>
        %slice3A_565 = vector.extract_strided_slice %add3A_562 {offsets = [0, 0], sizes = [80, 1016], strides = [1, 1]} : vector<80x1024xf32> to vector<80x1016xf32>
        %concatenate3A_566 = tpu.concatenate %broadcast_in_dim3A_564, %slice3A_565 in 1 : vector<80x8xf32>, vector<80x1016xf32> -> vector<80x1024xf32>
        %add3A_567 = arith.addf %add3A_562, %concatenate3A_566 : vector<80x1024xf32>
        %broadcast_in_dim3A_568 = arith.constant 0.000000e+00 : f32
        %broadcast_in_dim3A_569 = vector.broadcast %broadcast_in_dim3A_568 : f32 to vector<80x16xf32>
        %slice3A_570 = vector.extract_strided_slice %add3A_567 {offsets = [0, 0], sizes = [80, 1008], strides = [1, 1]} : vector<80x1024xf32> to vector<80x1008xf32>
        %concatenate3A_571 = tpu.concatenate %broadcast_in_dim3A_569, %slice3A_570 in 1 : vector<80x16xf32>, vector<80x1008xf32> -> vector<80x1024xf32>
        %add3A_572 = arith.addf %add3A_567, %concatenate3A_571 : vector<80x1024xf32>
        %broadcast_in_dim3A_573 = arith.constant 0.000000e+00 : f32
        %broadcast_in_dim3A_574 = vector.broadcast %broadcast_in_dim3A_573 : f32 to vector<80x32xf32>
        %slice3A_575 = vector.extract_strided_slice %add3A_572 {offsets = [0, 0], sizes = [80, 992], strides = [1, 1]} : vector<80x1024xf32> to vector<80x992xf32>
        %concatenate3A_576 = tpu.concatenate %broadcast_in_dim3A_574, %slice3A_575 in 1 : vector<80x32xf32>, vector<80x992xf32> -> vector<80x1024xf32>
        %add3A_577 = arith.addf %add3A_572, %concatenate3A_576 : vector<80x1024xf32>
        %broadcast_in_dim3A_578 = arith.constant 0.000000e+00 : f32
        %broadcast_in_dim3A_579 = vector.broadcast %broadcast_in_dim3A_578 : f32 to vector<80x64xf32>
        %slice3A_580 = vector.extract_strided_slice %add3A_577 {offsets = [0, 0], sizes = [80, 960], strides = [1, 1]} : vector<80x1024xf32> to vector<80x960xf32>
        %concatenate3A_581 = tpu.concatenate %broadcast_in_dim3A_579, %slice3A_580 in 1 : vector<80x64xf32>, vector<80x960xf32> -> vector<80x1024xf32>
        %add3A_582 = arith.addf %add3A_577, %concatenate3A_581 : vector<80x1024xf32>
        %broadcast_in_dim3A_583 = arith.constant 0.000000e+00 : f32
        %broadcast_in_dim3A_584 = vector.broadcast %broadcast_in_dim3A_583 : f32 to vector<80x128xf32>
        %slice3A_585 = vector.extract_strided_slice %add3A_582 {offsets = [0, 0], sizes = [80, 896], strides = [1, 1]} : vector<80x1024xf32> to vector<80x896xf32>
        %concatenate3A_586 = tpu.concatenate %broadcast_in_dim3A_584, %slice3A_585 in 1 : vector<80x128xf32>, vector<80x896xf32> -> vector<80x1024xf32>
        %add3A_587 = arith.addf %add3A_582, %concatenate3A_586 : vector<80x1024xf32>
        %broadcast_in_dim3A_588 = arith.constant 0.000000e+00 : f32
        %broadcast_in_dim3A_589 = vector.broadcast %broadcast_in_dim3A_588 : f32 to vector<80x256xf32>
        %slice3A_590 = vector.extract_strided_slice %add3A_587 {offsets = [0, 0], sizes = [80, 768], strides = [1, 1]} : vector<80x1024xf32> to vector<80x768xf32>
        %concatenate3A_591 = tpu.concatenate %broadcast_in_dim3A_589, %slice3A_590 in 1 : vector<80x256xf32>, vector<80x768xf32> -> vector<80x1024xf32>
        %add3A_592 = arith.addf %add3A_587, %concatenate3A_591 : vector<80x1024xf32>
        %broadcast_in_dim3A_593 = arith.constant 0.000000e+00 : f32
        %broadcast_in_dim3A_594 = vector.broadcast %broadcast_in_dim3A_593 : f32 to vector<80x512xf32>
        %slice3A_595 = vector.extract_strided_slice %add3A_592 {offsets = [0, 0], sizes = [80, 512], strides = [1, 1]} : vector<80x1024xf32> to vector<80x512xf32>
        %concatenate3A_596 = tpu.concatenate %broadcast_in_dim3A_594, %slice3A_595 in 1 : vector<80x512xf32>, vector<80x512xf32> -> vector<80x1024xf32>
        %add3A_597 = arith.addf %add3A_592, %concatenate3A_596 : vector<80x1024xf32>
        %sub3A_598 = arith.subf %add3A_597, %convert_element_type3A_550 : vector<80x1024xf32>
        %get3A_599 = arith.constant 0 : index
        %get3A_600 = arith.constant 0 : index
        %get3A_601 = vector.load %arg10[%get3A_599, %get3A_600] : memref<80x1xf32, #tpu.memory_space<vmem>>, vector<80x1xf32>
        %gt3A = arith.constant 0.000000e+00 : f32
        %gt3A_602 = vector.broadcast %gt3A : f32 to vector<80x1024xf32>
        %gt3A_603 = arith.cmpf ogt, %convert_element_type3A_550, %gt3A_602 : vector<80x1024xf32>
        %add3A_604 = vector.broadcast %get3A_601 : vector<80x1xf32> to vector<80x1024xf32>
        %add3A_605 = arith.addf %add3A_604, %sub3A_598 : vector<80x1024xf32>
        %lt3A = arith.constant 3.200000e+01 : f32
        %lt3A_606 = vector.broadcast %lt3A : f32 to vector<80x1024xf32>
        %lt3A_607 = arith.cmpf olt, %add3A_605, %lt3A_606 : vector<80x1024xf32>
        %and3A = arith.andi %gt3A_603, %lt3A_607 : vector<80x1024xi1>
        %jit3A = arith.constant 1.000000e+00 : f32
        %jit3A_608 = arith.constant 0.000000e+00 : f32
        %broadcast_in_dim3A_609 = vector.broadcast %jit3A : f32 to vector<80x1024xf32>
        %broadcast_in_dim3A_610 = vector.broadcast %jit3A_608 : f32 to vector<80x1024xf32>
        %select_n3A = arith.select %and3A, %broadcast_in_dim3A_609, %broadcast_in_dim3A_610 : vector<80x1024xi1>, vector<80x1024xf32>
        %swap3A_611 = arith.constant 0 : index
        %swap3A_612 = arith.constant 7168 : index
        %swap3A_613 = vector.load %arg6[%swap3A_611, %swap3A_612] : memref<80x10000xf32, #tpu.memory_space<vmem>>, vector<80x1024xf32>
        tpu.vector_store %arg6[%swap3A_611, %swap3A_612], %select_n3A {strides = array<i32>} : memref<80x10000xf32, #tpu.memory_space<vmem>>, vector<80x1024xf32>,
        %reduce_sum3A_614 = arith.constant dense<0.000000e+00> : vector<80xf32>
        %reduce_sum3A_615 = vector.multi_reduction <add>, %convert_element_type3A_550, %reduce_sum3A_614 [1] : vector<80x1024xf32> to vector<80xf32>
        %broadcast_in_dim3A_616 = vector.shape_cast %reduce_sum3A_615 : vector<80xf32> to vector<80x1xf32>
        %add3A_617 = arith.addf %get3A_601, %broadcast_in_dim3A_616 : vector<80x1xf32>
        %swap3A_618 = arith.constant 0 : index
        %swap3A_619 = arith.constant 0 : index
        %swap3A_620 = vector.load %arg10[%swap3A_618, %swap3A_619] : memref<80x1xf32, #tpu.memory_space<vmem>>, vector<80x1xf32>
        tpu.vector_store %arg10[%swap3A_618, %swap3A_619], %add3A_617 {strides = array<i32>} : memref<80x1xf32, #tpu.memory_space<vmem>>, vector<80x1xf32>,
      } else {
      }
      %get3A_476 = arith.constant 0 : index
      %get3A_477 = arith.constant 0 : index
      %get3A_478 = vector.load %arg10[%get3A_476, %get3A_477] : memref<80x1xf32, #tpu.memory_space<vmem>>, vector<80x1xf32>
      %ge3A_479 = arith.constant 3.200000e+01 : f32
      %ge3A_480 = vector.broadcast %ge3A_479 : f32 to vector<80x1xf32>
      %ge3A_481 = arith.cmpf oge, %get3A_478, %ge3A_480 : vector<80x1xf32>
      %reduce_and3A_482 = arith.constant 1.000000e+00 : f32
      %reduce_and3A_483 = arith.constant 0.000000e+00 : f32
      %reduce_and3A_484 = vector.broadcast %reduce_and3A_482 : f32 to vector<80x1xf32>
      %reduce_and3A_485 = vector.broadcast %reduce_and3A_483 : f32 to vector<80x1xf32>
      %reduce_and3A_486 = arith.select %ge3A_481, %reduce_and3A_484, %reduce_and3A_485 : vector<80x1xi1>, vector<80x1xf32>
      %reduce_and3A_487 = vector.shape_cast %reduce_and3A_486 : vector<80x1xf32> to vector<1x80x1xf32>
      %reduce_and3A_488 = arith.constant dense<0x7F800000> : vector<1xf32>
      %reduce_and3A_489 = vector.multi_reduction <minimumf>, %reduce_and3A_487, %reduce_and3A_488 [1, 2] : vector<1x80x1xf32> to vector<1xf32>
      %reduce_and3A_490 = vector.shape_cast %reduce_and3A_489 : vector<1xf32> to vector<1x1x1xf32>
      %reduce_and3A_491 = vector.extract %reduce_and3A_490[0, 0, 0] : f32 from vector<1x1x1xf32>
      %reduce_and3A_492 = arith.constant 0.000000e+00 : f32
      %reduce_and3A_493 = arith.cmpf ogt, %reduce_and3A_491, %reduce_and3A_492 : f32
      %convert_element_type3A_494 = arith.extui %reduce_and3A_493 : i1 to i32
      %cond3A_495 = arith.constant 0 : i32
      %cond3A_496 = arith.cmpi ne, %convert_element_type3A_494, %cond3A_495 : i32
      scf.if %cond3A_496 {
        %broadcast_in_dim3A_528 = arith.constant 0.000000e+00 : f32
        %broadcast_in_dim3A_529 = vector.broadcast %broadcast_in_dim3A_528 : f32 to vector<80x1024xf32>
        %swap3A_530 = arith.constant 0 : index
        %swap3A_531 = arith.constant 8192 : index
        %swap3A_532 = vector.load %arg6[%swap3A_530, %swap3A_531] : memref<80x10000xf32, #tpu.memory_space<vmem>>, vector<80x1024xf32>
        tpu.vector_store %arg6[%swap3A_530, %swap3A_531], %broadcast_in_dim3A_529 {strides = array<i32>} : memref<80x10000xf32, #tpu.memory_space<vmem>>, vector<80x1024xf32>,
      } else {
      }
      %not3A_497 = arith.constant true
      %not3A_498 = arith.xori %reduce_and3A_493, %not3A_497 : i1
      %convert_element_type3A_499 = arith.extui %not3A_498 : i1 to i32
      %cond3A_500 = arith.constant 0 : i32
      %cond3A_501 = arith.cmpi ne, %convert_element_type3A_499, %cond3A_500 : i32
      scf.if %cond3A_501 {
        %get3A_528 = arith.constant 0 : index
        %get3A_529 = arith.constant 0 : index
        %get3A_530 = vector.load %arg2[%get3A_528, %get3A_529] : memref<80x128xf32, #tpu.memory_space<vmem>>, vector<80x128xf32>
        %get3A_531 = arith.constant 8192 : index
        %get3A_532 = arith.constant 0 : index
        %get3A_533 = vector.load %arg5[%get3A_531, %get3A_532] : memref<10000x128xf32, #tpu.memory_space<vmem>>, vector<1024x128xf32>
        %dot_general3A_534 = arith.constant dense<0.000000e+00> : vector<80x1024xf32>
        %dot_general3A_535 = tpu.matmul %get3A_530, %get3A_533, %dot_general3A_534 {dimension_numbers = #tpu.dot_dimension_numbers<[1], [1], [0], [0], [0, 0, 1, 0], [], []>, transpose_lhs_hint = false} : vector<80x128xf32>, vector<1024x128xf32>, vector<80x1024xf32> -> vector<80x1024xf32>
        %get3A_536 = arith.constant 0 : index
        %get3A_537 = arith.constant 0 : index
        %get3A_538 = vector.load %arg3[%get3A_536, %get3A_537] : memref<80x128xf32, #tpu.memory_space<vmem>>, vector<80x128xf32>
        %get3A_539 = arith.constant 8192 : index
        %get3A_540 = arith.constant 0 : index
        %get3A_541 = vector.load %arg4[%get3A_539, %get3A_540] : memref<10000x128xf32, #tpu.memory_space<vmem>>, vector<1024x128xf32>
        %dot_general3A_542 = arith.constant dense<0.000000e+00> : vector<80x1024xf32>
        %dot_general3A_543 = tpu.matmul %get3A_538, %get3A_541, %dot_general3A_542 {dimension_numbers = #tpu.dot_dimension_numbers<[1], [1], [0], [0], [0, 0, 1, 0], [], []>, transpose_lhs_hint = false} : vector<80x128xf32>, vector<1024x128xf32>, vector<80x1024xf32> -> vector<80x1024xf32>
        %sub3A_544 = arith.subf %dot_general3A_535, %dot_general3A_543 : vector<80x1024xf32>
        %mul3A_545 = vector.broadcast %get3A_1 : f32 to vector<80x1024xf32>
        %mul3A_546 = arith.mulf %mul3A_545, %sub3A_544 : vector<80x1024xf32>
        %ge3A_547 = vector.broadcast %get3A_6 : f32 to vector<80x1024xf32>
        %ge3A_548 = arith.cmpf oge, %mul3A_546, %ge3A_547 : vector<80x1024xf32>
        %convert_element_type3A_549 = arith.extui %ge3A_548 : vector<80x1024xi1> to vector<80x1024xi32>
        %convert_element_type3A_550 = arith.sitofp %convert_element_type3A_549 : vector<80x1024xi32> to vector<80x1024xf32>
        %broadcast_in_dim3A_551 = arith.constant 0.000000e+00 : f32
        %broadcast_in_dim3A_552 = vector.broadcast %broadcast_in_dim3A_551 : f32 to vector<80x1xf32>
        %slice3A = vector.extract_strided_slice %convert_element_type3A_550 {offsets = [0, 0], sizes = [80, 1023], strides = [1, 1]} : vector<80x1024xf32> to vector<80x1023xf32>
        %concatenate3A = tpu.concatenate %broadcast_in_dim3A_552, %slice3A in 1 : vector<80x1xf32>, vector<80x1023xf32> -> vector<80x1024xf32>
        %add3A = arith.addf %convert_element_type3A_550, %concatenate3A : vector<80x1024xf32>
        %broadcast_in_dim3A_553 = arith.constant 0.000000e+00 : f32
        %broadcast_in_dim3A_554 = vector.broadcast %broadcast_in_dim3A_553 : f32 to vector<80x2xf32>
        %slice3A_555 = vector.extract_strided_slice %add3A {offsets = [0, 0], sizes = [80, 1022], strides = [1, 1]} : vector<80x1024xf32> to vector<80x1022xf32>
        %concatenate3A_556 = tpu.concatenate %broadcast_in_dim3A_554, %slice3A_555 in 1 : vector<80x2xf32>, vector<80x1022xf32> -> vector<80x1024xf32>
        %add3A_557 = arith.addf %add3A, %concatenate3A_556 : vector<80x1024xf32>
        %broadcast_in_dim3A_558 = arith.constant 0.000000e+00 : f32
        %broadcast_in_dim3A_559 = vector.broadcast %broadcast_in_dim3A_558 : f32 to vector<80x4xf32>
        %slice3A_560 = vector.extract_strided_slice %add3A_557 {offsets = [0, 0], sizes = [80, 1020], strides = [1, 1]} : vector<80x1024xf32> to vector<80x1020xf32>
        %concatenate3A_561 = tpu.concatenate %broadcast_in_dim3A_559, %slice3A_560 in 1 : vector<80x4xf32>, vector<80x1020xf32> -> vector<80x1024xf32>
        %add3A_562 = arith.addf %add3A_557, %concatenate3A_561 : vector<80x1024xf32>
        %broadcast_in_dim3A_563 = arith.constant 0.000000e+00 : f32
        %broadcast_in_dim3A_564 = vector.broadcast %broadcast_in_dim3A_563 : f32 to vector<80x8xf32>
        %slice3A_565 = vector.extract_strided_slice %add3A_562 {offsets = [0, 0], sizes = [80, 1016], strides = [1, 1]} : vector<80x1024xf32> to vector<80x1016xf32>
        %concatenate3A_566 = tpu.concatenate %broadcast_in_dim3A_564, %slice3A_565 in 1 : vector<80x8xf32>, vector<80x1016xf32> -> vector<80x1024xf32>
        %add3A_567 = arith.addf %add3A_562, %concatenate3A_566 : vector<80x1024xf32>
        %broadcast_in_dim3A_568 = arith.constant 0.000000e+00 : f32
        %broadcast_in_dim3A_569 = vector.broadcast %broadcast_in_dim3A_568 : f32 to vector<80x16xf32>
        %slice3A_570 = vector.extract_strided_slice %add3A_567 {offsets = [0, 0], sizes = [80, 1008], strides = [1, 1]} : vector<80x1024xf32> to vector<80x1008xf32>
        %concatenate3A_571 = tpu.concatenate %broadcast_in_dim3A_569, %slice3A_570 in 1 : vector<80x16xf32>, vector<80x1008xf32> -> vector<80x1024xf32>
        %add3A_572 = arith.addf %add3A_567, %concatenate3A_571 : vector<80x1024xf32>
        %broadcast_in_dim3A_573 = arith.constant 0.000000e+00 : f32
        %broadcast_in_dim3A_574 = vector.broadcast %broadcast_in_dim3A_573 : f32 to vector<80x32xf32>
        %slice3A_575 = vector.extract_strided_slice %add3A_572 {offsets = [0, 0], sizes = [80, 992], strides = [1, 1]} : vector<80x1024xf32> to vector<80x992xf32>
        %concatenate3A_576 = tpu.concatenate %broadcast_in_dim3A_574, %slice3A_575 in 1 : vector<80x32xf32>, vector<80x992xf32> -> vector<80x1024xf32>
        %add3A_577 = arith.addf %add3A_572, %concatenate3A_576 : vector<80x1024xf32>
        %broadcast_in_dim3A_578 = arith.constant 0.000000e+00 : f32
        %broadcast_in_dim3A_579 = vector.broadcast %broadcast_in_dim3A_578 : f32 to vector<80x64xf32>
        %slice3A_580 = vector.extract_strided_slice %add3A_577 {offsets = [0, 0], sizes = [80, 960], strides = [1, 1]} : vector<80x1024xf32> to vector<80x960xf32>
        %concatenate3A_581 = tpu.concatenate %broadcast_in_dim3A_579, %slice3A_580 in 1 : vector<80x64xf32>, vector<80x960xf32> -> vector<80x1024xf32>
        %add3A_582 = arith.addf %add3A_577, %concatenate3A_581 : vector<80x1024xf32>
        %broadcast_in_dim3A_583 = arith.constant 0.000000e+00 : f32
        %broadcast_in_dim3A_584 = vector.broadcast %broadcast_in_dim3A_583 : f32 to vector<80x128xf32>
        %slice3A_585 = vector.extract_strided_slice %add3A_582 {offsets = [0, 0], sizes = [80, 896], strides = [1, 1]} : vector<80x1024xf32> to vector<80x896xf32>
        %concatenate3A_586 = tpu.concatenate %broadcast_in_dim3A_584, %slice3A_585 in 1 : vector<80x128xf32>, vector<80x896xf32> -> vector<80x1024xf32>
        %add3A_587 = arith.addf %add3A_582, %concatenate3A_586 : vector<80x1024xf32>
        %broadcast_in_dim3A_588 = arith.constant 0.000000e+00 : f32
        %broadcast_in_dim3A_589 = vector.broadcast %broadcast_in_dim3A_588 : f32 to vector<80x256xf32>
        %slice3A_590 = vector.extract_strided_slice %add3A_587 {offsets = [0, 0], sizes = [80, 768], strides = [1, 1]} : vector<80x1024xf32> to vector<80x768xf32>
        %concatenate3A_591 = tpu.concatenate %broadcast_in_dim3A_589, %slice3A_590 in 1 : vector<80x256xf32>, vector<80x768xf32> -> vector<80x1024xf32>
        %add3A_592 = arith.addf %add3A_587, %concatenate3A_591 : vector<80x1024xf32>
        %broadcast_in_dim3A_593 = arith.constant 0.000000e+00 : f32
        %broadcast_in_dim3A_594 = vector.broadcast %broadcast_in_dim3A_593 : f32 to vector<80x512xf32>
        %slice3A_595 = vector.extract_strided_slice %add3A_592 {offsets = [0, 0], sizes = [80, 512], strides = [1, 1]} : vector<80x1024xf32> to vector<80x512xf32>
        %concatenate3A_596 = tpu.concatenate %broadcast_in_dim3A_594, %slice3A_595 in 1 : vector<80x512xf32>, vector<80x512xf32> -> vector<80x1024xf32>
        %add3A_597 = arith.addf %add3A_592, %concatenate3A_596 : vector<80x1024xf32>
        %sub3A_598 = arith.subf %add3A_597, %convert_element_type3A_550 : vector<80x1024xf32>
        %get3A_599 = arith.constant 0 : index
        %get3A_600 = arith.constant 0 : index
        %get3A_601 = vector.load %arg10[%get3A_599, %get3A_600] : memref<80x1xf32, #tpu.memory_space<vmem>>, vector<80x1xf32>
        %gt3A = arith.constant 0.000000e+00 : f32
        %gt3A_602 = vector.broadcast %gt3A : f32 to vector<80x1024xf32>
        %gt3A_603 = arith.cmpf ogt, %convert_element_type3A_550, %gt3A_602 : vector<80x1024xf32>
        %add3A_604 = vector.broadcast %get3A_601 : vector<80x1xf32> to vector<80x1024xf32>
        %add3A_605 = arith.addf %add3A_604, %sub3A_598 : vector<80x1024xf32>
        %lt3A = arith.constant 3.200000e+01 : f32
        %lt3A_606 = vector.broadcast %lt3A : f32 to vector<80x1024xf32>
        %lt3A_607 = arith.cmpf olt, %add3A_605, %lt3A_606 : vector<80x1024xf32>
        %and3A = arith.andi %gt3A_603, %lt3A_607 : vector<80x1024xi1>
        %jit3A = arith.constant 1.000000e+00 : f32
        %jit3A_608 = arith.constant 0.000000e+00 : f32
        %broadcast_in_dim3A_609 = vector.broadcast %jit3A : f32 to vector<80x1024xf32>
        %broadcast_in_dim3A_610 = vector.broadcast %jit3A_608 : f32 to vector<80x1024xf32>
        %select_n3A = arith.select %and3A, %broadcast_in_dim3A_609, %broadcast_in_dim3A_610 : vector<80x1024xi1>, vector<80x1024xf32>
        %swap3A_611 = arith.constant 0 : index
        %swap3A_612 = arith.constant 8192 : index
        %swap3A_613 = vector.load %arg6[%swap3A_611, %swap3A_612] : memref<80x10000xf32, #tpu.memory_space<vmem>>, vector<80x1024xf32>
        tpu.vector_store %arg6[%swap3A_611, %swap3A_612], %select_n3A {strides = array<i32>} : memref<80x10000xf32, #tpu.memory_space<vmem>>, vector<80x1024xf32>,
        %reduce_sum3A_614 = arith.constant dense<0.000000e+00> : vector<80xf32>
        %reduce_sum3A_615 = vector.multi_reduction <add>, %convert_element_type3A_550, %reduce_sum3A_614 [1] : vector<80x1024xf32> to vector<80xf32>
        %broadcast_in_dim3A_616 = vector.shape_cast %reduce_sum3A_615 : vector<80xf32> to vector<80x1xf32>
        %add3A_617 = arith.addf %get3A_601, %broadcast_in_dim3A_616 : vector<80x1xf32>
        %swap3A_618 = arith.constant 0 : index
        %swap3A_619 = arith.constant 0 : index
        %swap3A_620 = vector.load %arg10[%swap3A_618, %swap3A_619] : memref<80x1xf32, #tpu.memory_space<vmem>>, vector<80x1xf32>
        tpu.vector_store %arg10[%swap3A_618, %swap3A_619], %add3A_617 {strides = array<i32>} : memref<80x1xf32, #tpu.memory_space<vmem>>, vector<80x1xf32>,
      } else {
      }
      %get3A_502 = arith.constant 0 : index
      %get3A_503 = arith.constant 0 : index
      %get3A_504 = vector.load %arg10[%get3A_502, %get3A_503] : memref<80x1xf32, #tpu.memory_space<vmem>>, vector<80x1xf32>
      %ge3A_505 = arith.constant 3.200000e+01 : f32
      %ge3A_506 = vector.broadcast %ge3A_505 : f32 to vector<80x1xf32>
      %ge3A_507 = arith.cmpf oge, %get3A_504, %ge3A_506 : vector<80x1xf32>
      %reduce_and3A_508 = arith.constant 1.000000e+00 : f32
      %reduce_and3A_509 = arith.constant 0.000000e+00 : f32
      %reduce_and3A_510 = vector.broadcast %reduce_and3A_508 : f32 to vector<80x1xf32>
      %reduce_and3A_511 = vector.broadcast %reduce_and3A_509 : f32 to vector<80x1xf32>
      %reduce_and3A_512 = arith.select %ge3A_507, %reduce_and3A_510, %reduce_and3A_511 : vector<80x1xi1>, vector<80x1xf32>
      %reduce_and3A_513 = vector.shape_cast %reduce_and3A_512 : vector<80x1xf32> to vector<1x80x1xf32>
      %reduce_and3A_514 = arith.constant dense<0x7F800000> : vector<1xf32>
      %reduce_and3A_515 = vector.multi_reduction <minimumf>, %reduce_and3A_513, %reduce_and3A_514 [1, 2] : vector<1x80x1xf32> to vector<1xf32>
      %reduce_and3A_516 = vector.shape_cast %reduce_and3A_515 : vector<1xf32> to vector<1x1x1xf32>
      %reduce_and3A_517 = vector.extract %reduce_and3A_516[0, 0, 0] : f32 from vector<1x1x1xf32>
      %reduce_and3A_518 = arith.constant 0.000000e+00 : f32
      %reduce_and3A_519 = arith.cmpf ogt, %reduce_and3A_517, %reduce_and3A_518 : f32
      %convert_element_type3A_520 = arith.extui %reduce_and3A_519 : i1 to i32
      %cond3A_521 = arith.constant 0 : i32
      %cond3A_522 = arith.cmpi ne, %convert_element_type3A_520, %cond3A_521 : i32
      scf.if %cond3A_522 {
        %broadcast_in_dim3A_528 = arith.constant 0.000000e+00 : f32
        %broadcast_in_dim3A_529 = vector.broadcast %broadcast_in_dim3A_528 : f32 to vector<80x784xf32>
        %swap3A_530 = arith.constant 0 : index
        %swap3A_531 = arith.constant 9216 : index
        %swap3A_532 = vector.load %arg6[%swap3A_530, %swap3A_531] : memref<80x10000xf32, #tpu.memory_space<vmem>>, vector<80x784xf32>
        tpu.vector_store %arg6[%swap3A_530, %swap3A_531], %broadcast_in_dim3A_529 {strides = array<i32>} : memref<80x10000xf32, #tpu.memory_space<vmem>>, vector<80x784xf32>,
      } else {
      }
      %not3A_523 = arith.constant true
      %not3A_524 = arith.xori %reduce_and3A_519, %not3A_523 : i1
      %convert_element_type3A_525 = arith.extui %not3A_524 : i1 to i32
      %cond3A_526 = arith.constant 0 : i32
      %cond3A_527 = arith.cmpi ne, %convert_element_type3A_525, %cond3A_526 : i32
      scf.if %cond3A_527 {
        %get3A_528 = arith.constant 0 : index
        %get3A_529 = arith.constant 0 : index
        %get3A_530 = vector.load %arg2[%get3A_528, %get3A_529] : memref<80x128xf32, #tpu.memory_space<vmem>>, vector<80x128xf32>
        %get3A_531 = arith.constant 9216 : index
        %get3A_532 = arith.constant 0 : index
        %get3A_533 = vector.load %arg5[%get3A_531, %get3A_532] : memref<10000x128xf32, #tpu.memory_space<vmem>>, vector<784x128xf32>
        %dot_general3A_534 = arith.constant dense<0.000000e+00> : vector<80x784xf32>
        %dot_general3A_535 = tpu.matmul %get3A_530, %get3A_533, %dot_general3A_534 {dimension_numbers = #tpu.dot_dimension_numbers<[1], [1], [0], [0], [0, 0, 1, 0], [], []>, transpose_lhs_hint = false} : vector<80x128xf32>, vector<784x128xf32>, vector<80x784xf32> -> vector<80x784xf32>
        %get3A_536 = arith.constant 0 : index
        %get3A_537 = arith.constant 0 : index
        %get3A_538 = vector.load %arg3[%get3A_536, %get3A_537] : memref<80x128xf32, #tpu.memory_space<vmem>>, vector<80x128xf32>
        %get3A_539 = arith.constant 9216 : index
        %get3A_540 = arith.constant 0 : index
        %get3A_541 = vector.load %arg4[%get3A_539, %get3A_540] : memref<10000x128xf32, #tpu.memory_space<vmem>>, vector<784x128xf32>
        %dot_general3A_542 = arith.constant dense<0.000000e+00> : vector<80x784xf32>
        %dot_general3A_543 = tpu.matmul %get3A_538, %get3A_541, %dot_general3A_542 {dimension_numbers = #tpu.dot_dimension_numbers<[1], [1], [0], [0], [0, 0, 1, 0], [], []>, transpose_lhs_hint = false} : vector<80x128xf32>, vector<784x128xf32>, vector<80x784xf32> -> vector<80x784xf32>
        %sub3A_544 = arith.subf %dot_general3A_535, %dot_general3A_543 : vector<80x784xf32>
        %mul3A_545 = vector.broadcast %get3A_1 : f32 to vector<80x784xf32>
        %mul3A_546 = arith.mulf %mul3A_545, %sub3A_544 : vector<80x784xf32>
        %ge3A_547 = vector.broadcast %get3A_6 : f32 to vector<80x784xf32>
        %ge3A_548 = arith.cmpf oge, %mul3A_546, %ge3A_547 : vector<80x784xf32>
        %convert_element_type3A_549 = arith.extui %ge3A_548 : vector<80x784xi1> to vector<80x784xi32>
        %convert_element_type3A_550 = arith.sitofp %convert_element_type3A_549 : vector<80x784xi32> to vector<80x784xf32>
        %broadcast_in_dim3A_551 = arith.constant 0.000000e+00 : f32
        %broadcast_in_dim3A_552 = vector.broadcast %broadcast_in_dim3A_551 : f32 to vector<80x1xf32>
        %slice3A = vector.extract_strided_slice %convert_element_type3A_550 {offsets = [0, 0], sizes = [80, 783], strides = [1, 1]} : vector<80x784xf32> to vector<80x783xf32>
        %concatenate3A = tpu.concatenate %broadcast_in_dim3A_552, %slice3A in 1 : vector<80x1xf32>, vector<80x783xf32> -> vector<80x784xf32>
        %add3A = arith.addf %convert_element_type3A_550, %concatenate3A : vector<80x784xf32>
        %broadcast_in_dim3A_553 = arith.constant 0.000000e+00 : f32
        %broadcast_in_dim3A_554 = vector.broadcast %broadcast_in_dim3A_553 : f32 to vector<80x2xf32>
        %slice3A_555 = vector.extract_strided_slice %add3A {offsets = [0, 0], sizes = [80, 782], strides = [1, 1]} : vector<80x784xf32> to vector<80x782xf32>
        %concatenate3A_556 = tpu.concatenate %broadcast_in_dim3A_554, %slice3A_555 in 1 : vector<80x2xf32>, vector<80x782xf32> -> vector<80x784xf32>
        %add3A_557 = arith.addf %add3A, %concatenate3A_556 : vector<80x784xf32>
        %broadcast_in_dim3A_558 = arith.constant 0.000000e+00 : f32
        %broadcast_in_dim3A_559 = vector.broadcast %broadcast_in_dim3A_558 : f32 to vector<80x4xf32>
        %slice3A_560 = vector.extract_strided_slice %add3A_557 {offsets = [0, 0], sizes = [80, 780], strides = [1, 1]} : vector<80x784xf32> to vector<80x780xf32>
        %concatenate3A_561 = tpu.concatenate %broadcast_in_dim3A_559, %slice3A_560 in 1 : vector<80x4xf32>, vector<80x780xf32> -> vector<80x784xf32>
        %add3A_562 = arith.addf %add3A_557, %concatenate3A_561 : vector<80x784xf32>
        %broadcast_in_dim3A_563 = arith.constant 0.000000e+00 : f32
        %broadcast_in_dim3A_564 = vector.broadcast %broadcast_in_dim3A_563 : f32 to vector<80x8xf32>
        %slice3A_565 = vector.extract_strided_slice %add3A_562 {offsets = [0, 0], sizes = [80, 776], strides = [1, 1]} : vector<80x784xf32> to vector<80x776xf32>
        %concatenate3A_566 = tpu.concatenate %broadcast_in_dim3A_564, %slice3A_565 in 1 : vector<80x8xf32>, vector<80x776xf32> -> vector<80x784xf32>
        %add3A_567 = arith.addf %add3A_562, %concatenate3A_566 : vector<80x784xf32>
        %broadcast_in_dim3A_568 = arith.constant 0.000000e+00 : f32
        %broadcast_in_dim3A_569 = vector.broadcast %broadcast_in_dim3A_568 : f32 to vector<80x16xf32>
        %slice3A_570 = vector.extract_strided_slice %add3A_567 {offsets = [0, 0], sizes = [80, 768], strides = [1, 1]} : vector<80x784xf32> to vector<80x768xf32>
        %concatenate3A_571 = tpu.concatenate %broadcast_in_dim3A_569, %slice3A_570 in 1 : vector<80x16xf32>, vector<80x768xf32> -> vector<80x784xf32>
        %add3A_572 = arith.addf %add3A_567, %concatenate3A_571 : vector<80x784xf32>
        %broadcast_in_dim3A_573 = arith.constant 0.000000e+00 : f32
        %broadcast_in_dim3A_574 = vector.broadcast %broadcast_in_dim3A_573 : f32 to vector<80x32xf32>
        %slice3A_575 = vector.extract_strided_slice %add3A_572 {offsets = [0, 0], sizes = [80, 752], strides = [1, 1]} : vector<80x784xf32> to vector<80x752xf32>
        %concatenate3A_576 = tpu.concatenate %broadcast_in_dim3A_574, %slice3A_575 in 1 : vector<80x32xf32>, vector<80x752xf32> -> vector<80x784xf32>
        %add3A_577 = arith.addf %add3A_572, %concatenate3A_576 : vector<80x784xf32>
        %broadcast_in_dim3A_578 = arith.constant 0.000000e+00 : f32
        %broadcast_in_dim3A_579 = vector.broadcast %broadcast_in_dim3A_578 : f32 to vector<80x64xf32>
        %slice3A_580 = vector.extract_strided_slice %add3A_577 {offsets = [0, 0], sizes = [80, 720], strides = [1, 1]} : vector<80x784xf32> to vector<80x720xf32>
        %concatenate3A_581 = tpu.concatenate %broadcast_in_dim3A_579, %slice3A_580 in 1 : vector<80x64xf32>, vector<80x720xf32> -> vector<80x784xf32>
        %add3A_582 = arith.addf %add3A_577, %concatenate3A_581 : vector<80x784xf32>
        %broadcast_in_dim3A_583 = arith.constant 0.000000e+00 : f32
        %broadcast_in_dim3A_584 = vector.broadcast %broadcast_in_dim3A_583 : f32 to vector<80x128xf32>
        %slice3A_585 = vector.extract_strided_slice %add3A_582 {offsets = [0, 0], sizes = [80, 656], strides = [1, 1]} : vector<80x784xf32> to vector<80x656xf32>
        %concatenate3A_586 = tpu.concatenate %broadcast_in_dim3A_584, %slice3A_585 in 1 : vector<80x128xf32>, vector<80x656xf32> -> vector<80x784xf32>
        %add3A_587 = arith.addf %add3A_582, %concatenate3A_586 : vector<80x784xf32>
        %broadcast_in_dim3A_588 = arith.constant 0.000000e+00 : f32
        %broadcast_in_dim3A_589 = vector.broadcast %broadcast_in_dim3A_588 : f32 to vector<80x256xf32>
        %slice3A_590 = vector.extract_strided_slice %add3A_587 {offsets = [0, 0], sizes = [80, 528], strides = [1, 1]} : vector<80x784xf32> to vector<80x528xf32>
        %concatenate3A_591 = tpu.concatenate %broadcast_in_dim3A_589, %slice3A_590 in 1 : vector<80x256xf32>, vector<80x528xf32> -> vector<80x784xf32>
        %add3A_592 = arith.addf %add3A_587, %concatenate3A_591 : vector<80x784xf32>
        %broadcast_in_dim3A_593 = arith.constant 0.000000e+00 : f32
        %broadcast_in_dim3A_594 = vector.broadcast %broadcast_in_dim3A_593 : f32 to vector<80x512xf32>
        %slice3A_595 = vector.extract_strided_slice %add3A_592 {offsets = [0, 0], sizes = [80, 272], strides = [1, 1]} : vector<80x784xf32> to vector<80x272xf32>
        %concatenate3A_596 = tpu.concatenate %broadcast_in_dim3A_594, %slice3A_595 in 1 : vector<80x512xf32>, vector<80x272xf32> -> vector<80x784xf32>
        %add3A_597 = arith.addf %add3A_592, %concatenate3A_596 : vector<80x784xf32>
        %sub3A_598 = arith.subf %add3A_597, %convert_element_type3A_550 : vector<80x784xf32>
        %get3A_599 = arith.constant 0 : index
        %get3A_600 = arith.constant 0 : index
        %get3A_601 = vector.load %arg10[%get3A_599, %get3A_600] : memref<80x1xf32, #tpu.memory_space<vmem>>, vector<80x1xf32>
        %gt3A = arith.constant 0.000000e+00 : f32
        %gt3A_602 = vector.broadcast %gt3A : f32 to vector<80x784xf32>
        %gt3A_603 = arith.cmpf ogt, %convert_element_type3A_550, %gt3A_602 : vector<80x784xf32>
        %add3A_604 = vector.broadcast %get3A_601 : vector<80x1xf32> to vector<80x784xf32>
        %add3A_605 = arith.addf %add3A_604, %sub3A_598 : vector<80x784xf32>
        %lt3A = arith.constant 3.200000e+01 : f32
        %lt3A_606 = vector.broadcast %lt3A : f32 to vector<80x784xf32>
        %lt3A_607 = arith.cmpf olt, %add3A_605, %lt3A_606 : vector<80x784xf32>
        %and3A = arith.andi %gt3A_603, %lt3A_607 : vector<80x784xi1>
        %jit3A = arith.constant 1.000000e+00 : f32
        %jit3A_608 = arith.constant 0.000000e+00 : f32
        %broadcast_in_dim3A_609 = vector.broadcast %jit3A : f32 to vector<80x784xf32>
        %broadcast_in_dim3A_610 = vector.broadcast %jit3A_608 : f32 to vector<80x784xf32>
        %select_n3A = arith.select %and3A, %broadcast_in_dim3A_609, %broadcast_in_dim3A_610 : vector<80x784xi1>, vector<80x784xf32>
        %swap3A_611 = arith.constant 0 : index
        %swap3A_612 = arith.constant 9216 : index
        %swap3A_613 = vector.load %arg6[%swap3A_611, %swap3A_612] : memref<80x10000xf32, #tpu.memory_space<vmem>>, vector<80x784xf32>
        tpu.vector_store %arg6[%swap3A_611, %swap3A_612], %select_n3A {strides = array<i32>} : memref<80x10000xf32, #tpu.memory_space<vmem>>, vector<80x784xf32>,
        %reduce_sum3A_614 = arith.constant dense<0.000000e+00> : vector<80xf32>
        %reduce_sum3A_615 = vector.multi_reduction <add>, %convert_element_type3A_550, %reduce_sum3A_614 [1] : vector<80x784xf32> to vector<80xf32>
        %broadcast_in_dim3A_616 = vector.shape_cast %reduce_sum3A_615 : vector<80xf32> to vector<80x1xf32>
        %add3A_617 = arith.addf %get3A_601, %broadcast_in_dim3A_616 : vector<80x1xf32>
        %swap3A_618 = arith.constant 0 : index
        %swap3A_619 = arith.constant 0 : index
        %swap3A_620 = vector.load %arg10[%swap3A_618, %swap3A_619] : memref<80x1xf32, #tpu.memory_space<vmem>>, vector<80x1xf32>
        tpu.vector_store %arg10[%swap3A_618, %swap3A_619], %add3A_617 {strides = array<i32>} : memref<80x1xf32, #tpu.memory_space<vmem>>, vector<80x1xf32>,
      } else {
      }
    } else {
    }
    %not3A_258 = arith.constant true
    %not3A_259 = arith.xori %reduce_and3A_254, %not3A_258 : i1
    %convert_element_type3A_260 = arith.extui %not3A_259 : i1 to i32
    %cond3A_261 = arith.constant 0 : i32
    %cond3A_262 = arith.cmpi ne, %convert_element_type3A_260, %cond3A_261 : i32
    scf.if %cond3A_262 {
      %get3A_263 = arith.constant 0 : index
      %get3A_264 = arith.constant 0 : index
      %get3A_265 = vector.load %arg2[%get3A_263, %get3A_264] : memref<80x128xf32, #tpu.memory_space<vmem>>, vector<80x128xf32>
      %get3A_266 = arith.constant 0 : index
      %get3A_267 = arith.constant 0 : index
      %get3A_268 = vector.load %arg5[%get3A_266, %get3A_267] : memref<10000x128xf32, #tpu.memory_space<vmem>>, vector<1024x128xf32>
      %dot_general3A_269 = arith.constant dense<0.000000e+00> : vector<80x1024xf32>
      %dot_general3A_270 = tpu.matmul %get3A_265, %get3A_268, %dot_general3A_269 {dimension_numbers = #tpu.dot_dimension_numbers<[1], [1], [0], [0], [0, 0, 1, 0], [], []>, transpose_lhs_hint = false} : vector<80x128xf32>, vector<1024x128xf32>, vector<80x1024xf32> -> vector<80x1024xf32>
      %get3A_271 = arith.constant 0 : index
      %get3A_272 = arith.constant 0 : index
      %get3A_273 = vector.load %arg3[%get3A_271, %get3A_272] : memref<80x128xf32, #tpu.memory_space<vmem>>, vector<80x128xf32>
      %get3A_274 = arith.constant 0 : index
      %get3A_275 = arith.constant 0 : index
      %get3A_276 = vector.load %arg4[%get3A_274, %get3A_275] : memref<10000x128xf32, #tpu.memory_space<vmem>>, vector<1024x128xf32>
      %dot_general3A_277 = arith.constant dense<0.000000e+00> : vector<80x1024xf32>
      %dot_general3A_278 = tpu.matmul %get3A_273, %get3A_276, %dot_general3A_277 {dimension_numbers = #tpu.dot_dimension_numbers<[1], [1], [0], [0], [0, 0, 1, 0], [], []>, transpose_lhs_hint = false} : vector<80x128xf32>, vector<1024x128xf32>, vector<80x1024xf32> -> vector<80x1024xf32>
      %sub3A_279 = arith.subf %dot_general3A_270, %dot_general3A_278 : vector<80x1024xf32>
      %mul3A_280 = vector.broadcast %get3A_1 : f32 to vector<80x1024xf32>
      %mul3A_281 = arith.mulf %mul3A_280, %sub3A_279 : vector<80x1024xf32>
      %tanh3A = math.tanh %mul3A_281 : vector<80x1024xf32>
      %max3A = arith.constant 0.000000e+00 : f32
      %max3A_282 = vector.broadcast %max3A : f32 to vector<80x1024xf32>
      %max3A_283 = arith.maximumf %tanh3A, %max3A_282 : vector<80x1024xf32>
      %swap3A_284 = arith.constant 0 : index
      %swap3A_285 = arith.constant 0 : index
      %swap3A_286 = vector.load %arg7[%swap3A_284, %swap3A_285] : memref<80x10000xf32, #tpu.memory_space<vmem>>, vector<80x1024xf32>
      tpu.vector_store %arg7[%swap3A_284, %swap3A_285], %max3A_283 {strides = array<i32>} : memref<80x10000xf32, #tpu.memory_space<vmem>>, vector<80x1024xf32>,
      %get3A_287 = arith.constant 0 : index
      %get3A_288 = arith.constant 0 : index
      %get3A_289 = vector.load %arg2[%get3A_287, %get3A_288] : memref<80x128xf32, #tpu.memory_space<vmem>>, vector<80x128xf32>
      %get3A_290 = arith.constant 1024 : index
      %get3A_291 = arith.constant 0 : index
      %get3A_292 = vector.load %arg5[%get3A_290, %get3A_291] : memref<10000x128xf32, #tpu.memory_space<vmem>>, vector<1024x128xf32>
      %dot_general3A_293 = arith.constant dense<0.000000e+00> : vector<80x1024xf32>
      %dot_general3A_294 = tpu.matmul %get3A_289, %get3A_292, %dot_general3A_293 {dimension_numbers = #tpu.dot_dimension_numbers<[1], [1], [0], [0], [0, 0, 1, 0], [], []>, transpose_lhs_hint = false} : vector<80x128xf32>, vector<1024x128xf32>, vector<80x1024xf32> -> vector<80x1024xf32>
      %get3A_295 = arith.constant 0 : index
      %get3A_296 = arith.constant 0 : index
      %get3A_297 = vector.load %arg3[%get3A_295, %get3A_296] : memref<80x128xf32, #tpu.memory_space<vmem>>, vector<80x128xf32>
      %get3A_298 = arith.constant 1024 : index
      %get3A_299 = arith.constant 0 : index
      %get3A_300 = vector.load %arg4[%get3A_298, %get3A_299] : memref<10000x128xf32, #tpu.memory_space<vmem>>, vector<1024x128xf32>
      %dot_general3A_301 = arith.constant dense<0.000000e+00> : vector<80x1024xf32>
      %dot_general3A_302 = tpu.matmul %get3A_297, %get3A_300, %dot_general3A_301 {dimension_numbers = #tpu.dot_dimension_numbers<[1], [1], [0], [0], [0, 0, 1, 0], [], []>, transpose_lhs_hint = false} : vector<80x128xf32>, vector<1024x128xf32>, vector<80x1024xf32> -> vector<80x1024xf32>
      %sub3A_303 = arith.subf %dot_general3A_294, %dot_general3A_302 : vector<80x1024xf32>
      %mul3A_304 = vector.broadcast %get3A_1 : f32 to vector<80x1024xf32>
      %mul3A_305 = arith.mulf %mul3A_304, %sub3A_303 : vector<80x1024xf32>
      %tanh3A_306 = math.tanh %mul3A_305 : vector<80x1024xf32>
      %max3A_307 = arith.constant 0.000000e+00 : f32
      %max3A_308 = vector.broadcast %max3A_307 : f32 to vector<80x1024xf32>
      %max3A_309 = arith.maximumf %tanh3A_306, %max3A_308 : vector<80x1024xf32>
      %swap3A_310 = arith.constant 0 : index
      %swap3A_311 = arith.constant 1024 : index
      %swap3A_312 = vector.load %arg7[%swap3A_310, %swap3A_311] : memref<80x10000xf32, #tpu.memory_space<vmem>>, vector<80x1024xf32>
      tpu.vector_store %arg7[%swap3A_310, %swap3A_311], %max3A_309 {strides = array<i32>} : memref<80x10000xf32, #tpu.memory_space<vmem>>, vector<80x1024xf32>,
      %get3A_313 = arith.constant 0 : index
      %get3A_314 = arith.constant 0 : index
      %get3A_315 = vector.load %arg2[%get3A_313, %get3A_314] : memref<80x128xf32, #tpu.memory_space<vmem>>, vector<80x128xf32>
      %get3A_316 = arith.constant 2048 : index
      %get3A_317 = arith.constant 0 : index
      %get3A_318 = vector.load %arg5[%get3A_316, %get3A_317] : memref<10000x128xf32, #tpu.memory_space<vmem>>, vector<1024x128xf32>
      %dot_general3A_319 = arith.constant dense<0.000000e+00> : vector<80x1024xf32>
      %dot_general3A_320 = tpu.matmul %get3A_315, %get3A_318, %dot_general3A_319 {dimension_numbers = #tpu.dot_dimension_numbers<[1], [1], [0], [0], [0, 0, 1, 0], [], []>, transpose_lhs_hint = false} : vector<80x128xf32>, vector<1024x128xf32>, vector<80x1024xf32> -> vector<80x1024xf32>
      %get3A_321 = arith.constant 0 : index
      %get3A_322 = arith.constant 0 : index
      %get3A_323 = vector.load %arg3[%get3A_321, %get3A_322] : memref<80x128xf32, #tpu.memory_space<vmem>>, vector<80x128xf32>
      %get3A_324 = arith.constant 2048 : index
      %get3A_325 = arith.constant 0 : index
      %get3A_326 = vector.load %arg4[%get3A_324, %get3A_325] : memref<10000x128xf32, #tpu.memory_space<vmem>>, vector<1024x128xf32>
      %dot_general3A_327 = arith.constant dense<0.000000e+00> : vector<80x1024xf32>
      %dot_general3A_328 = tpu.matmul %get3A_323, %get3A_326, %dot_general3A_327 {dimension_numbers = #tpu.dot_dimension_numbers<[1], [1], [0], [0], [0, 0, 1, 0], [], []>, transpose_lhs_hint = false} : vector<80x128xf32>, vector<1024x128xf32>, vector<80x1024xf32> -> vector<80x1024xf32>
      %sub3A_329 = arith.subf %dot_general3A_320, %dot_general3A_328 : vector<80x1024xf32>
      %mul3A_330 = vector.broadcast %get3A_1 : f32 to vector<80x1024xf32>
      %mul3A_331 = arith.mulf %mul3A_330, %sub3A_329 : vector<80x1024xf32>
      %tanh3A_332 = math.tanh %mul3A_331 : vector<80x1024xf32>
      %max3A_333 = arith.constant 0.000000e+00 : f32
      %max3A_334 = vector.broadcast %max3A_333 : f32 to vector<80x1024xf32>
      %max3A_335 = arith.maximumf %tanh3A_332, %max3A_334 : vector<80x1024xf32>
      %swap3A_336 = arith.constant 0 : index
      %swap3A_337 = arith.constant 2048 : index
      %swap3A_338 = vector.load %arg7[%swap3A_336, %swap3A_337] : memref<80x10000xf32, #tpu.memory_space<vmem>>, vector<80x1024xf32>
      tpu.vector_store %arg7[%swap3A_336, %swap3A_337], %max3A_335 {strides = array<i32>} : memref<80x10000xf32, #tpu.memory_space<vmem>>, vector<80x1024xf32>,
      %get3A_339 = arith.constant 0 : index
      %get3A_340 = arith.constant 0 : index
      %get3A_341 = vector.load %arg2[%get3A_339, %get3A_340] : memref<80x128xf32, #tpu.memory_space<vmem>>, vector<80x128xf32>
      %get3A_342 = arith.constant 3072 : index
      %get3A_343 = arith.constant 0 : index
      %get3A_344 = vector.load %arg5[%get3A_342, %get3A_343] : memref<10000x128xf32, #tpu.memory_space<vmem>>, vector<1024x128xf32>
      %dot_general3A_345 = arith.constant dense<0.000000e+00> : vector<80x1024xf32>
      %dot_general3A_346 = tpu.matmul %get3A_341, %get3A_344, %dot_general3A_345 {dimension_numbers = #tpu.dot_dimension_numbers<[1], [1], [0], [0], [0, 0, 1, 0], [], []>, transpose_lhs_hint = false} : vector<80x128xf32>, vector<1024x128xf32>, vector<80x1024xf32> -> vector<80x1024xf32>
      %get3A_347 = arith.constant 0 : index
      %get3A_348 = arith.constant 0 : index
      %get3A_349 = vector.load %arg3[%get3A_347, %get3A_348] : memref<80x128xf32, #tpu.memory_space<vmem>>, vector<80x128xf32>
      %get3A_350 = arith.constant 3072 : index
      %get3A_351 = arith.constant 0 : index
      %get3A_352 = vector.load %arg4[%get3A_350, %get3A_351] : memref<10000x128xf32, #tpu.memory_space<vmem>>, vector<1024x128xf32>
      %dot_general3A_353 = arith.constant dense<0.000000e+00> : vector<80x1024xf32>
      %dot_general3A_354 = tpu.matmul %get3A_349, %get3A_352, %dot_general3A_353 {dimension_numbers = #tpu.dot_dimension_numbers<[1], [1], [0], [0], [0, 0, 1, 0], [], []>, transpose_lhs_hint = false} : vector<80x128xf32>, vector<1024x128xf32>, vector<80x1024xf32> -> vector<80x1024xf32>
      %sub3A_355 = arith.subf %dot_general3A_346, %dot_general3A_354 : vector<80x1024xf32>
      %mul3A_356 = vector.broadcast %get3A_1 : f32 to vector<80x1024xf32>
      %mul3A_357 = arith.mulf %mul3A_356, %sub3A_355 : vector<80x1024xf32>
      %tanh3A_358 = math.tanh %mul3A_357 : vector<80x1024xf32>
      %max3A_359 = arith.constant 0.000000e+00 : f32
      %max3A_360 = vector.broadcast %max3A_359 : f32 to vector<80x1024xf32>
      %max3A_361 = arith.maximumf %tanh3A_358, %max3A_360 : vector<80x1024xf32>
      %swap3A_362 = arith.constant 0 : index
      %swap3A_363 = arith.constant 3072 : index
      %swap3A_364 = vector.load %arg7[%swap3A_362, %swap3A_363] : memref<80x10000xf32, #tpu.memory_space<vmem>>, vector<80x1024xf32>
      tpu.vector_store %arg7[%swap3A_362, %swap3A_363], %max3A_361 {strides = array<i32>} : memref<80x10000xf32, #tpu.memory_space<vmem>>, vector<80x1024xf32>,
      %get3A_365 = arith.constant 0 : index
      %get3A_366 = arith.constant 0 : index
      %get3A_367 = vector.load %arg2[%get3A_365, %get3A_366] : memref<80x128xf32, #tpu.memory_space<vmem>>, vector<80x128xf32>
      %get3A_368 = arith.constant 4096 : index
      %get3A_369 = arith.constant 0 : index
      %get3A_370 = vector.load %arg5[%get3A_368, %get3A_369] : memref<10000x128xf32, #tpu.memory_space<vmem>>, vector<1024x128xf32>
      %dot_general3A_371 = arith.constant dense<0.000000e+00> : vector<80x1024xf32>
      %dot_general3A_372 = tpu.matmul %get3A_367, %get3A_370, %dot_general3A_371 {dimension_numbers = #tpu.dot_dimension_numbers<[1], [1], [0], [0], [0, 0, 1, 0], [], []>, transpose_lhs_hint = false} : vector<80x128xf32>, vector<1024x128xf32>, vector<80x1024xf32> -> vector<80x1024xf32>
      %get3A_373 = arith.constant 0 : index
      %get3A_374 = arith.constant 0 : index
      %get3A_375 = vector.load %arg3[%get3A_373, %get3A_374] : memref<80x128xf32, #tpu.memory_space<vmem>>, vector<80x128xf32>
      %get3A_376 = arith.constant 4096 : index
      %get3A_377 = arith.constant 0 : index
      %get3A_378 = vector.load %arg4[%get3A_376, %get3A_377] : memref<10000x128xf32, #tpu.memory_space<vmem>>, vector<1024x128xf32>
      %dot_general3A_379 = arith.constant dense<0.000000e+00> : vector<80x1024xf32>
      %dot_general3A_380 = tpu.matmul %get3A_375, %get3A_378, %dot_general3A_379 {dimension_numbers = #tpu.dot_dimension_numbers<[1], [1], [0], [0], [0, 0, 1, 0], [], []>, transpose_lhs_hint = false} : vector<80x128xf32>, vector<1024x128xf32>, vector<80x1024xf32> -> vector<80x1024xf32>
      %sub3A_381 = arith.subf %dot_general3A_372, %dot_general3A_380 : vector<80x1024xf32>
      %mul3A_382 = vector.broadcast %get3A_1 : f32 to vector<80x1024xf32>
      %mul3A_383 = arith.mulf %mul3A_382, %sub3A_381 : vector<80x1024xf32>
      %tanh3A_384 = math.tanh %mul3A_383 : vector<80x1024xf32>
      %max3A_385 = arith.constant 0.000000e+00 : f32
      %max3A_386 = vector.broadcast %max3A_385 : f32 to vector<80x1024xf32>
      %max3A_387 = arith.maximumf %tanh3A_384, %max3A_386 : vector<80x1024xf32>
      %swap3A_388 = arith.constant 0 : index
      %swap3A_389 = arith.constant 4096 : index
      %swap3A_390 = vector.load %arg7[%swap3A_388, %swap3A_389] : memref<80x10000xf32, #tpu.memory_space<vmem>>, vector<80x1024xf32>
      tpu.vector_store %arg7[%swap3A_388, %swap3A_389], %max3A_387 {strides = array<i32>} : memref<80x10000xf32, #tpu.memory_space<vmem>>, vector<80x1024xf32>,
      %get3A_391 = arith.constant 0 : index
      %get3A_392 = arith.constant 0 : index
      %get3A_393 = vector.load %arg2[%get3A_391, %get3A_392] : memref<80x128xf32, #tpu.memory_space<vmem>>, vector<80x128xf32>
      %get3A_394 = arith.constant 5120 : index
      %get3A_395 = arith.constant 0 : index
      %get3A_396 = vector.load %arg5[%get3A_394, %get3A_395] : memref<10000x128xf32, #tpu.memory_space<vmem>>, vector<1024x128xf32>
      %dot_general3A_397 = arith.constant dense<0.000000e+00> : vector<80x1024xf32>
      %dot_general3A_398 = tpu.matmul %get3A_393, %get3A_396, %dot_general3A_397 {dimension_numbers = #tpu.dot_dimension_numbers<[1], [1], [0], [0], [0, 0, 1, 0], [], []>, transpose_lhs_hint = false} : vector<80x128xf32>, vector<1024x128xf32>, vector<80x1024xf32> -> vector<80x1024xf32>
      %get3A_399 = arith.constant 0 : index
      %get3A_400 = arith.constant 0 : index
      %get3A_401 = vector.load %arg3[%get3A_399, %get3A_400] : memref<80x128xf32, #tpu.memory_space<vmem>>, vector<80x128xf32>
      %get3A_402 = arith.constant 5120 : index
      %get3A_403 = arith.constant 0 : index
      %get3A_404 = vector.load %arg4[%get3A_402, %get3A_403] : memref<10000x128xf32, #tpu.memory_space<vmem>>, vector<1024x128xf32>
      %dot_general3A_405 = arith.constant dense<0.000000e+00> : vector<80x1024xf32>
      %dot_general3A_406 = tpu.matmul %get3A_401, %get3A_404, %dot_general3A_405 {dimension_numbers = #tpu.dot_dimension_numbers<[1], [1], [0], [0], [0, 0, 1, 0], [], []>, transpose_lhs_hint = false} : vector<80x128xf32>, vector<1024x128xf32>, vector<80x1024xf32> -> vector<80x1024xf32>
      %sub3A_407 = arith.subf %dot_general3A_398, %dot_general3A_406 : vector<80x1024xf32>
      %mul3A_408 = vector.broadcast %get3A_1 : f32 to vector<80x1024xf32>
      %mul3A_409 = arith.mulf %mul3A_408, %sub3A_407 : vector<80x1024xf32>
      %tanh3A_410 = math.tanh %mul3A_409 : vector<80x1024xf32>
      %max3A_411 = arith.constant 0.000000e+00 : f32
      %max3A_412 = vector.broadcast %max3A_411 : f32 to vector<80x1024xf32>
      %max3A_413 = arith.maximumf %tanh3A_410, %max3A_412 : vector<80x1024xf32>
      %swap3A_414 = arith.constant 0 : index
      %swap3A_415 = arith.constant 5120 : index
      %swap3A_416 = vector.load %arg7[%swap3A_414, %swap3A_415] : memref<80x10000xf32, #tpu.memory_space<vmem>>, vector<80x1024xf32>
      tpu.vector_store %arg7[%swap3A_414, %swap3A_415], %max3A_413 {strides = array<i32>} : memref<80x10000xf32, #tpu.memory_space<vmem>>, vector<80x1024xf32>,
      %get3A_417 = arith.constant 0 : index
      %get3A_418 = arith.constant 0 : index
      %get3A_419 = vector.load %arg2[%get3A_417, %get3A_418] : memref<80x128xf32, #tpu.memory_space<vmem>>, vector<80x128xf32>
      %get3A_420 = arith.constant 6144 : index
      %get3A_421 = arith.constant 0 : index
      %get3A_422 = vector.load %arg5[%get3A_420, %get3A_421] : memref<10000x128xf32, #tpu.memory_space<vmem>>, vector<1024x128xf32>
      %dot_general3A_423 = arith.constant dense<0.000000e+00> : vector<80x1024xf32>
      %dot_general3A_424 = tpu.matmul %get3A_419, %get3A_422, %dot_general3A_423 {dimension_numbers = #tpu.dot_dimension_numbers<[1], [1], [0], [0], [0, 0, 1, 0], [], []>, transpose_lhs_hint = false} : vector<80x128xf32>, vector<1024x128xf32>, vector<80x1024xf32> -> vector<80x1024xf32>
      %get3A_425 = arith.constant 0 : index
      %get3A_426 = arith.constant 0 : index
      %get3A_427 = vector.load %arg3[%get3A_425, %get3A_426] : memref<80x128xf32, #tpu.memory_space<vmem>>, vector<80x128xf32>
      %get3A_428 = arith.constant 6144 : index
      %get3A_429 = arith.constant 0 : index
      %get3A_430 = vector.load %arg4[%get3A_428, %get3A_429] : memref<10000x128xf32, #tpu.memory_space<vmem>>, vector<1024x128xf32>
      %dot_general3A_431 = arith.constant dense<0.000000e+00> : vector<80x1024xf32>
      %dot_general3A_432 = tpu.matmul %get3A_427, %get3A_430, %dot_general3A_431 {dimension_numbers = #tpu.dot_dimension_numbers<[1], [1], [0], [0], [0, 0, 1, 0], [], []>, transpose_lhs_hint = false} : vector<80x128xf32>, vector<1024x128xf32>, vector<80x1024xf32> -> vector<80x1024xf32>
      %sub3A_433 = arith.subf %dot_general3A_424, %dot_general3A_432 : vector<80x1024xf32>
      %mul3A_434 = vector.broadcast %get3A_1 : f32 to vector<80x1024xf32>
      %mul3A_435 = arith.mulf %mul3A_434, %sub3A_433 : vector<80x1024xf32>
      %tanh3A_436 = math.tanh %mul3A_435 : vector<80x1024xf32>
      %max3A_437 = arith.constant 0.000000e+00 : f32
      %max3A_438 = vector.broadcast %max3A_437 : f32 to vector<80x1024xf32>
      %max3A_439 = arith.maximumf %tanh3A_436, %max3A_438 : vector<80x1024xf32>
      %swap3A_440 = arith.constant 0 : index
      %swap3A_441 = arith.constant 6144 : index
      %swap3A_442 = vector.load %arg7[%swap3A_440, %swap3A_441] : memref<80x10000xf32, #tpu.memory_space<vmem>>, vector<80x1024xf32>
      tpu.vector_store %arg7[%swap3A_440, %swap3A_441], %max3A_439 {strides = array<i32>} : memref<80x10000xf32, #tpu.memory_space<vmem>>, vector<80x1024xf32>,
      %get3A_443 = arith.constant 0 : index
      %get3A_444 = arith.constant 0 : index
      %get3A_445 = vector.load %arg2[%get3A_443, %get3A_444] : memref<80x128xf32, #tpu.memory_space<vmem>>, vector<80x128xf32>
      %get3A_446 = arith.constant 7168 : index
      %get3A_447 = arith.constant 0 : index
      %get3A_448 = vector.load %arg5[%get3A_446, %get3A_447] : memref<10000x128xf32, #tpu.memory_space<vmem>>, vector<1024x128xf32>
      %dot_general3A_449 = arith.constant dense<0.000000e+00> : vector<80x1024xf32>
      %dot_general3A_450 = tpu.matmul %get3A_445, %get3A_448, %dot_general3A_449 {dimension_numbers = #tpu.dot_dimension_numbers<[1], [1], [0], [0], [0, 0, 1, 0], [], []>, transpose_lhs_hint = false} : vector<80x128xf32>, vector<1024x128xf32>, vector<80x1024xf32> -> vector<80x1024xf32>
      %get3A_451 = arith.constant 0 : index
      %get3A_452 = arith.constant 0 : index
      %get3A_453 = vector.load %arg3[%get3A_451, %get3A_452] : memref<80x128xf32, #tpu.memory_space<vmem>>, vector<80x128xf32>
      %get3A_454 = arith.constant 7168 : index
      %get3A_455 = arith.constant 0 : index
      %get3A_456 = vector.load %arg4[%get3A_454, %get3A_455] : memref<10000x128xf32, #tpu.memory_space<vmem>>, vector<1024x128xf32>
      %dot_general3A_457 = arith.constant dense<0.000000e+00> : vector<80x1024xf32>
      %dot_general3A_458 = tpu.matmul %get3A_453, %get3A_456, %dot_general3A_457 {dimension_numbers = #tpu.dot_dimension_numbers<[1], [1], [0], [0], [0, 0, 1, 0], [], []>, transpose_lhs_hint = false} : vector<80x128xf32>, vector<1024x128xf32>, vector<80x1024xf32> -> vector<80x1024xf32>
      %sub3A_459 = arith.subf %dot_general3A_450, %dot_general3A_458 : vector<80x1024xf32>
      %mul3A_460 = vector.broadcast %get3A_1 : f32 to vector<80x1024xf32>
      %mul3A_461 = arith.mulf %mul3A_460, %sub3A_459 : vector<80x1024xf32>
      %tanh3A_462 = math.tanh %mul3A_461 : vector<80x1024xf32>
      %max3A_463 = arith.constant 0.000000e+00 : f32
      %max3A_464 = vector.broadcast %max3A_463 : f32 to vector<80x1024xf32>
      %max3A_465 = arith.maximumf %tanh3A_462, %max3A_464 : vector<80x1024xf32>
      %swap3A_466 = arith.constant 0 : index
      %swap3A_467 = arith.constant 7168 : index
      %swap3A_468 = vector.load %arg7[%swap3A_466, %swap3A_467] : memref<80x10000xf32, #tpu.memory_space<vmem>>, vector<80x1024xf32>
      tpu.vector_store %arg7[%swap3A_466, %swap3A_467], %max3A_465 {strides = array<i32>} : memref<80x10000xf32, #tpu.memory_space<vmem>>, vector<80x1024xf32>,
      %get3A_469 = arith.constant 0 : index
      %get3A_470 = arith.constant 0 : index
      %get3A_471 = vector.load %arg2[%get3A_469, %get3A_470] : memref<80x128xf32, #tpu.memory_space<vmem>>, vector<80x128xf32>
      %get3A_472 = arith.constant 8192 : index
      %get3A_473 = arith.constant 0 : index
      %get3A_474 = vector.load %arg5[%get3A_472, %get3A_473] : memref<10000x128xf32, #tpu.memory_space<vmem>>, vector<1024x128xf32>
      %dot_general3A_475 = arith.constant dense<0.000000e+00> : vector<80x1024xf32>
      %dot_general3A_476 = tpu.matmul %get3A_471, %get3A_474, %dot_general3A_475 {dimension_numbers = #tpu.dot_dimension_numbers<[1], [1], [0], [0], [0, 0, 1, 0], [], []>, transpose_lhs_hint = false} : vector<80x128xf32>, vector<1024x128xf32>, vector<80x1024xf32> -> vector<80x1024xf32>
      %get3A_477 = arith.constant 0 : index
      %get3A_478 = arith.constant 0 : index
      %get3A_479 = vector.load %arg3[%get3A_477, %get3A_478] : memref<80x128xf32, #tpu.memory_space<vmem>>, vector<80x128xf32>
      %get3A_480 = arith.constant 8192 : index
      %get3A_481 = arith.constant 0 : index
      %get3A_482 = vector.load %arg4[%get3A_480, %get3A_481] : memref<10000x128xf32, #tpu.memory_space<vmem>>, vector<1024x128xf32>
      %dot_general3A_483 = arith.constant dense<0.000000e+00> : vector<80x1024xf32>
      %dot_general3A_484 = tpu.matmul %get3A_479, %get3A_482, %dot_general3A_483 {dimension_numbers = #tpu.dot_dimension_numbers<[1], [1], [0], [0], [0, 0, 1, 0], [], []>, transpose_lhs_hint = false} : vector<80x128xf32>, vector<1024x128xf32>, vector<80x1024xf32> -> vector<80x1024xf32>
      %sub3A_485 = arith.subf %dot_general3A_476, %dot_general3A_484 : vector<80x1024xf32>
      %mul3A_486 = vector.broadcast %get3A_1 : f32 to vector<80x1024xf32>
      %mul3A_487 = arith.mulf %mul3A_486, %sub3A_485 : vector<80x1024xf32>
      %tanh3A_488 = math.tanh %mul3A_487 : vector<80x1024xf32>
      %max3A_489 = arith.constant 0.000000e+00 : f32
      %max3A_490 = vector.broadcast %max3A_489 : f32 to vector<80x1024xf32>
      %max3A_491 = arith.maximumf %tanh3A_488, %max3A_490 : vector<80x1024xf32>
      %swap3A_492 = arith.constant 0 : index
      %swap3A_493 = arith.constant 8192 : index
      %swap3A_494 = vector.load %arg7[%swap3A_492, %swap3A_493] : memref<80x10000xf32, #tpu.memory_space<vmem>>, vector<80x1024xf32>
      tpu.vector_store %arg7[%swap3A_492, %swap3A_493], %max3A_491 {strides = array<i32>} : memref<80x10000xf32, #tpu.memory_space<vmem>>, vector<80x1024xf32>,
      %get3A_495 = arith.constant 0 : index
      %get3A_496 = arith.constant 0 : index
      %get3A_497 = vector.load %arg2[%get3A_495, %get3A_496] : memref<80x128xf32, #tpu.memory_space<vmem>>, vector<80x128xf32>
      %get3A_498 = arith.constant 9216 : index
      %get3A_499 = arith.constant 0 : index
      %get3A_500 = vector.load %arg5[%get3A_498, %get3A_499] : memref<10000x128xf32, #tpu.memory_space<vmem>>, vector<784x128xf32>
      %dot_general3A_501 = arith.constant dense<0.000000e+00> : vector<80x784xf32>
      %dot_general3A_502 = tpu.matmul %get3A_497, %get3A_500, %dot_general3A_501 {dimension_numbers = #tpu.dot_dimension_numbers<[1], [1], [0], [0], [0, 0, 1, 0], [], []>, transpose_lhs_hint = false} : vector<80x128xf32>, vector<784x128xf32>, vector<80x784xf32> -> vector<80x784xf32>
      %get3A_503 = arith.constant 0 : index
      %get3A_504 = arith.constant 0 : index
      %get3A_505 = vector.load %arg3[%get3A_503, %get3A_504] : memref<80x128xf32, #tpu.memory_space<vmem>>, vector<80x128xf32>
      %get3A_506 = arith.constant 9216 : index
      %get3A_507 = arith.constant 0 : index
      %get3A_508 = vector.load %arg4[%get3A_506, %get3A_507] : memref<10000x128xf32, #tpu.memory_space<vmem>>, vector<784x128xf32>
      %dot_general3A_509 = arith.constant dense<0.000000e+00> : vector<80x784xf32>
      %dot_general3A_510 = tpu.matmul %get3A_505, %get3A_508, %dot_general3A_509 {dimension_numbers = #tpu.dot_dimension_numbers<[1], [1], [0], [0], [0, 0, 1, 0], [], []>, transpose_lhs_hint = false} : vector<80x128xf32>, vector<784x128xf32>, vector<80x784xf32> -> vector<80x784xf32>
      %sub3A_511 = arith.subf %dot_general3A_502, %dot_general3A_510 : vector<80x784xf32>
      %mul3A_512 = vector.broadcast %get3A_1 : f32 to vector<80x784xf32>
      %mul3A_513 = arith.mulf %mul3A_512, %sub3A_511 : vector<80x784xf32>
      %tanh3A_514 = math.tanh %mul3A_513 : vector<80x784xf32>
      %max3A_515 = arith.constant 0.000000e+00 : f32
      %max3A_516 = vector.broadcast %max3A_515 : f32 to vector<80x784xf32>
      %max3A_517 = arith.maximumf %tanh3A_514, %max3A_516 : vector<80x784xf32>
      %swap3A_518 = arith.constant 0 : index
      %swap3A_519 = arith.constant 9216 : index
      %swap3A_520 = vector.load %arg7[%swap3A_518, %swap3A_519] : memref<80x10000xf32, #tpu.memory_space<vmem>>, vector<80x784xf32>
      tpu.vector_store %arg7[%swap3A_518, %swap3A_519], %max3A_517 {strides = array<i32>} : memref<80x10000xf32, #tpu.memory_space<vmem>>, vector<80x784xf32>,
      %broadcast_in_dim3A_521 = arith.constant 0 : i32
      %broadcast_in_dim3A_522 = vector.broadcast %broadcast_in_dim3A_521 : i32 to vector<80x1xi32>
      %broadcast_in_dim3A_523 = arith.constant 1065353217 : i32
      %broadcast_in_dim3A_524 = vector.broadcast %broadcast_in_dim3A_523 : i32 to vector<80x1xi32>
      %scan3A = arith.constant 0 : i32
      %scan3A_525 = arith.constant 31 : i32
      %scan3A_526 = arith.addi %scan3A, %scan3A_525 : i32
      %scan3A_527 = arith.constant 1 : i32
      %scan3A_528:2 = scf.for %scan3A_1407 = %scan3A to %scan3A_526 step %scan3A_527 iter_args(%scan3A_1408 = %broadcast_in_dim3A_522, %scan3A_1409 = %broadcast_in_dim3A_524) -> (vector<80x1xi32>, vector<80x1xi32>)  : i32 {
        %add3A_1410 = arith.addi %scan3A_1408, %scan3A_1409 : vector<80x1xi32>
        %shift_right_logical3A = arith.constant 1 : i32
        %shift_right_logical3A_1411 = vector.broadcast %shift_right_logical3A : i32 to vector<80x1xi32>
        %shift_right_logical3A_1412 = arith.shrui %add3A_1410, %shift_right_logical3A_1411 : vector<80x1xi32>
        %bitcast_convert_type3A_1413 = tpu.bitcast %shift_right_logical3A_1412 : vector<80x1xi32> -> vector<80x1xf32>
        %broadcast_in_dim3A_1414 = arith.constant 0.000000e+00 : f32
        %broadcast_in_dim3A_1415 = vector.broadcast %broadcast_in_dim3A_1414 : f32 to vector<80x1xf32>
        %get3A_1416 = arith.constant 0 : index
        %get3A_1417 = arith.constant 0 : index
        %get3A_1418 = vector.load %arg7[%get3A_1416, %get3A_1417] : memref<80x10000xf32, #tpu.memory_space<vmem>>, vector<80x1024xf32>
        %ge3A_1419 = vector.broadcast %bitcast_convert_type3A_1413 : vector<80x1xf32> to vector<80x1024xf32>
        %ge3A_1420 = arith.cmpf oge, %get3A_1418, %ge3A_1419 : vector<80x1024xf32>
        %convert_element_type3A_1421 = arith.extui %ge3A_1420 : vector<80x1024xi1> to vector<80x1024xi32>
        %convert_element_type3A_1422 = arith.sitofp %convert_element_type3A_1421 : vector<80x1024xi32> to vector<80x1024xf32>
        %reduce_sum3A_1423 = arith.constant dense<0.000000e+00> : vector<80xf32>
        %reduce_sum3A_1424 = vector.multi_reduction <add>, %convert_element_type3A_1422, %reduce_sum3A_1423 [1] : vector<80x1024xf32> to vector<80xf32>
        %broadcast_in_dim3A_1425 = vector.shape_cast %reduce_sum3A_1424 : vector<80xf32> to vector<80x1xf32>
        %add3A_1426 = arith.addf %broadcast_in_dim3A_1415, %broadcast_in_dim3A_1425 : vector<80x1xf32>
        %get3A_1427 = arith.constant 0 : index
        %get3A_1428 = arith.constant 1024 : index
        %get3A_1429 = vector.load %arg7[%get3A_1427, %get3A_1428] : memref<80x10000xf32, #tpu.memory_space<vmem>>, vector<80x1024xf32>
        %ge3A_1430 = vector.broadcast %bitcast_convert_type3A_1413 : vector<80x1xf32> to vector<80x1024xf32>
        %ge3A_1431 = arith.cmpf oge, %get3A_1429, %ge3A_1430 : vector<80x1024xf32>
        %convert_element_type3A_1432 = arith.extui %ge3A_1431 : vector<80x1024xi1> to vector<80x1024xi32>
        %convert_element_type3A_1433 = arith.sitofp %convert_element_type3A_1432 : vector<80x1024xi32> to vector<80x1024xf32>
        %reduce_sum3A_1434 = arith.constant dense<0.000000e+00> : vector<80xf32>
        %reduce_sum3A_1435 = vector.multi_reduction <add>, %convert_element_type3A_1433, %reduce_sum3A_1434 [1] : vector<80x1024xf32> to vector<80xf32>
        %broadcast_in_dim3A_1436 = vector.shape_cast %reduce_sum3A_1435 : vector<80xf32> to vector<80x1xf32>
        %add3A_1437 = arith.addf %add3A_1426, %broadcast_in_dim3A_1436 : vector<80x1xf32>
        %get3A_1438 = arith.constant 0 : index
        %get3A_1439 = arith.constant 2048 : index
        %get3A_1440 = vector.load %arg7[%get3A_1438, %get3A_1439] : memref<80x10000xf32, #tpu.memory_space<vmem>>, vector<80x1024xf32>
        %ge3A_1441 = vector.broadcast %bitcast_convert_type3A_1413 : vector<80x1xf32> to vector<80x1024xf32>
        %ge3A_1442 = arith.cmpf oge, %get3A_1440, %ge3A_1441 : vector<80x1024xf32>
        %convert_element_type3A_1443 = arith.extui %ge3A_1442 : vector<80x1024xi1> to vector<80x1024xi32>
        %convert_element_type3A_1444 = arith.sitofp %convert_element_type3A_1443 : vector<80x1024xi32> to vector<80x1024xf32>
        %reduce_sum3A_1445 = arith.constant dense<0.000000e+00> : vector<80xf32>
        %reduce_sum3A_1446 = vector.multi_reduction <add>, %convert_element_type3A_1444, %reduce_sum3A_1445 [1] : vector<80x1024xf32> to vector<80xf32>
        %broadcast_in_dim3A_1447 = vector.shape_cast %reduce_sum3A_1446 : vector<80xf32> to vector<80x1xf32>
        %add3A_1448 = arith.addf %add3A_1437, %broadcast_in_dim3A_1447 : vector<80x1xf32>
        %get3A_1449 = arith.constant 0 : index
        %get3A_1450 = arith.constant 3072 : index
        %get3A_1451 = vector.load %arg7[%get3A_1449, %get3A_1450] : memref<80x10000xf32, #tpu.memory_space<vmem>>, vector<80x1024xf32>
        %ge3A_1452 = vector.broadcast %bitcast_convert_type3A_1413 : vector<80x1xf32> to vector<80x1024xf32>
        %ge3A_1453 = arith.cmpf oge, %get3A_1451, %ge3A_1452 : vector<80x1024xf32>
        %convert_element_type3A_1454 = arith.extui %ge3A_1453 : vector<80x1024xi1> to vector<80x1024xi32>
        %convert_element_type3A_1455 = arith.sitofp %convert_element_type3A_1454 : vector<80x1024xi32> to vector<80x1024xf32>
        %reduce_sum3A_1456 = arith.constant dense<0.000000e+00> : vector<80xf32>
        %reduce_sum3A_1457 = vector.multi_reduction <add>, %convert_element_type3A_1455, %reduce_sum3A_1456 [1] : vector<80x1024xf32> to vector<80xf32>
        %broadcast_in_dim3A_1458 = vector.shape_cast %reduce_sum3A_1457 : vector<80xf32> to vector<80x1xf32>
        %add3A_1459 = arith.addf %add3A_1448, %broadcast_in_dim3A_1458 : vector<80x1xf32>
        %get3A_1460 = arith.constant 0 : index
        %get3A_1461 = arith.constant 4096 : index
        %get3A_1462 = vector.load %arg7[%get3A_1460, %get3A_1461] : memref<80x10000xf32, #tpu.memory_space<vmem>>, vector<80x1024xf32>
        %ge3A_1463 = vector.broadcast %bitcast_convert_type3A_1413 : vector<80x1xf32> to vector<80x1024xf32>
        %ge3A_1464 = arith.cmpf oge, %get3A_1462, %ge3A_1463 : vector<80x1024xf32>
        %convert_element_type3A_1465 = arith.extui %ge3A_1464 : vector<80x1024xi1> to vector<80x1024xi32>
        %convert_element_type3A_1466 = arith.sitofp %convert_element_type3A_1465 : vector<80x1024xi32> to vector<80x1024xf32>
        %reduce_sum3A_1467 = arith.constant dense<0.000000e+00> : vector<80xf32>
        %reduce_sum3A_1468 = vector.multi_reduction <add>, %convert_element_type3A_1466, %reduce_sum3A_1467 [1] : vector<80x1024xf32> to vector<80xf32>
        %broadcast_in_dim3A_1469 = vector.shape_cast %reduce_sum3A_1468 : vector<80xf32> to vector<80x1xf32>
        %add3A_1470 = arith.addf %add3A_1459, %broadcast_in_dim3A_1469 : vector<80x1xf32>
        %get3A_1471 = arith.constant 0 : index
        %get3A_1472 = arith.constant 5120 : index
        %get3A_1473 = vector.load %arg7[%get3A_1471, %get3A_1472] : memref<80x10000xf32, #tpu.memory_space<vmem>>, vector<80x1024xf32>
        %ge3A_1474 = vector.broadcast %bitcast_convert_type3A_1413 : vector<80x1xf32> to vector<80x1024xf32>
        %ge3A_1475 = arith.cmpf oge, %get3A_1473, %ge3A_1474 : vector<80x1024xf32>
        %convert_element_type3A_1476 = arith.extui %ge3A_1475 : vector<80x1024xi1> to vector<80x1024xi32>
        %convert_element_type3A_1477 = arith.sitofp %convert_element_type3A_1476 : vector<80x1024xi32> to vector<80x1024xf32>
        %reduce_sum3A_1478 = arith.constant dense<0.000000e+00> : vector<80xf32>
        %reduce_sum3A_1479 = vector.multi_reduction <add>, %convert_element_type3A_1477, %reduce_sum3A_1478 [1] : vector<80x1024xf32> to vector<80xf32>
        %broadcast_in_dim3A_1480 = vector.shape_cast %reduce_sum3A_1479 : vector<80xf32> to vector<80x1xf32>
        %add3A_1481 = arith.addf %add3A_1470, %broadcast_in_dim3A_1480 : vector<80x1xf32>
        %get3A_1482 = arith.constant 0 : index
        %get3A_1483 = arith.constant 6144 : index
        %get3A_1484 = vector.load %arg7[%get3A_1482, %get3A_1483] : memref<80x10000xf32, #tpu.memory_space<vmem>>, vector<80x1024xf32>
        %ge3A_1485 = vector.broadcast %bitcast_convert_type3A_1413 : vector<80x1xf32> to vector<80x1024xf32>
        %ge3A_1486 = arith.cmpf oge, %get3A_1484, %ge3A_1485 : vector<80x1024xf32>
        %convert_element_type3A_1487 = arith.extui %ge3A_1486 : vector<80x1024xi1> to vector<80x1024xi32>
        %convert_element_type3A_1488 = arith.sitofp %convert_element_type3A_1487 : vector<80x1024xi32> to vector<80x1024xf32>
        %reduce_sum3A_1489 = arith.constant dense<0.000000e+00> : vector<80xf32>
        %reduce_sum3A_1490 = vector.multi_reduction <add>, %convert_element_type3A_1488, %reduce_sum3A_1489 [1] : vector<80x1024xf32> to vector<80xf32>
        %broadcast_in_dim3A_1491 = vector.shape_cast %reduce_sum3A_1490 : vector<80xf32> to vector<80x1xf32>
        %add3A_1492 = arith.addf %add3A_1481, %broadcast_in_dim3A_1491 : vector<80x1xf32>
        %get3A_1493 = arith.constant 0 : index
        %get3A_1494 = arith.constant 7168 : index
        %get3A_1495 = vector.load %arg7[%get3A_1493, %get3A_1494] : memref<80x10000xf32, #tpu.memory_space<vmem>>, vector<80x1024xf32>
        %ge3A_1496 = vector.broadcast %bitcast_convert_type3A_1413 : vector<80x1xf32> to vector<80x1024xf32>
        %ge3A_1497 = arith.cmpf oge, %get3A_1495, %ge3A_1496 : vector<80x1024xf32>
        %convert_element_type3A_1498 = arith.extui %ge3A_1497 : vector<80x1024xi1> to vector<80x1024xi32>
        %convert_element_type3A_1499 = arith.sitofp %convert_element_type3A_1498 : vector<80x1024xi32> to vector<80x1024xf32>
        %reduce_sum3A_1500 = arith.constant dense<0.000000e+00> : vector<80xf32>
        %reduce_sum3A_1501 = vector.multi_reduction <add>, %convert_element_type3A_1499, %reduce_sum3A_1500 [1] : vector<80x1024xf32> to vector<80xf32>
        %broadcast_in_dim3A_1502 = vector.shape_cast %reduce_sum3A_1501 : vector<80xf32> to vector<80x1xf32>
        %add3A_1503 = arith.addf %add3A_1492, %broadcast_in_dim3A_1502 : vector<80x1xf32>
        %get3A_1504 = arith.constant 0 : index
        %get3A_1505 = arith.constant 8192 : index
        %get3A_1506 = vector.load %arg7[%get3A_1504, %get3A_1505] : memref<80x10000xf32, #tpu.memory_space<vmem>>, vector<80x1024xf32>
        %ge3A_1507 = vector.broadcast %bitcast_convert_type3A_1413 : vector<80x1xf32> to vector<80x1024xf32>
        %ge3A_1508 = arith.cmpf oge, %get3A_1506, %ge3A_1507 : vector<80x1024xf32>
        %convert_element_type3A_1509 = arith.extui %ge3A_1508 : vector<80x1024xi1> to vector<80x1024xi32>
        %convert_element_type3A_1510 = arith.sitofp %convert_element_type3A_1509 : vector<80x1024xi32> to vector<80x1024xf32>
        %reduce_sum3A_1511 = arith.constant dense<0.000000e+00> : vector<80xf32>
        %reduce_sum3A_1512 = vector.multi_reduction <add>, %convert_element_type3A_1510, %reduce_sum3A_1511 [1] : vector<80x1024xf32> to vector<80xf32>
        %broadcast_in_dim3A_1513 = vector.shape_cast %reduce_sum3A_1512 : vector<80xf32> to vector<80x1xf32>
        %add3A_1514 = arith.addf %add3A_1503, %broadcast_in_dim3A_1513 : vector<80x1xf32>
        %get3A_1515 = arith.constant 0 : index
        %get3A_1516 = arith.constant 9216 : index
        %get3A_1517 = vector.load %arg7[%get3A_1515, %get3A_1516] : memref<80x10000xf32, #tpu.memory_space<vmem>>, vector<80x784xf32>
        %ge3A_1518 = vector.broadcast %bitcast_convert_type3A_1413 : vector<80x1xf32> to vector<80x784xf32>
        %ge3A_1519 = arith.cmpf oge, %get3A_1517, %ge3A_1518 : vector<80x784xf32>
        %convert_element_type3A_1520 = arith.extui %ge3A_1519 : vector<80x784xi1> to vector<80x784xi32>
        %convert_element_type3A_1521 = arith.sitofp %convert_element_type3A_1520 : vector<80x784xi32> to vector<80x784xf32>
        %reduce_sum3A_1522 = arith.constant dense<0.000000e+00> : vector<80xf32>
        %reduce_sum3A_1523 = vector.multi_reduction <add>, %convert_element_type3A_1521, %reduce_sum3A_1522 [1] : vector<80x784xf32> to vector<80xf32>
        %broadcast_in_dim3A_1524 = vector.shape_cast %reduce_sum3A_1523 : vector<80xf32> to vector<80x1xf32>
        %add3A_1525 = arith.addf %add3A_1514, %broadcast_in_dim3A_1524 : vector<80x1xf32>
        %ge3A_1526 = arith.constant 3.200000e+01 : f32
        %ge3A_1527 = vector.broadcast %ge3A_1526 : f32 to vector<80x1xf32>
        %ge3A_1528 = arith.cmpf oge, %add3A_1525, %ge3A_1527 : vector<80x1xf32>
        %select_n3A_1529 = arith.select %ge3A_1528, %shift_right_logical3A_1412, %scan3A_1408 : vector<80x1xi1>, vector<80x1xi32>
        %select_n3A_1530 = arith.select %ge3A_1528, %scan3A_1409, %shift_right_logical3A_1412 : vector<80x1xi1>, vector<80x1xi32>
        scf.yield %select_n3A_1529, %select_n3A_1530 : vector<80x1xi32>, vector<80x1xi32>
      }
      %bitcast_convert_type3A = tpu.bitcast %scan3A_528#0 : vector<80x1xi32> -> vector<80x1xf32>
      %swap3A_529 = arith.constant 0 : index
      %swap3A_530 = arith.constant 0 : index
      %swap3A_531 = vector.load %arg8[%swap3A_529, %swap3A_530] : memref<80x1xf32, #tpu.memory_space<vmem>>, vector<80x1xf32>
      tpu.vector_store %arg8[%swap3A_529, %swap3A_530], %bitcast_convert_type3A {strides = array<i32>} : memref<80x1xf32, #tpu.memory_space<vmem>>, vector<80x1xf32>,
      %broadcast_in_dim3A_532 = arith.constant 0.000000e+00 : f32
      %broadcast_in_dim3A_533 = vector.broadcast %broadcast_in_dim3A_532 : f32 to vector<80x1xf32>
      %get3A_534 = arith.constant 0 : index
      %get3A_535 = arith.constant 0 : index
      %get3A_536 = vector.load %arg7[%get3A_534, %get3A_535] : memref<80x10000xf32, #tpu.memory_space<vmem>>, vector<80x1024xf32>
      %gt3A = vector.broadcast %bitcast_convert_type3A : vector<80x1xf32> to vector<80x1024xf32>
      %gt3A_537 = arith.cmpf ogt, %get3A_536, %gt3A : vector<80x1024xf32>
      %convert_element_type3A_538 = arith.extui %gt3A_537 : vector<80x1024xi1> to vector<80x1024xi32>
      %convert_element_type3A_539 = arith.sitofp %convert_element_type3A_538 : vector<80x1024xi32> to vector<80x1024xf32>
      %reduce_sum3A_540 = arith.constant dense<0.000000e+00> : vector<80xf32>
      %reduce_sum3A_541 = vector.multi_reduction <add>, %convert_element_type3A_539, %reduce_sum3A_540 [1] : vector<80x1024xf32> to vector<80xf32>
      %broadcast_in_dim3A_542 = vector.shape_cast %reduce_sum3A_541 : vector<80xf32> to vector<80x1xf32>
      %add3A = arith.addf %broadcast_in_dim3A_533, %broadcast_in_dim3A_542 : vector<80x1xf32>
      %get3A_543 = arith.constant 0 : index
      %get3A_544 = arith.constant 1024 : index
      %get3A_545 = vector.load %arg7[%get3A_543, %get3A_544] : memref<80x10000xf32, #tpu.memory_space<vmem>>, vector<80x1024xf32>
      %gt3A_546 = vector.broadcast %bitcast_convert_type3A : vector<80x1xf32> to vector<80x1024xf32>
      %gt3A_547 = arith.cmpf ogt, %get3A_545, %gt3A_546 : vector<80x1024xf32>
      %convert_element_type3A_548 = arith.extui %gt3A_547 : vector<80x1024xi1> to vector<80x1024xi32>
      %convert_element_type3A_549 = arith.sitofp %convert_element_type3A_548 : vector<80x1024xi32> to vector<80x1024xf32>
      %reduce_sum3A_550 = arith.constant dense<0.000000e+00> : vector<80xf32>
      %reduce_sum3A_551 = vector.multi_reduction <add>, %convert_element_type3A_549, %reduce_sum3A_550 [1] : vector<80x1024xf32> to vector<80xf32>
      %broadcast_in_dim3A_552 = vector.shape_cast %reduce_sum3A_551 : vector<80xf32> to vector<80x1xf32>
      %add3A_553 = arith.addf %add3A, %broadcast_in_dim3A_552 : vector<80x1xf32>
      %get3A_554 = arith.constant 0 : index
      %get3A_555 = arith.constant 2048 : index
      %get3A_556 = vector.load %arg7[%get3A_554, %get3A_555] : memref<80x10000xf32, #tpu.memory_space<vmem>>, vector<80x1024xf32>
      %gt3A_557 = vector.broadcast %bitcast_convert_type3A : vector<80x1xf32> to vector<80x1024xf32>
      %gt3A_558 = arith.cmpf ogt, %get3A_556, %gt3A_557 : vector<80x1024xf32>
      %convert_element_type3A_559 = arith.extui %gt3A_558 : vector<80x1024xi1> to vector<80x1024xi32>
      %convert_element_type3A_560 = arith.sitofp %convert_element_type3A_559 : vector<80x1024xi32> to vector<80x1024xf32>
      %reduce_sum3A_561 = arith.constant dense<0.000000e+00> : vector<80xf32>
      %reduce_sum3A_562 = vector.multi_reduction <add>, %convert_element_type3A_560, %reduce_sum3A_561 [1] : vector<80x1024xf32> to vector<80xf32>
      %broadcast_in_dim3A_563 = vector.shape_cast %reduce_sum3A_562 : vector<80xf32> to vector<80x1xf32>
      %add3A_564 = arith.addf %add3A_553, %broadcast_in_dim3A_563 : vector<80x1xf32>
      %get3A_565 = arith.constant 0 : index
      %get3A_566 = arith.constant 3072 : index
      %get3A_567 = vector.load %arg7[%get3A_565, %get3A_566] : memref<80x10000xf32, #tpu.memory_space<vmem>>, vector<80x1024xf32>
      %gt3A_568 = vector.broadcast %bitcast_convert_type3A : vector<80x1xf32> to vector<80x1024xf32>
      %gt3A_569 = arith.cmpf ogt, %get3A_567, %gt3A_568 : vector<80x1024xf32>
      %convert_element_type3A_570 = arith.extui %gt3A_569 : vector<80x1024xi1> to vector<80x1024xi32>
      %convert_element_type3A_571 = arith.sitofp %convert_element_type3A_570 : vector<80x1024xi32> to vector<80x1024xf32>
      %reduce_sum3A_572 = arith.constant dense<0.000000e+00> : vector<80xf32>
      %reduce_sum3A_573 = vector.multi_reduction <add>, %convert_element_type3A_571, %reduce_sum3A_572 [1] : vector<80x1024xf32> to vector<80xf32>
      %broadcast_in_dim3A_574 = vector.shape_cast %reduce_sum3A_573 : vector<80xf32> to vector<80x1xf32>
      %add3A_575 = arith.addf %add3A_564, %broadcast_in_dim3A_574 : vector<80x1xf32>
      %get3A_576 = arith.constant 0 : index
      %get3A_577 = arith.constant 4096 : index
      %get3A_578 = vector.load %arg7[%get3A_576, %get3A_577] : memref<80x10000xf32, #tpu.memory_space<vmem>>, vector<80x1024xf32>
      %gt3A_579 = vector.broadcast %bitcast_convert_type3A : vector<80x1xf32> to vector<80x1024xf32>
      %gt3A_580 = arith.cmpf ogt, %get3A_578, %gt3A_579 : vector<80x1024xf32>
      %convert_element_type3A_581 = arith.extui %gt3A_580 : vector<80x1024xi1> to vector<80x1024xi32>
      %convert_element_type3A_582 = arith.sitofp %convert_element_type3A_581 : vector<80x1024xi32> to vector<80x1024xf32>
      %reduce_sum3A_583 = arith.constant dense<0.000000e+00> : vector<80xf32>
      %reduce_sum3A_584 = vector.multi_reduction <add>, %convert_element_type3A_582, %reduce_sum3A_583 [1] : vector<80x1024xf32> to vector<80xf32>
      %broadcast_in_dim3A_585 = vector.shape_cast %reduce_sum3A_584 : vector<80xf32> to vector<80x1xf32>
      %add3A_586 = arith.addf %add3A_575, %broadcast_in_dim3A_585 : vector<80x1xf32>
      %get3A_587 = arith.constant 0 : index
      %get3A_588 = arith.constant 5120 : index
      %get3A_589 = vector.load %arg7[%get3A_587, %get3A_588] : memref<80x10000xf32, #tpu.memory_space<vmem>>, vector<80x1024xf32>
      %gt3A_590 = vector.broadcast %bitcast_convert_type3A : vector<80x1xf32> to vector<80x1024xf32>
      %gt3A_591 = arith.cmpf ogt, %get3A_589, %gt3A_590 : vector<80x1024xf32>
      %convert_element_type3A_592 = arith.extui %gt3A_591 : vector<80x1024xi1> to vector<80x1024xi32>
      %convert_element_type3A_593 = arith.sitofp %convert_element_type3A_592 : vector<80x1024xi32> to vector<80x1024xf32>
      %reduce_sum3A_594 = arith.constant dense<0.000000e+00> : vector<80xf32>
      %reduce_sum3A_595 = vector.multi_reduction <add>, %convert_element_type3A_593, %reduce_sum3A_594 [1] : vector<80x1024xf32> to vector<80xf32>
      %broadcast_in_dim3A_596 = vector.shape_cast %reduce_sum3A_595 : vector<80xf32> to vector<80x1xf32>
      %add3A_597 = arith.addf %add3A_586, %broadcast_in_dim3A_596 : vector<80x1xf32>
      %get3A_598 = arith.constant 0 : index
      %get3A_599 = arith.constant 6144 : index
      %get3A_600 = vector.load %arg7[%get3A_598, %get3A_599] : memref<80x10000xf32, #tpu.memory_space<vmem>>, vector<80x1024xf32>
      %gt3A_601 = vector.broadcast %bitcast_convert_type3A : vector<80x1xf32> to vector<80x1024xf32>
      %gt3A_602 = arith.cmpf ogt, %get3A_600, %gt3A_601 : vector<80x1024xf32>
      %convert_element_type3A_603 = arith.extui %gt3A_602 : vector<80x1024xi1> to vector<80x1024xi32>
      %convert_element_type3A_604 = arith.sitofp %convert_element_type3A_603 : vector<80x1024xi32> to vector<80x1024xf32>
      %reduce_sum3A_605 = arith.constant dense<0.000000e+00> : vector<80xf32>
      %reduce_sum3A_606 = vector.multi_reduction <add>, %convert_element_type3A_604, %reduce_sum3A_605 [1] : vector<80x1024xf32> to vector<80xf32>
      %broadcast_in_dim3A_607 = vector.shape_cast %reduce_sum3A_606 : vector<80xf32> to vector<80x1xf32>
      %add3A_608 = arith.addf %add3A_597, %broadcast_in_dim3A_607 : vector<80x1xf32>
      %get3A_609 = arith.constant 0 : index
      %get3A_610 = arith.constant 7168 : index
      %get3A_611 = vector.load %arg7[%get3A_609, %get3A_610] : memref<80x10000xf32, #tpu.memory_space<vmem>>, vector<80x1024xf32>
      %gt3A_612 = vector.broadcast %bitcast_convert_type3A : vector<80x1xf32> to vector<80x1024xf32>
      %gt3A_613 = arith.cmpf ogt, %get3A_611, %gt3A_612 : vector<80x1024xf32>
      %convert_element_type3A_614 = arith.extui %gt3A_613 : vector<80x1024xi1> to vector<80x1024xi32>
      %convert_element_type3A_615 = arith.sitofp %convert_element_type3A_614 : vector<80x1024xi32> to vector<80x1024xf32>
      %reduce_sum3A_616 = arith.constant dense<0.000000e+00> : vector<80xf32>
      %reduce_sum3A_617 = vector.multi_reduction <add>, %convert_element_type3A_615, %reduce_sum3A_616 [1] : vector<80x1024xf32> to vector<80xf32>
      %broadcast_in_dim3A_618 = vector.shape_cast %reduce_sum3A_617 : vector<80xf32> to vector<80x1xf32>
      %add3A_619 = arith.addf %add3A_608, %broadcast_in_dim3A_618 : vector<80x1xf32>
      %get3A_620 = arith.constant 0 : index
      %get3A_621 = arith.constant 8192 : index
      %get3A_622 = vector.load %arg7[%get3A_620, %get3A_621] : memref<80x10000xf32, #tpu.memory_space<vmem>>, vector<80x1024xf32>
      %gt3A_623 = vector.broadcast %bitcast_convert_type3A : vector<80x1xf32> to vector<80x1024xf32>
      %gt3A_624 = arith.cmpf ogt, %get3A_622, %gt3A_623 : vector<80x1024xf32>
      %convert_element_type3A_625 = arith.extui %gt3A_624 : vector<80x1024xi1> to vector<80x1024xi32>
      %convert_element_type3A_626 = arith.sitofp %convert_element_type3A_625 : vector<80x1024xi32> to vector<80x1024xf32>
      %reduce_sum3A_627 = arith.constant dense<0.000000e+00> : vector<80xf32>
      %reduce_sum3A_628 = vector.multi_reduction <add>, %convert_element_type3A_626, %reduce_sum3A_627 [1] : vector<80x1024xf32> to vector<80xf32>
      %broadcast_in_dim3A_629 = vector.shape_cast %reduce_sum3A_628 : vector<80xf32> to vector<80x1xf32>
      %add3A_630 = arith.addf %add3A_619, %broadcast_in_dim3A_629 : vector<80x1xf32>
      %get3A_631 = arith.constant 0 : index
      %get3A_632 = arith.constant 9216 : index
      %get3A_633 = vector.load %arg7[%get3A_631, %get3A_632] : memref<80x10000xf32, #tpu.memory_space<vmem>>, vector<80x784xf32>
      %gt3A_634 = vector.broadcast %bitcast_convert_type3A : vector<80x1xf32> to vector<80x784xf32>
      %gt3A_635 = arith.cmpf ogt, %get3A_633, %gt3A_634 : vector<80x784xf32>
      %convert_element_type3A_636 = arith.extui %gt3A_635 : vector<80x784xi1> to vector<80x784xi32>
      %convert_element_type3A_637 = arith.sitofp %convert_element_type3A_636 : vector<80x784xi32> to vector<80x784xf32>
      %reduce_sum3A_638 = arith.constant dense<0.000000e+00> : vector<80xf32>
      %reduce_sum3A_639 = vector.multi_reduction <add>, %convert_element_type3A_637, %reduce_sum3A_638 [1] : vector<80x784xf32> to vector<80xf32>
      %broadcast_in_dim3A_640 = vector.shape_cast %reduce_sum3A_639 : vector<80xf32> to vector<80x1xf32>
      %add3A_641 = arith.addf %add3A_630, %broadcast_in_dim3A_640 : vector<80x1xf32>
      %swap3A_642 = arith.constant 0 : index
      %swap3A_643 = arith.constant 0 : index
      %swap3A_644 = vector.load %arg9[%swap3A_642, %swap3A_643] : memref<80x1xf32, #tpu.memory_space<vmem>>, vector<80x1xf32>
      tpu.vector_store %arg9[%swap3A_642, %swap3A_643], %add3A_641 {strides = array<i32>} : memref<80x1xf32, #tpu.memory_space<vmem>>, vector<80x1xf32>,
      %get3A_645 = arith.constant 0 : index
      %get3A_646 = arith.constant 0 : index
      %get3A_647 = vector.load %arg9[%get3A_645, %get3A_646] : memref<80x1xf32, #tpu.memory_space<vmem>>, vector<80x1xf32>
      %get3A_648 = arith.constant 0 : index
      %get3A_649 = arith.constant 0 : index
      %get3A_650 = vector.load %arg7[%get3A_648, %get3A_649] : memref<80x10000xf32, #tpu.memory_space<vmem>>, vector<80x1024xf32>
      %eq3A_651 = vector.broadcast %bitcast_convert_type3A : vector<80x1xf32> to vector<80x1024xf32>
      %eq3A_652 = arith.cmpf oeq, %get3A_650, %eq3A_651 : vector<80x1024xf32>
      %convert_element_type3A_653 = arith.extui %eq3A_652 : vector<80x1024xi1> to vector<80x1024xi32>
      %convert_element_type3A_654 = arith.sitofp %convert_element_type3A_653 : vector<80x1024xi32> to vector<80x1024xf32>
      %broadcast_in_dim3A_655 = arith.constant 0.000000e+00 : f32
      %broadcast_in_dim3A_656 = vector.broadcast %broadcast_in_dim3A_655 : f32 to vector<80x1xf32>
      %slice3A = vector.extract_strided_slice %convert_element_type3A_654 {offsets = [0, 0], sizes = [80, 1023], strides = [1, 1]} : vector<80x1024xf32> to vector<80x1023xf32>
      %concatenate3A = tpu.concatenate %broadcast_in_dim3A_656, %slice3A in 1 : vector<80x1xf32>, vector<80x1023xf32> -> vector<80x1024xf32>
      %add3A_657 = arith.addf %convert_element_type3A_654, %concatenate3A : vector<80x1024xf32>
      %broadcast_in_dim3A_658 = arith.constant 0.000000e+00 : f32
      %broadcast_in_dim3A_659 = vector.broadcast %broadcast_in_dim3A_658 : f32 to vector<80x2xf32>
      %slice3A_660 = vector.extract_strided_slice %add3A_657 {offsets = [0, 0], sizes = [80, 1022], strides = [1, 1]} : vector<80x1024xf32> to vector<80x1022xf32>
      %concatenate3A_661 = tpu.concatenate %broadcast_in_dim3A_659, %slice3A_660 in 1 : vector<80x2xf32>, vector<80x1022xf32> -> vector<80x1024xf32>
      %add3A_662 = arith.addf %add3A_657, %concatenate3A_661 : vector<80x1024xf32>
      %broadcast_in_dim3A_663 = arith.constant 0.000000e+00 : f32
      %broadcast_in_dim3A_664 = vector.broadcast %broadcast_in_dim3A_663 : f32 to vector<80x4xf32>
      %slice3A_665 = vector.extract_strided_slice %add3A_662 {offsets = [0, 0], sizes = [80, 1020], strides = [1, 1]} : vector<80x1024xf32> to vector<80x1020xf32>
      %concatenate3A_666 = tpu.concatenate %broadcast_in_dim3A_664, %slice3A_665 in 1 : vector<80x4xf32>, vector<80x1020xf32> -> vector<80x1024xf32>
      %add3A_667 = arith.addf %add3A_662, %concatenate3A_666 : vector<80x1024xf32>
      %broadcast_in_dim3A_668 = arith.constant 0.000000e+00 : f32
      %broadcast_in_dim3A_669 = vector.broadcast %broadcast_in_dim3A_668 : f32 to vector<80x8xf32>
      %slice3A_670 = vector.extract_strided_slice %add3A_667 {offsets = [0, 0], sizes = [80, 1016], strides = [1, 1]} : vector<80x1024xf32> to vector<80x1016xf32>
      %concatenate3A_671 = tpu.concatenate %broadcast_in_dim3A_669, %slice3A_670 in 1 : vector<80x8xf32>, vector<80x1016xf32> -> vector<80x1024xf32>
      %add3A_672 = arith.addf %add3A_667, %concatenate3A_671 : vector<80x1024xf32>
      %broadcast_in_dim3A_673 = arith.constant 0.000000e+00 : f32
      %broadcast_in_dim3A_674 = vector.broadcast %broadcast_in_dim3A_673 : f32 to vector<80x16xf32>
      %slice3A_675 = vector.extract_strided_slice %add3A_672 {offsets = [0, 0], sizes = [80, 1008], strides = [1, 1]} : vector<80x1024xf32> to vector<80x1008xf32>
      %concatenate3A_676 = tpu.concatenate %broadcast_in_dim3A_674, %slice3A_675 in 1 : vector<80x16xf32>, vector<80x1008xf32> -> vector<80x1024xf32>
      %add3A_677 = arith.addf %add3A_672, %concatenate3A_676 : vector<80x1024xf32>
      %broadcast_in_dim3A_678 = arith.constant 0.000000e+00 : f32
      %broadcast_in_dim3A_679 = vector.broadcast %broadcast_in_dim3A_678 : f32 to vector<80x32xf32>
      %slice3A_680 = vector.extract_strided_slice %add3A_677 {offsets = [0, 0], sizes = [80, 992], strides = [1, 1]} : vector<80x1024xf32> to vector<80x992xf32>
      %concatenate3A_681 = tpu.concatenate %broadcast_in_dim3A_679, %slice3A_680 in 1 : vector<80x32xf32>, vector<80x992xf32> -> vector<80x1024xf32>
      %add3A_682 = arith.addf %add3A_677, %concatenate3A_681 : vector<80x1024xf32>
      %broadcast_in_dim3A_683 = arith.constant 0.000000e+00 : f32
      %broadcast_in_dim3A_684 = vector.broadcast %broadcast_in_dim3A_683 : f32 to vector<80x64xf32>
      %slice3A_685 = vector.extract_strided_slice %add3A_682 {offsets = [0, 0], sizes = [80, 960], strides = [1, 1]} : vector<80x1024xf32> to vector<80x960xf32>
      %concatenate3A_686 = tpu.concatenate %broadcast_in_dim3A_684, %slice3A_685 in 1 : vector<80x64xf32>, vector<80x960xf32> -> vector<80x1024xf32>
      %add3A_687 = arith.addf %add3A_682, %concatenate3A_686 : vector<80x1024xf32>
      %broadcast_in_dim3A_688 = arith.constant 0.000000e+00 : f32
      %broadcast_in_dim3A_689 = vector.broadcast %broadcast_in_dim3A_688 : f32 to vector<80x128xf32>
      %slice3A_690 = vector.extract_strided_slice %add3A_687 {offsets = [0, 0], sizes = [80, 896], strides = [1, 1]} : vector<80x1024xf32> to vector<80x896xf32>
      %concatenate3A_691 = tpu.concatenate %broadcast_in_dim3A_689, %slice3A_690 in 1 : vector<80x128xf32>, vector<80x896xf32> -> vector<80x1024xf32>
      %add3A_692 = arith.addf %add3A_687, %concatenate3A_691 : vector<80x1024xf32>
      %broadcast_in_dim3A_693 = arith.constant 0.000000e+00 : f32
      %broadcast_in_dim3A_694 = vector.broadcast %broadcast_in_dim3A_693 : f32 to vector<80x256xf32>
      %slice3A_695 = vector.extract_strided_slice %add3A_692 {offsets = [0, 0], sizes = [80, 768], strides = [1, 1]} : vector<80x1024xf32> to vector<80x768xf32>
      %concatenate3A_696 = tpu.concatenate %broadcast_in_dim3A_694, %slice3A_695 in 1 : vector<80x256xf32>, vector<80x768xf32> -> vector<80x1024xf32>
      %add3A_697 = arith.addf %add3A_692, %concatenate3A_696 : vector<80x1024xf32>
      %broadcast_in_dim3A_698 = arith.constant 0.000000e+00 : f32
      %broadcast_in_dim3A_699 = vector.broadcast %broadcast_in_dim3A_698 : f32 to vector<80x512xf32>
      %slice3A_700 = vector.extract_strided_slice %add3A_697 {offsets = [0, 0], sizes = [80, 512], strides = [1, 1]} : vector<80x1024xf32> to vector<80x512xf32>
      %concatenate3A_701 = tpu.concatenate %broadcast_in_dim3A_699, %slice3A_700 in 1 : vector<80x512xf32>, vector<80x512xf32> -> vector<80x1024xf32>
      %add3A_702 = arith.addf %add3A_697, %concatenate3A_701 : vector<80x1024xf32>
      %sub3A_703 = arith.subf %add3A_702, %convert_element_type3A_654 : vector<80x1024xf32>
      %gt3A_704 = vector.broadcast %bitcast_convert_type3A : vector<80x1xf32> to vector<80x1024xf32>
      %gt3A_705 = arith.cmpf ogt, %get3A_650, %gt3A_704 : vector<80x1024xf32>
      %add3A_706 = vector.broadcast %get3A_647 : vector<80x1xf32> to vector<80x1024xf32>
      %add3A_707 = arith.addf %add3A_706, %sub3A_703 : vector<80x1024xf32>
      %lt3A = arith.constant 3.200000e+01 : f32
      %lt3A_708 = vector.broadcast %lt3A : f32 to vector<80x1024xf32>
      %lt3A_709 = arith.cmpf olt, %add3A_707, %lt3A_708 : vector<80x1024xf32>
      %and3A = arith.andi %eq3A_652, %lt3A_709 : vector<80x1024xi1>
      %or3A = arith.ori %gt3A_705, %and3A : vector<80x1024xi1>
      %jit3A = arith.constant 0.000000e+00 : f32
      %broadcast_in_dim3A_710 = vector.broadcast %jit3A : f32 to vector<80x1024xf32>
      %select_n3A = arith.select %or3A, %get3A_650, %broadcast_in_dim3A_710 : vector<80x1024xi1>, vector<80x1024xf32>
      %swap3A_711 = arith.constant 0 : index
      %swap3A_712 = arith.constant 0 : index
      %swap3A_713 = vector.load %arg6[%swap3A_711, %swap3A_712] : memref<80x10000xf32, #tpu.memory_space<vmem>>, vector<80x1024xf32>
      tpu.vector_store %arg6[%swap3A_711, %swap3A_712], %select_n3A {strides = array<i32>} : memref<80x10000xf32, #tpu.memory_space<vmem>>, vector<80x1024xf32>,
      %reduce_sum3A_714 = arith.constant dense<0.000000e+00> : vector<80xf32>
      %reduce_sum3A_715 = vector.multi_reduction <add>, %convert_element_type3A_654, %reduce_sum3A_714 [1] : vector<80x1024xf32> to vector<80xf32>
      %broadcast_in_dim3A_716 = vector.shape_cast %reduce_sum3A_715 : vector<80xf32> to vector<80x1xf32>
      %add3A_717 = arith.addf %get3A_647, %broadcast_in_dim3A_716 : vector<80x1xf32>
      %get3A_718 = arith.constant 0 : index
      %get3A_719 = arith.constant 1024 : index
      %get3A_720 = vector.load %arg7[%get3A_718, %get3A_719] : memref<80x10000xf32, #tpu.memory_space<vmem>>, vector<80x1024xf32>
      %eq3A_721 = vector.broadcast %bitcast_convert_type3A : vector<80x1xf32> to vector<80x1024xf32>
      %eq3A_722 = arith.cmpf oeq, %get3A_720, %eq3A_721 : vector<80x1024xf32>
      %convert_element_type3A_723 = arith.extui %eq3A_722 : vector<80x1024xi1> to vector<80x1024xi32>
      %convert_element_type3A_724 = arith.sitofp %convert_element_type3A_723 : vector<80x1024xi32> to vector<80x1024xf32>
      %broadcast_in_dim3A_725 = arith.constant 0.000000e+00 : f32
      %broadcast_in_dim3A_726 = vector.broadcast %broadcast_in_dim3A_725 : f32 to vector<80x1xf32>
      %slice3A_727 = vector.extract_strided_slice %convert_element_type3A_724 {offsets = [0, 0], sizes = [80, 1023], strides = [1, 1]} : vector<80x1024xf32> to vector<80x1023xf32>
      %concatenate3A_728 = tpu.concatenate %broadcast_in_dim3A_726, %slice3A_727 in 1 : vector<80x1xf32>, vector<80x1023xf32> -> vector<80x1024xf32>
      %add3A_729 = arith.addf %convert_element_type3A_724, %concatenate3A_728 : vector<80x1024xf32>
      %broadcast_in_dim3A_730 = arith.constant 0.000000e+00 : f32
      %broadcast_in_dim3A_731 = vector.broadcast %broadcast_in_dim3A_730 : f32 to vector<80x2xf32>
      %slice3A_732 = vector.extract_strided_slice %add3A_729 {offsets = [0, 0], sizes = [80, 1022], strides = [1, 1]} : vector<80x1024xf32> to vector<80x1022xf32>
      %concatenate3A_733 = tpu.concatenate %broadcast_in_dim3A_731, %slice3A_732 in 1 : vector<80x2xf32>, vector<80x1022xf32> -> vector<80x1024xf32>
      %add3A_734 = arith.addf %add3A_729, %concatenate3A_733 : vector<80x1024xf32>
      %broadcast_in_dim3A_735 = arith.constant 0.000000e+00 : f32
      %broadcast_in_dim3A_736 = vector.broadcast %broadcast_in_dim3A_735 : f32 to vector<80x4xf32>
      %slice3A_737 = vector.extract_strided_slice %add3A_734 {offsets = [0, 0], sizes = [80, 1020], strides = [1, 1]} : vector<80x1024xf32> to vector<80x1020xf32>
      %concatenate3A_738 = tpu.concatenate %broadcast_in_dim3A_736, %slice3A_737 in 1 : vector<80x4xf32>, vector<80x1020xf32> -> vector<80x1024xf32>
      %add3A_739 = arith.addf %add3A_734, %concatenate3A_738 : vector<80x1024xf32>
      %broadcast_in_dim3A_740 = arith.constant 0.000000e+00 : f32
      %broadcast_in_dim3A_741 = vector.broadcast %broadcast_in_dim3A_740 : f32 to vector<80x8xf32>
      %slice3A_742 = vector.extract_strided_slice %add3A_739 {offsets = [0, 0], sizes = [80, 1016], strides = [1, 1]} : vector<80x1024xf32> to vector<80x1016xf32>
      %concatenate3A_743 = tpu.concatenate %broadcast_in_dim3A_741, %slice3A_742 in 1 : vector<80x8xf32>, vector<80x1016xf32> -> vector<80x1024xf32>
      %add3A_744 = arith.addf %add3A_739, %concatenate3A_743 : vector<80x1024xf32>
      %broadcast_in_dim3A_745 = arith.constant 0.000000e+00 : f32
      %broadcast_in_dim3A_746 = vector.broadcast %broadcast_in_dim3A_745 : f32 to vector<80x16xf32>
      %slice3A_747 = vector.extract_strided_slice %add3A_744 {offsets = [0, 0], sizes = [80, 1008], strides = [1, 1]} : vector<80x1024xf32> to vector<80x1008xf32>
      %concatenate3A_748 = tpu.concatenate %broadcast_in_dim3A_746, %slice3A_747 in 1 : vector<80x16xf32>, vector<80x1008xf32> -> vector<80x1024xf32>
      %add3A_749 = arith.addf %add3A_744, %concatenate3A_748 : vector<80x1024xf32>
      %broadcast_in_dim3A_750 = arith.constant 0.000000e+00 : f32
      %broadcast_in_dim3A_751 = vector.broadcast %broadcast_in_dim3A_750 : f32 to vector<80x32xf32>
      %slice3A_752 = vector.extract_strided_slice %add3A_749 {offsets = [0, 0], sizes = [80, 992], strides = [1, 1]} : vector<80x1024xf32> to vector<80x992xf32>
      %concatenate3A_753 = tpu.concatenate %broadcast_in_dim3A_751, %slice3A_752 in 1 : vector<80x32xf32>, vector<80x992xf32> -> vector<80x1024xf32>
      %add3A_754 = arith.addf %add3A_749, %concatenate3A_753 : vector<80x1024xf32>
      %broadcast_in_dim3A_755 = arith.constant 0.000000e+00 : f32
      %broadcast_in_dim3A_756 = vector.broadcast %broadcast_in_dim3A_755 : f32 to vector<80x64xf32>
      %slice3A_757 = vector.extract_strided_slice %add3A_754 {offsets = [0, 0], sizes = [80, 960], strides = [1, 1]} : vector<80x1024xf32> to vector<80x960xf32>
      %concatenate3A_758 = tpu.concatenate %broadcast_in_dim3A_756, %slice3A_757 in 1 : vector<80x64xf32>, vector<80x960xf32> -> vector<80x1024xf32>
      %add3A_759 = arith.addf %add3A_754, %concatenate3A_758 : vector<80x1024xf32>
      %broadcast_in_dim3A_760 = arith.constant 0.000000e+00 : f32
      %broadcast_in_dim3A_761 = vector.broadcast %broadcast_in_dim3A_760 : f32 to vector<80x128xf32>
      %slice3A_762 = vector.extract_strided_slice %add3A_759 {offsets = [0, 0], sizes = [80, 896], strides = [1, 1]} : vector<80x1024xf32> to vector<80x896xf32>
      %concatenate3A_763 = tpu.concatenate %broadcast_in_dim3A_761, %slice3A_762 in 1 : vector<80x128xf32>, vector<80x896xf32> -> vector<80x1024xf32>
      %add3A_764 = arith.addf %add3A_759, %concatenate3A_763 : vector<80x1024xf32>
      %broadcast_in_dim3A_765 = arith.constant 0.000000e+00 : f32
      %broadcast_in_dim3A_766 = vector.broadcast %broadcast_in_dim3A_765 : f32 to vector<80x256xf32>
      %slice3A_767 = vector.extract_strided_slice %add3A_764 {offsets = [0, 0], sizes = [80, 768], strides = [1, 1]} : vector<80x1024xf32> to vector<80x768xf32>
      %concatenate3A_768 = tpu.concatenate %broadcast_in_dim3A_766, %slice3A_767 in 1 : vector<80x256xf32>, vector<80x768xf32> -> vector<80x1024xf32>
      %add3A_769 = arith.addf %add3A_764, %concatenate3A_768 : vector<80x1024xf32>
      %broadcast_in_dim3A_770 = arith.constant 0.000000e+00 : f32
      %broadcast_in_dim3A_771 = vector.broadcast %broadcast_in_dim3A_770 : f32 to vector<80x512xf32>
      %slice3A_772 = vector.extract_strided_slice %add3A_769 {offsets = [0, 0], sizes = [80, 512], strides = [1, 1]} : vector<80x1024xf32> to vector<80x512xf32>
      %concatenate3A_773 = tpu.concatenate %broadcast_in_dim3A_771, %slice3A_772 in 1 : vector<80x512xf32>, vector<80x512xf32> -> vector<80x1024xf32>
      %add3A_774 = arith.addf %add3A_769, %concatenate3A_773 : vector<80x1024xf32>
      %sub3A_775 = arith.subf %add3A_774, %convert_element_type3A_724 : vector<80x1024xf32>
      %gt3A_776 = vector.broadcast %bitcast_convert_type3A : vector<80x1xf32> to vector<80x1024xf32>
      %gt3A_777 = arith.cmpf ogt, %get3A_720, %gt3A_776 : vector<80x1024xf32>
      %add3A_778 = vector.broadcast %add3A_717 : vector<80x1xf32> to vector<80x1024xf32>
      %add3A_779 = arith.addf %add3A_778, %sub3A_775 : vector<80x1024xf32>
      %lt3A_780 = arith.constant 3.200000e+01 : f32
      %lt3A_781 = vector.broadcast %lt3A_780 : f32 to vector<80x1024xf32>
      %lt3A_782 = arith.cmpf olt, %add3A_779, %lt3A_781 : vector<80x1024xf32>
      %and3A_783 = arith.andi %eq3A_722, %lt3A_782 : vector<80x1024xi1>
      %or3A_784 = arith.ori %gt3A_777, %and3A_783 : vector<80x1024xi1>
      %jit3A_785 = arith.constant 0.000000e+00 : f32
      %broadcast_in_dim3A_786 = vector.broadcast %jit3A_785 : f32 to vector<80x1024xf32>
      %select_n3A_787 = arith.select %or3A_784, %get3A_720, %broadcast_in_dim3A_786 : vector<80x1024xi1>, vector<80x1024xf32>
      %swap3A_788 = arith.constant 0 : index
      %swap3A_789 = arith.constant 1024 : index
      %swap3A_790 = vector.load %arg6[%swap3A_788, %swap3A_789] : memref<80x10000xf32, #tpu.memory_space<vmem>>, vector<80x1024xf32>
      tpu.vector_store %arg6[%swap3A_788, %swap3A_789], %select_n3A_787 {strides = array<i32>} : memref<80x10000xf32, #tpu.memory_space<vmem>>, vector<80x1024xf32>,
      %reduce_sum3A_791 = arith.constant dense<0.000000e+00> : vector<80xf32>
      %reduce_sum3A_792 = vector.multi_reduction <add>, %convert_element_type3A_724, %reduce_sum3A_791 [1] : vector<80x1024xf32> to vector<80xf32>
      %broadcast_in_dim3A_793 = vector.shape_cast %reduce_sum3A_792 : vector<80xf32> to vector<80x1xf32>
      %add3A_794 = arith.addf %add3A_717, %broadcast_in_dim3A_793 : vector<80x1xf32>
      %get3A_795 = arith.constant 0 : index
      %get3A_796 = arith.constant 2048 : index
      %get3A_797 = vector.load %arg7[%get3A_795, %get3A_796] : memref<80x10000xf32, #tpu.memory_space<vmem>>, vector<80x1024xf32>
      %eq3A_798 = vector.broadcast %bitcast_convert_type3A : vector<80x1xf32> to vector<80x1024xf32>
      %eq3A_799 = arith.cmpf oeq, %get3A_797, %eq3A_798 : vector<80x1024xf32>
      %convert_element_type3A_800 = arith.extui %eq3A_799 : vector<80x1024xi1> to vector<80x1024xi32>
      %convert_element_type3A_801 = arith.sitofp %convert_element_type3A_800 : vector<80x1024xi32> to vector<80x1024xf32>
      %broadcast_in_dim3A_802 = arith.constant 0.000000e+00 : f32
      %broadcast_in_dim3A_803 = vector.broadcast %broadcast_in_dim3A_802 : f32 to vector<80x1xf32>
      %slice3A_804 = vector.extract_strided_slice %convert_element_type3A_801 {offsets = [0, 0], sizes = [80, 1023], strides = [1, 1]} : vector<80x1024xf32> to vector<80x1023xf32>
      %concatenate3A_805 = tpu.concatenate %broadcast_in_dim3A_803, %slice3A_804 in 1 : vector<80x1xf32>, vector<80x1023xf32> -> vector<80x1024xf32>
      %add3A_806 = arith.addf %convert_element_type3A_801, %concatenate3A_805 : vector<80x1024xf32>
      %broadcast_in_dim3A_807 = arith.constant 0.000000e+00 : f32
      %broadcast_in_dim3A_808 = vector.broadcast %broadcast_in_dim3A_807 : f32 to vector<80x2xf32>
      %slice3A_809 = vector.extract_strided_slice %add3A_806 {offsets = [0, 0], sizes = [80, 1022], strides = [1, 1]} : vector<80x1024xf32> to vector<80x1022xf32>
      %concatenate3A_810 = tpu.concatenate %broadcast_in_dim3A_808, %slice3A_809 in 1 : vector<80x2xf32>, vector<80x1022xf32> -> vector<80x1024xf32>
      %add3A_811 = arith.addf %add3A_806, %concatenate3A_810 : vector<80x1024xf32>
      %broadcast_in_dim3A_812 = arith.constant 0.000000e+00 : f32
      %broadcast_in_dim3A_813 = vector.broadcast %broadcast_in_dim3A_812 : f32 to vector<80x4xf32>
      %slice3A_814 = vector.extract_strided_slice %add3A_811 {offsets = [0, 0], sizes = [80, 1020], strides = [1, 1]} : vector<80x1024xf32> to vector<80x1020xf32>
      %concatenate3A_815 = tpu.concatenate %broadcast_in_dim3A_813, %slice3A_814 in 1 : vector<80x4xf32>, vector<80x1020xf32> -> vector<80x1024xf32>
      %add3A_816 = arith.addf %add3A_811, %concatenate3A_815 : vector<80x1024xf32>
      %broadcast_in_dim3A_817 = arith.constant 0.000000e+00 : f32
      %broadcast_in_dim3A_818 = vector.broadcast %broadcast_in_dim3A_817 : f32 to vector<80x8xf32>
      %slice3A_819 = vector.extract_strided_slice %add3A_816 {offsets = [0, 0], sizes = [80, 1016], strides = [1, 1]} : vector<80x1024xf32> to vector<80x1016xf32>
      %concatenate3A_820 = tpu.concatenate %broadcast_in_dim3A_818, %slice3A_819 in 1 : vector<80x8xf32>, vector<80x1016xf32> -> vector<80x1024xf32>
      %add3A_821 = arith.addf %add3A_816, %concatenate3A_820 : vector<80x1024xf32>
      %broadcast_in_dim3A_822 = arith.constant 0.000000e+00 : f32
      %broadcast_in_dim3A_823 = vector.broadcast %broadcast_in_dim3A_822 : f32 to vector<80x16xf32>
      %slice3A_824 = vector.extract_strided_slice %add3A_821 {offsets = [0, 0], sizes = [80, 1008], strides = [1, 1]} : vector<80x1024xf32> to vector<80x1008xf32>
      %concatenate3A_825 = tpu.concatenate %broadcast_in_dim3A_823, %slice3A_824 in 1 : vector<80x16xf32>, vector<80x1008xf32> -> vector<80x1024xf32>
      %add3A_826 = arith.addf %add3A_821, %concatenate3A_825 : vector<80x1024xf32>
      %broadcast_in_dim3A_827 = arith.constant 0.000000e+00 : f32
      %broadcast_in_dim3A_828 = vector.broadcast %broadcast_in_dim3A_827 : f32 to vector<80x32xf32>
      %slice3A_829 = vector.extract_strided_slice %add3A_826 {offsets = [0, 0], sizes = [80, 992], strides = [1, 1]} : vector<80x1024xf32> to vector<80x992xf32>
      %concatenate3A_830 = tpu.concatenate %broadcast_in_dim3A_828, %slice3A_829 in 1 : vector<80x32xf32>, vector<80x992xf32> -> vector<80x1024xf32>
      %add3A_831 = arith.addf %add3A_826, %concatenate3A_830 : vector<80x1024xf32>
      %broadcast_in_dim3A_832 = arith.constant 0.000000e+00 : f32
      %broadcast_in_dim3A_833 = vector.broadcast %broadcast_in_dim3A_832 : f32 to vector<80x64xf32>
      %slice3A_834 = vector.extract_strided_slice %add3A_831 {offsets = [0, 0], sizes = [80, 960], strides = [1, 1]} : vector<80x1024xf32> to vector<80x960xf32>
      %concatenate3A_835 = tpu.concatenate %broadcast_in_dim3A_833, %slice3A_834 in 1 : vector<80x64xf32>, vector<80x960xf32> -> vector<80x1024xf32>
      %add3A_836 = arith.addf %add3A_831, %concatenate3A_835 : vector<80x1024xf32>
      %broadcast_in_dim3A_837 = arith.constant 0.000000e+00 : f32
      %broadcast_in_dim3A_838 = vector.broadcast %broadcast_in_dim3A_837 : f32 to vector<80x128xf32>
      %slice3A_839 = vector.extract_strided_slice %add3A_836 {offsets = [0, 0], sizes = [80, 896], strides = [1, 1]} : vector<80x1024xf32> to vector<80x896xf32>
      %concatenate3A_840 = tpu.concatenate %broadcast_in_dim3A_838, %slice3A_839 in 1 : vector<80x128xf32>, vector<80x896xf32> -> vector<80x1024xf32>
      %add3A_841 = arith.addf %add3A_836, %concatenate3A_840 : vector<80x1024xf32>
      %broadcast_in_dim3A_842 = arith.constant 0.000000e+00 : f32
      %broadcast_in_dim3A_843 = vector.broadcast %broadcast_in_dim3A_842 : f32 to vector<80x256xf32>
      %slice3A_844 = vector.extract_strided_slice %add3A_841 {offsets = [0, 0], sizes = [80, 768], strides = [1, 1]} : vector<80x1024xf32> to vector<80x768xf32>
      %concatenate3A_845 = tpu.concatenate %broadcast_in_dim3A_843, %slice3A_844 in 1 : vector<80x256xf32>, vector<80x768xf32> -> vector<80x1024xf32>
      %add3A_846 = arith.addf %add3A_841, %concatenate3A_845 : vector<80x1024xf32>
      %broadcast_in_dim3A_847 = arith.constant 0.000000e+00 : f32
      %broadcast_in_dim3A_848 = vector.broadcast %broadcast_in_dim3A_847 : f32 to vector<80x512xf32>
      %slice3A_849 = vector.extract_strided_slice %add3A_846 {offsets = [0, 0], sizes = [80, 512], strides = [1, 1]} : vector<80x1024xf32> to vector<80x512xf32>
      %concatenate3A_850 = tpu.concatenate %broadcast_in_dim3A_848, %slice3A_849 in 1 : vector<80x512xf32>, vector<80x512xf32> -> vector<80x1024xf32>
      %add3A_851 = arith.addf %add3A_846, %concatenate3A_850 : vector<80x1024xf32>
      %sub3A_852 = arith.subf %add3A_851, %convert_element_type3A_801 : vector<80x1024xf32>
      %gt3A_853 = vector.broadcast %bitcast_convert_type3A : vector<80x1xf32> to vector<80x1024xf32>
      %gt3A_854 = arith.cmpf ogt, %get3A_797, %gt3A_853 : vector<80x1024xf32>
      %add3A_855 = vector.broadcast %add3A_794 : vector<80x1xf32> to vector<80x1024xf32>
      %add3A_856 = arith.addf %add3A_855, %sub3A_852 : vector<80x1024xf32>
      %lt3A_857 = arith.constant 3.200000e+01 : f32
      %lt3A_858 = vector.broadcast %lt3A_857 : f32 to vector<80x1024xf32>
      %lt3A_859 = arith.cmpf olt, %add3A_856, %lt3A_858 : vector<80x1024xf32>
      %and3A_860 = arith.andi %eq3A_799, %lt3A_859 : vector<80x1024xi1>
      %or3A_861 = arith.ori %gt3A_854, %and3A_860 : vector<80x1024xi1>
      %jit3A_862 = arith.constant 0.000000e+00 : f32
      %broadcast_in_dim3A_863 = vector.broadcast %jit3A_862 : f32 to vector<80x1024xf32>
      %select_n3A_864 = arith.select %or3A_861, %get3A_797, %broadcast_in_dim3A_863 : vector<80x1024xi1>, vector<80x1024xf32>
      %swap3A_865 = arith.constant 0 : index
      %swap3A_866 = arith.constant 2048 : index
      %swap3A_867 = vector.load %arg6[%swap3A_865, %swap3A_866] : memref<80x10000xf32, #tpu.memory_space<vmem>>, vector<80x1024xf32>
      tpu.vector_store %arg6[%swap3A_865, %swap3A_866], %select_n3A_864 {strides = array<i32>} : memref<80x10000xf32, #tpu.memory_space<vmem>>, vector<80x1024xf32>,
      %reduce_sum3A_868 = arith.constant dense<0.000000e+00> : vector<80xf32>
      %reduce_sum3A_869 = vector.multi_reduction <add>, %convert_element_type3A_801, %reduce_sum3A_868 [1] : vector<80x1024xf32> to vector<80xf32>
      %broadcast_in_dim3A_870 = vector.shape_cast %reduce_sum3A_869 : vector<80xf32> to vector<80x1xf32>
      %add3A_871 = arith.addf %add3A_794, %broadcast_in_dim3A_870 : vector<80x1xf32>
      %get3A_872 = arith.constant 0 : index
      %get3A_873 = arith.constant 3072 : index
      %get3A_874 = vector.load %arg7[%get3A_872, %get3A_873] : memref<80x10000xf32, #tpu.memory_space<vmem>>, vector<80x1024xf32>
      %eq3A_875 = vector.broadcast %bitcast_convert_type3A : vector<80x1xf32> to vector<80x1024xf32>
      %eq3A_876 = arith.cmpf oeq, %get3A_874, %eq3A_875 : vector<80x1024xf32>
      %convert_element_type3A_877 = arith.extui %eq3A_876 : vector<80x1024xi1> to vector<80x1024xi32>
      %convert_element_type3A_878 = arith.sitofp %convert_element_type3A_877 : vector<80x1024xi32> to vector<80x1024xf32>
      %broadcast_in_dim3A_879 = arith.constant 0.000000e+00 : f32
      %broadcast_in_dim3A_880 = vector.broadcast %broadcast_in_dim3A_879 : f32 to vector<80x1xf32>
      %slice3A_881 = vector.extract_strided_slice %convert_element_type3A_878 {offsets = [0, 0], sizes = [80, 1023], strides = [1, 1]} : vector<80x1024xf32> to vector<80x1023xf32>
      %concatenate3A_882 = tpu.concatenate %broadcast_in_dim3A_880, %slice3A_881 in 1 : vector<80x1xf32>, vector<80x1023xf32> -> vector<80x1024xf32>
      %add3A_883 = arith.addf %convert_element_type3A_878, %concatenate3A_882 : vector<80x1024xf32>
      %broadcast_in_dim3A_884 = arith.constant 0.000000e+00 : f32
      %broadcast_in_dim3A_885 = vector.broadcast %broadcast_in_dim3A_884 : f32 to vector<80x2xf32>
      %slice3A_886 = vector.extract_strided_slice %add3A_883 {offsets = [0, 0], sizes = [80, 1022], strides = [1, 1]} : vector<80x1024xf32> to vector<80x1022xf32>
      %concatenate3A_887 = tpu.concatenate %broadcast_in_dim3A_885, %slice3A_886 in 1 : vector<80x2xf32>, vector<80x1022xf32> -> vector<80x1024xf32>
      %add3A_888 = arith.addf %add3A_883, %concatenate3A_887 : vector<80x1024xf32>
      %broadcast_in_dim3A_889 = arith.constant 0.000000e+00 : f32
      %broadcast_in_dim3A_890 = vector.broadcast %broadcast_in_dim3A_889 : f32 to vector<80x4xf32>
      %slice3A_891 = vector.extract_strided_slice %add3A_888 {offsets = [0, 0], sizes = [80, 1020], strides = [1, 1]} : vector<80x1024xf32> to vector<80x1020xf32>
      %concatenate3A_892 = tpu.concatenate %broadcast_in_dim3A_890, %slice3A_891 in 1 : vector<80x4xf32>, vector<80x1020xf32> -> vector<80x1024xf32>
      %add3A_893 = arith.addf %add3A_888, %concatenate3A_892 : vector<80x1024xf32>
      %broadcast_in_dim3A_894 = arith.constant 0.000000e+00 : f32
      %broadcast_in_dim3A_895 = vector.broadcast %broadcast_in_dim3A_894 : f32 to vector<80x8xf32>
      %slice3A_896 = vector.extract_strided_slice %add3A_893 {offsets = [0, 0], sizes = [80, 1016], strides = [1, 1]} : vector<80x1024xf32> to vector<80x1016xf32>
      %concatenate3A_897 = tpu.concatenate %broadcast_in_dim3A_895, %slice3A_896 in 1 : vector<80x8xf32>, vector<80x1016xf32> -> vector<80x1024xf32>
      %add3A_898 = arith.addf %add3A_893, %concatenate3A_897 : vector<80x1024xf32>
      %broadcast_in_dim3A_899 = arith.constant 0.000000e+00 : f32
      %broadcast_in_dim3A_900 = vector.broadcast %broadcast_in_dim3A_899 : f32 to vector<80x16xf32>
      %slice3A_901 = vector.extract_strided_slice %add3A_898 {offsets = [0, 0], sizes = [80, 1008], strides = [1, 1]} : vector<80x1024xf32> to vector<80x1008xf32>
      %concatenate3A_902 = tpu.concatenate %broadcast_in_dim3A_900, %slice3A_901 in 1 : vector<80x16xf32>, vector<80x1008xf32> -> vector<80x1024xf32>
      %add3A_903 = arith.addf %add3A_898, %concatenate3A_902 : vector<80x1024xf32>
      %broadcast_in_dim3A_904 = arith.constant 0.000000e+00 : f32
      %broadcast_in_dim3A_905 = vector.broadcast %broadcast_in_dim3A_904 : f32 to vector<80x32xf32>
      %slice3A_906 = vector.extract_strided_slice %add3A_903 {offsets = [0, 0], sizes = [80, 992], strides = [1, 1]} : vector<80x1024xf32> to vector<80x992xf32>
      %concatenate3A_907 = tpu.concatenate %broadcast_in_dim3A_905, %slice3A_906 in 1 : vector<80x32xf32>, vector<80x992xf32> -> vector<80x1024xf32>
      %add3A_908 = arith.addf %add3A_903, %concatenate3A_907 : vector<80x1024xf32>
      %broadcast_in_dim3A_909 = arith.constant 0.000000e+00 : f32
      %broadcast_in_dim3A_910 = vector.broadcast %broadcast_in_dim3A_909 : f32 to vector<80x64xf32>
      %slice3A_911 = vector.extract_strided_slice %add3A_908 {offsets = [0, 0], sizes = [80, 960], strides = [1, 1]} : vector<80x1024xf32> to vector<80x960xf32>
      %concatenate3A_912 = tpu.concatenate %broadcast_in_dim3A_910, %slice3A_911 in 1 : vector<80x64xf32>, vector<80x960xf32> -> vector<80x1024xf32>
      %add3A_913 = arith.addf %add3A_908, %concatenate3A_912 : vector<80x1024xf32>
      %broadcast_in_dim3A_914 = arith.constant 0.000000e+00 : f32
      %broadcast_in_dim3A_915 = vector.broadcast %broadcast_in_dim3A_914 : f32 to vector<80x128xf32>
      %slice3A_916 = vector.extract_strided_slice %add3A_913 {offsets = [0, 0], sizes = [80, 896], strides = [1, 1]} : vector<80x1024xf32> to vector<80x896xf32>
      %concatenate3A_917 = tpu.concatenate %broadcast_in_dim3A_915, %slice3A_916 in 1 : vector<80x128xf32>, vector<80x896xf32> -> vector<80x1024xf32>
      %add3A_918 = arith.addf %add3A_913, %concatenate3A_917 : vector<80x1024xf32>
      %broadcast_in_dim3A_919 = arith.constant 0.000000e+00 : f32
      %broadcast_in_dim3A_920 = vector.broadcast %broadcast_in_dim3A_919 : f32 to vector<80x256xf32>
      %slice3A_921 = vector.extract_strided_slice %add3A_918 {offsets = [0, 0], sizes = [80, 768], strides = [1, 1]} : vector<80x1024xf32> to vector<80x768xf32>
      %concatenate3A_922 = tpu.concatenate %broadcast_in_dim3A_920, %slice3A_921 in 1 : vector<80x256xf32>, vector<80x768xf32> -> vector<80x1024xf32>
      %add3A_923 = arith.addf %add3A_918, %concatenate3A_922 : vector<80x1024xf32>
      %broadcast_in_dim3A_924 = arith.constant 0.000000e+00 : f32
      %broadcast_in_dim3A_925 = vector.broadcast %broadcast_in_dim3A_924 : f32 to vector<80x512xf32>
      %slice3A_926 = vector.extract_strided_slice %add3A_923 {offsets = [0, 0], sizes = [80, 512], strides = [1, 1]} : vector<80x1024xf32> to vector<80x512xf32>
      %concatenate3A_927 = tpu.concatenate %broadcast_in_dim3A_925, %slice3A_926 in 1 : vector<80x512xf32>, vector<80x512xf32> -> vector<80x1024xf32>
      %add3A_928 = arith.addf %add3A_923, %concatenate3A_927 : vector<80x1024xf32>
      %sub3A_929 = arith.subf %add3A_928, %convert_element_type3A_878 : vector<80x1024xf32>
      %gt3A_930 = vector.broadcast %bitcast_convert_type3A : vector<80x1xf32> to vector<80x1024xf32>
      %gt3A_931 = arith.cmpf ogt, %get3A_874, %gt3A_930 : vector<80x1024xf32>
      %add3A_932 = vector.broadcast %add3A_871 : vector<80x1xf32> to vector<80x1024xf32>
      %add3A_933 = arith.addf %add3A_932, %sub3A_929 : vector<80x1024xf32>
      %lt3A_934 = arith.constant 3.200000e+01 : f32
      %lt3A_935 = vector.broadcast %lt3A_934 : f32 to vector<80x1024xf32>
      %lt3A_936 = arith.cmpf olt, %add3A_933, %lt3A_935 : vector<80x1024xf32>
      %and3A_937 = arith.andi %eq3A_876, %lt3A_936 : vector<80x1024xi1>
      %or3A_938 = arith.ori %gt3A_931, %and3A_937 : vector<80x1024xi1>
      %jit3A_939 = arith.constant 0.000000e+00 : f32
      %broadcast_in_dim3A_940 = vector.broadcast %jit3A_939 : f32 to vector<80x1024xf32>
      %select_n3A_941 = arith.select %or3A_938, %get3A_874, %broadcast_in_dim3A_940 : vector<80x1024xi1>, vector<80x1024xf32>
      %swap3A_942 = arith.constant 0 : index
      %swap3A_943 = arith.constant 3072 : index
      %swap3A_944 = vector.load %arg6[%swap3A_942, %swap3A_943] : memref<80x10000xf32, #tpu.memory_space<vmem>>, vector<80x1024xf32>
      tpu.vector_store %arg6[%swap3A_942, %swap3A_943], %select_n3A_941 {strides = array<i32>} : memref<80x10000xf32, #tpu.memory_space<vmem>>, vector<80x1024xf32>,
      %reduce_sum3A_945 = arith.constant dense<0.000000e+00> : vector<80xf32>
      %reduce_sum3A_946 = vector.multi_reduction <add>, %convert_element_type3A_878, %reduce_sum3A_945 [1] : vector<80x1024xf32> to vector<80xf32>
      %broadcast_in_dim3A_947 = vector.shape_cast %reduce_sum3A_946 : vector<80xf32> to vector<80x1xf32>
      %add3A_948 = arith.addf %add3A_871, %broadcast_in_dim3A_947 : vector<80x1xf32>
      %get3A_949 = arith.constant 0 : index
      %get3A_950 = arith.constant 4096 : index
      %get3A_951 = vector.load %arg7[%get3A_949, %get3A_950] : memref<80x10000xf32, #tpu.memory_space<vmem>>, vector<80x1024xf32>
      %eq3A_952 = vector.broadcast %bitcast_convert_type3A : vector<80x1xf32> to vector<80x1024xf32>
      %eq3A_953 = arith.cmpf oeq, %get3A_951, %eq3A_952 : vector<80x1024xf32>
      %convert_element_type3A_954 = arith.extui %eq3A_953 : vector<80x1024xi1> to vector<80x1024xi32>
      %convert_element_type3A_955 = arith.sitofp %convert_element_type3A_954 : vector<80x1024xi32> to vector<80x1024xf32>
      %broadcast_in_dim3A_956 = arith.constant 0.000000e+00 : f32
      %broadcast_in_dim3A_957 = vector.broadcast %broadcast_in_dim3A_956 : f32 to vector<80x1xf32>
      %slice3A_958 = vector.extract_strided_slice %convert_element_type3A_955 {offsets = [0, 0], sizes = [80, 1023], strides = [1, 1]} : vector<80x1024xf32> to vector<80x1023xf32>
      %concatenate3A_959 = tpu.concatenate %broadcast_in_dim3A_957, %slice3A_958 in 1 : vector<80x1xf32>, vector<80x1023xf32> -> vector<80x1024xf32>
      %add3A_960 = arith.addf %convert_element_type3A_955, %concatenate3A_959 : vector<80x1024xf32>
      %broadcast_in_dim3A_961 = arith.constant 0.000000e+00 : f32
      %broadcast_in_dim3A_962 = vector.broadcast %broadcast_in_dim3A_961 : f32 to vector<80x2xf32>
      %slice3A_963 = vector.extract_strided_slice %add3A_960 {offsets = [0, 0], sizes = [80, 1022], strides = [1, 1]} : vector<80x1024xf32> to vector<80x1022xf32>
      %concatenate3A_964 = tpu.concatenate %broadcast_in_dim3A_962, %slice3A_963 in 1 : vector<80x2xf32>, vector<80x1022xf32> -> vector<80x1024xf32>
      %add3A_965 = arith.addf %add3A_960, %concatenate3A_964 : vector<80x1024xf32>
      %broadcast_in_dim3A_966 = arith.constant 0.000000e+00 : f32
      %broadcast_in_dim3A_967 = vector.broadcast %broadcast_in_dim3A_966 : f32 to vector<80x4xf32>
      %slice3A_968 = vector.extract_strided_slice %add3A_965 {offsets = [0, 0], sizes = [80, 1020], strides = [1, 1]} : vector<80x1024xf32> to vector<80x1020xf32>
      %concatenate3A_969 = tpu.concatenate %broadcast_in_dim3A_967, %slice3A_968 in 1 : vector<80x4xf32>, vector<80x1020xf32> -> vector<80x1024xf32>
      %add3A_970 = arith.addf %add3A_965, %concatenate3A_969 : vector<80x1024xf32>
      %broadcast_in_dim3A_971 = arith.constant 0.000000e+00 : f32
      %broadcast_in_dim3A_972 = vector.broadcast %broadcast_in_dim3A_971 : f32 to vector<80x8xf32>
      %slice3A_973 = vector.extract_strided_slice %add3A_970 {offsets = [0, 0], sizes = [80, 1016], strides = [1, 1]} : vector<80x1024xf32> to vector<80x1016xf32>
      %concatenate3A_974 = tpu.concatenate %broadcast_in_dim3A_972, %slice3A_973 in 1 : vector<80x8xf32>, vector<80x1016xf32> -> vector<80x1024xf32>
      %add3A_975 = arith.addf %add3A_970, %concatenate3A_974 : vector<80x1024xf32>
      %broadcast_in_dim3A_976 = arith.constant 0.000000e+00 : f32
      %broadcast_in_dim3A_977 = vector.broadcast %broadcast_in_dim3A_976 : f32 to vector<80x16xf32>
      %slice3A_978 = vector.extract_strided_slice %add3A_975 {offsets = [0, 0], sizes = [80, 1008], strides = [1, 1]} : vector<80x1024xf32> to vector<80x1008xf32>
      %concatenate3A_979 = tpu.concatenate %broadcast_in_dim3A_977, %slice3A_978 in 1 : vector<80x16xf32>, vector<80x1008xf32> -> vector<80x1024xf32>
      %add3A_980 = arith.addf %add3A_975, %concatenate3A_979 : vector<80x1024xf32>
      %broadcast_in_dim3A_981 = arith.constant 0.000000e+00 : f32
      %broadcast_in_dim3A_982 = vector.broadcast %broadcast_in_dim3A_981 : f32 to vector<80x32xf32>
      %slice3A_983 = vector.extract_strided_slice %add3A_980 {offsets = [0, 0], sizes = [80, 992], strides = [1, 1]} : vector<80x1024xf32> to vector<80x992xf32>
      %concatenate3A_984 = tpu.concatenate %broadcast_in_dim3A_982, %slice3A_983 in 1 : vector<80x32xf32>, vector<80x992xf32> -> vector<80x1024xf32>
      %add3A_985 = arith.addf %add3A_980, %concatenate3A_984 : vector<80x1024xf32>
      %broadcast_in_dim3A_986 = arith.constant 0.000000e+00 : f32
      %broadcast_in_dim3A_987 = vector.broadcast %broadcast_in_dim3A_986 : f32 to vector<80x64xf32>
      %slice3A_988 = vector.extract_strided_slice %add3A_985 {offsets = [0, 0], sizes = [80, 960], strides = [1, 1]} : vector<80x1024xf32> to vector<80x960xf32>
      %concatenate3A_989 = tpu.concatenate %broadcast_in_dim3A_987, %slice3A_988 in 1 : vector<80x64xf32>, vector<80x960xf32> -> vector<80x1024xf32>
      %add3A_990 = arith.addf %add3A_985, %concatenate3A_989 : vector<80x1024xf32>
      %broadcast_in_dim3A_991 = arith.constant 0.000000e+00 : f32
      %broadcast_in_dim3A_992 = vector.broadcast %broadcast_in_dim3A_991 : f32 to vector<80x128xf32>
      %slice3A_993 = vector.extract_strided_slice %add3A_990 {offsets = [0, 0], sizes = [80, 896], strides = [1, 1]} : vector<80x1024xf32> to vector<80x896xf32>
      %concatenate3A_994 = tpu.concatenate %broadcast_in_dim3A_992, %slice3A_993 in 1 : vector<80x128xf32>, vector<80x896xf32> -> vector<80x1024xf32>
      %add3A_995 = arith.addf %add3A_990, %concatenate3A_994 : vector<80x1024xf32>
      %broadcast_in_dim3A_996 = arith.constant 0.000000e+00 : f32
      %broadcast_in_dim3A_997 = vector.broadcast %broadcast_in_dim3A_996 : f32 to vector<80x256xf32>
      %slice3A_998 = vector.extract_strided_slice %add3A_995 {offsets = [0, 0], sizes = [80, 768], strides = [1, 1]} : vector<80x1024xf32> to vector<80x768xf32>
      %concatenate3A_999 = tpu.concatenate %broadcast_in_dim3A_997, %slice3A_998 in 1 : vector<80x256xf32>, vector<80x768xf32> -> vector<80x1024xf32>
      %add3A_1000 = arith.addf %add3A_995, %concatenate3A_999 : vector<80x1024xf32>
      %broadcast_in_dim3A_1001 = arith.constant 0.000000e+00 : f32
      %broadcast_in_dim3A_1002 = vector.broadcast %broadcast_in_dim3A_1001 : f32 to vector<80x512xf32>
      %slice3A_1003 = vector.extract_strided_slice %add3A_1000 {offsets = [0, 0], sizes = [80, 512], strides = [1, 1]} : vector<80x1024xf32> to vector<80x512xf32>
      %concatenate3A_1004 = tpu.concatenate %broadcast_in_dim3A_1002, %slice3A_1003 in 1 : vector<80x512xf32>, vector<80x512xf32> -> vector<80x1024xf32>
      %add3A_1005 = arith.addf %add3A_1000, %concatenate3A_1004 : vector<80x1024xf32>
      %sub3A_1006 = arith.subf %add3A_1005, %convert_element_type3A_955 : vector<80x1024xf32>
      %gt3A_1007 = vector.broadcast %bitcast_convert_type3A : vector<80x1xf32> to vector<80x1024xf32>
      %gt3A_1008 = arith.cmpf ogt, %get3A_951, %gt3A_1007 : vector<80x1024xf32>
      %add3A_1009 = vector.broadcast %add3A_948 : vector<80x1xf32> to vector<80x1024xf32>
      %add3A_1010 = arith.addf %add3A_1009, %sub3A_1006 : vector<80x1024xf32>
      %lt3A_1011 = arith.constant 3.200000e+01 : f32
      %lt3A_1012 = vector.broadcast %lt3A_1011 : f32 to vector<80x1024xf32>
      %lt3A_1013 = arith.cmpf olt, %add3A_1010, %lt3A_1012 : vector<80x1024xf32>
      %and3A_1014 = arith.andi %eq3A_953, %lt3A_1013 : vector<80x1024xi1>
      %or3A_1015 = arith.ori %gt3A_1008, %and3A_1014 : vector<80x1024xi1>
      %jit3A_1016 = arith.constant 0.000000e+00 : f32
      %broadcast_in_dim3A_1017 = vector.broadcast %jit3A_1016 : f32 to vector<80x1024xf32>
      %select_n3A_1018 = arith.select %or3A_1015, %get3A_951, %broadcast_in_dim3A_1017 : vector<80x1024xi1>, vector<80x1024xf32>
      %swap3A_1019 = arith.constant 0 : index
      %swap3A_1020 = arith.constant 4096 : index
      %swap3A_1021 = vector.load %arg6[%swap3A_1019, %swap3A_1020] : memref<80x10000xf32, #tpu.memory_space<vmem>>, vector<80x1024xf32>
      tpu.vector_store %arg6[%swap3A_1019, %swap3A_1020], %select_n3A_1018 {strides = array<i32>} : memref<80x10000xf32, #tpu.memory_space<vmem>>, vector<80x1024xf32>,
      %reduce_sum3A_1022 = arith.constant dense<0.000000e+00> : vector<80xf32>
      %reduce_sum3A_1023 = vector.multi_reduction <add>, %convert_element_type3A_955, %reduce_sum3A_1022 [1] : vector<80x1024xf32> to vector<80xf32>
      %broadcast_in_dim3A_1024 = vector.shape_cast %reduce_sum3A_1023 : vector<80xf32> to vector<80x1xf32>
      %add3A_1025 = arith.addf %add3A_948, %broadcast_in_dim3A_1024 : vector<80x1xf32>
      %get3A_1026 = arith.constant 0 : index
      %get3A_1027 = arith.constant 5120 : index
      %get3A_1028 = vector.load %arg7[%get3A_1026, %get3A_1027] : memref<80x10000xf32, #tpu.memory_space<vmem>>, vector<80x1024xf32>
      %eq3A_1029 = vector.broadcast %bitcast_convert_type3A : vector<80x1xf32> to vector<80x1024xf32>
      %eq3A_1030 = arith.cmpf oeq, %get3A_1028, %eq3A_1029 : vector<80x1024xf32>
      %convert_element_type3A_1031 = arith.extui %eq3A_1030 : vector<80x1024xi1> to vector<80x1024xi32>
      %convert_element_type3A_1032 = arith.sitofp %convert_element_type3A_1031 : vector<80x1024xi32> to vector<80x1024xf32>
      %broadcast_in_dim3A_1033 = arith.constant 0.000000e+00 : f32
      %broadcast_in_dim3A_1034 = vector.broadcast %broadcast_in_dim3A_1033 : f32 to vector<80x1xf32>
      %slice3A_1035 = vector.extract_strided_slice %convert_element_type3A_1032 {offsets = [0, 0], sizes = [80, 1023], strides = [1, 1]} : vector<80x1024xf32> to vector<80x1023xf32>
      %concatenate3A_1036 = tpu.concatenate %broadcast_in_dim3A_1034, %slice3A_1035 in 1 : vector<80x1xf32>, vector<80x1023xf32> -> vector<80x1024xf32>
      %add3A_1037 = arith.addf %convert_element_type3A_1032, %concatenate3A_1036 : vector<80x1024xf32>
      %broadcast_in_dim3A_1038 = arith.constant 0.000000e+00 : f32
      %broadcast_in_dim3A_1039 = vector.broadcast %broadcast_in_dim3A_1038 : f32 to vector<80x2xf32>
      %slice3A_1040 = vector.extract_strided_slice %add3A_1037 {offsets = [0, 0], sizes = [80, 1022], strides = [1, 1]} : vector<80x1024xf32> to vector<80x1022xf32>
      %concatenate3A_1041 = tpu.concatenate %broadcast_in_dim3A_1039, %slice3A_1040 in 1 : vector<80x2xf32>, vector<80x1022xf32> -> vector<80x1024xf32>
      %add3A_1042 = arith.addf %add3A_1037, %concatenate3A_1041 : vector<80x1024xf32>
      %broadcast_in_dim3A_1043 = arith.constant 0.000000e+00 : f32
      %broadcast_in_dim3A_1044 = vector.broadcast %broadcast_in_dim3A_1043 : f32 to vector<80x4xf32>
      %slice3A_1045 = vector.extract_strided_slice %add3A_1042 {offsets = [0, 0], sizes = [80, 1020], strides = [1, 1]} : vector<80x1024xf32> to vector<80x1020xf32>
      %concatenate3A_1046 = tpu.concatenate %broadcast_in_dim3A_1044, %slice3A_1045 in 1 : vector<80x4xf32>, vector<80x1020xf32> -> vector<80x1024xf32>
      %add3A_1047 = arith.addf %add3A_1042, %concatenate3A_1046 : vector<80x1024xf32>
      %broadcast_in_dim3A_1048 = arith.constant 0.000000e+00 : f32
      %broadcast_in_dim3A_1049 = vector.broadcast %broadcast_in_dim3A_1048 : f32 to vector<80x8xf32>
      %slice3A_1050 = vector.extract_strided_slice %add3A_1047 {offsets = [0, 0], sizes = [80, 1016], strides = [1, 1]} : vector<80x1024xf32> to vector<80x1016xf32>
      %concatenate3A_1051 = tpu.concatenate %broadcast_in_dim3A_1049, %slice3A_1050 in 1 : vector<80x8xf32>, vector<80x1016xf32> -> vector<80x1024xf32>
      %add3A_1052 = arith.addf %add3A_1047, %concatenate3A_1051 : vector<80x1024xf32>
      %broadcast_in_dim3A_1053 = arith.constant 0.000000e+00 : f32
      %broadcast_in_dim3A_1054 = vector.broadcast %broadcast_in_dim3A_1053 : f32 to vector<80x16xf32>
      %slice3A_1055 = vector.extract_strided_slice %add3A_1052 {offsets = [0, 0], sizes = [80, 1008], strides = [1, 1]} : vector<80x1024xf32> to vector<80x1008xf32>
      %concatenate3A_1056 = tpu.concatenate %broadcast_in_dim3A_1054, %slice3A_1055 in 1 : vector<80x16xf32>, vector<80x1008xf32> -> vector<80x1024xf32>
      %add3A_1057 = arith.addf %add3A_1052, %concatenate3A_1056 : vector<80x1024xf32>
      %broadcast_in_dim3A_1058 = arith.constant 0.000000e+00 : f32
      %broadcast_in_dim3A_1059 = vector.broadcast %broadcast_in_dim3A_1058 : f32 to vector<80x32xf32>
      %slice3A_1060 = vector.extract_strided_slice %add3A_1057 {offsets = [0, 0], sizes = [80, 992], strides = [1, 1]} : vector<80x1024xf32> to vector<80x992xf32>
      %concatenate3A_1061 = tpu.concatenate %broadcast_in_dim3A_1059, %slice3A_1060 in 1 : vector<80x32xf32>, vector<80x992xf32> -> vector<80x1024xf32>
      %add3A_1062 = arith.addf %add3A_1057, %concatenate3A_1061 : vector<80x1024xf32>
      %broadcast_in_dim3A_1063 = arith.constant 0.000000e+00 : f32
      %broadcast_in_dim3A_1064 = vector.broadcast %broadcast_in_dim3A_1063 : f32 to vector<80x64xf32>
      %slice3A_1065 = vector.extract_strided_slice %add3A_1062 {offsets = [0, 0], sizes = [80, 960], strides = [1, 1]} : vector<80x1024xf32> to vector<80x960xf32>
      %concatenate3A_1066 = tpu.concatenate %broadcast_in_dim3A_1064, %slice3A_1065 in 1 : vector<80x64xf32>, vector<80x960xf32> -> vector<80x1024xf32>
      %add3A_1067 = arith.addf %add3A_1062, %concatenate3A_1066 : vector<80x1024xf32>
      %broadcast_in_dim3A_1068 = arith.constant 0.000000e+00 : f32
      %broadcast_in_dim3A_1069 = vector.broadcast %broadcast_in_dim3A_1068 : f32 to vector<80x128xf32>
      %slice3A_1070 = vector.extract_strided_slice %add3A_1067 {offsets = [0, 0], sizes = [80, 896], strides = [1, 1]} : vector<80x1024xf32> to vector<80x896xf32>
      %concatenate3A_1071 = tpu.concatenate %broadcast_in_dim3A_1069, %slice3A_1070 in 1 : vector<80x128xf32>, vector<80x896xf32> -> vector<80x1024xf32>
      %add3A_1072 = arith.addf %add3A_1067, %concatenate3A_1071 : vector<80x1024xf32>
      %broadcast_in_dim3A_1073 = arith.constant 0.000000e+00 : f32
      %broadcast_in_dim3A_1074 = vector.broadcast %broadcast_in_dim3A_1073 : f32 to vector<80x256xf32>
      %slice3A_1075 = vector.extract_strided_slice %add3A_1072 {offsets = [0, 0], sizes = [80, 768], strides = [1, 1]} : vector<80x1024xf32> to vector<80x768xf32>
      %concatenate3A_1076 = tpu.concatenate %broadcast_in_dim3A_1074, %slice3A_1075 in 1 : vector<80x256xf32>, vector<80x768xf32> -> vector<80x1024xf32>
      %add3A_1077 = arith.addf %add3A_1072, %concatenate3A_1076 : vector<80x1024xf32>
      %broadcast_in_dim3A_1078 = arith.constant 0.000000e+00 : f32
      %broadcast_in_dim3A_1079 = vector.broadcast %broadcast_in_dim3A_1078 : f32 to vector<80x512xf32>
      %slice3A_1080 = vector.extract_strided_slice %add3A_1077 {offsets = [0, 0], sizes = [80, 512], strides = [1, 1]} : vector<80x1024xf32> to vector<80x512xf32>
      %concatenate3A_1081 = tpu.concatenate %broadcast_in_dim3A_1079, %slice3A_1080 in 1 : vector<80x512xf32>, vector<80x512xf32> -> vector<80x1024xf32>
      %add3A_1082 = arith.addf %add3A_1077, %concatenate3A_1081 : vector<80x1024xf32>
      %sub3A_1083 = arith.subf %add3A_1082, %convert_element_type3A_1032 : vector<80x1024xf32>
      %gt3A_1084 = vector.broadcast %bitcast_convert_type3A : vector<80x1xf32> to vector<80x1024xf32>
      %gt3A_1085 = arith.cmpf ogt, %get3A_1028, %gt3A_1084 : vector<80x1024xf32>
      %add3A_1086 = vector.broadcast %add3A_1025 : vector<80x1xf32> to vector<80x1024xf32>
      %add3A_1087 = arith.addf %add3A_1086, %sub3A_1083 : vector<80x1024xf32>
      %lt3A_1088 = arith.constant 3.200000e+01 : f32
      %lt3A_1089 = vector.broadcast %lt3A_1088 : f32 to vector<80x1024xf32>
      %lt3A_1090 = arith.cmpf olt, %add3A_1087, %lt3A_1089 : vector<80x1024xf32>
      %and3A_1091 = arith.andi %eq3A_1030, %lt3A_1090 : vector<80x1024xi1>
      %or3A_1092 = arith.ori %gt3A_1085, %and3A_1091 : vector<80x1024xi1>
      %jit3A_1093 = arith.constant 0.000000e+00 : f32
      %broadcast_in_dim3A_1094 = vector.broadcast %jit3A_1093 : f32 to vector<80x1024xf32>
      %select_n3A_1095 = arith.select %or3A_1092, %get3A_1028, %broadcast_in_dim3A_1094 : vector<80x1024xi1>, vector<80x1024xf32>
      %swap3A_1096 = arith.constant 0 : index
      %swap3A_1097 = arith.constant 5120 : index
      %swap3A_1098 = vector.load %arg6[%swap3A_1096, %swap3A_1097] : memref<80x10000xf32, #tpu.memory_space<vmem>>, vector<80x1024xf32>
      tpu.vector_store %arg6[%swap3A_1096, %swap3A_1097], %select_n3A_1095 {strides = array<i32>} : memref<80x10000xf32, #tpu.memory_space<vmem>>, vector<80x1024xf32>,
      %reduce_sum3A_1099 = arith.constant dense<0.000000e+00> : vector<80xf32>
      %reduce_sum3A_1100 = vector.multi_reduction <add>, %convert_element_type3A_1032, %reduce_sum3A_1099 [1] : vector<80x1024xf32> to vector<80xf32>
      %broadcast_in_dim3A_1101 = vector.shape_cast %reduce_sum3A_1100 : vector<80xf32> to vector<80x1xf32>
      %add3A_1102 = arith.addf %add3A_1025, %broadcast_in_dim3A_1101 : vector<80x1xf32>
      %get3A_1103 = arith.constant 0 : index
      %get3A_1104 = arith.constant 6144 : index
      %get3A_1105 = vector.load %arg7[%get3A_1103, %get3A_1104] : memref<80x10000xf32, #tpu.memory_space<vmem>>, vector<80x1024xf32>
      %eq3A_1106 = vector.broadcast %bitcast_convert_type3A : vector<80x1xf32> to vector<80x1024xf32>
      %eq3A_1107 = arith.cmpf oeq, %get3A_1105, %eq3A_1106 : vector<80x1024xf32>
      %convert_element_type3A_1108 = arith.extui %eq3A_1107 : vector<80x1024xi1> to vector<80x1024xi32>
      %convert_element_type3A_1109 = arith.sitofp %convert_element_type3A_1108 : vector<80x1024xi32> to vector<80x1024xf32>
      %broadcast_in_dim3A_1110 = arith.constant 0.000000e+00 : f32
      %broadcast_in_dim3A_1111 = vector.broadcast %broadcast_in_dim3A_1110 : f32 to vector<80x1xf32>
      %slice3A_1112 = vector.extract_strided_slice %convert_element_type3A_1109 {offsets = [0, 0], sizes = [80, 1023], strides = [1, 1]} : vector<80x1024xf32> to vector<80x1023xf32>
      %concatenate3A_1113 = tpu.concatenate %broadcast_in_dim3A_1111, %slice3A_1112 in 1 : vector<80x1xf32>, vector<80x1023xf32> -> vector<80x1024xf32>
      %add3A_1114 = arith.addf %convert_element_type3A_1109, %concatenate3A_1113 : vector<80x1024xf32>
      %broadcast_in_dim3A_1115 = arith.constant 0.000000e+00 : f32
      %broadcast_in_dim3A_1116 = vector.broadcast %broadcast_in_dim3A_1115 : f32 to vector<80x2xf32>
      %slice3A_1117 = vector.extract_strided_slice %add3A_1114 {offsets = [0, 0], sizes = [80, 1022], strides = [1, 1]} : vector<80x1024xf32> to vector<80x1022xf32>
      %concatenate3A_1118 = tpu.concatenate %broadcast_in_dim3A_1116, %slice3A_1117 in 1 : vector<80x2xf32>, vector<80x1022xf32> -> vector<80x1024xf32>
      %add3A_1119 = arith.addf %add3A_1114, %concatenate3A_1118 : vector<80x1024xf32>
      %broadcast_in_dim3A_1120 = arith.constant 0.000000e+00 : f32
      %broadcast_in_dim3A_1121 = vector.broadcast %broadcast_in_dim3A_1120 : f32 to vector<80x4xf32>
      %slice3A_1122 = vector.extract_strided_slice %add3A_1119 {offsets = [0, 0], sizes = [80, 1020], strides = [1, 1]} : vector<80x1024xf32> to vector<80x1020xf32>
      %concatenate3A_1123 = tpu.concatenate %broadcast_in_dim3A_1121, %slice3A_1122 in 1 : vector<80x4xf32>, vector<80x1020xf32> -> vector<80x1024xf32>
      %add3A_1124 = arith.addf %add3A_1119, %concatenate3A_1123 : vector<80x1024xf32>
      %broadcast_in_dim3A_1125 = arith.constant 0.000000e+00 : f32
      %broadcast_in_dim3A_1126 = vector.broadcast %broadcast_in_dim3A_1125 : f32 to vector<80x8xf32>
      %slice3A_1127 = vector.extract_strided_slice %add3A_1124 {offsets = [0, 0], sizes = [80, 1016], strides = [1, 1]} : vector<80x1024xf32> to vector<80x1016xf32>
      %concatenate3A_1128 = tpu.concatenate %broadcast_in_dim3A_1126, %slice3A_1127 in 1 : vector<80x8xf32>, vector<80x1016xf32> -> vector<80x1024xf32>
      %add3A_1129 = arith.addf %add3A_1124, %concatenate3A_1128 : vector<80x1024xf32>
      %broadcast_in_dim3A_1130 = arith.constant 0.000000e+00 : f32
      %broadcast_in_dim3A_1131 = vector.broadcast %broadcast_in_dim3A_1130 : f32 to vector<80x16xf32>
      %slice3A_1132 = vector.extract_strided_slice %add3A_1129 {offsets = [0, 0], sizes = [80, 1008], strides = [1, 1]} : vector<80x1024xf32> to vector<80x1008xf32>
      %concatenate3A_1133 = tpu.concatenate %broadcast_in_dim3A_1131, %slice3A_1132 in 1 : vector<80x16xf32>, vector<80x1008xf32> -> vector<80x1024xf32>
      %add3A_1134 = arith.addf %add3A_1129, %concatenate3A_1133 : vector<80x1024xf32>
      %broadcast_in_dim3A_1135 = arith.constant 0.000000e+00 : f32
      %broadcast_in_dim3A_1136 = vector.broadcast %broadcast_in_dim3A_1135 : f32 to vector<80x32xf32>
      %slice3A_1137 = vector.extract_strided_slice %add3A_1134 {offsets = [0, 0], sizes = [80, 992], strides = [1, 1]} : vector<80x1024xf32> to vector<80x992xf32>
      %concatenate3A_1138 = tpu.concatenate %broadcast_in_dim3A_1136, %slice3A_1137 in 1 : vector<80x32xf32>, vector<80x992xf32> -> vector<80x1024xf32>
      %add3A_1139 = arith.addf %add3A_1134, %concatenate3A_1138 : vector<80x1024xf32>
      %broadcast_in_dim3A_1140 = arith.constant 0.000000e+00 : f32
      %broadcast_in_dim3A_1141 = vector.broadcast %broadcast_in_dim3A_1140 : f32 to vector<80x64xf32>
      %slice3A_1142 = vector.extract_strided_slice %add3A_1139 {offsets = [0, 0], sizes = [80, 960], strides = [1, 1]} : vector<80x1024xf32> to vector<80x960xf32>
      %concatenate3A_1143 = tpu.concatenate %broadcast_in_dim3A_1141, %slice3A_1142 in 1 : vector<80x64xf32>, vector<80x960xf32> -> vector<80x1024xf32>
      %add3A_1144 = arith.addf %add3A_1139, %concatenate3A_1143 : vector<80x1024xf32>
      %broadcast_in_dim3A_1145 = arith.constant 0.000000e+00 : f32
      %broadcast_in_dim3A_1146 = vector.broadcast %broadcast_in_dim3A_1145 : f32 to vector<80x128xf32>
      %slice3A_1147 = vector.extract_strided_slice %add3A_1144 {offsets = [0, 0], sizes = [80, 896], strides = [1, 1]} : vector<80x1024xf32> to vector<80x896xf32>
      %concatenate3A_1148 = tpu.concatenate %broadcast_in_dim3A_1146, %slice3A_1147 in 1 : vector<80x128xf32>, vector<80x896xf32> -> vector<80x1024xf32>
      %add3A_1149 = arith.addf %add3A_1144, %concatenate3A_1148 : vector<80x1024xf32>
      %broadcast_in_dim3A_1150 = arith.constant 0.000000e+00 : f32
      %broadcast_in_dim3A_1151 = vector.broadcast %broadcast_in_dim3A_1150 : f32 to vector<80x256xf32>
      %slice3A_1152 = vector.extract_strided_slice %add3A_1149 {offsets = [0, 0], sizes = [80, 768], strides = [1, 1]} : vector<80x1024xf32> to vector<80x768xf32>
      %concatenate3A_1153 = tpu.concatenate %broadcast_in_dim3A_1151, %slice3A_1152 in 1 : vector<80x256xf32>, vector<80x768xf32> -> vector<80x1024xf32>
      %add3A_1154 = arith.addf %add3A_1149, %concatenate3A_1153 : vector<80x1024xf32>
      %broadcast_in_dim3A_1155 = arith.constant 0.000000e+00 : f32
      %broadcast_in_dim3A_1156 = vector.broadcast %broadcast_in_dim3A_1155 : f32 to vector<80x512xf32>
      %slice3A_1157 = vector.extract_strided_slice %add3A_1154 {offsets = [0, 0], sizes = [80, 512], strides = [1, 1]} : vector<80x1024xf32> to vector<80x512xf32>
      %concatenate3A_1158 = tpu.concatenate %broadcast_in_dim3A_1156, %slice3A_1157 in 1 : vector<80x512xf32>, vector<80x512xf32> -> vector<80x1024xf32>
      %add3A_1159 = arith.addf %add3A_1154, %concatenate3A_1158 : vector<80x1024xf32>
      %sub3A_1160 = arith.subf %add3A_1159, %convert_element_type3A_1109 : vector<80x1024xf32>
      %gt3A_1161 = vector.broadcast %bitcast_convert_type3A : vector<80x1xf32> to vector<80x1024xf32>
      %gt3A_1162 = arith.cmpf ogt, %get3A_1105, %gt3A_1161 : vector<80x1024xf32>
      %add3A_1163 = vector.broadcast %add3A_1102 : vector<80x1xf32> to vector<80x1024xf32>
      %add3A_1164 = arith.addf %add3A_1163, %sub3A_1160 : vector<80x1024xf32>
      %lt3A_1165 = arith.constant 3.200000e+01 : f32
      %lt3A_1166 = vector.broadcast %lt3A_1165 : f32 to vector<80x1024xf32>
      %lt3A_1167 = arith.cmpf olt, %add3A_1164, %lt3A_1166 : vector<80x1024xf32>
      %and3A_1168 = arith.andi %eq3A_1107, %lt3A_1167 : vector<80x1024xi1>
      %or3A_1169 = arith.ori %gt3A_1162, %and3A_1168 : vector<80x1024xi1>
      %jit3A_1170 = arith.constant 0.000000e+00 : f32
      %broadcast_in_dim3A_1171 = vector.broadcast %jit3A_1170 : f32 to vector<80x1024xf32>
      %select_n3A_1172 = arith.select %or3A_1169, %get3A_1105, %broadcast_in_dim3A_1171 : vector<80x1024xi1>, vector<80x1024xf32>
      %swap3A_1173 = arith.constant 0 : index
      %swap3A_1174 = arith.constant 6144 : index
      %swap3A_1175 = vector.load %arg6[%swap3A_1173, %swap3A_1174] : memref<80x10000xf32, #tpu.memory_space<vmem>>, vector<80x1024xf32>
      tpu.vector_store %arg6[%swap3A_1173, %swap3A_1174], %select_n3A_1172 {strides = array<i32>} : memref<80x10000xf32, #tpu.memory_space<vmem>>, vector<80x1024xf32>,
      %reduce_sum3A_1176 = arith.constant dense<0.000000e+00> : vector<80xf32>
      %reduce_sum3A_1177 = vector.multi_reduction <add>, %convert_element_type3A_1109, %reduce_sum3A_1176 [1] : vector<80x1024xf32> to vector<80xf32>
      %broadcast_in_dim3A_1178 = vector.shape_cast %reduce_sum3A_1177 : vector<80xf32> to vector<80x1xf32>
      %add3A_1179 = arith.addf %add3A_1102, %broadcast_in_dim3A_1178 : vector<80x1xf32>
      %get3A_1180 = arith.constant 0 : index
      %get3A_1181 = arith.constant 7168 : index
      %get3A_1182 = vector.load %arg7[%get3A_1180, %get3A_1181] : memref<80x10000xf32, #tpu.memory_space<vmem>>, vector<80x1024xf32>
      %eq3A_1183 = vector.broadcast %bitcast_convert_type3A : vector<80x1xf32> to vector<80x1024xf32>
      %eq3A_1184 = arith.cmpf oeq, %get3A_1182, %eq3A_1183 : vector<80x1024xf32>
      %convert_element_type3A_1185 = arith.extui %eq3A_1184 : vector<80x1024xi1> to vector<80x1024xi32>
      %convert_element_type3A_1186 = arith.sitofp %convert_element_type3A_1185 : vector<80x1024xi32> to vector<80x1024xf32>
      %broadcast_in_dim3A_1187 = arith.constant 0.000000e+00 : f32
      %broadcast_in_dim3A_1188 = vector.broadcast %broadcast_in_dim3A_1187 : f32 to vector<80x1xf32>
      %slice3A_1189 = vector.extract_strided_slice %convert_element_type3A_1186 {offsets = [0, 0], sizes = [80, 1023], strides = [1, 1]} : vector<80x1024xf32> to vector<80x1023xf32>
      %concatenate3A_1190 = tpu.concatenate %broadcast_in_dim3A_1188, %slice3A_1189 in 1 : vector<80x1xf32>, vector<80x1023xf32> -> vector<80x1024xf32>
      %add3A_1191 = arith.addf %convert_element_type3A_1186, %concatenate3A_1190 : vector<80x1024xf32>
      %broadcast_in_dim3A_1192 = arith.constant 0.000000e+00 : f32
      %broadcast_in_dim3A_1193 = vector.broadcast %broadcast_in_dim3A_1192 : f32 to vector<80x2xf32>
      %slice3A_1194 = vector.extract_strided_slice %add3A_1191 {offsets = [0, 0], sizes = [80, 1022], strides = [1, 1]} : vector<80x1024xf32> to vector<80x1022xf32>
      %concatenate3A_1195 = tpu.concatenate %broadcast_in_dim3A_1193, %slice3A_1194 in 1 : vector<80x2xf32>, vector<80x1022xf32> -> vector<80x1024xf32>
      %add3A_1196 = arith.addf %add3A_1191, %concatenate3A_1195 : vector<80x1024xf32>
      %broadcast_in_dim3A_1197 = arith.constant 0.000000e+00 : f32
      %broadcast_in_dim3A_1198 = vector.broadcast %broadcast_in_dim3A_1197 : f32 to vector<80x4xf32>
      %slice3A_1199 = vector.extract_strided_slice %add3A_1196 {offsets = [0, 0], sizes = [80, 1020], strides = [1, 1]} : vector<80x1024xf32> to vector<80x1020xf32>
      %concatenate3A_1200 = tpu.concatenate %broadcast_in_dim3A_1198, %slice3A_1199 in 1 : vector<80x4xf32>, vector<80x1020xf32> -> vector<80x1024xf32>
      %add3A_1201 = arith.addf %add3A_1196, %concatenate3A_1200 : vector<80x1024xf32>
      %broadcast_in_dim3A_1202 = arith.constant 0.000000e+00 : f32
      %broadcast_in_dim3A_1203 = vector.broadcast %broadcast_in_dim3A_1202 : f32 to vector<80x8xf32>
      %slice3A_1204 = vector.extract_strided_slice %add3A_1201 {offsets = [0, 0], sizes = [80, 1016], strides = [1, 1]} : vector<80x1024xf32> to vector<80x1016xf32>
      %concatenate3A_1205 = tpu.concatenate %broadcast_in_dim3A_1203, %slice3A_1204 in 1 : vector<80x8xf32>, vector<80x1016xf32> -> vector<80x1024xf32>
      %add3A_1206 = arith.addf %add3A_1201, %concatenate3A_1205 : vector<80x1024xf32>
      %broadcast_in_dim3A_1207 = arith.constant 0.000000e+00 : f32
      %broadcast_in_dim3A_1208 = vector.broadcast %broadcast_in_dim3A_1207 : f32 to vector<80x16xf32>
      %slice3A_1209 = vector.extract_strided_slice %add3A_1206 {offsets = [0, 0], sizes = [80, 1008], strides = [1, 1]} : vector<80x1024xf32> to vector<80x1008xf32>
      %concatenate3A_1210 = tpu.concatenate %broadcast_in_dim3A_1208, %slice3A_1209 in 1 : vector<80x16xf32>, vector<80x1008xf32> -> vector<80x1024xf32>
      %add3A_1211 = arith.addf %add3A_1206, %concatenate3A_1210 : vector<80x1024xf32>
      %broadcast_in_dim3A_1212 = arith.constant 0.000000e+00 : f32
      %broadcast_in_dim3A_1213 = vector.broadcast %broadcast_in_dim3A_1212 : f32 to vector<80x32xf32>
      %slice3A_1214 = vector.extract_strided_slice %add3A_1211 {offsets = [0, 0], sizes = [80, 992], strides = [1, 1]} : vector<80x1024xf32> to vector<80x992xf32>
      %concatenate3A_1215 = tpu.concatenate %broadcast_in_dim3A_1213, %slice3A_1214 in 1 : vector<80x32xf32>, vector<80x992xf32> -> vector<80x1024xf32>
      %add3A_1216 = arith.addf %add3A_1211, %concatenate3A_1215 : vector<80x1024xf32>
      %broadcast_in_dim3A_1217 = arith.constant 0.000000e+00 : f32
      %broadcast_in_dim3A_1218 = vector.broadcast %broadcast_in_dim3A_1217 : f32 to vector<80x64xf32>
      %slice3A_1219 = vector.extract_strided_slice %add3A_1216 {offsets = [0, 0], sizes = [80, 960], strides = [1, 1]} : vector<80x1024xf32> to vector<80x960xf32>
      %concatenate3A_1220 = tpu.concatenate %broadcast_in_dim3A_1218, %slice3A_1219 in 1 : vector<80x64xf32>, vector<80x960xf32> -> vector<80x1024xf32>
      %add3A_1221 = arith.addf %add3A_1216, %concatenate3A_1220 : vector<80x1024xf32>
      %broadcast_in_dim3A_1222 = arith.constant 0.000000e+00 : f32
      %broadcast_in_dim3A_1223 = vector.broadcast %broadcast_in_dim3A_1222 : f32 to vector<80x128xf32>
      %slice3A_1224 = vector.extract_strided_slice %add3A_1221 {offsets = [0, 0], sizes = [80, 896], strides = [1, 1]} : vector<80x1024xf32> to vector<80x896xf32>
      %concatenate3A_1225 = tpu.concatenate %broadcast_in_dim3A_1223, %slice3A_1224 in 1 : vector<80x128xf32>, vector<80x896xf32> -> vector<80x1024xf32>
      %add3A_1226 = arith.addf %add3A_1221, %concatenate3A_1225 : vector<80x1024xf32>
      %broadcast_in_dim3A_1227 = arith.constant 0.000000e+00 : f32
      %broadcast_in_dim3A_1228 = vector.broadcast %broadcast_in_dim3A_1227 : f32 to vector<80x256xf32>
      %slice3A_1229 = vector.extract_strided_slice %add3A_1226 {offsets = [0, 0], sizes = [80, 768], strides = [1, 1]} : vector<80x1024xf32> to vector<80x768xf32>
      %concatenate3A_1230 = tpu.concatenate %broadcast_in_dim3A_1228, %slice3A_1229 in 1 : vector<80x256xf32>, vector<80x768xf32> -> vector<80x1024xf32>
      %add3A_1231 = arith.addf %add3A_1226, %concatenate3A_1230 : vector<80x1024xf32>
      %broadcast_in_dim3A_1232 = arith.constant 0.000000e+00 : f32
      %broadcast_in_dim3A_1233 = vector.broadcast %broadcast_in_dim3A_1232 : f32 to vector<80x512xf32>
      %slice3A_1234 = vector.extract_strided_slice %add3A_1231 {offsets = [0, 0], sizes = [80, 512], strides = [1, 1]} : vector<80x1024xf32> to vector<80x512xf32>
      %concatenate3A_1235 = tpu.concatenate %broadcast_in_dim3A_1233, %slice3A_1234 in 1 : vector<80x512xf32>, vector<80x512xf32> -> vector<80x1024xf32>
      %add3A_1236 = arith.addf %add3A_1231, %concatenate3A_1235 : vector<80x1024xf32>
      %sub3A_1237 = arith.subf %add3A_1236, %convert_element_type3A_1186 : vector<80x1024xf32>
      %gt3A_1238 = vector.broadcast %bitcast_convert_type3A : vector<80x1xf32> to vector<80x1024xf32>
      %gt3A_1239 = arith.cmpf ogt, %get3A_1182, %gt3A_1238 : vector<80x1024xf32>
      %add3A_1240 = vector.broadcast %add3A_1179 : vector<80x1xf32> to vector<80x1024xf32>
      %add3A_1241 = arith.addf %add3A_1240, %sub3A_1237 : vector<80x1024xf32>
      %lt3A_1242 = arith.constant 3.200000e+01 : f32
      %lt3A_1243 = vector.broadcast %lt3A_1242 : f32 to vector<80x1024xf32>
      %lt3A_1244 = arith.cmpf olt, %add3A_1241, %lt3A_1243 : vector<80x1024xf32>
      %and3A_1245 = arith.andi %eq3A_1184, %lt3A_1244 : vector<80x1024xi1>
      %or3A_1246 = arith.ori %gt3A_1239, %and3A_1245 : vector<80x1024xi1>
      %jit3A_1247 = arith.constant 0.000000e+00 : f32
      %broadcast_in_dim3A_1248 = vector.broadcast %jit3A_1247 : f32 to vector<80x1024xf32>
      %select_n3A_1249 = arith.select %or3A_1246, %get3A_1182, %broadcast_in_dim3A_1248 : vector<80x1024xi1>, vector<80x1024xf32>
      %swap3A_1250 = arith.constant 0 : index
      %swap3A_1251 = arith.constant 7168 : index
      %swap3A_1252 = vector.load %arg6[%swap3A_1250, %swap3A_1251] : memref<80x10000xf32, #tpu.memory_space<vmem>>, vector<80x1024xf32>
      tpu.vector_store %arg6[%swap3A_1250, %swap3A_1251], %select_n3A_1249 {strides = array<i32>} : memref<80x10000xf32, #tpu.memory_space<vmem>>, vector<80x1024xf32>,
      %reduce_sum3A_1253 = arith.constant dense<0.000000e+00> : vector<80xf32>
      %reduce_sum3A_1254 = vector.multi_reduction <add>, %convert_element_type3A_1186, %reduce_sum3A_1253 [1] : vector<80x1024xf32> to vector<80xf32>
      %broadcast_in_dim3A_1255 = vector.shape_cast %reduce_sum3A_1254 : vector<80xf32> to vector<80x1xf32>
      %add3A_1256 = arith.addf %add3A_1179, %broadcast_in_dim3A_1255 : vector<80x1xf32>
      %get3A_1257 = arith.constant 0 : index
      %get3A_1258 = arith.constant 8192 : index
      %get3A_1259 = vector.load %arg7[%get3A_1257, %get3A_1258] : memref<80x10000xf32, #tpu.memory_space<vmem>>, vector<80x1024xf32>
      %eq3A_1260 = vector.broadcast %bitcast_convert_type3A : vector<80x1xf32> to vector<80x1024xf32>
      %eq3A_1261 = arith.cmpf oeq, %get3A_1259, %eq3A_1260 : vector<80x1024xf32>
      %convert_element_type3A_1262 = arith.extui %eq3A_1261 : vector<80x1024xi1> to vector<80x1024xi32>
      %convert_element_type3A_1263 = arith.sitofp %convert_element_type3A_1262 : vector<80x1024xi32> to vector<80x1024xf32>
      %broadcast_in_dim3A_1264 = arith.constant 0.000000e+00 : f32
      %broadcast_in_dim3A_1265 = vector.broadcast %broadcast_in_dim3A_1264 : f32 to vector<80x1xf32>
      %slice3A_1266 = vector.extract_strided_slice %convert_element_type3A_1263 {offsets = [0, 0], sizes = [80, 1023], strides = [1, 1]} : vector<80x1024xf32> to vector<80x1023xf32>
      %concatenate3A_1267 = tpu.concatenate %broadcast_in_dim3A_1265, %slice3A_1266 in 1 : vector<80x1xf32>, vector<80x1023xf32> -> vector<80x1024xf32>
      %add3A_1268 = arith.addf %convert_element_type3A_1263, %concatenate3A_1267 : vector<80x1024xf32>
      %broadcast_in_dim3A_1269 = arith.constant 0.000000e+00 : f32
      %broadcast_in_dim3A_1270 = vector.broadcast %broadcast_in_dim3A_1269 : f32 to vector<80x2xf32>
      %slice3A_1271 = vector.extract_strided_slice %add3A_1268 {offsets = [0, 0], sizes = [80, 1022], strides = [1, 1]} : vector<80x1024xf32> to vector<80x1022xf32>
      %concatenate3A_1272 = tpu.concatenate %broadcast_in_dim3A_1270, %slice3A_1271 in 1 : vector<80x2xf32>, vector<80x1022xf32> -> vector<80x1024xf32>
      %add3A_1273 = arith.addf %add3A_1268, %concatenate3A_1272 : vector<80x1024xf32>
      %broadcast_in_dim3A_1274 = arith.constant 0.000000e+00 : f32
      %broadcast_in_dim3A_1275 = vector.broadcast %broadcast_in_dim3A_1274 : f32 to vector<80x4xf32>
      %slice3A_1276 = vector.extract_strided_slice %add3A_1273 {offsets = [0, 0], sizes = [80, 1020], strides = [1, 1]} : vector<80x1024xf32> to vector<80x1020xf32>
      %concatenate3A_1277 = tpu.concatenate %broadcast_in_dim3A_1275, %slice3A_1276 in 1 : vector<80x4xf32>, vector<80x1020xf32> -> vector<80x1024xf32>
      %add3A_1278 = arith.addf %add3A_1273, %concatenate3A_1277 : vector<80x1024xf32>
      %broadcast_in_dim3A_1279 = arith.constant 0.000000e+00 : f32
      %broadcast_in_dim3A_1280 = vector.broadcast %broadcast_in_dim3A_1279 : f32 to vector<80x8xf32>
      %slice3A_1281 = vector.extract_strided_slice %add3A_1278 {offsets = [0, 0], sizes = [80, 1016], strides = [1, 1]} : vector<80x1024xf32> to vector<80x1016xf32>
      %concatenate3A_1282 = tpu.concatenate %broadcast_in_dim3A_1280, %slice3A_1281 in 1 : vector<80x8xf32>, vector<80x1016xf32> -> vector<80x1024xf32>
      %add3A_1283 = arith.addf %add3A_1278, %concatenate3A_1282 : vector<80x1024xf32>
      %broadcast_in_dim3A_1284 = arith.constant 0.000000e+00 : f32
      %broadcast_in_dim3A_1285 = vector.broadcast %broadcast_in_dim3A_1284 : f32 to vector<80x16xf32>
      %slice3A_1286 = vector.extract_strided_slice %add3A_1283 {offsets = [0, 0], sizes = [80, 1008], strides = [1, 1]} : vector<80x1024xf32> to vector<80x1008xf32>
      %concatenate3A_1287 = tpu.concatenate %broadcast_in_dim3A_1285, %slice3A_1286 in 1 : vector<80x16xf32>, vector<80x1008xf32> -> vector<80x1024xf32>
      %add3A_1288 = arith.addf %add3A_1283, %concatenate3A_1287 : vector<80x1024xf32>
      %broadcast_in_dim3A_1289 = arith.constant 0.000000e+00 : f32
      %broadcast_in_dim3A_1290 = vector.broadcast %broadcast_in_dim3A_1289 : f32 to vector<80x32xf32>
      %slice3A_1291 = vector.extract_strided_slice %add3A_1288 {offsets = [0, 0], sizes = [80, 992], strides = [1, 1]} : vector<80x1024xf32> to vector<80x992xf32>
      %concatenate3A_1292 = tpu.concatenate %broadcast_in_dim3A_1290, %slice3A_1291 in 1 : vector<80x32xf32>, vector<80x992xf32> -> vector<80x1024xf32>
      %add3A_1293 = arith.addf %add3A_1288, %concatenate3A_1292 : vector<80x1024xf32>
      %broadcast_in_dim3A_1294 = arith.constant 0.000000e+00 : f32
      %broadcast_in_dim3A_1295 = vector.broadcast %broadcast_in_dim3A_1294 : f32 to vector<80x64xf32>
      %slice3A_1296 = vector.extract_strided_slice %add3A_1293 {offsets = [0, 0], sizes = [80, 960], strides = [1, 1]} : vector<80x1024xf32> to vector<80x960xf32>
      %concatenate3A_1297 = tpu.concatenate %broadcast_in_dim3A_1295, %slice3A_1296 in 1 : vector<80x64xf32>, vector<80x960xf32> -> vector<80x1024xf32>
      %add3A_1298 = arith.addf %add3A_1293, %concatenate3A_1297 : vector<80x1024xf32>
      %broadcast_in_dim3A_1299 = arith.constant 0.000000e+00 : f32
      %broadcast_in_dim3A_1300 = vector.broadcast %broadcast_in_dim3A_1299 : f32 to vector<80x128xf32>
      %slice3A_1301 = vector.extract_strided_slice %add3A_1298 {offsets = [0, 0], sizes = [80, 896], strides = [1, 1]} : vector<80x1024xf32> to vector<80x896xf32>
      %concatenate3A_1302 = tpu.concatenate %broadcast_in_dim3A_1300, %slice3A_1301 in 1 : vector<80x128xf32>, vector<80x896xf32> -> vector<80x1024xf32>
      %add3A_1303 = arith.addf %add3A_1298, %concatenate3A_1302 : vector<80x1024xf32>
      %broadcast_in_dim3A_1304 = arith.constant 0.000000e+00 : f32
      %broadcast_in_dim3A_1305 = vector.broadcast %broadcast_in_dim3A_1304 : f32 to vector<80x256xf32>
      %slice3A_1306 = vector.extract_strided_slice %add3A_1303 {offsets = [0, 0], sizes = [80, 768], strides = [1, 1]} : vector<80x1024xf32> to vector<80x768xf32>
      %concatenate3A_1307 = tpu.concatenate %broadcast_in_dim3A_1305, %slice3A_1306 in 1 : vector<80x256xf32>, vector<80x768xf32> -> vector<80x1024xf32>
      %add3A_1308 = arith.addf %add3A_1303, %concatenate3A_1307 : vector<80x1024xf32>
      %broadcast_in_dim3A_1309 = arith.constant 0.000000e+00 : f32
      %broadcast_in_dim3A_1310 = vector.broadcast %broadcast_in_dim3A_1309 : f32 to vector<80x512xf32>
      %slice3A_1311 = vector.extract_strided_slice %add3A_1308 {offsets = [0, 0], sizes = [80, 512], strides = [1, 1]} : vector<80x1024xf32> to vector<80x512xf32>
      %concatenate3A_1312 = tpu.concatenate %broadcast_in_dim3A_1310, %slice3A_1311 in 1 : vector<80x512xf32>, vector<80x512xf32> -> vector<80x1024xf32>
      %add3A_1313 = arith.addf %add3A_1308, %concatenate3A_1312 : vector<80x1024xf32>
      %sub3A_1314 = arith.subf %add3A_1313, %convert_element_type3A_1263 : vector<80x1024xf32>
      %gt3A_1315 = vector.broadcast %bitcast_convert_type3A : vector<80x1xf32> to vector<80x1024xf32>
      %gt3A_1316 = arith.cmpf ogt, %get3A_1259, %gt3A_1315 : vector<80x1024xf32>
      %add3A_1317 = vector.broadcast %add3A_1256 : vector<80x1xf32> to vector<80x1024xf32>
      %add3A_1318 = arith.addf %add3A_1317, %sub3A_1314 : vector<80x1024xf32>
      %lt3A_1319 = arith.constant 3.200000e+01 : f32
      %lt3A_1320 = vector.broadcast %lt3A_1319 : f32 to vector<80x1024xf32>
      %lt3A_1321 = arith.cmpf olt, %add3A_1318, %lt3A_1320 : vector<80x1024xf32>
      %and3A_1322 = arith.andi %eq3A_1261, %lt3A_1321 : vector<80x1024xi1>
      %or3A_1323 = arith.ori %gt3A_1316, %and3A_1322 : vector<80x1024xi1>
      %jit3A_1324 = arith.constant 0.000000e+00 : f32
      %broadcast_in_dim3A_1325 = vector.broadcast %jit3A_1324 : f32 to vector<80x1024xf32>
      %select_n3A_1326 = arith.select %or3A_1323, %get3A_1259, %broadcast_in_dim3A_1325 : vector<80x1024xi1>, vector<80x1024xf32>
      %swap3A_1327 = arith.constant 0 : index
      %swap3A_1328 = arith.constant 8192 : index
      %swap3A_1329 = vector.load %arg6[%swap3A_1327, %swap3A_1328] : memref<80x10000xf32, #tpu.memory_space<vmem>>, vector<80x1024xf32>
      tpu.vector_store %arg6[%swap3A_1327, %swap3A_1328], %select_n3A_1326 {strides = array<i32>} : memref<80x10000xf32, #tpu.memory_space<vmem>>, vector<80x1024xf32>,
      %reduce_sum3A_1330 = arith.constant dense<0.000000e+00> : vector<80xf32>
      %reduce_sum3A_1331 = vector.multi_reduction <add>, %convert_element_type3A_1263, %reduce_sum3A_1330 [1] : vector<80x1024xf32> to vector<80xf32>
      %broadcast_in_dim3A_1332 = vector.shape_cast %reduce_sum3A_1331 : vector<80xf32> to vector<80x1xf32>
      %add3A_1333 = arith.addf %add3A_1256, %broadcast_in_dim3A_1332 : vector<80x1xf32>
      %get3A_1334 = arith.constant 0 : index
      %get3A_1335 = arith.constant 9216 : index
      %get3A_1336 = vector.load %arg7[%get3A_1334, %get3A_1335] : memref<80x10000xf32, #tpu.memory_space<vmem>>, vector<80x784xf32>
      %eq3A_1337 = vector.broadcast %bitcast_convert_type3A : vector<80x1xf32> to vector<80x784xf32>
      %eq3A_1338 = arith.cmpf oeq, %get3A_1336, %eq3A_1337 : vector<80x784xf32>
      %convert_element_type3A_1339 = arith.extui %eq3A_1338 : vector<80x784xi1> to vector<80x784xi32>
      %convert_element_type3A_1340 = arith.sitofp %convert_element_type3A_1339 : vector<80x784xi32> to vector<80x784xf32>
      %broadcast_in_dim3A_1341 = arith.constant 0.000000e+00 : f32
      %broadcast_in_dim3A_1342 = vector.broadcast %broadcast_in_dim3A_1341 : f32 to vector<80x1xf32>
      %slice3A_1343 = vector.extract_strided_slice %convert_element_type3A_1340 {offsets = [0, 0], sizes = [80, 783], strides = [1, 1]} : vector<80x784xf32> to vector<80x783xf32>
      %concatenate3A_1344 = tpu.concatenate %broadcast_in_dim3A_1342, %slice3A_1343 in 1 : vector<80x1xf32>, vector<80x783xf32> -> vector<80x784xf32>
      %add3A_1345 = arith.addf %convert_element_type3A_1340, %concatenate3A_1344 : vector<80x784xf32>
      %broadcast_in_dim3A_1346 = arith.constant 0.000000e+00 : f32
      %broadcast_in_dim3A_1347 = vector.broadcast %broadcast_in_dim3A_1346 : f32 to vector<80x2xf32>
      %slice3A_1348 = vector.extract_strided_slice %add3A_1345 {offsets = [0, 0], sizes = [80, 782], strides = [1, 1]} : vector<80x784xf32> to vector<80x782xf32>
      %concatenate3A_1349 = tpu.concatenate %broadcast_in_dim3A_1347, %slice3A_1348 in 1 : vector<80x2xf32>, vector<80x782xf32> -> vector<80x784xf32>
      %add3A_1350 = arith.addf %add3A_1345, %concatenate3A_1349 : vector<80x784xf32>
      %broadcast_in_dim3A_1351 = arith.constant 0.000000e+00 : f32
      %broadcast_in_dim3A_1352 = vector.broadcast %broadcast_in_dim3A_1351 : f32 to vector<80x4xf32>
      %slice3A_1353 = vector.extract_strided_slice %add3A_1350 {offsets = [0, 0], sizes = [80, 780], strides = [1, 1]} : vector<80x784xf32> to vector<80x780xf32>
      %concatenate3A_1354 = tpu.concatenate %broadcast_in_dim3A_1352, %slice3A_1353 in 1 : vector<80x4xf32>, vector<80x780xf32> -> vector<80x784xf32>
      %add3A_1355 = arith.addf %add3A_1350, %concatenate3A_1354 : vector<80x784xf32>
      %broadcast_in_dim3A_1356 = arith.constant 0.000000e+00 : f32
      %broadcast_in_dim3A_1357 = vector.broadcast %broadcast_in_dim3A_1356 : f32 to vector<80x8xf32>
      %slice3A_1358 = vector.extract_strided_slice %add3A_1355 {offsets = [0, 0], sizes = [80, 776], strides = [1, 1]} : vector<80x784xf32> to vector<80x776xf32>
      %concatenate3A_1359 = tpu.concatenate %broadcast_in_dim3A_1357, %slice3A_1358 in 1 : vector<80x8xf32>, vector<80x776xf32> -> vector<80x784xf32>
      %add3A_1360 = arith.addf %add3A_1355, %concatenate3A_1359 : vector<80x784xf32>
      %broadcast_in_dim3A_1361 = arith.constant 0.000000e+00 : f32
      %broadcast_in_dim3A_1362 = vector.broadcast %broadcast_in_dim3A_1361 : f32 to vector<80x16xf32>
      %slice3A_1363 = vector.extract_strided_slice %add3A_1360 {offsets = [0, 0], sizes = [80, 768], strides = [1, 1]} : vector<80x784xf32> to vector<80x768xf32>
      %concatenate3A_1364 = tpu.concatenate %broadcast_in_dim3A_1362, %slice3A_1363 in 1 : vector<80x16xf32>, vector<80x768xf32> -> vector<80x784xf32>
      %add3A_1365 = arith.addf %add3A_1360, %concatenate3A_1364 : vector<80x784xf32>
      %broadcast_in_dim3A_1366 = arith.constant 0.000000e+00 : f32
      %broadcast_in_dim3A_1367 = vector.broadcast %broadcast_in_dim3A_1366 : f32 to vector<80x32xf32>
      %slice3A_1368 = vector.extract_strided_slice %add3A_1365 {offsets = [0, 0], sizes = [80, 752], strides = [1, 1]} : vector<80x784xf32> to vector<80x752xf32>
      %concatenate3A_1369 = tpu.concatenate %broadcast_in_dim3A_1367, %slice3A_1368 in 1 : vector<80x32xf32>, vector<80x752xf32> -> vector<80x784xf32>
      %add3A_1370 = arith.addf %add3A_1365, %concatenate3A_1369 : vector<80x784xf32>
      %broadcast_in_dim3A_1371 = arith.constant 0.000000e+00 : f32
      %broadcast_in_dim3A_1372 = vector.broadcast %broadcast_in_dim3A_1371 : f32 to vector<80x64xf32>
      %slice3A_1373 = vector.extract_strided_slice %add3A_1370 {offsets = [0, 0], sizes = [80, 720], strides = [1, 1]} : vector<80x784xf32> to vector<80x720xf32>
      %concatenate3A_1374 = tpu.concatenate %broadcast_in_dim3A_1372, %slice3A_1373 in 1 : vector<80x64xf32>, vector<80x720xf32> -> vector<80x784xf32>
      %add3A_1375 = arith.addf %add3A_1370, %concatenate3A_1374 : vector<80x784xf32>
      %broadcast_in_dim3A_1376 = arith.constant 0.000000e+00 : f32
      %broadcast_in_dim3A_1377 = vector.broadcast %broadcast_in_dim3A_1376 : f32 to vector<80x128xf32>
      %slice3A_1378 = vector.extract_strided_slice %add3A_1375 {offsets = [0, 0], sizes = [80, 656], strides = [1, 1]} : vector<80x784xf32> to vector<80x656xf32>
      %concatenate3A_1379 = tpu.concatenate %broadcast_in_dim3A_1377, %slice3A_1378 in 1 : vector<80x128xf32>, vector<80x656xf32> -> vector<80x784xf32>
      %add3A_1380 = arith.addf %add3A_1375, %concatenate3A_1379 : vector<80x784xf32>
      %broadcast_in_dim3A_1381 = arith.constant 0.000000e+00 : f32
      %broadcast_in_dim3A_1382 = vector.broadcast %broadcast_in_dim3A_1381 : f32 to vector<80x256xf32>
      %slice3A_1383 = vector.extract_strided_slice %add3A_1380 {offsets = [0, 0], sizes = [80, 528], strides = [1, 1]} : vector<80x784xf32> to vector<80x528xf32>
      %concatenate3A_1384 = tpu.concatenate %broadcast_in_dim3A_1382, %slice3A_1383 in 1 : vector<80x256xf32>, vector<80x528xf32> -> vector<80x784xf32>
      %add3A_1385 = arith.addf %add3A_1380, %concatenate3A_1384 : vector<80x784xf32>
      %broadcast_in_dim3A_1386 = arith.constant 0.000000e+00 : f32
      %broadcast_in_dim3A_1387 = vector.broadcast %broadcast_in_dim3A_1386 : f32 to vector<80x512xf32>
      %slice3A_1388 = vector.extract_strided_slice %add3A_1385 {offsets = [0, 0], sizes = [80, 272], strides = [1, 1]} : vector<80x784xf32> to vector<80x272xf32>
      %concatenate3A_1389 = tpu.concatenate %broadcast_in_dim3A_1387, %slice3A_1388 in 1 : vector<80x512xf32>, vector<80x272xf32> -> vector<80x784xf32>
      %add3A_1390 = arith.addf %add3A_1385, %concatenate3A_1389 : vector<80x784xf32>
      %sub3A_1391 = arith.subf %add3A_1390, %convert_element_type3A_1340 : vector<80x784xf32>
      %gt3A_1392 = vector.broadcast %bitcast_convert_type3A : vector<80x1xf32> to vector<80x784xf32>
      %gt3A_1393 = arith.cmpf ogt, %get3A_1336, %gt3A_1392 : vector<80x784xf32>
      %add3A_1394 = vector.broadcast %add3A_1333 : vector<80x1xf32> to vector<80x784xf32>
      %add3A_1395 = arith.addf %add3A_1394, %sub3A_1391 : vector<80x784xf32>
      %lt3A_1396 = arith.constant 3.200000e+01 : f32
      %lt3A_1397 = vector.broadcast %lt3A_1396 : f32 to vector<80x784xf32>
      %lt3A_1398 = arith.cmpf olt, %add3A_1395, %lt3A_1397 : vector<80x784xf32>
      %and3A_1399 = arith.andi %eq3A_1338, %lt3A_1398 : vector<80x784xi1>
      %or3A_1400 = arith.ori %gt3A_1393, %and3A_1399 : vector<80x784xi1>
      %jit3A_1401 = arith.constant 0.000000e+00 : f32
      %broadcast_in_dim3A_1402 = vector.broadcast %jit3A_1401 : f32 to vector<80x784xf32>
      %select_n3A_1403 = arith.select %or3A_1400, %get3A_1336, %broadcast_in_dim3A_1402 : vector<80x784xi1>, vector<80x784xf32>
      %swap3A_1404 = arith.constant 0 : index
      %swap3A_1405 = arith.constant 9216 : index
      %swap3A_1406 = vector.load %arg6[%swap3A_1404, %swap3A_1405] : memref<80x10000xf32, #tpu.memory_space<vmem>>, vector<80x784xf32>
      tpu.vector_store %arg6[%swap3A_1404, %swap3A_1405], %select_n3A_1403 {strides = array<i32>} : memref<80x10000xf32, #tpu.memory_space<vmem>>, vector<80x784xf32>,
    } else {
    }
    return
  }
  func.func @transform_0(%arg0: i32) -> (i32, i32) {
    %c0_i32 = arith.constant 0 : i32
    %c0_i32_0 = arith.constant 0 : i32
    %c0_i32_1 = arith.constant 0 : i32
    return %c0_i32, %c0_i32_0 : i32, i32
  }
  func.func @transform_1(%arg0: i32) -> (i32, i32) {
    %c0_i32 = arith.constant 0 : i32
    %c0_i32_0 = arith.constant 0 : i32
    return %arg0, %c0_i32 : i32, i32
  }
  func.func @transform_2(%arg0: i32) -> (i32, i32) {
    %c0_i32 = arith.constant 0 : i32
    %c0_i32_0 = arith.constant 0 : i32
    return %arg0, %c0_i32 : i32, i32
  }
  func.func @transform_3(%arg0: i32) -> (i32, i32) {
    %c0_i32 = arith.constant 0 : i32
    %c0_i32_0 = arith.constant 0 : i32
    %c0_i32_1 = arith.constant 0 : i32
    return %c0_i32, %c0_i32_0 : i32, i32
  }
  func.func @transform_4(%arg0: i32) -> (i32, i32) {
    %c0_i32 = arith.constant 0 : i32
    %c0_i32_0 = arith.constant 0 : i32
    %c0_i32_1 = arith.constant 0 : i32
    return %c0_i32, %c0_i32_0 : i32, i32
  }
  func.func @transform_5(%arg0: i32) -> (i32, i32) {
    %c0_i32 = arith.constant 0 : i32
    %c0_i32_0 = arith.constant 0 : i32
    return %arg0, %c0_i32 : i32, i32
  }
}

</mosaic_0001>

<sc_bundles>
// kernel: gather_offload_async_start.1
scs
__scs_entry_jumppad:
0x0: {  	(pc) =	sbr.rel $0x88, $3  }
0x1: {  	(tag) =	ssettag $0x0;
	lr =	simm.s32 $0x1  }
0x2: {  	[smem:$0x3F99] =	sst lr;
	_ =	strace $0xD0000000  }
0x3: {  	_ = 	snop  }
0x4: {  	_ = 	snop  }
0x5: {  	_ = 	snop  }
0x6: {  	_ = 	snop  }
0x7: {  	_ = 	snop  }
__scs_overlays_trampoline_lowered:
0x8: {  	[smem:$0x3FA8] =	sst s0  }
0x9: {  	[smem:$0x3FA9] =	sst s1  }
0xa: {  	[smem:$0x3FAA] =	sst s2  }
0xb: {  	[smem:$0x3FAB] =	sst s3  }
0xc: {  	[smem:$0x3FAC] =	sst s4  }
0xd: {  	[smem:$0x3FAD] =	sst s5  }
0xe: {  	[smem:$0x3FAE] =	sst s6  }
0xf: {  	[smem:$0x3FAF] =	sst s7  }
0x10: {  	[smem:$0x3FB0] =	sst s8  }
0x11: {  	[smem:$0x3FB1] =	sst s9;
	s0 =	simm.s32 @!p0 $0x0  }
0x12: {  	s1 =	sld [smem:$0x3F97];
	s0 =	simm.s32 @p0 $0x1  }
0x13: {  	[smem:$0x3FB2] =	sst s0;
	s0 =	simm.s32 @!p1 $0x0  }
0x14: {  	s2 =	sld [smem:$0x3F96];
	s0 =	simm.s32 @p1 $0x1  }
0x15: {  	[smem:$0x3FB3] =	sst s0;
	s0 =	simm.s32 @!p2 $0x0  }
0x16: {  	s3 =	sld [smem:$0x3FDB];
	s0 =	simm.s32 @p2 $0x1  }
0x17: {  	s4 =	simm.s32 $0x1BF5;
	[smem:$0x3FB5] =	sst s0  }
0x18: {  	s0 =	sld [smem:$0x3F98];
	_ =	swait.ge [sflag:s4], $0x0  }
0x19: {  	s7 =	sld [smem:$0x3F99]  }
0x1a: {  	s8 =	sadd.s32 $0xFFFFE003, lr  }
0x1b: {  	s9 =	sadd.s32 $0xFFFFFEF7, lr;
	s5 =	simm.s32 $0xFFFFFFFF;
	p2 =	slt.u32 s8, $0xFFFFF086  }
0x1c: {  	p1 =	slt.u32 s9, $0xF7A;
	s5 =	simm.s32 @!p2 $0x0  }
0x1d: {  	s5 =	simm.s32 @p1 $0x1;
	p0 =	seq.s32 s7, s2  }
0x1e: {  	s7 =	smul.u32 @!p0 $0xF7A, s2;
	p2 =	seq.s32 @!p0 s5, $0x0  }
0x1f: {  	s9 =	smul.u32 $0xF7A, s1;
	s8 =	simm.s32 @!p0 $0x1BF5;
	p2 =	por !p2, p0  }
0x20: {  	[sflag:s8] =	ssyncset.s32 @!p0 $0xFFFFF086;
	s6 =	sadd.s32 @!p0 s3, s7;
	s7 =	simm.s32 @!p0 $0x108  }
0x21: {  	s3 =	sadd.s32 s3, s9;
	s6 =	sadd.s32 @!p0 $0x88, s6;
	s7 =	simm.s32 @p2 $0x1082  }
0x22: {  	[simem:s7], [sflag:s8] =	dma.local @!p0 [hbm:s6], $0xF7A  }
0x23: {  	s9 =	sor.u32 $0xD0000000, s2;
	s6 =	simm.s32 $0x108;
	_ =	swait.ge @!p0 [sflag:s8], $0x0  }
0x24: {  	s3 =	sadd.s32 $0x88, s3;
	s6 =	simm.s32 @!p1 $0x1082;
	[sflag:s4] =	ssyncset.s32 $0xFFFFF086  }
0x25: {  	[simem:s6], [sflag:s4] =	dma.local [hbm:s3], $0xF7A  }
0x26: {  	[smem:$0x3F99] =	sst s1;
	(tag) =	ssettag s2;
	_ =	strace s9  }
0x27: {  	s1 =	sld [smem:$0x3FA9]  }
0x28: {  	s2 =	sld [smem:$0x3FAA]  }
0x29: {  	s4 =	sld [smem:$0x3FAC]  }
0x2a: {  	p0 =	seq.s32 s5, $0x0;
	s5 =	sld [smem:$0x3FAD]  }
0x2b: {  	s6 =	sld [smem:$0x3FAE]  }
0x2c: {  	s7 =	sld [smem:$0x3FAF]  }
0x2d: {  	s3 =	simm.s32 $0x108;
	s8 =	sld [smem:$0x3FB0]  }
0x2e: {  	s3 =	simm.s32 @!p0 $0x1082;
	s9 =	sld [smem:$0x3FB1]  }
0x2f: {  	lr =	sadd.s32 s0, s3;
	s0 =	sld [smem:$0x3FA8]  }
0x30: {  	s3 =	sld [smem:$0x3FAB]  }
0x31: {  	[smem:$0x3FB4] =	sst s10  }
0x32: {  	s10 =	sld [smem:$0x3FB2];
	_ =	sdelay $0x3  }
0x33: {  	p0 =	seq.s32 s10, $0x1;
	s10 =	sld [smem:$0x3FB4];
	_ =	sdelay $0x3  }
0x34: {  	[smem:$0x3FB4] =	sst s10  }
0x35: {  	s10 =	sld [smem:$0x3FB3];
	_ =	sdelay $0x3  }
0x36: {  	p1 =	seq.s32 s10, $0x1;
	s10 =	sld [smem:$0x3FB4];
	_ =	sdelay $0x3  }
0x37: {  	[smem:$0x3FB4] =	sst s10  }
0x38: {  	s10 =	sld [smem:$0x3FB5]  }
0x39: {  	_ = 	snop;
	(pc) =	sbr.ind lr, $3  }
0x3a: {  	_ = 	snop  }
0x3b: {  	_ = 	snop  }
0x3c: {  	p2 =	seq.s32 s10, $0x1;
	s10 =	sld [smem:$0x3FB4]  }
0x3d: {  	_ =	shalt  }
0x3e: {  	_ =	shalt  }
0x3f: {  	_ =	shalt  }
0x40: {  	_ =	shalt  }
0x41: {  	_ =	shalt  }
0x42: {  	_ =	shalt  }
0x43: {  	_ =	shalt  }
0x44: {  	_ =	shalt  }
0x45: {  	_ =	shalt  }
0x46: {  	_ =	shalt  }
0x47: {  	_ =	shalt  }
0x48: {  	_ =	shalt  }
0x49: {  	_ =	shalt  }
0x4a: {  	_ =	shalt  }
0x4b: {  	_ =	shalt  }
0x4c: {  	_ =	shalt  }
0x4d: {  	_ =	shalt  }
0x4e: {  	_ =	shalt  }
0x4f: {  	_ =	shalt  }
0x50: {  	_ =	shalt  }
0x51: {  	_ =	shalt  }
0x52: {  	_ =	shalt  }
0x53: {  	_ =	shalt  }
0x54: {  	_ =	shalt  }
0x55: {  	_ =	shalt  }
0x56: {  	_ =	shalt  }
0x57: {  	_ =	shalt  }
0x58: {  	_ =	shalt  }
0x59: {  	_ =	shalt  }
0x5a: {  	_ =	shalt  }
0x5b: {  	_ =	shalt  }
0x5c: {  	_ =	shalt  }
0x5d: {  	_ =	shalt  }
0x5e: {  	_ =	shalt  }
0x5f: {  	_ =	shalt  }
0x60: {  	_ =	shalt  }
0x61: {  	_ =	shalt  }
0x62: {  	_ =	shalt  }
0x63: {  	_ =	shalt  }
0x64: {  	_ =	shalt  }
0x65: {  	_ =	shalt  }
0x66: {  	_ =	shalt  }
0x67: {  	_ =	shalt  }
0x68: {  	_ =	shalt  }
0x69: {  	_ =	shalt  }
0x6a: {  	_ =	shalt  }
0x6b: {  	_ =	shalt  }
0x6c: {  	_ =	shalt  }
0x6d: {  	_ =	shalt  }
0x6e: {  	_ =	shalt  }
0x6f: {  	_ =	shalt  }
0x70: {  	_ =	shalt  }
0x71: {  	_ =	shalt  }
0x72: {  	_ =	shalt  }
0x73: {  	_ =	shalt  }
0x74: {  	_ =	shalt  }
0x75: {  	_ =	shalt  }
0x76: {  	_ =	shalt  }
0x77: {  	_ =	shalt  }
0x78: {  	_ =	shalt  }
0x79: {  	_ =	shalt  }
0x7a: {  	_ =	shalt  }
0x7b: {  	_ =	shalt  }
0x7c: {  	_ =	shalt  }
0x7d: {  	_ =	shalt  }
0x7e: {  	_ =	shalt  }
0x7f: {  	_ =	shalt  }
0x80: {  	_ =	shalt  }
0x81: {  	_ =	shalt  }
0x82: {  	_ =	shalt  }
0x83: {  	_ =	shalt  }
0x84: {  	_ =	shalt  }
0x85: {  	_ =	shalt  }
0x86: {  	_ =	shalt  }
0x87: {  	_ =	shalt  }
.Lfunc_end0:
.L_simem_size_0:
called_computation.1_lowered:
.L_overlay_start_0:
0x88: {  	s0 =	sld [smem:$0x3FD9]  }
0x89: {  	s1 =	sld [smem:$0x3FFE];
	_ =	sdelay $0x3  }
0x8a: {  	s0 =	sadd.s32 s1, s0  }
0x8b: {  	[smem:$0x3FC0] =	sst s0  }
0x8c: {  	_ = 	snop  }
0x8d: {  	s0 =	sld [smem:$0x3FC7];
	(tm) =	ssettm $0x1  }
0x8e: {  	s16 =	sld [smem:$0x3FFB];
	_ =	sdelay $0x3  }
0x8f: {  	_ =	strace s16  }
0x90: {  	s1 =	sld [smem:$0x3FFC];
	_ =	sdelay $0x3  }
0x91: {  	_ =	strace s1  }
0x92: {  	s1 =	sld [smem:$0x3FFD];
	_ =	sdelay $0x3  }
0x93: {  	_ =	strace s1  }
0x94: {  	_ =	strace $0x8FFFFFFF  }
0x95: {  	s17 =	sld [smem:$0x3FDB];
	_ =	sdelay $0x1  }
0x96: {  	s2 =	simm.s32 $_scs_section_size  }
0x97: {  	s3 =	simm.s32 $_size__tile_overlayer_lowered;
	s4 =	simm.s32 $_tile_overlayer_lowered  }
0x98: {  	s20 =	simm.s32 $0x1BFF;
	s19 =	sshll.u32 s4, $0x1;
	s1 =	sadd.s32 s2, s17  }
0x99: {  	s5 =	simm.s32 $0x0;
	s18 =	sshll.u32 s3, $0x1;
	s3 =	sadd.s32 s19, s1  }
0x9a: {  	[timem:s5], [sflag:s20] =	dma.local [hbm:s3], s18  }
0x9b: {  	_ =	swait.ge [sflag:s20], s18  }
0x9c: {  	s2 =	ssub.s32 $0x0, s18;
	[sflag:s20] =	ssyncset.done $0x0  }
0x9d: {  	[sflag:s20] =	ssyncadd.s32 s2;
	_ =	sdelay $0x1  }
0x9e: {  	s21 =	simm.s32 $0x1B8B  }
0x9f: {  	_ =	swait.ge [sflag:s21], $0x1  }
0xa0: {  	[sflag:s21] =	ssyncset.done $0x0  }
0xa1: {  	s23 =	simm.s32 $0x1B8E;
	s22 =	sld [smem:$0x3FFE];
	[sflag:s21] =	ssyncadd.s32 $0xFFFFFFFF  }
0xa2: {  	s24 =	simm.s32 $execute0_lowered;
	[smem:$0x3FD2] =	sst s23  }
0xa3: {  	s3 =	sshll.u32 s24, $0x1;
	_ =	strace $0x80000046;
	[dreg:$0x1] =	wrdreg $0xFFFFFFFF  }
0xa4: {  	s25 =	simm.s32 $_size_execute0_lowered;
	s1 =	sadd.s32 s1, s3;
	[dreg:$0x0] =	wrdreg $0x0  }
0xa5: {  	s3 =	sshll.u32 s25, $0x1;
	[dreg:$0x2] =	wrdreg s1  }
0xa6: {  	[dreg:$0x3] =	wrdreg s3  }
0xa7: {  	[dreg:$0x4] =	wrdreg $0xC0  }
0xa8: {  	_ =	task [dreg:s5], $0x5FFFF  }
0xa9: {  	[dreg:$0x1] =	wrdreg $0xFFFFFFFF  }
0xaa: {  	[dreg:$0x0] =	wrdreg $0x60  }
0xab: {  	[dreg:$0x2] =	wrdreg s0  }
0xac: {  	[dreg:$0x3] =	wrdreg s22  }
0xad: {  	[dreg:$0x4] =	wrdreg $0xA  }
0xae: {  	_ =	task.clear_ibuf [dreg:s5], $0x5FFFF;
	_ =	strace $0x90000046  }
0xaf: {  	s26 =	simm.s32 $0xA;
	_ =	strace $0x80000048  }
0xb0: {  	_ =	swait.ge [sflag:s26], $0x1  }
0xb1: {  	[sflag:s26] =	ssyncadd.s32 $0xFFFFFFFF  }
0xb2: {  	_ =	strace $0x90000048  }
0xb3: {  	_ =	sfence  }
0xb4: {  	s28 =	sld [smem:$0x0];
	_ =	sdelay $0x1  }
0xb5: {  	s29 =	srdreg.scid  }
0xb6: {  	s30 =	sshll.u32 s29, $0xD;
	s31 =	sshrl.u32 s29, $0x2  }
0xb7: {  	s2 =	sand.u32 $0x4000, s30;
	s1 =	sand.u32 $0x1, s29;
	s0 =	sadd.s32 s31, s28  }
0xb8: {  	s1 =	sor.u32 s2, s1;
	s0 =	sshll.u32 s0, $0x11  }
0xb9: {  	s0 =	sor.u32 s0, s1  }
0xba: {  	s0 =	sadd.s32 $0x8F2B, s0  }
0xbb: {  	[sflag:s0] =	ssyncadd.remote.s32 $0x1  }
0xbc: {  	_ =	sfence.sel $0xFFFF  }
0xbd: {  	[dreg:$0x0] =	wrdreg $0xFFFFFFFF;
	(pc) =	sbr.abs _section_cstart, $3  }
0xbe: {  	[dreg:$0x1] =	wrdreg $0xFFFFFFFF  }
0xbf: {  	_ =	task.clear_ibuf [dreg:s5], $0x2FFFF;
	_ =	strace $0x9FFFFFFF  }
0xc0: {  	(tm) =	ssettm $0x7FFFFFFF  }
0xc1: {  	_ =	shalt  }
tec
execute0_lowered:
.L_overlay_start_1:
0x0: {  	(tag) =	ssettag $0x1  }
0x1: {  	s0 =	stileid.u32  }
0x2: {  	s1 =	smin.u32 s0, $0x9  }
0x3: {  	s1 =	sadd.s32 s0, s1  }
0x4: {  	s2 =	simm.s32 $0x320;
	p0 =	slt.u32 s0, $0x9;
	s1 =	smul.u32 $0x190, s1  }
0x5: {  	s2 =	simm.s32 @!p0 $0x190  }
0x6: {  	s2 =	sadd.s32 s2, s1  }
0x7: {  	s3 =	smin.u32 s2, $0x2710  }
0x8: {  	s7 =	ssub.s32 s3, s1  }
0x9: {  	p0 =	sgt.s32 s7, $0x0  }
0xa: {  	s7 =	simm.s32 @!p0 $0x0  }
0xb: {  	s31 =	sand.u32 $0xFFF0, s7  }
0xc: {  	s2 =	sshrl.u32 s31, $0x4  }
0xd: {  	s4 =	rddreg [dreg:$0x0];
	s2 =	smul.u32 $0xA3E, s2  }
0xe: {  	s9 =	rddreg [dreg:$0x1];
	s6 =	simm.s32 $0x1  }
0xf: {  	s11 =	simm.s32 $0x3;
	s13 =	simm.s32 $0x0;
	s8 =	sshrl.u32 s2, $0x10  }
0x10: {  	s12 =	simm.s32 $0x0;
	s5 =	sadd.s32 $0x1600, s9;
	s10 =	smul.u32 $0x190, s8  }
.Ltmp0:
0x11: {  	s9 =	sadd.s32 $0x1C00, s9;
	s2 =	rddreg [dreg:$0x2];
	(pc) =	sbr.rel .LBB2_1-.Ltmp0, $4  }
0x12: {  	_ =	strace $0x80000047;
	p0 =	sne.s32 s7, s10;
	s10 =	simm.s32 $0x1  }
0x13: {  	[sflag:s6] =	ssyncpa.u1 $0x0;
	s7 =	simm.s32 $0x2;
	s10 =	simm.s32 @!p0 $0x0  }
0x14: {  	[sflag:s7] =	ssyncpa.u1 $0x0;
	p0 =	por $0x0, $0x0;
	s8 =	sadd.s32 s8, s10  }
0x15: {  	vm0 =	vmmov $0xff;
	vm1 =	vcmask $0x3F20;
	[sflag:s11] =	ssyncpa.u1 $0x0;
	s11 =	smov.u32 s1;
	s10 =	sadd.s32 $0x1, s8  }
.LBB2_6:
0x16: {  	[hbm:s17] =	stream.linear.scatter [tilespmem:s14], [sflag:$0x3], $0x400, $0x38;
	[tilespmem:$0x19320] =	vst v63  }
.LBB2_7:
0x17: {  	s13 =	sadd.s32 $0x190, s11  }
0x18: {  	s15 =	smov.u32 s1;
	p2 =	slt.s32 s13, s3  }
0x19: {  	s15 =	smov.u32 @p2 s13;
	p2 =	sne.s32 s12, s10  }
.Ltmp1:
0x1a: {  	p1 =	slt.u32 s12, $0x2;
	(pc) =	sbr.rel @!p2 .LBB2_8-.Ltmp1, $4  }
0x1b: {  	s14 =	simm.s32 @!p1 $0x3  }
0x1c: {  	s16 =	sadd.s32 $0x1, s12;
	_ =	swait.ge @!p1 [sflag:s14], $0xC800  }
0x1d: {  	p0 =	por !p0, !p0;
	s13 =	smov.u32 s11;
	[sflag:s14] =	ssyncset.done @!p1 $0x0  }
0x1e: {  	s12 =	smov.u32 s16;
	s11 =	smov.u32 s15;
	[sflag:s14] =	ssyncadd.s32 @!p1 $0xFFFF3800  }
.LBB2_1:
0x1f: {  	p1 =	sge.u32 s12, s8  }
0x20: {  	s14 =	sxor.u32 @!p1 $0xFFFFFFFF, s12  }
0x21: {  	s14 =	sand.u32 @!p1 $0x1, s14  }
0x22: {  	s14 =	smul.u32 @!p1 $0x640, s14  }
0x23: {  	s31 =	sadd.s32 $0xFFFFFFFF, s12;
	s15 =	sshrl.u32 @!p1 s11, $0x3  }
0x24: {  	s16 =	sand.u32 @!p1 $0x7, s11;
	s15 =	sadd.s32 @!p1 s5, s15;
	s14 =	sshrl.u32 @!p1 s14, $0x2  }
0x25: {  	[tilespmem:s14], [sflag:$0x2] =	stream.linear.gather @!p1 [hbm4b:s15+s16], $0x190, $0x38;
	[tilespmem:$0x19320] =	vst v63  }
0x26: {  	p1 =	sge.u32 s31, s8  }
.Ltmp2:
0x27: {  	_ = 	snop;
	(pc) =	sbr.rel @p1 .LBB2_7-.Ltmp2, $1  }
0x28: {  	_ =	sdelay $0x3  }
0x29: {  	s14 =	simm.s32 $0x1  }
0x2a: {  	s14 =	simm.s32 @!p0 $0x0  }
0x2b: {  	s15 =	smul.u32 $0x640, s14  }
0x2c: {  	_ =	swait.ge [sflag:s7], $0x190  }
0x2d: {  	[sflag:s7] =	ssyncset.done $0x0;
	s16 =	sshrl.u32 s15, $0x2  }
0x2e: {  	[sflag:s7] =	ssyncadd.s32 $0xFFFFFE70;
	s15 =	sadd.s32 $0x0, s16  }
0x2f: {  	v0 =	vld.msk [tilespmem:s15+$0x0 ss:$0x1], $0xffff;
	_ =	sdelay $0x4  }
0x30: {  	vm2 =	vgt.s32 v0, $0x0  }
0x31: {  	v0 =	vnsel vm2, $0x0, v0  }
0x32: {  	v0 =	vmin.u32 v0, $0x270F  }
0x33: {  	v0 =	vshll.u32 v0, $0x4  }
0x34: {  	s14 =	smul.u32 $0x32000, s14;
	_ =	sdelay $0x1  }
0x35: {  	s14 =	sshrl.u32 s14, $0x2  }
0x36: {  	s14 =	sor.u32 $0x320, s14  }
0x37: {  	[tilespmem:s14], [sflag:$0x1] =	stream.indirect_vreg.gather [hbm:s4], $0x80, v0, vm0, $0x38;
	[tilespmem:$0x19320] =	vst v63  }
0x38: {  	s17 =	sadd.s32 $0x10, s16;
	s15 =	sadd.s32 $0x400, s14  }
0x39: {  	[tilespmem:s15], [sflag:$0x1] =	stream.indirect_vreg.gather [hbm:s4], $0x80, v0, vm1, $0x38;
	[tilespmem:$0x19320] =	vst v63  }
0x3a: {  	s18 =	simm.s32 $0x80;
	v0 =	vld.msk [tilespmem:s17+$0x0 ss:$0x1], $0xffff;
	s17 =	smov.u32 s14  }
.LBB2_3:
0x3b: {  	p1 =	sne.s32 s18, $0x600;
	_ =	sdelay $0x4  }
0x3c: {  	vm2 =	vgt.s32 v0, $0x0  }
0x3d: {  	v0 =	vnsel vm2, $0x0, v0  }
0x3e: {  	v0 =	vmin.u32 v0, $0x270F  }
0x3f: {  	v0 =	vshll.u32 v0, $0x4;
	_ =	sdelay $0x3  }
.Ltmp3:
0x40: {  	s19 =	sshra.s32 s18, $0x2;
	s17 =	sadd.s32 $0x800, s17;
	(pc) =	sbr.rel @p1 .LBB2_3-.Ltmp3, $4  }
0x41: {  	[tilespmem:s17], [sflag:$0x1] =	stream.indirect_vreg.gather [hbm:s4], $0x80, v0, vm0, $0x38;
	[tilespmem:$0x19320] =	vst v63  }
0x42: {  	s19 =	sadd.s32 s19, s16;
	s20 =	sadd.s32 $0x400, s17  }
0x43: {  	[tilespmem:s20], [sflag:$0x1] =	stream.indirect_vreg.gather [hbm:s4], $0x80, v0, vm1, $0x38;
	[tilespmem:$0x19320] =	vst v63  }
0x44: {  	s18 =	sadd.s32 $0x40, s18;
	v0 =	vld.msk [tilespmem:s19+$0x0 ss:$0x1], $0xffff  }
0x45: {  	_ =	sdelay $0x3  }
0x46: {  	vm2 =	vgt.s32 v0, $0x0  }
0x47: {  	v0 =	vnsel vm2, $0x0, v0  }
0x48: {  	v0 =	vmin.u32 v0, $0x270F  }
0x49: {  	v0 =	vshll.u32 v0, $0x4;
	_ =	sdelay $0x3  }
0x4a: {  	s16 =	sadd.s32 $0x800, s17  }
0x4b: {  	[tilespmem:s16], [sflag:$0x1] =	stream.indirect_vreg.gather [hbm:s4], $0x80, v0, vm0, $0x38;
	[tilespmem:$0x19320] =	vst v63  }
0x4c: {  	s16 =	sadd.s32 $0x400, s16  }
0x4d: {  	[tilespmem:s16], [sflag:$0x1] =	stream.indirect_vreg.gather [hbm:s4], $0x80, v0, vm1, $0x38;
	[tilespmem:$0x19320] =	vst v63  }
0x4e: {  	s13 =	sshll.u32 s13, $0x4;
	_ =	swait.ge [sflag:s6], $0xC800  }
0x4f: {  	s13 =	sadd.s32 s13, s9;
	[sflag:s6] =	ssyncset.done $0x0  }
0x50: {  	s17 =	sadd.s32 $0x0, s13;
	s16 =	simm.s32 $0x80;
	[sflag:s6] =	ssyncadd.s32 $0xFFFF3800  }
.LBB2_5:
0x51: {  	[hbm:s17] =	stream.linear.scatter [tilespmem:s14], [sflag:$0x3], $0x400, $0x38;
	[tilespmem:$0x19320] =	vst v63  }
0x52: {  	s17 =	smov.u32 s16;
	s14 =	smov.u32 s15;
	p1 =	sne.s32 s16, $0x1880  }
.Ltmp4:
0x53: {  	s16 =	sadd.s32 $0x80, s16;
	(pc) =	sbr.rel @p1 .LBB2_5-.Ltmp4, $2  }
0x54: {  	_ =	sdelay $0x2  }
0x55: {  	s15 =	sadd.s32 $0x400, s15;
	s17 =	sadd.s32 s17, s13  }
.Ltmp5:
0x56: {  	_ = 	snop;
	(pc) =	sbr.rel .LBB2_6-.Ltmp5, $1  }
0x57: {  	_ =	sdelay $0x3  }
.LBB2_8:
0x58: {  	_ =	sfence.sel $0x180000  }
0x59: {  	s1 =	simm.s32 $0x2;
	[bflag:$0x0] =	sbarrier.arrive $0xFFFF  }
0x5a: {  	s30 =	simm.s32 $0x3;
	[sflag:s1] =	ssyncpa.u1 $0x1  }
0x5b: {  	s31 =	simm.s32 $0x1;
	[sflag:s30] =	ssyncpa.u1 $0x1  }
0x5c: {  	[sflag:s31] =	ssyncpa.u1 $0x1  }
0x5d: {  	p0 =	sne.s32 s0, $0x0;
	_ =	strace $0x90000047  }
0x5e: {  	s0 =	sadd.s32 @!p0 $0x100000, s2;
	[bflag:$0x2] =	sbarrier.arrive $0xFFFF  }
0x5f: {  	[sflag:s0] =	ssyncadd.tile.s32 @!p0 $0x1;
	_ =	shalt  }
.Lfunc_end2:
_tile_overlayer_lowered:
.L_overlay_start_2:
0x60: {  	(tag) =	ssettag $0x2  }
0x61: {  	s0 =	rddreg [dreg:$0x0];
	s2 =	stileid.u32  }
0x62: {  	s1 =	rddreg [dreg:$0x1];
	p0 =	sne.s32 s2, $0x0  }
0x63: {  	s3 =	rddreg [dreg:$0x2];
	[bflag:$0x3] =	sbarrier.arrive $0xFFFF;
	s2 =	simm.s32 @!p0 $0x1C01  }
0x64: {  	[timem:s3], [sflag:s2] =	dma.local @!p0 [hbm:s0], s1  }
0x65: {  	s0 =	simm.s32 @!p0 $0x1  }
0x66: {  	_ =	swait.ge @!p0 [sflag:s0], s1  }
0x67: {  	s1 =	ssub.s32 @!p0 $0x0, s1;
	[sflag:s0] =	ssyncset.done @!p0 $0x0  }
0x68: {  	[sflag:s0] =	ssyncadd.s32 @!p0 s1  }
0x69: {  	[bflag:$0x3] =	sbarrier.arrive $0xFFFF  }
0x6a: {  	_ =	shalt  }

// kernel: gather_offload_async_start
scs
__scs_entry_jumppad:
0x0: {  	(pc) =	sbr.rel $0x88, $3  }
0x1: {  	(tag) =	ssettag $0x0;
	lr =	simm.s32 $0x1  }
0x2: {  	[smem:$0x3F99] =	sst lr;
	_ =	strace $0xD0000000  }
0x3: {  	_ = 	snop  }
0x4: {  	_ = 	snop  }
0x5: {  	_ = 	snop  }
0x6: {  	_ = 	snop  }
0x7: {  	_ = 	snop  }
__scs_overlays_trampoline_lowered:
0x8: {  	[smem:$0x3FA8] =	sst s0  }
0x9: {  	[smem:$0x3FA9] =	sst s1  }
0xa: {  	[smem:$0x3FAA] =	sst s2  }
0xb: {  	[smem:$0x3FAB] =	sst s3  }
0xc: {  	[smem:$0x3FAC] =	sst s4  }
0xd: {  	[smem:$0x3FAD] =	sst s5  }
0xe: {  	[smem:$0x3FAE] =	sst s6  }
0xf: {  	[smem:$0x3FAF] =	sst s7  }
0x10: {  	[smem:$0x3FB0] =	sst s8  }
0x11: {  	[smem:$0x3FB1] =	sst s9;
	s0 =	simm.s32 @!p0 $0x0  }
0x12: {  	s1 =	sld [smem:$0x3F97];
	s0 =	simm.s32 @p0 $0x1  }
0x13: {  	[smem:$0x3FB2] =	sst s0;
	s0 =	simm.s32 @!p1 $0x0  }
0x14: {  	s2 =	sld [smem:$0x3F96];
	s0 =	simm.s32 @p1 $0x1  }
0x15: {  	[smem:$0x3FB3] =	sst s0;
	s0 =	simm.s32 @!p2 $0x0  }
0x16: {  	s3 =	sld [smem:$0x3FDB];
	s0 =	simm.s32 @p2 $0x1  }
0x17: {  	s4 =	simm.s32 $0x1BF5;
	[smem:$0x3FB5] =	sst s0  }
0x18: {  	s0 =	sld [smem:$0x3F98];
	_ =	swait.ge [sflag:s4], $0x0  }
0x19: {  	s7 =	sld [smem:$0x3F99]  }
0x1a: {  	s8 =	sadd.s32 $0xFFFFE003, lr  }
0x1b: {  	s9 =	sadd.s32 $0xFFFFFEF7, lr;
	s5 =	simm.s32 $0xFFFFFFFF;
	p2 =	slt.u32 s8, $0xFFFFF086  }
0x1c: {  	p1 =	slt.u32 s9, $0xF7A;
	s5 =	simm.s32 @!p2 $0x0  }
0x1d: {  	s5 =	simm.s32 @p1 $0x1;
	p0 =	seq.s32 s7, s2  }
0x1e: {  	s7 =	smul.u32 @!p0 $0xF7A, s2;
	p2 =	seq.s32 @!p0 s5, $0x0  }
0x1f: {  	s9 =	smul.u32 $0xF7A, s1;
	s8 =	simm.s32 @!p0 $0x1BF5;
	p2 =	por !p2, p0  }
0x20: {  	[sflag:s8] =	ssyncset.s32 @!p0 $0xFFFFF086;
	s6 =	sadd.s32 @!p0 s3, s7;
	s7 =	simm.s32 @!p0 $0x108  }
0x21: {  	s3 =	sadd.s32 s3, s9;
	s6 =	sadd.s32 @!p0 $0x88, s6;
	s7 =	simm.s32 @p2 $0x1082  }
0x22: {  	[simem:s7], [sflag:s8] =	dma.local @!p0 [hbm:s6], $0xF7A  }
0x23: {  	s9 =	sor.u32 $0xD0000000, s2;
	s6 =	simm.s32 $0x108;
	_ =	swait.ge @!p0 [sflag:s8], $0x0  }
0x24: {  	s3 =	sadd.s32 $0x88, s3;
	s6 =	simm.s32 @!p1 $0x1082;
	[sflag:s4] =	ssyncset.s32 $0xFFFFF086  }
0x25: {  	[simem:s6], [sflag:s4] =	dma.local [hbm:s3], $0xF7A  }
0x26: {  	[smem:$0x3F99] =	sst s1;
	(tag) =	ssettag s2;
	_ =	strace s9  }
0x27: {  	s1 =	sld [smem:$0x3FA9]  }
0x28: {  	s2 =	sld [smem:$0x3FAA]  }
0x29: {  	s4 =	sld [smem:$0x3FAC]  }
0x2a: {  	p0 =	seq.s32 s5, $0x0;
	s5 =	sld [smem:$0x3FAD]  }
0x2b: {  	s6 =	sld [smem:$0x3FAE]  }
0x2c: {  	s7 =	sld [smem:$0x3FAF]  }
0x2d: {  	s3 =	simm.s32 $0x108;
	s8 =	sld [smem:$0x3FB0]  }
0x2e: {  	s3 =	simm.s32 @!p0 $0x1082;
	s9 =	sld [smem:$0x3FB1]  }
0x2f: {  	lr =	sadd.s32 s0, s3;
	s0 =	sld [smem:$0x3FA8]  }
0x30: {  	s3 =	sld [smem:$0x3FAB]  }
0x31: {  	[smem:$0x3FB4] =	sst s10  }
0x32: {  	s10 =	sld [smem:$0x3FB2];
	_ =	sdelay $0x3  }
0x33: {  	p0 =	seq.s32 s10, $0x1;
	s10 =	sld [smem:$0x3FB4];
	_ =	sdelay $0x3  }
0x34: {  	[smem:$0x3FB4] =	sst s10  }
0x35: {  	s10 =	sld [smem:$0x3FB3];
	_ =	sdelay $0x3  }
0x36: {  	p1 =	seq.s32 s10, $0x1;
	s10 =	sld [smem:$0x3FB4];
	_ =	sdelay $0x3  }
0x37: {  	[smem:$0x3FB4] =	sst s10  }
0x38: {  	s10 =	sld [smem:$0x3FB5]  }
0x39: {  	_ = 	snop;
	(pc) =	sbr.ind lr, $3  }
0x3a: {  	_ = 	snop  }
0x3b: {  	_ = 	snop  }
0x3c: {  	p2 =	seq.s32 s10, $0x1;
	s10 =	sld [smem:$0x3FB4]  }
0x3d: {  	_ =	shalt  }
0x3e: {  	_ =	shalt  }
0x3f: {  	_ =	shalt  }
0x40: {  	_ =	shalt  }
0x41: {  	_ =	shalt  }
0x42: {  	_ =	shalt  }
0x43: {  	_ =	shalt  }
0x44: {  	_ =	shalt  }
0x45: {  	_ =	shalt  }
0x46: {  	_ =	shalt  }
0x47: {  	_ =	shalt  }
0x48: {  	_ =	shalt  }
0x49: {  	_ =	shalt  }
0x4a: {  	_ =	shalt  }
0x4b: {  	_ =	shalt  }
0x4c: {  	_ =	shalt  }
0x4d: {  	_ =	shalt  }
0x4e: {  	_ =	shalt  }
0x4f: {  	_ =	shalt  }
0x50: {  	_ =	shalt  }
0x51: {  	_ =	shalt  }
0x52: {  	_ =	shalt  }
0x53: {  	_ =	shalt  }
0x54: {  	_ =	shalt  }
0x55: {  	_ =	shalt  }
0x56: {  	_ =	shalt  }
0x57: {  	_ =	shalt  }
0x58: {  	_ =	shalt  }
0x59: {  	_ =	shalt  }
0x5a: {  	_ =	shalt  }
0x5b: {  	_ =	shalt  }
0x5c: {  	_ =	shalt  }
0x5d: {  	_ =	shalt  }
0x5e: {  	_ =	shalt  }
0x5f: {  	_ =	shalt  }
0x60: {  	_ =	shalt  }
0x61: {  	_ =	shalt  }
0x62: {  	_ =	shalt  }
0x63: {  	_ =	shalt  }
0x64: {  	_ =	shalt  }
0x65: {  	_ =	shalt  }
0x66: {  	_ =	shalt  }
0x67: {  	_ =	shalt  }
0x68: {  	_ =	shalt  }
0x69: {  	_ =	shalt  }
0x6a: {  	_ =	shalt  }
0x6b: {  	_ =	shalt  }
0x6c: {  	_ =	shalt  }
0x6d: {  	_ =	shalt  }
0x6e: {  	_ =	shalt  }
0x6f: {  	_ =	shalt  }
0x70: {  	_ =	shalt  }
0x71: {  	_ =	shalt  }
0x72: {  	_ =	shalt  }
0x73: {  	_ =	shalt  }
0x74: {  	_ =	shalt  }
0x75: {  	_ =	shalt  }
0x76: {  	_ =	shalt  }
0x77: {  	_ =	shalt  }
0x78: {  	_ =	shalt  }
0x79: {  	_ =	shalt  }
0x7a: {  	_ =	shalt  }
0x7b: {  	_ =	shalt  }
0x7c: {  	_ =	shalt  }
0x7d: {  	_ =	shalt  }
0x7e: {  	_ =	shalt  }
0x7f: {  	_ =	shalt  }
0x80: {  	_ =	shalt  }
0x81: {  	_ =	shalt  }
0x82: {  	_ =	shalt  }
0x83: {  	_ =	shalt  }
0x84: {  	_ =	shalt  }
0x85: {  	_ =	shalt  }
0x86: {  	_ =	shalt  }
0x87: {  	_ =	shalt  }
.Lfunc_end0:
.L_simem_size_0:
called_computation_lowered:
.L_overlay_start_0:
0x88: {  	s0 =	sld [smem:$0x3FD9]  }
0x89: {  	s1 =	sld [smem:$0x3FFE];
	_ =	sdelay $0x3  }
0x8a: {  	s0 =	sadd.s32 s1, s0  }
0x8b: {  	[smem:$0x3FC0] =	sst s0  }
0x8c: {  	_ = 	snop  }
0x8d: {  	s0 =	sld [smem:$0x3FC8]  }
0x8e: {  	s16 =	sld [smem:$0x3FD0];
	(tm) =	ssettm $0x1  }
0x8f: {  	s2 =	sld [smem:$0x3FFB];
	_ =	sdelay $0x3  }
0x90: {  	_ =	strace s2  }
0x91: {  	s2 =	sld [smem:$0x3FFC];
	_ =	sdelay $0x3  }
0x92: {  	_ =	strace s2  }
0x93: {  	s2 =	sld [smem:$0x3FFD];
	_ =	sdelay $0x3  }
0x94: {  	_ =	strace s2  }
0x95: {  	_ =	strace $0x8FFFFFFF  }
0x96: {  	s17 =	sld [smem:$0x3FDB];
	_ =	sdelay $0x1  }
0x97: {  	s3 =	simm.s32 $_scs_section_size  }
0x98: {  	s4 =	simm.s32 $_size__tile_overlayer_lowered;
	s5 =	simm.s32 $_tile_overlayer_lowered  }
0x99: {  	s20 =	simm.s32 $0x1BFF;
	s19 =	sshll.u32 s5, $0x1;
	s2 =	sadd.s32 s3, s17  }
0x9a: {  	s6 =	simm.s32 $0x0;
	s18 =	sshll.u32 s4, $0x1;
	s4 =	sadd.s32 s19, s2  }
0x9b: {  	[timem:s6], [sflag:s20] =	dma.local [hbm:s4], s18  }
0x9c: {  	_ =	swait.ge [sflag:s20], s18  }
0x9d: {  	s3 =	ssub.s32 $0x0, s18;
	[sflag:s20] =	ssyncset.done $0x0  }
0x9e: {  	[sflag:s20] =	ssyncadd.s32 s3;
	_ =	sdelay $0x1  }
0x9f: {  	s21 =	simm.s32 $0x1B8B  }
0xa0: {  	_ =	swait.ge [sflag:s21], $0x1  }
0xa1: {  	[sflag:s21] =	ssyncset.done $0x0  }
0xa2: {  	s23 =	simm.s32 $0x1B8E;
	s22 =	sld [smem:$0x3FFE];
	[sflag:s21] =	ssyncadd.s32 $0xFFFFFFFF  }
0xa3: {  	s24 =	simm.s32 $execute0_lowered;
	[smem:$0x3FD2] =	sst s23  }
0xa4: {  	s4 =	sshll.u32 s24, $0x1;
	_ =	strace $0x80000049;
	[dreg:$0x1] =	wrdreg $0xFFFFFFFF  }
0xa5: {  	s25 =	simm.s32 $_size_execute0_lowered;
	s2 =	sadd.s32 s2, s4;
	[dreg:$0x0] =	wrdreg $0x0  }
0xa6: {  	s4 =	sshll.u32 s25, $0x1;
	[dreg:$0x2] =	wrdreg s2  }
0xa7: {  	[dreg:$0x3] =	wrdreg s4  }
0xa8: {  	[dreg:$0x4] =	wrdreg $0xC0  }
0xa9: {  	_ =	task [dreg:s6], $0x5FFFF  }
0xaa: {  	[dreg:$0x1] =	wrdreg $0xFFFFFFFF  }
0xab: {  	[dreg:$0x0] =	wrdreg $0x60  }
0xac: {  	[dreg:$0x2] =	wrdreg s0  }
0xad: {  	[dreg:$0x3] =	wrdreg s22  }
0xae: {  	[dreg:$0x4] =	wrdreg s16  }
0xaf: {  	[dreg:$0x5] =	wrdreg $0x9  }
0xb0: {  	_ =	task.clear_ibuf [dreg:s6], $0x6FFFF;
	_ =	strace $0x90000049  }
0xb1: {  	s26 =	simm.s32 $0x9;
	_ =	strace $0x8000004B  }
0xb2: {  	_ =	swait.ge [sflag:s26], $0x1  }
0xb3: {  	[sflag:s26] =	ssyncadd.s32 $0xFFFFFFFF  }
0xb4: {  	_ =	strace $0x9000004B  }
0xb5: {  	_ =	sfence  }
0xb6: {  	s28 =	sld [smem:$0x0];
	_ =	sdelay $0x1  }
0xb7: {  	s29 =	srdreg.scid  }
0xb8: {  	s30 =	sshll.u32 s29, $0xD;
	s31 =	sshrl.u32 s29, $0x2  }
0xb9: {  	s1 =	sand.u32 $0x1, s29;
	s2 =	sand.u32 $0x4000, s30;
	s0 =	sadd.s32 s31, s28  }
0xba: {  	s1 =	sor.u32 s2, s1;
	s0 =	sshll.u32 s0, $0x11  }
0xbb: {  	s0 =	sor.u32 s0, s1  }
0xbc: {  	s0 =	sadd.s32 $0x8F2B, s0  }
0xbd: {  	[sflag:s0] =	ssyncadd.remote.s32 $0x1  }
0xbe: {  	_ =	sfence.sel $0xFFFF  }
0xbf: {  	[dreg:$0x0] =	wrdreg $0xFFFFFFFF;
	(pc) =	sbr.abs _section_cstart, $3  }
0xc0: {  	[dreg:$0x1] =	wrdreg $0xFFFFFFFF  }
0xc1: {  	_ =	task.clear_ibuf [dreg:s6], $0x2FFFF;
	_ =	strace $0x9FFFFFFF  }
0xc2: {  	(tm) =	ssettm $0x7FFFFFFF  }
0xc3: {  	_ =	shalt  }
tec
execute0_lowered:
.L_overlay_start_1:
0x0: {  	(tag) =	ssettag $0x1  }
0x1: {  	s0 =	stileid.u32  }
0x2: {  	s1 =	smin.u32 s0, $0x9  }
0x3: {  	s1 =	sadd.s32 s0, s1  }
0x4: {  	s2 =	simm.s32 $0x320;
	p0 =	slt.u32 s0, $0x9;
	s1 =	smul.u32 $0x190, s1  }
0x5: {  	s2 =	simm.s32 @!p0 $0x190  }
0x6: {  	s2 =	sadd.s32 s2, s1  }
0x7: {  	s3 =	smin.u32 s2, $0x2710  }
0x8: {  	s7 =	ssub.s32 s3, s1  }
0x9: {  	p0 =	sgt.s32 s7, $0x0  }
0xa: {  	s7 =	simm.s32 @!p0 $0x0  }
0xb: {  	s31 =	sand.u32 $0xFFF0, s7  }
0xc: {  	s4 =	rddreg [dreg:$0x0];
	s2 =	sshrl.u32 s31, $0x4  }
0xd: {  	s9 =	rddreg [dreg:$0x1];
	s2 =	smul.u32 $0xA3E, s2  }
0xe: {  	s5 =	rddreg [dreg:$0x2]  }
0xf: {  	s6 =	simm.s32 $0x1;
	s11 =	simm.s32 $0x3;
	s8 =	sshrl.u32 s2, $0x10  }
0x10: {  	s13 =	simm.s32 $0x0;
	s12 =	simm.s32 $0x0;
	s10 =	smul.u32 $0x190, s8  }
.Ltmp0:
0x11: {  	s9 =	sadd.s32 $0x1600, s9;
	s2 =	rddreg [dreg:$0x3];
	(pc) =	sbr.rel .LBB2_1-.Ltmp0, $4  }
0x12: {  	_ =	strace $0x8000004A;
	p0 =	sne.s32 s7, s10;
	s10 =	simm.s32 $0x1  }
0x13: {  	[sflag:s6] =	ssyncpa.u1 $0x0;
	s7 =	simm.s32 $0x2;
	s10 =	simm.s32 @!p0 $0x0  }
0x14: {  	[sflag:s7] =	ssyncpa.u1 $0x0;
	p0 =	por $0x0, $0x0;
	s8 =	sadd.s32 s8, s10  }
0x15: {  	vm0 =	vmmov $0xff;
	vm1 =	vcmask $0x3F20;
	[sflag:s11] =	ssyncpa.u1 $0x0;
	s11 =	smov.u32 s1;
	s10 =	sadd.s32 $0x1, s8  }
.LBB2_6:
0x16: {  	[hbm:s17] =	stream.linear.scatter [tilespmem:s14], [sflag:$0x3], $0x400, $0x38;
	[tilespmem:$0x19320] =	vst v63  }
.LBB2_7:
0x17: {  	s13 =	sadd.s32 $0x190, s11  }
0x18: {  	s15 =	smov.u32 s1;
	p2 =	slt.s32 s13, s3  }
0x19: {  	s15 =	smov.u32 @p2 s13;
	p2 =	sne.s32 s12, s10  }
.Ltmp1:
0x1a: {  	p1 =	slt.u32 s12, $0x2;
	(pc) =	sbr.rel @!p2 .LBB2_8-.Ltmp1, $4  }
0x1b: {  	s14 =	simm.s32 @!p1 $0x3  }
0x1c: {  	s16 =	sadd.s32 $0x1, s12;
	_ =	swait.ge @!p1 [sflag:s14], $0xC800  }
0x1d: {  	p0 =	por !p0, !p0;
	s13 =	smov.u32 s11;
	[sflag:s14] =	ssyncset.done @!p1 $0x0  }
0x1e: {  	s12 =	smov.u32 s16;
	s11 =	smov.u32 s15;
	[sflag:s14] =	ssyncadd.s32 @!p1 $0xFFFF3800  }
.LBB2_1:
0x1f: {  	p1 =	sge.u32 s12, s8  }
0x20: {  	s14 =	sxor.u32 @!p1 $0xFFFFFFFF, s12  }
0x21: {  	s14 =	sand.u32 @!p1 $0x1, s14  }
0x22: {  	s14 =	smul.u32 @!p1 $0x640, s14  }
0x23: {  	s31 =	sadd.s32 $0xFFFFFFFF, s12;
	s15 =	sshrl.u32 @!p1 s11, $0x3  }
0x24: {  	s16 =	sand.u32 @!p1 $0x7, s11;
	s15 =	sadd.s32 @!p1 s9, s15;
	s14 =	sshrl.u32 @!p1 s14, $0x2  }
0x25: {  	[tilespmem:s14], [sflag:$0x2] =	stream.linear.gather @!p1 [hbm4b:s15+s16], $0x190, $0x38;
	[tilespmem:$0x19320] =	vst v63  }
0x26: {  	p1 =	sge.u32 s31, s8  }
.Ltmp2:
0x27: {  	_ = 	snop;
	(pc) =	sbr.rel @p1 .LBB2_7-.Ltmp2, $1  }
0x28: {  	_ =	sdelay $0x3  }
0x29: {  	s14 =	simm.s32 $0x1  }
0x2a: {  	s14 =	simm.s32 @!p0 $0x0  }
0x2b: {  	s15 =	smul.u32 $0x640, s14  }
0x2c: {  	_ =	swait.ge [sflag:s7], $0x190  }
0x2d: {  	[sflag:s7] =	ssyncset.done $0x0;
	s16 =	sshrl.u32 s15, $0x2  }
0x2e: {  	[sflag:s7] =	ssyncadd.s32 $0xFFFFFE70;
	s15 =	sadd.s32 $0x0, s16  }
0x2f: {  	v0 =	vld.msk [tilespmem:s15+$0x0 ss:$0x1], $0xffff;
	_ =	sdelay $0x4  }
0x30: {  	vm2 =	vgt.s32 v0, $0x0  }
0x31: {  	v0 =	vnsel vm2, $0x0, v0  }
0x32: {  	v0 =	vmin.u32 v0, $0x270F  }
0x33: {  	v0 =	vshll.u32 v0, $0x4  }
0x34: {  	s14 =	smul.u32 $0x32000, s14;
	_ =	sdelay $0x1  }
0x35: {  	s14 =	sshrl.u32 s14, $0x2  }
0x36: {  	s14 =	sor.u32 $0x320, s14  }
0x37: {  	[tilespmem:s14], [sflag:$0x1] =	stream.indirect_vreg.gather [hbm:s4], $0x80, v0, vm0, $0x38;
	[tilespmem:$0x19320] =	vst v63  }
0x38: {  	s17 =	sadd.s32 $0x10, s16;
	s15 =	sadd.s32 $0x400, s14  }
0x39: {  	[tilespmem:s15], [sflag:$0x1] =	stream.indirect_vreg.gather [hbm:s4], $0x80, v0, vm1, $0x38;
	[tilespmem:$0x19320] =	vst v63  }
0x3a: {  	s18 =	simm.s32 $0x80;
	v0 =	vld.msk [tilespmem:s17+$0x0 ss:$0x1], $0xffff;
	s17 =	smov.u32 s14  }
.LBB2_3:
0x3b: {  	p1 =	sne.s32 s18, $0x600;
	_ =	sdelay $0x4  }
0x3c: {  	vm2 =	vgt.s32 v0, $0x0  }
0x3d: {  	v0 =	vnsel vm2, $0x0, v0  }
0x3e: {  	v0 =	vmin.u32 v0, $0x270F  }
0x3f: {  	v0 =	vshll.u32 v0, $0x4;
	_ =	sdelay $0x3  }
.Ltmp3:
0x40: {  	s19 =	sshra.s32 s18, $0x2;
	s17 =	sadd.s32 $0x800, s17;
	(pc) =	sbr.rel @p1 .LBB2_3-.Ltmp3, $4  }
0x41: {  	[tilespmem:s17], [sflag:$0x1] =	stream.indirect_vreg.gather [hbm:s4], $0x80, v0, vm0, $0x38;
	[tilespmem:$0x19320] =	vst v63  }
0x42: {  	s19 =	sadd.s32 s19, s16;
	s20 =	sadd.s32 $0x400, s17  }
0x43: {  	[tilespmem:s20], [sflag:$0x1] =	stream.indirect_vreg.gather [hbm:s4], $0x80, v0, vm1, $0x38;
	[tilespmem:$0x19320] =	vst v63  }
0x44: {  	s18 =	sadd.s32 $0x40, s18;
	v0 =	vld.msk [tilespmem:s19+$0x0 ss:$0x1], $0xffff  }
0x45: {  	_ =	sdelay $0x3  }
0x46: {  	vm2 =	vgt.s32 v0, $0x0  }
0x47: {  	v0 =	vnsel vm2, $0x0, v0  }
0x48: {  	v0 =	vmin.u32 v0, $0x270F  }
0x49: {  	v0 =	vshll.u32 v0, $0x4;
	_ =	sdelay $0x3  }
0x4a: {  	s16 =	sadd.s32 $0x800, s17  }
0x4b: {  	[tilespmem:s16], [sflag:$0x1] =	stream.indirect_vreg.gather [hbm:s4], $0x80, v0, vm0, $0x38;
	[tilespmem:$0x19320] =	vst v63  }
0x4c: {  	s16 =	sadd.s32 $0x400, s16  }
0x4d: {  	[tilespmem:s16], [sflag:$0x1] =	stream.indirect_vreg.gather [hbm:s4], $0x80, v0, vm1, $0x38;
	[tilespmem:$0x19320] =	vst v63  }
0x4e: {  	s13 =	sshll.u32 s13, $0x4;
	_ =	swait.ge [sflag:s6], $0xC800  }
0x4f: {  	s13 =	sadd.s32 s13, s5;
	[sflag:s6] =	ssyncset.done $0x0  }
0x50: {  	s17 =	sadd.s32 $0x0, s13;
	s16 =	simm.s32 $0x80;
	[sflag:s6] =	ssyncadd.s32 $0xFFFF3800  }
.LBB2_5:
0x51: {  	[hbm:s17] =	stream.linear.scatter [tilespmem:s14], [sflag:$0x3], $0x400, $0x38;
	[tilespmem:$0x19320] =	vst v63  }
0x52: {  	s17 =	smov.u32 s16;
	s14 =	smov.u32 s15;
	p1 =	sne.s32 s16, $0x1880  }
.Ltmp4:
0x53: {  	s16 =	sadd.s32 $0x80, s16;
	(pc) =	sbr.rel @p1 .LBB2_5-.Ltmp4, $2  }
0x54: {  	_ =	sdelay $0x2  }
0x55: {  	s15 =	sadd.s32 $0x400, s15;
	s17 =	sadd.s32 s17, s13  }
.Ltmp5:
0x56: {  	_ = 	snop;
	(pc) =	sbr.rel .LBB2_6-.Ltmp5, $1  }
0x57: {  	_ =	sdelay $0x3  }
.LBB2_8:
0x58: {  	_ =	sfence.sel $0x180000  }
0x59: {  	s1 =	simm.s32 $0x2;
	[bflag:$0x0] =	sbarrier.arrive $0xFFFF  }
0x5a: {  	s30 =	simm.s32 $0x3;
	[sflag:s1] =	ssyncpa.u1 $0x1  }
0x5b: {  	s31 =	simm.s32 $0x1;
	[sflag:s30] =	ssyncpa.u1 $0x1  }
0x5c: {  	[sflag:s31] =	ssyncpa.u1 $0x1  }
0x5d: {  	p0 =	sne.s32 s0, $0x0;
	_ =	strace $0x9000004A  }
0x5e: {  	s0 =	sadd.s32 @!p0 $0x100000, s2;
	[bflag:$0x2] =	sbarrier.arrive $0xFFFF  }
0x5f: {  	[sflag:s0] =	ssyncadd.tile.s32 @!p0 $0x1;
	_ =	shalt  }
.Lfunc_end2:
_tile_overlayer_lowered:
.L_overlay_start_2:
0x60: {  	(tag) =	ssettag $0x2  }
0x61: {  	s0 =	rddreg [dreg:$0x0];
	s2 =	stileid.u32  }
0x62: {  	s1 =	rddreg [dreg:$0x1];
	p0 =	sne.s32 s2, $0x0  }
0x63: {  	s3 =	rddreg [dreg:$0x2];
	[bflag:$0x3] =	sbarrier.arrive $0xFFFF;
	s2 =	simm.s32 @!p0 $0x1C01  }
0x64: {  	[timem:s3], [sflag:s2] =	dma.local @!p0 [hbm:s0], s1  }
0x65: {  	s0 =	simm.s32 @!p0 $0x1  }
0x66: {  	_ =	swait.ge @!p0 [sflag:s0], s1  }
0x67: {  	s1 =	ssub.s32 @!p0 $0x0, s1;
	[sflag:s0] =	ssyncset.done @!p0 $0x0  }
0x68: {  	[sflag:s0] =	ssyncadd.s32 @!p0 s1  }
0x69: {  	[bflag:$0x3] =	sbarrier.arrive $0xFFFF  }
0x6a: {  	_ =	shalt  }

</sc_bundles>
